<compile_context>
chip_gen: v7x
topology: tpu7x:2x2x1
jax: 0.10.2.dev20260603
libtpu: 0.0.44.dev20260713+nightly
codegen_flags: <defaults>
</compile_context>

<pallas_src>
import functools

import jax
import jax.numpy as jnp
from jax import lax
from jax.experimental import pallas as pl
from jax.experimental.pallas import tpu as pltpu
from jax.experimental.pallas import tpu_sc as plsc

N = 10000
E = 320000
NC = 2
NS = 16
CHUNK = 100
NCHUNK = E // (NS * CHUNK)
NPAD = 10240
ROWS_PER_TILE = NPAD // NS

_mesh = plsc.VectorSubcoreMesh(core_axis_name="c", subcore_axis_name="s")



@functools.partial(
    pl.kernel,
    mesh=_mesh,
    compiler_params=pltpu.CompilerParams(use_tc_tiling_on_sc=False),
    out_type=jax.ShapeDtypeStruct((NC, NPAD, 16), jnp.float32),
    scratch_types=[
        pltpu.VMEM((NCHUNK, CHUNK), jnp.int32),
        pltpu.VMEM((CHUNK, 16), jnp.float32),
        pltpu.VMEM_SHARED((NPAD, 16), jnp.float32),
    ],
)
def _sc_degree(edge_hbm, ones_hbm, zeros_hbm, out_hbm, dst_v, ones_v, acc_sh):
    c = lax.axis_index("c")
    s = lax.axis_index("s")
    r0 = s * ROWS_PER_TILE
    pltpu.sync_copy(edge_hbm.at[1, s], dst_v)
    pltpu.sync_copy(ones_hbm, ones_v)
    pltpu.sync_copy(zeros_hbm.at[pl.ds(r0, ROWS_PER_TILE)],
                    acc_sh.at[pl.ds(r0, ROWS_PER_TILE)])
    plsc.subcore_barrier()

    half = NCHUNK // NC

    def body(j, carry):
        pltpu.sync_copy(ones_v, acc_sh.at[dst_v.at[j]], add=True)
        return carry

    lax.fori_loop(c * half, (c + 1) * half, body, 0)
    plsc.subcore_barrier()
    pltpu.sync_copy(acc_sh.at[pl.ds(r0, ROWS_PER_TILE)],
                    out_hbm.at[c, pl.ds(r0, ROWS_PER_TILE)])


def _make_sc_agg(dh):

    @functools.partial(
        pl.kernel,
        mesh=_mesh,
        compiler_params=pltpu.CompilerParams(use_tc_tiling_on_sc=False),
        out_type=jax.ShapeDtypeStruct((NC, NPAD, dh), jnp.float32),
        scratch_types=[
            pltpu.VMEM((NCHUNK, CHUNK), jnp.int32),
            pltpu.VMEM((NCHUNK, CHUNK), jnp.int32),
            [pltpu.VMEM((CHUNK, dh), jnp.float32) for _ in range(4)],
            [pltpu.SemaphoreType.DMA for _ in range(4)],
            [pltpu.SemaphoreType.DMA for _ in range(4)],
            pltpu.VMEM_SHARED((NPAD, dh), jnp.float32),
        ],
    )
    def sc_agg(edge_hbm, hpa_hbm, hpb_hbm, out_hbm,
               src_v, dst_v, bufs, gsems, ssems, acc_sh):
        c = lax.axis_index("c")
        s = lax.axis_index("s")
        r0 = s * ROWS_PER_TILE
        pltpu.sync_copy(edge_hbm.at[0, s], src_v)
        pltpu.sync_copy(edge_hbm.at[1, s], dst_v)

        def seed(hp_hbm):
            @pl.when(s < NS - 1)
            def _():
                pltpu.sync_copy(hp_hbm.at[pl.ds(r0, ROWS_PER_TILE)],
                                acc_sh.at[pl.ds(r0, ROWS_PER_TILE)])

            @pl.when(s == NS - 1)
            def _():
                tail = N - (NS - 1) * ROWS_PER_TILE
                pltpu.sync_copy(hp_hbm.at[pl.ds(r0, tail)],
                                acc_sh.at[pl.ds(r0, tail)])

        @pl.when(c == 0)
        def _():
            seed(hpa_hbm)

        @pl.when(c == 1)
        def _():
            seed(hpb_hbm)

        plsc.subcore_barrier()

        def run(hp_hbm):
            pltpu.async_copy(hp_hbm.at[src_v.at[0]], bufs[0], gsems[0])

            def body(j, carry):
                for p in range(4):
                    q = (p + 1) % 4
                    r = (p + 3) % 4

                    @pl.when(lax.rem(j, 4) == p)
                    def _():
                        pltpu.make_async_copy(hp_hbm.at[src_v.at[j]],
                                              bufs[p], gsems[p]).wait()

                        @pl.when(j >= 1)
                        def _():
                            pltpu.make_async_copy(
                                bufs[r], acc_sh.at[dst_v.at[j - 1]],
                                ssems[r]).wait()

                        pltpu.async_copy(bufs[p], acc_sh.at[dst_v.at[j]],
                                         ssems[p], add=True)

                        @pl.when(j + 1 < NCHUNK)
                        def _():
                            pltpu.async_copy(hp_hbm.at[src_v.at[j + 1]],
                                             bufs[q], gsems[q])
                return carry

            lax.fori_loop(0, NCHUNK, body, 0)
            pltpu.make_async_copy(bufs[(NCHUNK - 1) % 4],
                                  acc_sh.at[dst_v.at[NCHUNK - 1]],
                                  ssems[(NCHUNK - 1) % 4]).wait()

        @pl.when(c == 0)
        def _():
            run(hpa_hbm)

        @pl.when(c == 1)
        def _():
            run(hpb_hbm)

        plsc.subcore_barrier()
        pltpu.sync_copy(acc_sh.at[pl.ds(r0, ROWS_PER_TILE)],
                        out_hbm.at[c, pl.ds(r0, ROWS_PER_TILE)])

    return sc_agg


_sc_agg64 = _make_sc_agg(64)
_sc_agg32 = _make_sc_agg(32)



_BLK = 1000


def _tc_first_body(deg_ref, x_ref, w_ref, hpa_ref, hpb_ref, dis_ref):
    deg = deg_ref[0, :, 0:1] + deg_ref[1, :, 0:1] + 1.0
    dis = lax.rsqrt(deg)
    dis_ref[...] = dis
    hp = jnp.dot(x_ref[...], w_ref[...],
                 preferred_element_type=jnp.float32) * dis
    hpa_ref[...] = hp[:, :64]
    hpb_ref[...] = hp[:, 64:]


def _tc_first(deg, x, w):
    return pl.pallas_call(
        _tc_first_body,
        grid=(N // _BLK,),
        in_specs=[
            pl.BlockSpec((NC, _BLK, 16), lambda i: (0, i, 0)),
            pl.BlockSpec((_BLK, 128), lambda i: (i, 0)),
            pl.BlockSpec((128, 128), lambda i: (0, 0)),
        ],
        out_specs=[
            pl.BlockSpec((_BLK, 64), lambda i: (i, 0)),
            pl.BlockSpec((_BLK, 64), lambda i: (i, 0)),
            pl.BlockSpec((_BLK, 1), lambda i: (i, 0)),
        ],
        out_shape=[
            jax.ShapeDtypeStruct((N, 64), jnp.float32),
            jax.ShapeDtypeStruct((N, 64), jnp.float32),
            jax.ShapeDtypeStruct((N, 1), jnp.float32),
        ],
    )(deg, x, w)


def _tc_mid_body(agg_ref, dis_ref, b_ref, w_ref, outa_ref, outb_ref):
    dis = dis_ref[...]
    z = jnp.concatenate([agg_ref[0], agg_ref[1]], axis=1)
    z = jnp.maximum(dis * z + b_ref[...], 0.0)
    res = jnp.dot(z, w_ref[...], preferred_element_type=jnp.float32) * dis
    dh = res.shape[1] // 2
    outa_ref[...] = res[:, :dh]
    outb_ref[...] = res[:, dh:]


def _tc_mid(agg, dis, b, w):
    dn = w.shape[1]
    dh = agg.shape[2]
    return pl.pallas_call(
        _tc_mid_body,
        grid=(N // _BLK,),
        in_specs=[
            pl.BlockSpec((NC, _BLK, dh), lambda i: (0, i, 0)),
            pl.BlockSpec((_BLK, 1), lambda i: (i, 0)),
            pl.BlockSpec((1, 128), lambda i: (0, 0)),
            pl.BlockSpec((128, dn), lambda i: (0, 0)),
        ],
        out_specs=[
            pl.BlockSpec((_BLK, dn // 2), lambda i: (i, 0)),
            pl.BlockSpec((_BLK, dn // 2), lambda i: (i, 0)),
        ],
        out_shape=[
            jax.ShapeDtypeStruct((N, dn // 2), jnp.float32),
            jax.ShapeDtypeStruct((N, dn // 2), jnp.float32),
        ],
    )(agg, dis, b, w)


def _tc_last_body(agg_ref, dis_ref, b_ref, out_ref):
    z = jnp.concatenate([agg_ref[0], agg_ref[1]], axis=1)
    out_ref[...] = jnp.maximum(dis_ref[...] * z + b_ref[...], 0.0)


def _tc_last(agg, dis, b):
    dh = agg.shape[2]
    return pl.pallas_call(
        _tc_last_body,
        grid=(N // _BLK,),
        in_specs=[
            pl.BlockSpec((NC, _BLK, dh), lambda i: (0, i, 0)),
            pl.BlockSpec((_BLK, 1), lambda i: (i, 0)),
            pl.BlockSpec((1, 2 * dh), lambda i: (0, 0)),
        ],
        out_specs=pl.BlockSpec((_BLK, 2 * dh), lambda i: (i, 0)),
        out_shape=jax.ShapeDtypeStruct((N, 2 * dh), jnp.float32),
    )(agg, dis, b)



def kernel(x, edge_index, W1, b1, W2, b2, W3, b3):
    edges = edge_index.reshape(2, NS, NCHUNK, CHUNK)
    ones16 = jnp.ones((CHUNK, 16), jnp.float32)
    zeros16 = jnp.zeros((NPAD, 16), jnp.float32)

    deg = _sc_degree(edges, ones16, zeros16)
    hpa1, hpb1, dis = _tc_first(deg, x, W1)
    agg1 = _sc_agg64(edges, hpa1, hpb1)
    hpa2, hpb2 = _tc_mid(agg1, dis, b1.reshape(1, -1), W2)
    agg2 = _sc_agg64(edges, hpa2, hpb2)
    hpa3, hpb3 = _tc_mid(agg2, dis, b2.reshape(1, -1), W3)
    agg3 = _sc_agg32(edges, hpa3, hpb3)
    return _tc_last(agg3, dis, b3.reshape(1, -1))

# --- scband reference (transcript-rebuilt; emitter-appended) ---
"""Pipeline reference for scband-conv-graph-net-75642964017424 (READ-ONLY COPY).

The authoritative reference and input builder live on the scoring server;
editing this copy changes nothing except your own understanding.
"""

import jax, jax.numpy as jnp
import numpy as np

N = 10000
E = 320000
D_IN = 128
H1 = 128
H2 = 128
D_OUT = 64


def gcn_layer(x, src, dst, W, b):
    # Faithful GCNConv: add self-loops, symmetric degree normalization,
    # message = norm * (x W), scatter-add at dst, then add bias.
    n = x.shape[0]
    loop = jnp.arange(n, dtype=src.dtype)
    s = jnp.concatenate([src, loop])
    d = jnp.concatenate([dst, loop])
    deg = jnp.zeros((n,), dtype=x.dtype).at[d].add(1.0)
    dis = jnp.where(deg > 0, jax.lax.rsqrt(jnp.maximum(deg, 1e-12)), 0.0)
    norm = dis[s] * dis[d]
    h = x @ W
    msg = h[s] * norm[:, None]
    out = jnp.zeros((n, W.shape[1]), dtype=x.dtype).at[d].add(msg)
    return out + b


def setup_inputs(seed: int = 0) -> dict:
    key = jax.random.key(seed)
    ks = jax.random.split(key, 8)
    x = jax.random.normal(ks[0], (N, D_IN), dtype=jnp.float32)
    edge_index = jax.random.randint(ks[1], (2, E), 0, N, dtype=jnp.int32)
    W1 = jax.random.normal(ks[2], (D_IN, H1), dtype=jnp.float32) * 0.05
    b1 = jnp.zeros((H1,), dtype=jnp.float32)
    W2 = jax.random.normal(ks[3], (H1, H2), dtype=jnp.float32) * 0.05
    b2 = jnp.zeros((H2,), dtype=jnp.float32)
    W3 = jax.random.normal(ks[4], (H2, D_OUT), dtype=jnp.float32) * 0.05
    b3 = jnp.zeros((D_OUT,), dtype=jnp.float32)
    return {"x": x, "edge_index": edge_index, "W1": W1, "b1": b1, "W2": W2, "b2": b2, "W3": W3, "b3": b3}


def reference(x, edge_index, W1, b1, W2, b2, W3, b3):
    src = edge_index[0]
    dst = edge_index[1]
    # F.dropout treated as identity for a deterministic reference (eval behavior)
    h = x
    h = jax.nn.relu(gcn_layer(h, src, dst, W1, b1))
    h = jax.nn.relu(gcn_layer(h, src, dst, W2, b2))
    h = jax.nn.relu(gcn_layer(h, src, dst, W3, b3))
    return h

if __name__ == "__main__":
    import jax
    _d = setup_inputs()
    print(jax.jit(kernel)(*tuple(_d.values())))

</pallas_src>

<mosaic_0001>
#map = affine_map<(d0, d1) -> (0, 0, 0, 0)>
#map1 = affine_map<(d0, d1) -> (0, 0)>
#map2 = affine_map<(d0, d1) -> (0, 0, 0)>
module attributes {stable_mosaic.version = 14 : i64} {
  func.func @sc_agg(%arg0: i32, %arg1: i32, %arg2: memref<2x16x200x100xi32, #tpu.memory_space<hbm>>, %arg3: memref<10000x32xf32, #tpu.memory_space<hbm>>, %arg4: memref<10000x32xf32, #tpu.memory_space<hbm>>, %arg5: memref<2x10240x32xf32, #tpu.memory_space<hbm>>, %arg6: memref<200x100xi32, #tpu.memory_space<vmem>>, %arg7: memref<200x100xi32, #tpu.memory_space<vmem>>, %arg8: memref<100x32xf32, #tpu.memory_space<vmem>>, %arg9: memref<100x32xf32, #tpu.memory_space<vmem>>, %arg10: memref<100x32xf32, #tpu.memory_space<vmem>>, %arg11: memref<100x32xf32, #tpu.memory_space<vmem>>, %arg12: memref<!tpu.dma_semaphore, #tpu.memory_space<semaphore_mem>>, %arg13: memref<!tpu.dma_semaphore, #tpu.memory_space<semaphore_mem>>, %arg14: memref<!tpu.dma_semaphore, #tpu.memory_space<semaphore_mem>>, %arg15: memref<!tpu.dma_semaphore, #tpu.memory_space<semaphore_mem>>, %arg16: memref<!tpu.dma_semaphore, #tpu.memory_space<semaphore_mem>>, %arg17: memref<!tpu.dma_semaphore, #tpu.memory_space<semaphore_mem>>, %arg18: memref<!tpu.dma_semaphore, #tpu.memory_space<semaphore_mem>>, %arg19: memref<!tpu.dma_semaphore, #tpu.memory_space<semaphore_mem>>, %arg20: memref<10240x32xf32, #tpu.memory_space<vmem_shared>>) attributes {dimension_semantics = [#tpu.dimension_semantics<core_parallel>, #tpu.dimension_semantics<subcore_parallel>], iteration_bounds = array<i64: 2, 16>, scalar_prefetch = 0 : i64, scratch_operands = 15 : i64, tpu.core_type = #tpu.core_type<sc_vector_subcore>, window_params = [{transform_indices = #map}, {transform_indices = #map1}, {transform_indices = #map1}, {transform_indices = #map2}]} {
    %mul3A = arith.constant 640 : i32
    %mul3A_0 = arith.muli %arg1, %mul3A : i32
    %run_scoped3A = arith.constant 0 : i32
    "tpu.region"() ({
      %run_scoped3A_20 = tpu.sem_alloc : memref<!tpu.dma_semaphore, #tpu.memory_space<semaphore_mem>>
      %dma_start3A = arith.constant 0 : i32
      %dma_start3A_21 = arith.constant 0 : i32
      %dma_start3A_22 = tpu.memref_slice %arg2[%run_scoped3A, %arg1, %dma_start3A, %dma_start3A_21] : memref<2x16x200x100xi32, #tpu.memory_space<hbm>> -> memref<1x1x200x100xi32, #tpu.memory_space<hbm>>
      %dma_start3A_23 = tpu.memref_squeeze %dma_start3A_22 : memref<1x1x200x100xi32, #tpu.memory_space<hbm>> -> memref<200x100xi32, #tpu.memory_space<hbm>>
      %dma_start3A_24 = arith.constant 0 : i32
      %dma_start3A_25 = arith.constant 0 : i32
      %dma_start3A_26 = tpu.memref_slice %arg2[%run_scoped3A, %arg1, %dma_start3A_24, %dma_start3A_25] : memref<2x16x200x100xi32, #tpu.memory_space<hbm>> -> memref<1x1x200x100xi32, #tpu.memory_space<hbm>>
      %dma_start3A_27 = tpu.memref_squeeze %dma_start3A_26 : memref<1x1x200x100xi32, #tpu.memory_space<hbm>> -> memref<200x100xi32, #tpu.memory_space<hbm>>
      tpu.enqueue_dma source(%dma_start3A_27 : memref<200x100xi32, #tpu.memory_space<hbm>>) target(%arg6 : memref<200x100xi32, #tpu.memory_space<vmem>>) target_semaphore(%run_scoped3A_20 : memref<!tpu.dma_semaphore, #tpu.memory_space<semaphore_mem>>)
      %dma_wait3A = arith.constant 0 : i32
      %dma_wait3A_28 = arith.constant 0 : i32
      %dma_wait3A_29 = tpu.memref_slice %arg2[%run_scoped3A, %arg1, %dma_wait3A, %dma_wait3A_28] : memref<2x16x200x100xi32, #tpu.memory_space<hbm>> -> memref<1x1x200x100xi32, #tpu.memory_space<hbm>>
      %dma_wait3A_30 = tpu.memref_squeeze %dma_wait3A_29 : memref<1x1x200x100xi32, #tpu.memory_space<hbm>> -> memref<200x100xi32, #tpu.memory_space<hbm>>
      %dma_wait3A_31 = arith.constant 0 : i32
      %dma_wait3A_32 = arith.constant 0 : i32
      %dma_wait3A_33 = tpu.memref_slice %arg2[%run_scoped3A, %arg1, %dma_wait3A_31, %dma_wait3A_32] : memref<2x16x200x100xi32, #tpu.memory_space<hbm>> -> memref<1x1x200x100xi32, #tpu.memory_space<hbm>>
      %dma_wait3A_34 = tpu.memref_squeeze %dma_wait3A_33 : memref<1x1x200x100xi32, #tpu.memory_space<hbm>> -> memref<200x100xi32, #tpu.memory_space<hbm>>
      tpu.wait_dma2 semaphore(%run_scoped3A_20 : memref<!tpu.dma_semaphore, #tpu.memory_space<semaphore_mem>>) src(%dma_wait3A_34 : memref<200x100xi32, #tpu.memory_space<hbm>>) dst(%arg6 : memref<200x100xi32, #tpu.memory_space<vmem>>)
      tpu.yield
    }) : () -> ()
    %run_scoped3A_1 = arith.constant 1 : i32
    "tpu.region"() ({
      %run_scoped3A_20 = tpu.sem_alloc : memref<!tpu.dma_semaphore, #tpu.memory_space<semaphore_mem>>
      %dma_start3A = arith.constant 0 : i32
      %dma_start3A_21 = arith.constant 0 : i32
      %dma_start3A_22 = tpu.memref_slice %arg2[%run_scoped3A_1, %arg1, %dma_start3A, %dma_start3A_21] : memref<2x16x200x100xi32, #tpu.memory_space<hbm>> -> memref<1x1x200x100xi32, #tpu.memory_space<hbm>>
      %dma_start3A_23 = tpu.memref_squeeze %dma_start3A_22 : memref<1x1x200x100xi32, #tpu.memory_space<hbm>> -> memref<200x100xi32, #tpu.memory_space<hbm>>
      %dma_start3A_24 = arith.constant 0 : i32
      %dma_start3A_25 = arith.constant 0 : i32
      %dma_start3A_26 = tpu.memref_slice %arg2[%run_scoped3A_1, %arg1, %dma_start3A_24, %dma_start3A_25] : memref<2x16x200x100xi32, #tpu.memory_space<hbm>> -> memref<1x1x200x100xi32, #tpu.memory_space<hbm>>
      %dma_start3A_27 = tpu.memref_squeeze %dma_start3A_26 : memref<1x1x200x100xi32, #tpu.memory_space<hbm>> -> memref<200x100xi32, #tpu.memory_space<hbm>>
      tpu.enqueue_dma source(%dma_start3A_27 : memref<200x100xi32, #tpu.memory_space<hbm>>) target(%arg7 : memref<200x100xi32, #tpu.memory_space<vmem>>) target_semaphore(%run_scoped3A_20 : memref<!tpu.dma_semaphore, #tpu.memory_space<semaphore_mem>>)
      %dma_wait3A = arith.constant 0 : i32
      %dma_wait3A_28 = arith.constant 0 : i32
      %dma_wait3A_29 = tpu.memref_slice %arg2[%run_scoped3A_1, %arg1, %dma_wait3A, %dma_wait3A_28] : memref<2x16x200x100xi32, #tpu.memory_space<hbm>> -> memref<1x1x200x100xi32, #tpu.memory_space<hbm>>
      %dma_wait3A_30 = tpu.memref_squeeze %dma_wait3A_29 : memref<1x1x200x100xi32, #tpu.memory_space<hbm>> -> memref<200x100xi32, #tpu.memory_space<hbm>>
      %dma_wait3A_31 = arith.constant 0 : i32
      %dma_wait3A_32 = arith.constant 0 : i32
      %dma_wait3A_33 = tpu.memref_slice %arg2[%run_scoped3A_1, %arg1, %dma_wait3A_31, %dma_wait3A_32] : memref<2x16x200x100xi32, #tpu.memory_space<hbm>> -> memref<1x1x200x100xi32, #tpu.memory_space<hbm>>
      %dma_wait3A_34 = tpu.memref_squeeze %dma_wait3A_33 : memref<1x1x200x100xi32, #tpu.memory_space<hbm>> -> memref<200x100xi32, #tpu.memory_space<hbm>>
      tpu.wait_dma2 semaphore(%run_scoped3A_20 : memref<!tpu.dma_semaphore, #tpu.memory_space<semaphore_mem>>) src(%dma_wait3A_34 : memref<200x100xi32, #tpu.memory_space<hbm>>) dst(%arg7 : memref<200x100xi32, #tpu.memory_space<vmem>>)
      tpu.yield
    }) : () -> ()
    %eq3A = arith.constant 0 : i32
    %eq3A_2 = arith.cmpi eq, %arg0, %eq3A : i32
    %convert_element_type3A = arith.extui %eq3A_2 : i1 to i32
    %cond3A = arith.constant 0 : i32
    %cond3A_3 = arith.cmpi ne, %convert_element_type3A, %cond3A : i32
    scf.if %cond3A_3 {
      %lt3A = arith.constant 15 : i32
      %lt3A_20 = arith.cmpi slt, %arg1, %lt3A : i32
      %convert_element_type3A_21 = arith.extui %lt3A_20 : i1 to i32
      %cond3A_22 = arith.constant 0 : i32
      %cond3A_23 = arith.cmpi ne, %convert_element_type3A_21, %cond3A_22 : i32
      scf.if %cond3A_23 {
        "tpu.region"() ({
          %run_scoped3A_29 = tpu.sem_alloc : memref<!tpu.dma_semaphore, #tpu.memory_space<semaphore_mem>>
          %dma_start3A = arith.constant 0 : i32
          %dma_start3A_30 = tpu.memref_slice %arg20[%mul3A_0, %dma_start3A] : memref<10240x32xf32, #tpu.memory_space<vmem_shared>> -> memref<640x32xf32, #tpu.memory_space<vmem_shared>>
          %dma_start3A_31 = arith.constant 0 : i32
          %dma_start3A_32 = tpu.memref_slice %arg3[%mul3A_0, %dma_start3A_31] : memref<10000x32xf32, #tpu.memory_space<hbm>> -> memref<640x32xf32, #tpu.memory_space<hbm>>
          tpu.enqueue_dma source(%dma_start3A_32 : memref<640x32xf32, #tpu.memory_space<hbm>>) target(%dma_start3A_30 : memref<640x32xf32, #tpu.memory_space<vmem_shared>>) target_semaphore(%run_scoped3A_29 : memref<!tpu.dma_semaphore, #tpu.memory_space<semaphore_mem>>)
          %dma_wait3A = arith.constant 0 : i32
          %dma_wait3A_33 = tpu.memref_slice %arg20[%mul3A_0, %dma_wait3A] : memref<10240x32xf32, #tpu.memory_space<vmem_shared>> -> memref<640x32xf32, #tpu.memory_space<vmem_shared>>
          %dma_wait3A_34 = arith.constant 0 : i32
          %dma_wait3A_35 = tpu.memref_slice %arg3[%mul3A_0, %dma_wait3A_34] : memref<10000x32xf32, #tpu.memory_space<hbm>> -> memref<640x32xf32, #tpu.memory_space<hbm>>
          tpu.wait_dma2 semaphore(%run_scoped3A_29 : memref<!tpu.dma_semaphore, #tpu.memory_space<semaphore_mem>>) src(%dma_wait3A_35 : memref<640x32xf32, #tpu.memory_space<hbm>>) dst(%dma_wait3A_33 : memref<640x32xf32, #tpu.memory_space<vmem_shared>>)
          tpu.yield
        }) : () -> ()
      } else {
      }
      %eq3A_24 = arith.constant 15 : i32
      %eq3A_25 = arith.cmpi eq, %arg1, %eq3A_24 : i32
      %convert_element_type3A_26 = arith.extui %eq3A_25 : i1 to i32
      %cond3A_27 = arith.constant 0 : i32
      %cond3A_28 = arith.cmpi ne, %convert_element_type3A_26, %cond3A_27 : i32
      scf.if %cond3A_28 {
        "tpu.region"() ({
          %run_scoped3A_29 = tpu.sem_alloc : memref<!tpu.dma_semaphore, #tpu.memory_space<semaphore_mem>>
          %dma_start3A = arith.constant 0 : i32
          %dma_start3A_30 = tpu.memref_slice %arg20[%mul3A_0, %dma_start3A] : memref<10240x32xf32, #tpu.memory_space<vmem_shared>> -> memref<400x32xf32, #tpu.memory_space<vmem_shared>>
          %dma_start3A_31 = arith.constant 0 : i32
          %dma_start3A_32 = tpu.memref_slice %arg3[%mul3A_0, %dma_start3A_31] : memref<10000x32xf32, #tpu.memory_space<hbm>> -> memref<400x32xf32, #tpu.memory_space<hbm>>
          tpu.enqueue_dma source(%dma_start3A_32 : memref<400x32xf32, #tpu.memory_space<hbm>>) target(%dma_start3A_30 : memref<400x32xf32, #tpu.memory_space<vmem_shared>>) target_semaphore(%run_scoped3A_29 : memref<!tpu.dma_semaphore, #tpu.memory_space<semaphore_mem>>)
          %dma_wait3A = arith.constant 0 : i32
          %dma_wait3A_33 = tpu.memref_slice %arg20[%mul3A_0, %dma_wait3A] : memref<10240x32xf32, #tpu.memory_space<vmem_shared>> -> memref<400x32xf32, #tpu.memory_space<vmem_shared>>
          %dma_wait3A_34 = arith.constant 0 : i32
          %dma_wait3A_35 = tpu.memref_slice %arg3[%mul3A_0, %dma_wait3A_34] : memref<10000x32xf32, #tpu.memory_space<hbm>> -> memref<400x32xf32, #tpu.memory_space<hbm>>
          tpu.wait_dma2 semaphore(%run_scoped3A_29 : memref<!tpu.dma_semaphore, #tpu.memory_space<semaphore_mem>>) src(%dma_wait3A_35 : memref<400x32xf32, #tpu.memory_space<hbm>>) dst(%dma_wait3A_33 : memref<400x32xf32, #tpu.memory_space<vmem_shared>>)
          tpu.yield
        }) : () -> ()
      } else {
      }
    } else {
    }
    %eq3A_4 = arith.constant 1 : i32
    %eq3A_5 = arith.cmpi eq, %arg0, %eq3A_4 : i32
    %convert_element_type3A_6 = arith.extui %eq3A_5 : i1 to i32
    %cond3A_7 = arith.constant 0 : i32
    %cond3A_8 = arith.cmpi ne, %convert_element_type3A_6, %cond3A_7 : i32
    scf.if %cond3A_8 {
      %lt3A = arith.constant 15 : i32
      %lt3A_20 = arith.cmpi slt, %arg1, %lt3A : i32
      %convert_element_type3A_21 = arith.extui %lt3A_20 : i1 to i32
      %cond3A_22 = arith.constant 0 : i32
      %cond3A_23 = arith.cmpi ne, %convert_element_type3A_21, %cond3A_22 : i32
      scf.if %cond3A_23 {
        "tpu.region"() ({
          %run_scoped3A_29 = tpu.sem_alloc : memref<!tpu.dma_semaphore, #tpu.memory_space<semaphore_mem>>
          %dma_start3A = arith.constant 0 : i32
          %dma_start3A_30 = tpu.memref_slice %arg20[%mul3A_0, %dma_start3A] : memref<10240x32xf32, #tpu.memory_space<vmem_shared>> -> memref<640x32xf32, #tpu.memory_space<vmem_shared>>
          %dma_start3A_31 = arith.constant 0 : i32
          %dma_start3A_32 = tpu.memref_slice %arg4[%mul3A_0, %dma_start3A_31] : memref<10000x32xf32, #tpu.memory_space<hbm>> -> memref<640x32xf32, #tpu.memory_space<hbm>>
          tpu.enqueue_dma source(%dma_start3A_32 : memref<640x32xf32, #tpu.memory_space<hbm>>) target(%dma_start3A_30 : memref<640x32xf32, #tpu.memory_space<vmem_shared>>) target_semaphore(%run_scoped3A_29 : memref<!tpu.dma_semaphore, #tpu.memory_space<semaphore_mem>>)
          %dma_wait3A = arith.constant 0 : i32
          %dma_wait3A_33 = tpu.memref_slice %arg20[%mul3A_0, %dma_wait3A] : memref<10240x32xf32, #tpu.memory_space<vmem_shared>> -> memref<640x32xf32, #tpu.memory_space<vmem_shared>>
          %dma_wait3A_34 = arith.constant 0 : i32
          %dma_wait3A_35 = tpu.memref_slice %arg4[%mul3A_0, %dma_wait3A_34] : memref<10000x32xf32, #tpu.memory_space<hbm>> -> memref<640x32xf32, #tpu.memory_space<hbm>>
          tpu.wait_dma2 semaphore(%run_scoped3A_29 : memref<!tpu.dma_semaphore, #tpu.memory_space<semaphore_mem>>) src(%dma_wait3A_35 : memref<640x32xf32, #tpu.memory_space<hbm>>) dst(%dma_wait3A_33 : memref<640x32xf32, #tpu.memory_space<vmem_shared>>)
          tpu.yield
        }) : () -> ()
      } else {
      }
      %eq3A_24 = arith.constant 15 : i32
      %eq3A_25 = arith.cmpi eq, %arg1, %eq3A_24 : i32
      %convert_element_type3A_26 = arith.extui %eq3A_25 : i1 to i32
      %cond3A_27 = arith.constant 0 : i32
      %cond3A_28 = arith.cmpi ne, %convert_element_type3A_26, %cond3A_27 : i32
      scf.if %cond3A_28 {
        "tpu.region"() ({
          %run_scoped3A_29 = tpu.sem_alloc : memref<!tpu.dma_semaphore, #tpu.memory_space<semaphore_mem>>
          %dma_start3A = arith.constant 0 : i32
          %dma_start3A_30 = tpu.memref_slice %arg20[%mul3A_0, %dma_start3A] : memref<10240x32xf32, #tpu.memory_space<vmem_shared>> -> memref<400x32xf32, #tpu.memory_space<vmem_shared>>
          %dma_start3A_31 = arith.constant 0 : i32
          %dma_start3A_32 = tpu.memref_slice %arg4[%mul3A_0, %dma_start3A_31] : memref<10000x32xf32, #tpu.memory_space<hbm>> -> memref<400x32xf32, #tpu.memory_space<hbm>>
          tpu.enqueue_dma source(%dma_start3A_32 : memref<400x32xf32, #tpu.memory_space<hbm>>) target(%dma_start3A_30 : memref<400x32xf32, #tpu.memory_space<vmem_shared>>) target_semaphore(%run_scoped3A_29 : memref<!tpu.dma_semaphore, #tpu.memory_space<semaphore_mem>>)
          %dma_wait3A = arith.constant 0 : i32
          %dma_wait3A_33 = tpu.memref_slice %arg20[%mul3A_0, %dma_wait3A] : memref<10240x32xf32, #tpu.memory_space<vmem_shared>> -> memref<400x32xf32, #tpu.memory_space<vmem_shared>>
          %dma_wait3A_34 = arith.constant 0 : i32
          %dma_wait3A_35 = tpu.memref_slice %arg4[%mul3A_0, %dma_wait3A_34] : memref<10000x32xf32, #tpu.memory_space<hbm>> -> memref<400x32xf32, #tpu.memory_space<hbm>>
          tpu.wait_dma2 semaphore(%run_scoped3A_29 : memref<!tpu.dma_semaphore, #tpu.memory_space<semaphore_mem>>) src(%dma_wait3A_35 : memref<400x32xf32, #tpu.memory_space<hbm>>) dst(%dma_wait3A_33 : memref<400x32xf32, #tpu.memory_space<vmem_shared>>)
          tpu.yield
        }) : () -> ()
      } else {
      }
    } else {
    }
    %barrier3A = arith.constant 0 : index
    tpu.barrier barrier_id(%barrier3A)
    %eq3A_9 = arith.constant 0 : i32
    %eq3A_10 = arith.cmpi eq, %arg0, %eq3A_9 : i32
    %convert_element_type3A_11 = arith.extui %eq3A_10 : i1 to i32
    %cond3A_12 = arith.constant 0 : i32
    %cond3A_13 = arith.cmpi ne, %convert_element_type3A_11, %cond3A_12 : i32
    scf.if %cond3A_13 {
      %dma_start3A = arith.constant 0 : i32
      %dma_start3A_20 = arith.constant 0 : i32
      %dma_start3A_21 = tpu.memref_slice %arg6[%dma_start3A, %dma_start3A_20] : memref<200x100xi32, #tpu.memory_space<vmem>> -> memref<1x100xi32, #tpu.memory_space<vmem>>
      %dma_start3A_22 = tpu.memref_squeeze %dma_start3A_21 : memref<1x100xi32, #tpu.memory_space<vmem>> -> memref<100xi32, #tpu.memory_space<vmem>>
      %dma_start3A_23 = arith.constant 0 : i32
      %dma_start3A_24 = arith.constant 0 : i32
      %dma_start3A_25 = tpu.memref_slice %arg3[%dma_start3A_23, %dma_start3A_24] : memref<10000x32xf32, #tpu.memory_space<hbm>> -> memref<10000x32xf32, #tpu.memory_space<hbm>>
      tpu.enqueue_indirect_dma source(%dma_start3A_25 : memref<10000x32xf32, #tpu.memory_space<hbm>>) target(%arg8 : memref<100x32xf32, #tpu.memory_space<vmem>>) offsets(%dma_start3A_22 : memref<100xi32, #tpu.memory_space<vmem>>) semaphore(%arg12 : memref<!tpu.dma_semaphore, #tpu.memory_space<semaphore_mem>>)
      %scan3A = arith.constant 0 : i32
      %scan3A_26 = arith.constant 0 : i32
      %scan3A_27 = arith.constant 200 : i32
      %scan3A_28 = arith.addi %scan3A_26, %scan3A_27 : i32
      %scan3A_29 = arith.constant 1 : i32
      scf.for %scan3A_37 = %scan3A_26 to %scan3A_28 step %scan3A_29  : i32 {
        %rem3A = arith.constant 4 : i32
        %rem3A_38 = arith.remsi %scan3A_37, %rem3A : i32
        %eq3A_39 = arith.constant 0 : i32
        %eq3A_40 = arith.cmpi eq, %rem3A_38, %eq3A_39 : i32
        %convert_element_type3A_41 = arith.extui %eq3A_40 : i1 to i32
        %cond3A_42 = arith.constant 0 : i32
        %cond3A_43 = arith.cmpi ne, %convert_element_type3A_41, %cond3A_42 : i32
        scf.if %cond3A_43 {
          %dma_wait3A_65 = arith.constant 0 : i32
          %dma_wait3A_66 = tpu.memref_slice %arg6[%scan3A_37, %dma_wait3A_65] : memref<200x100xi32, #tpu.memory_space<vmem>> -> memref<1x100xi32, #tpu.memory_space<vmem>>
          %dma_wait3A_67 = tpu.memref_squeeze %dma_wait3A_66 : memref<1x100xi32, #tpu.memory_space<vmem>> -> memref<100xi32, #tpu.memory_space<vmem>>
          %dma_wait3A_68 = arith.constant 0 : i32
          %dma_wait3A_69 = arith.constant 0 : i32
          %dma_wait3A_70 = tpu.memref_slice %arg3[%dma_wait3A_68, %dma_wait3A_69] : memref<10000x32xf32, #tpu.memory_space<hbm>> -> memref<10000x32xf32, #tpu.memory_space<hbm>>
          tpu.wait_indirect_dma semaphore(%arg12 : memref<!tpu.dma_semaphore, #tpu.memory_space<semaphore_mem>>) src(%dma_wait3A_70 : memref<10000x32xf32, #tpu.memory_space<hbm>>) dst(%arg8 : memref<100x32xf32, #tpu.memory_space<vmem>>)
          %ge3A = arith.constant 1 : i32
          %ge3A_71 = arith.cmpi sge, %scan3A_37, %ge3A : i32
          %convert_element_type3A_72 = arith.extui %ge3A_71 : i1 to i32
          %cond3A_73 = arith.constant 0 : i32
          %cond3A_74 = arith.cmpi ne, %convert_element_type3A_72, %cond3A_73 : i32
          scf.if %cond3A_74 {
            %sub3A = arith.constant 1 : i32
            %sub3A_86 = arith.subi %scan3A_37, %sub3A : i32
            %dma_wait3A_87 = arith.constant 0 : i32
            %dma_wait3A_88 = tpu.memref_slice %arg7[%sub3A_86, %dma_wait3A_87] : memref<200x100xi32, #tpu.memory_space<vmem>> -> memref<1x100xi32, #tpu.memory_space<vmem>>
            %dma_wait3A_89 = tpu.memref_squeeze %dma_wait3A_88 : memref<1x100xi32, #tpu.memory_space<vmem>> -> memref<100xi32, #tpu.memory_space<vmem>>
            %dma_wait3A_90 = arith.constant 0 : i32
            %dma_wait3A_91 = arith.constant 0 : i32
            %dma_wait3A_92 = tpu.memref_slice %arg20[%dma_wait3A_90, %dma_wait3A_91] : memref<10240x32xf32, #tpu.memory_space<vmem_shared>> -> memref<10240x32xf32, #tpu.memory_space<vmem_shared>>
            tpu.wait_indirect_dma semaphore(%arg19 : memref<!tpu.dma_semaphore, #tpu.memory_space<semaphore_mem>>) src(%arg11 : memref<100x32xf32, #tpu.memory_space<vmem>>) dst(%dma_wait3A_92 : memref<10240x32xf32, #tpu.memory_space<vmem_shared>>)
          } else {
          }
          %dma_start3A_75 = arith.constant 0 : i32
          %dma_start3A_76 = tpu.memref_slice %arg7[%scan3A_37, %dma_start3A_75] : memref<200x100xi32, #tpu.memory_space<vmem>> -> memref<1x100xi32, #tpu.memory_space<vmem>>
          %dma_start3A_77 = tpu.memref_squeeze %dma_start3A_76 : memref<1x100xi32, #tpu.memory_space<vmem>> -> memref<100xi32, #tpu.memory_space<vmem>>
          %dma_start3A_78 = arith.constant 0 : i32
          %dma_start3A_79 = arith.constant 0 : i32
          %dma_start3A_80 = tpu.memref_slice %arg20[%dma_start3A_78, %dma_start3A_79] : memref<10240x32xf32, #tpu.memory_space<vmem_shared>> -> memref<10240x32xf32, #tpu.memory_space<vmem_shared>>
          tpu.enqueue_indirect_dma source(%arg8 : memref<100x32xf32, #tpu.memory_space<vmem>>) target(%dma_start3A_80 : memref<10240x32xf32, #tpu.memory_space<vmem_shared>>) offsets(%dma_start3A_77 : memref<100xi32, #tpu.memory_space<vmem>>) semaphore(%arg16 : memref<!tpu.dma_semaphore, #tpu.memory_space<semaphore_mem>>) {add = true}
          %add3A = arith.constant 1 : i32
          %add3A_81 = arith.addi %scan3A_37, %add3A : i32
          %lt3A = arith.constant 200 : i32
          %lt3A_82 = arith.cmpi slt, %add3A_81, %lt3A : i32
          %convert_element_type3A_83 = arith.extui %lt3A_82 : i1 to i32
          %cond3A_84 = arith.constant 0 : i32
          %cond3A_85 = arith.cmpi ne, %convert_element_type3A_83, %cond3A_84 : i32
          scf.if %cond3A_85 {
            %add3A_86 = arith.constant 1 : i32
            %add3A_87 = arith.addi %scan3A_37, %add3A_86 : i32
            %dma_start3A_88 = arith.constant 0 : i32
            %dma_start3A_89 = tpu.memref_slice %arg6[%add3A_87, %dma_start3A_88] : memref<200x100xi32, #tpu.memory_space<vmem>> -> memref<1x100xi32, #tpu.memory_space<vmem>>
            %dma_start3A_90 = tpu.memref_squeeze %dma_start3A_89 : memref<1x100xi32, #tpu.memory_space<vmem>> -> memref<100xi32, #tpu.memory_space<vmem>>
            %dma_start3A_91 = arith.constant 0 : i32
            %dma_start3A_92 = arith.constant 0 : i32
            %dma_start3A_93 = tpu.memref_slice %arg3[%dma_start3A_91, %dma_start3A_92] : memref<10000x32xf32, #tpu.memory_space<hbm>> -> memref<10000x32xf32, #tpu.memory_space<hbm>>
            tpu.enqueue_indirect_dma source(%dma_start3A_93 : memref<10000x32xf32, #tpu.memory_space<hbm>>) target(%arg9 : memref<100x32xf32, #tpu.memory_space<vmem>>) offsets(%dma_start3A_90 : memref<100xi32, #tpu.memory_space<vmem>>) semaphore(%arg13 : memref<!tpu.dma_semaphore, #tpu.memory_space<semaphore_mem>>)
          } else {
          }
        } else {
        }
        %rem3A_44 = arith.constant 4 : i32
        %rem3A_45 = arith.remsi %scan3A_37, %rem3A_44 : i32
        %eq3A_46 = arith.constant 1 : i32
        %eq3A_47 = arith.cmpi eq, %rem3A_45, %eq3A_46 : i32
        %convert_element_type3A_48 = arith.extui %eq3A_47 : i1 to i32
        %cond3A_49 = arith.constant 0 : i32
        %cond3A_50 = arith.cmpi ne, %convert_element_type3A_48, %cond3A_49 : i32
        scf.if %cond3A_50 {
          %dma_wait3A_65 = arith.constant 0 : i32
          %dma_wait3A_66 = tpu.memref_slice %arg6[%scan3A_37, %dma_wait3A_65] : memref<200x100xi32, #tpu.memory_space<vmem>> -> memref<1x100xi32, #tpu.memory_space<vmem>>
          %dma_wait3A_67 = tpu.memref_squeeze %dma_wait3A_66 : memref<1x100xi32, #tpu.memory_space<vmem>> -> memref<100xi32, #tpu.memory_space<vmem>>
          %dma_wait3A_68 = arith.constant 0 : i32
          %dma_wait3A_69 = arith.constant 0 : i32
          %dma_wait3A_70 = tpu.memref_slice %arg3[%dma_wait3A_68, %dma_wait3A_69] : memref<10000x32xf32, #tpu.memory_space<hbm>> -> memref<10000x32xf32, #tpu.memory_space<hbm>>
          tpu.wait_indirect_dma semaphore(%arg13 : memref<!tpu.dma_semaphore, #tpu.memory_space<semaphore_mem>>) src(%dma_wait3A_70 : memref<10000x32xf32, #tpu.memory_space<hbm>>) dst(%arg9 : memref<100x32xf32, #tpu.memory_space<vmem>>)
          %ge3A = arith.constant 1 : i32
          %ge3A_71 = arith.cmpi sge, %scan3A_37, %ge3A : i32
          %convert_element_type3A_72 = arith.extui %ge3A_71 : i1 to i32
          %cond3A_73 = arith.constant 0 : i32
          %cond3A_74 = arith.cmpi ne, %convert_element_type3A_72, %cond3A_73 : i32
          scf.if %cond3A_74 {
            %sub3A = arith.constant 1 : i32
            %sub3A_86 = arith.subi %scan3A_37, %sub3A : i32
            %dma_wait3A_87 = arith.constant 0 : i32
            %dma_wait3A_88 = tpu.memref_slice %arg7[%sub3A_86, %dma_wait3A_87] : memref<200x100xi32, #tpu.memory_space<vmem>> -> memref<1x100xi32, #tpu.memory_space<vmem>>
            %dma_wait3A_89 = tpu.memref_squeeze %dma_wait3A_88 : memref<1x100xi32, #tpu.memory_space<vmem>> -> memref<100xi32, #tpu.memory_space<vmem>>
            %dma_wait3A_90 = arith.constant 0 : i32
            %dma_wait3A_91 = arith.constant 0 : i32
            %dma_wait3A_92 = tpu.memref_slice %arg20[%dma_wait3A_90, %dma_wait3A_91] : memref<10240x32xf32, #tpu.memory_space<vmem_shared>> -> memref<10240x32xf32, #tpu.memory_space<vmem_shared>>
            tpu.wait_indirect_dma semaphore(%arg16 : memref<!tpu.dma_semaphore, #tpu.memory_space<semaphore_mem>>) src(%arg8 : memref<100x32xf32, #tpu.memory_space<vmem>>) dst(%dma_wait3A_92 : memref<10240x32xf32, #tpu.memory_space<vmem_shared>>)
          } else {
          }
          %dma_start3A_75 = arith.constant 0 : i32
          %dma_start3A_76 = tpu.memref_slice %arg7[%scan3A_37, %dma_start3A_75] : memref<200x100xi32, #tpu.memory_space<vmem>> -> memref<1x100xi32, #tpu.memory_space<vmem>>
          %dma_start3A_77 = tpu.memref_squeeze %dma_start3A_76 : memref<1x100xi32, #tpu.memory_space<vmem>> -> memref<100xi32, #tpu.memory_space<vmem>>
          %dma_start3A_78 = arith.constant 0 : i32
          %dma_start3A_79 = arith.constant 0 : i32
          %dma_start3A_80 = tpu.memref_slice %arg20[%dma_start3A_78, %dma_start3A_79] : memref<10240x32xf32, #tpu.memory_space<vmem_shared>> -> memref<10240x32xf32, #tpu.memory_space<vmem_shared>>
          tpu.enqueue_indirect_dma source(%arg9 : memref<100x32xf32, #tpu.memory_space<vmem>>) target(%dma_start3A_80 : memref<10240x32xf32, #tpu.memory_space<vmem_shared>>) offsets(%dma_start3A_77 : memref<100xi32, #tpu.memory_space<vmem>>) semaphore(%arg17 : memref<!tpu.dma_semaphore, #tpu.memory_space<semaphore_mem>>) {add = true}
          %add3A = arith.constant 1 : i32
          %add3A_81 = arith.addi %scan3A_37, %add3A : i32
          %lt3A = arith.constant 200 : i32
          %lt3A_82 = arith.cmpi slt, %add3A_81, %lt3A : i32
          %convert_element_type3A_83 = arith.extui %lt3A_82 : i1 to i32
          %cond3A_84 = arith.constant 0 : i32
          %cond3A_85 = arith.cmpi ne, %convert_element_type3A_83, %cond3A_84 : i32
          scf.if %cond3A_85 {
            %add3A_86 = arith.constant 1 : i32
            %add3A_87 = arith.addi %scan3A_37, %add3A_86 : i32
            %dma_start3A_88 = arith.constant 0 : i32
            %dma_start3A_89 = tpu.memref_slice %arg6[%add3A_87, %dma_start3A_88] : memref<200x100xi32, #tpu.memory_space<vmem>> -> memref<1x100xi32, #tpu.memory_space<vmem>>
            %dma_start3A_90 = tpu.memref_squeeze %dma_start3A_89 : memref<1x100xi32, #tpu.memory_space<vmem>> -> memref<100xi32, #tpu.memory_space<vmem>>
            %dma_start3A_91 = arith.constant 0 : i32
            %dma_start3A_92 = arith.constant 0 : i32
            %dma_start3A_93 = tpu.memref_slice %arg3[%dma_start3A_91, %dma_start3A_92] : memref<10000x32xf32, #tpu.memory_space<hbm>> -> memref<10000x32xf32, #tpu.memory_space<hbm>>
            tpu.enqueue_indirect_dma source(%dma_start3A_93 : memref<10000x32xf32, #tpu.memory_space<hbm>>) target(%arg10 : memref<100x32xf32, #tpu.memory_space<vmem>>) offsets(%dma_start3A_90 : memref<100xi32, #tpu.memory_space<vmem>>) semaphore(%arg14 : memref<!tpu.dma_semaphore, #tpu.memory_space<semaphore_mem>>)
          } else {
          }
        } else {
        }
        %rem3A_51 = arith.constant 4 : i32
        %rem3A_52 = arith.remsi %scan3A_37, %rem3A_51 : i32
        %eq3A_53 = arith.constant 2 : i32
        %eq3A_54 = arith.cmpi eq, %rem3A_52, %eq3A_53 : i32
        %convert_element_type3A_55 = arith.extui %eq3A_54 : i1 to i32
        %cond3A_56 = arith.constant 0 : i32
        %cond3A_57 = arith.cmpi ne, %convert_element_type3A_55, %cond3A_56 : i32
        scf.if %cond3A_57 {
          %dma_wait3A_65 = arith.constant 0 : i32
          %dma_wait3A_66 = tpu.memref_slice %arg6[%scan3A_37, %dma_wait3A_65] : memref<200x100xi32, #tpu.memory_space<vmem>> -> memref<1x100xi32, #tpu.memory_space<vmem>>
          %dma_wait3A_67 = tpu.memref_squeeze %dma_wait3A_66 : memref<1x100xi32, #tpu.memory_space<vmem>> -> memref<100xi32, #tpu.memory_space<vmem>>
          %dma_wait3A_68 = arith.constant 0 : i32
          %dma_wait3A_69 = arith.constant 0 : i32
          %dma_wait3A_70 = tpu.memref_slice %arg3[%dma_wait3A_68, %dma_wait3A_69] : memref<10000x32xf32, #tpu.memory_space<hbm>> -> memref<10000x32xf32, #tpu.memory_space<hbm>>
          tpu.wait_indirect_dma semaphore(%arg14 : memref<!tpu.dma_semaphore, #tpu.memory_space<semaphore_mem>>) src(%dma_wait3A_70 : memref<10000x32xf32, #tpu.memory_space<hbm>>) dst(%arg10 : memref<100x32xf32, #tpu.memory_space<vmem>>)
          %ge3A = arith.constant 1 : i32
          %ge3A_71 = arith.cmpi sge, %scan3A_37, %ge3A : i32
          %convert_element_type3A_72 = arith.extui %ge3A_71 : i1 to i32
          %cond3A_73 = arith.constant 0 : i32
          %cond3A_74 = arith.cmpi ne, %convert_element_type3A_72, %cond3A_73 : i32
          scf.if %cond3A_74 {
            %sub3A = arith.constant 1 : i32
            %sub3A_86 = arith.subi %scan3A_37, %sub3A : i32
            %dma_wait3A_87 = arith.constant 0 : i32
            %dma_wait3A_88 = tpu.memref_slice %arg7[%sub3A_86, %dma_wait3A_87] : memref<200x100xi32, #tpu.memory_space<vmem>> -> memref<1x100xi32, #tpu.memory_space<vmem>>
            %dma_wait3A_89 = tpu.memref_squeeze %dma_wait3A_88 : memref<1x100xi32, #tpu.memory_space<vmem>> -> memref<100xi32, #tpu.memory_space<vmem>>
            %dma_wait3A_90 = arith.constant 0 : i32
            %dma_wait3A_91 = arith.constant 0 : i32
            %dma_wait3A_92 = tpu.memref_slice %arg20[%dma_wait3A_90, %dma_wait3A_91] : memref<10240x32xf32, #tpu.memory_space<vmem_shared>> -> memref<10240x32xf32, #tpu.memory_space<vmem_shared>>
            tpu.wait_indirect_dma semaphore(%arg17 : memref<!tpu.dma_semaphore, #tpu.memory_space<semaphore_mem>>) src(%arg9 : memref<100x32xf32, #tpu.memory_space<vmem>>) dst(%dma_wait3A_92 : memref<10240x32xf32, #tpu.memory_space<vmem_shared>>)
          } else {
          }
          %dma_start3A_75 = arith.constant 0 : i32
          %dma_start3A_76 = tpu.memref_slice %arg7[%scan3A_37, %dma_start3A_75] : memref<200x100xi32, #tpu.memory_space<vmem>> -> memref<1x100xi32, #tpu.memory_space<vmem>>
          %dma_start3A_77 = tpu.memref_squeeze %dma_start3A_76 : memref<1x100xi32, #tpu.memory_space<vmem>> -> memref<100xi32, #tpu.memory_space<vmem>>
          %dma_start3A_78 = arith.constant 0 : i32
          %dma_start3A_79 = arith.constant 0 : i32
          %dma_start3A_80 = tpu.memref_slice %arg20[%dma_start3A_78, %dma_start3A_79] : memref<10240x32xf32, #tpu.memory_space<vmem_shared>> -> memref<10240x32xf32, #tpu.memory_space<vmem_shared>>
          tpu.enqueue_indirect_dma source(%arg10 : memref<100x32xf32, #tpu.memory_space<vmem>>) target(%dma_start3A_80 : memref<10240x32xf32, #tpu.memory_space<vmem_shared>>) offsets(%dma_start3A_77 : memref<100xi32, #tpu.memory_space<vmem>>) semaphore(%arg18 : memref<!tpu.dma_semaphore, #tpu.memory_space<semaphore_mem>>) {add = true}
          %add3A = arith.constant 1 : i32
          %add3A_81 = arith.addi %scan3A_37, %add3A : i32
          %lt3A = arith.constant 200 : i32
          %lt3A_82 = arith.cmpi slt, %add3A_81, %lt3A : i32
          %convert_element_type3A_83 = arith.extui %lt3A_82 : i1 to i32
          %cond3A_84 = arith.constant 0 : i32
          %cond3A_85 = arith.cmpi ne, %convert_element_type3A_83, %cond3A_84 : i32
          scf.if %cond3A_85 {
            %add3A_86 = arith.constant 1 : i32
            %add3A_87 = arith.addi %scan3A_37, %add3A_86 : i32
            %dma_start3A_88 = arith.constant 0 : i32
            %dma_start3A_89 = tpu.memref_slice %arg6[%add3A_87, %dma_start3A_88] : memref<200x100xi32, #tpu.memory_space<vmem>> -> memref<1x100xi32, #tpu.memory_space<vmem>>
            %dma_start3A_90 = tpu.memref_squeeze %dma_start3A_89 : memref<1x100xi32, #tpu.memory_space<vmem>> -> memref<100xi32, #tpu.memory_space<vmem>>
            %dma_start3A_91 = arith.constant 0 : i32
            %dma_start3A_92 = arith.constant 0 : i32
            %dma_start3A_93 = tpu.memref_slice %arg3[%dma_start3A_91, %dma_start3A_92] : memref<10000x32xf32, #tpu.memory_space<hbm>> -> memref<10000x32xf32, #tpu.memory_space<hbm>>
            tpu.enqueue_indirect_dma source(%dma_start3A_93 : memref<10000x32xf32, #tpu.memory_space<hbm>>) target(%arg11 : memref<100x32xf32, #tpu.memory_space<vmem>>) offsets(%dma_start3A_90 : memref<100xi32, #tpu.memory_space<vmem>>) semaphore(%arg15 : memref<!tpu.dma_semaphore, #tpu.memory_space<semaphore_mem>>)
          } else {
          }
        } else {
        }
        %rem3A_58 = arith.constant 4 : i32
        %rem3A_59 = arith.remsi %scan3A_37, %rem3A_58 : i32
        %eq3A_60 = arith.constant 3 : i32
        %eq3A_61 = arith.cmpi eq, %rem3A_59, %eq3A_60 : i32
        %convert_element_type3A_62 = arith.extui %eq3A_61 : i1 to i32
        %cond3A_63 = arith.constant 0 : i32
        %cond3A_64 = arith.cmpi ne, %convert_element_type3A_62, %cond3A_63 : i32
        scf.if %cond3A_64 {
          %dma_wait3A_65 = arith.constant 0 : i32
          %dma_wait3A_66 = tpu.memref_slice %arg6[%scan3A_37, %dma_wait3A_65] : memref<200x100xi32, #tpu.memory_space<vmem>> -> memref<1x100xi32, #tpu.memory_space<vmem>>
          %dma_wait3A_67 = tpu.memref_squeeze %dma_wait3A_66 : memref<1x100xi32, #tpu.memory_space<vmem>> -> memref<100xi32, #tpu.memory_space<vmem>>
          %dma_wait3A_68 = arith.constant 0 : i32
          %dma_wait3A_69 = arith.constant 0 : i32
          %dma_wait3A_70 = tpu.memref_slice %arg3[%dma_wait3A_68, %dma_wait3A_69] : memref<10000x32xf32, #tpu.memory_space<hbm>> -> memref<10000x32xf32, #tpu.memory_space<hbm>>
          tpu.wait_indirect_dma semaphore(%arg15 : memref<!tpu.dma_semaphore, #tpu.memory_space<semaphore_mem>>) src(%dma_wait3A_70 : memref<10000x32xf32, #tpu.memory_space<hbm>>) dst(%arg11 : memref<100x32xf32, #tpu.memory_space<vmem>>)
          %ge3A = arith.constant 1 : i32
          %ge3A_71 = arith.cmpi sge, %scan3A_37, %ge3A : i32
          %convert_element_type3A_72 = arith.extui %ge3A_71 : i1 to i32
          %cond3A_73 = arith.constant 0 : i32
          %cond3A_74 = arith.cmpi ne, %convert_element_type3A_72, %cond3A_73 : i32
          scf.if %cond3A_74 {
            %sub3A = arith.constant 1 : i32
            %sub3A_86 = arith.subi %scan3A_37, %sub3A : i32
            %dma_wait3A_87 = arith.constant 0 : i32
            %dma_wait3A_88 = tpu.memref_slice %arg7[%sub3A_86, %dma_wait3A_87] : memref<200x100xi32, #tpu.memory_space<vmem>> -> memref<1x100xi32, #tpu.memory_space<vmem>>
            %dma_wait3A_89 = tpu.memref_squeeze %dma_wait3A_88 : memref<1x100xi32, #tpu.memory_space<vmem>> -> memref<100xi32, #tpu.memory_space<vmem>>
            %dma_wait3A_90 = arith.constant 0 : i32
            %dma_wait3A_91 = arith.constant 0 : i32
            %dma_wait3A_92 = tpu.memref_slice %arg20[%dma_wait3A_90, %dma_wait3A_91] : memref<10240x32xf32, #tpu.memory_space<vmem_shared>> -> memref<10240x32xf32, #tpu.memory_space<vmem_shared>>
            tpu.wait_indirect_dma semaphore(%arg18 : memref<!tpu.dma_semaphore, #tpu.memory_space<semaphore_mem>>) src(%arg10 : memref<100x32xf32, #tpu.memory_space<vmem>>) dst(%dma_wait3A_92 : memref<10240x32xf32, #tpu.memory_space<vmem_shared>>)
          } else {
          }
          %dma_start3A_75 = arith.constant 0 : i32
          %dma_start3A_76 = tpu.memref_slice %arg7[%scan3A_37, %dma_start3A_75] : memref<200x100xi32, #tpu.memory_space<vmem>> -> memref<1x100xi32, #tpu.memory_space<vmem>>
          %dma_start3A_77 = tpu.memref_squeeze %dma_start3A_76 : memref<1x100xi32, #tpu.memory_space<vmem>> -> memref<100xi32, #tpu.memory_space<vmem>>
          %dma_start3A_78 = arith.constant 0 : i32
          %dma_start3A_79 = arith.constant 0 : i32
          %dma_start3A_80 = tpu.memref_slice %arg20[%dma_start3A_78, %dma_start3A_79] : memref<10240x32xf32, #tpu.memory_space<vmem_shared>> -> memref<10240x32xf32, #tpu.memory_space<vmem_shared>>
          tpu.enqueue_indirect_dma source(%arg11 : memref<100x32xf32, #tpu.memory_space<vmem>>) target(%dma_start3A_80 : memref<10240x32xf32, #tpu.memory_space<vmem_shared>>) offsets(%dma_start3A_77 : memref<100xi32, #tpu.memory_space<vmem>>) semaphore(%arg19 : memref<!tpu.dma_semaphore, #tpu.memory_space<semaphore_mem>>) {add = true}
          %add3A = arith.constant 1 : i32
          %add3A_81 = arith.addi %scan3A_37, %add3A : i32
          %lt3A = arith.constant 200 : i32
          %lt3A_82 = arith.cmpi slt, %add3A_81, %lt3A : i32
          %convert_element_type3A_83 = arith.extui %lt3A_82 : i1 to i32
          %cond3A_84 = arith.constant 0 : i32
          %cond3A_85 = arith.cmpi ne, %convert_element_type3A_83, %cond3A_84 : i32
          scf.if %cond3A_85 {
            %add3A_86 = arith.constant 1 : i32
            %add3A_87 = arith.addi %scan3A_37, %add3A_86 : i32
            %dma_start3A_88 = arith.constant 0 : i32
            %dma_start3A_89 = tpu.memref_slice %arg6[%add3A_87, %dma_start3A_88] : memref<200x100xi32, #tpu.memory_space<vmem>> -> memref<1x100xi32, #tpu.memory_space<vmem>>
            %dma_start3A_90 = tpu.memref_squeeze %dma_start3A_89 : memref<1x100xi32, #tpu.memory_space<vmem>> -> memref<100xi32, #tpu.memory_space<vmem>>
            %dma_start3A_91 = arith.constant 0 : i32
            %dma_start3A_92 = arith.constant 0 : i32
            %dma_start3A_93 = tpu.memref_slice %arg3[%dma_start3A_91, %dma_start3A_92] : memref<10000x32xf32, #tpu.memory_space<hbm>> -> memref<10000x32xf32, #tpu.memory_space<hbm>>
            tpu.enqueue_indirect_dma source(%dma_start3A_93 : memref<10000x32xf32, #tpu.memory_space<hbm>>) target(%arg8 : memref<100x32xf32, #tpu.memory_space<vmem>>) offsets(%dma_start3A_90 : memref<100xi32, #tpu.memory_space<vmem>>) semaphore(%arg12 : memref<!tpu.dma_semaphore, #tpu.memory_space<semaphore_mem>>)
          } else {
          }
        } else {
        }
      }
      %scan3A_30 = arith.constant 200 : i32
      %dma_wait3A = arith.constant 199 : i32
      %dma_wait3A_31 = arith.constant 0 : i32
      %dma_wait3A_32 = tpu.memref_slice %arg7[%dma_wait3A, %dma_wait3A_31] : memref<200x100xi32, #tpu.memory_space<vmem>> -> memref<1x100xi32, #tpu.memory_space<vmem>>
      %dma_wait3A_33 = tpu.memref_squeeze %dma_wait3A_32 : memref<1x100xi32, #tpu.memory_space<vmem>> -> memref<100xi32, #tpu.memory_space<vmem>>
      %dma_wait3A_34 = arith.constant 0 : i32
      %dma_wait3A_35 = arith.constant 0 : i32
      %dma_wait3A_36 = tpu.memref_slice %arg20[%dma_wait3A_34, %dma_wait3A_35] : memref<10240x32xf32, #tpu.memory_space<vmem_shared>> -> memref<10240x32xf32, #tpu.memory_space<vmem_shared>>
      tpu.wait_indirect_dma semaphore(%arg19 : memref<!tpu.dma_semaphore, #tpu.memory_space<semaphore_mem>>) src(%arg11 : memref<100x32xf32, #tpu.memory_space<vmem>>) dst(%dma_wait3A_36 : memref<10240x32xf32, #tpu.memory_space<vmem_shared>>)
    } else {
    }
    %eq3A_14 = arith.constant 1 : i32
    %eq3A_15 = arith.cmpi eq, %arg0, %eq3A_14 : i32
    %convert_element_type3A_16 = arith.extui %eq3A_15 : i1 to i32
    %cond3A_17 = arith.constant 0 : i32
    %cond3A_18 = arith.cmpi ne, %convert_element_type3A_16, %cond3A_17 : i32
    scf.if %cond3A_18 {
      %dma_start3A = arith.constant 0 : i32
      %dma_start3A_20 = arith.constant 0 : i32
      %dma_start3A_21 = tpu.memref_slice %arg6[%dma_start3A, %dma_start3A_20] : memref<200x100xi32, #tpu.memory_space<vmem>> -> memref<1x100xi32, #tpu.memory_space<vmem>>
      %dma_start3A_22 = tpu.memref_squeeze %dma_start3A_21 : memref<1x100xi32, #tpu.memory_space<vmem>> -> memref<100xi32, #tpu.memory_space<vmem>>
      %dma_start3A_23 = arith.constant 0 : i32
      %dma_start3A_24 = arith.constant 0 : i32
      %dma_start3A_25 = tpu.memref_slice %arg4[%dma_start3A_23, %dma_start3A_24] : memref<10000x32xf32, #tpu.memory_space<hbm>> -> memref<10000x32xf32, #tpu.memory_space<hbm>>
      tpu.enqueue_indirect_dma source(%dma_start3A_25 : memref<10000x32xf32, #tpu.memory_space<hbm>>) target(%arg8 : memref<100x32xf32, #tpu.memory_space<vmem>>) offsets(%dma_start3A_22 : memref<100xi32, #tpu.memory_space<vmem>>) semaphore(%arg12 : memref<!tpu.dma_semaphore, #tpu.memory_space<semaphore_mem>>)
      %scan3A = arith.constant 0 : i32
      %scan3A_26 = arith.constant 0 : i32
      %scan3A_27 = arith.constant 200 : i32
      %scan3A_28 = arith.addi %scan3A_26, %scan3A_27 : i32
      %scan3A_29 = arith.constant 1 : i32
      scf.for %scan3A_37 = %scan3A_26 to %scan3A_28 step %scan3A_29  : i32 {
        %rem3A = arith.constant 4 : i32
        %rem3A_38 = arith.remsi %scan3A_37, %rem3A : i32
        %eq3A_39 = arith.constant 0 : i32
        %eq3A_40 = arith.cmpi eq, %rem3A_38, %eq3A_39 : i32
        %convert_element_type3A_41 = arith.extui %eq3A_40 : i1 to i32
        %cond3A_42 = arith.constant 0 : i32
        %cond3A_43 = arith.cmpi ne, %convert_element_type3A_41, %cond3A_42 : i32
        scf.if %cond3A_43 {
          %dma_wait3A_65 = arith.constant 0 : i32
          %dma_wait3A_66 = tpu.memref_slice %arg6[%scan3A_37, %dma_wait3A_65] : memref<200x100xi32, #tpu.memory_space<vmem>> -> memref<1x100xi32, #tpu.memory_space<vmem>>
          %dma_wait3A_67 = tpu.memref_squeeze %dma_wait3A_66 : memref<1x100xi32, #tpu.memory_space<vmem>> -> memref<100xi32, #tpu.memory_space<vmem>>
          %dma_wait3A_68 = arith.constant 0 : i32
          %dma_wait3A_69 = arith.constant 0 : i32
          %dma_wait3A_70 = tpu.memref_slice %arg4[%dma_wait3A_68, %dma_wait3A_69] : memref<10000x32xf32, #tpu.memory_space<hbm>> -> memref<10000x32xf32, #tpu.memory_space<hbm>>
          tpu.wait_indirect_dma semaphore(%arg12 : memref<!tpu.dma_semaphore, #tpu.memory_space<semaphore_mem>>) src(%dma_wait3A_70 : memref<10000x32xf32, #tpu.memory_space<hbm>>) dst(%arg8 : memref<100x32xf32, #tpu.memory_space<vmem>>)
          %ge3A = arith.constant 1 : i32
          %ge3A_71 = arith.cmpi sge, %scan3A_37, %ge3A : i32
          %convert_element_type3A_72 = arith.extui %ge3A_71 : i1 to i32
          %cond3A_73 = arith.constant 0 : i32
          %cond3A_74 = arith.cmpi ne, %convert_element_type3A_72, %cond3A_73 : i32
          scf.if %cond3A_74 {
            %sub3A = arith.constant 1 : i32
            %sub3A_86 = arith.subi %scan3A_37, %sub3A : i32
            %dma_wait3A_87 = arith.constant 0 : i32
            %dma_wait3A_88 = tpu.memref_slice %arg7[%sub3A_86, %dma_wait3A_87] : memref<200x100xi32, #tpu.memory_space<vmem>> -> memref<1x100xi32, #tpu.memory_space<vmem>>
            %dma_wait3A_89 = tpu.memref_squeeze %dma_wait3A_88 : memref<1x100xi32, #tpu.memory_space<vmem>> -> memref<100xi32, #tpu.memory_space<vmem>>
            %dma_wait3A_90 = arith.constant 0 : i32
            %dma_wait3A_91 = arith.constant 0 : i32
            %dma_wait3A_92 = tpu.memref_slice %arg20[%dma_wait3A_90, %dma_wait3A_91] : memref<10240x32xf32, #tpu.memory_space<vmem_shared>> -> memref<10240x32xf32, #tpu.memory_space<vmem_shared>>
            tpu.wait_indirect_dma semaphore(%arg19 : memref<!tpu.dma_semaphore, #tpu.memory_space<semaphore_mem>>) src(%arg11 : memref<100x32xf32, #tpu.memory_space<vmem>>) dst(%dma_wait3A_92 : memref<10240x32xf32, #tpu.memory_space<vmem_shared>>)
          } else {
          }
          %dma_start3A_75 = arith.constant 0 : i32
          %dma_start3A_76 = tpu.memref_slice %arg7[%scan3A_37, %dma_start3A_75] : memref<200x100xi32, #tpu.memory_space<vmem>> -> memref<1x100xi32, #tpu.memory_space<vmem>>
          %dma_start3A_77 = tpu.memref_squeeze %dma_start3A_76 : memref<1x100xi32, #tpu.memory_space<vmem>> -> memref<100xi32, #tpu.memory_space<vmem>>
          %dma_start3A_78 = arith.constant 0 : i32
          %dma_start3A_79 = arith.constant 0 : i32
          %dma_start3A_80 = tpu.memref_slice %arg20[%dma_start3A_78, %dma_start3A_79] : memref<10240x32xf32, #tpu.memory_space<vmem_shared>> -> memref<10240x32xf32, #tpu.memory_space<vmem_shared>>
          tpu.enqueue_indirect_dma source(%arg8 : memref<100x32xf32, #tpu.memory_space<vmem>>) target(%dma_start3A_80 : memref<10240x32xf32, #tpu.memory_space<vmem_shared>>) offsets(%dma_start3A_77 : memref<100xi32, #tpu.memory_space<vmem>>) semaphore(%arg16 : memref<!tpu.dma_semaphore, #tpu.memory_space<semaphore_mem>>) {add = true}
          %add3A = arith.constant 1 : i32
          %add3A_81 = arith.addi %scan3A_37, %add3A : i32
          %lt3A = arith.constant 200 : i32
          %lt3A_82 = arith.cmpi slt, %add3A_81, %lt3A : i32
          %convert_element_type3A_83 = arith.extui %lt3A_82 : i1 to i32
          %cond3A_84 = arith.constant 0 : i32
          %cond3A_85 = arith.cmpi ne, %convert_element_type3A_83, %cond3A_84 : i32
          scf.if %cond3A_85 {
            %add3A_86 = arith.constant 1 : i32
            %add3A_87 = arith.addi %scan3A_37, %add3A_86 : i32
            %dma_start3A_88 = arith.constant 0 : i32
            %dma_start3A_89 = tpu.memref_slice %arg6[%add3A_87, %dma_start3A_88] : memref<200x100xi32, #tpu.memory_space<vmem>> -> memref<1x100xi32, #tpu.memory_space<vmem>>
            %dma_start3A_90 = tpu.memref_squeeze %dma_start3A_89 : memref<1x100xi32, #tpu.memory_space<vmem>> -> memref<100xi32, #tpu.memory_space<vmem>>
            %dma_start3A_91 = arith.constant 0 : i32
            %dma_start3A_92 = arith.constant 0 : i32
            %dma_start3A_93 = tpu.memref_slice %arg4[%dma_start3A_91, %dma_start3A_92] : memref<10000x32xf32, #tpu.memory_space<hbm>> -> memref<10000x32xf32, #tpu.memory_space<hbm>>
            tpu.enqueue_indirect_dma source(%dma_start3A_93 : memref<10000x32xf32, #tpu.memory_space<hbm>>) target(%arg9 : memref<100x32xf32, #tpu.memory_space<vmem>>) offsets(%dma_start3A_90 : memref<100xi32, #tpu.memory_space<vmem>>) semaphore(%arg13 : memref<!tpu.dma_semaphore, #tpu.memory_space<semaphore_mem>>)
          } else {
          }
        } else {
        }
        %rem3A_44 = arith.constant 4 : i32
        %rem3A_45 = arith.remsi %scan3A_37, %rem3A_44 : i32
        %eq3A_46 = arith.constant 1 : i32
        %eq3A_47 = arith.cmpi eq, %rem3A_45, %eq3A_46 : i32
        %convert_element_type3A_48 = arith.extui %eq3A_47 : i1 to i32
        %cond3A_49 = arith.constant 0 : i32
        %cond3A_50 = arith.cmpi ne, %convert_element_type3A_48, %cond3A_49 : i32
        scf.if %cond3A_50 {
          %dma_wait3A_65 = arith.constant 0 : i32
          %dma_wait3A_66 = tpu.memref_slice %arg6[%scan3A_37, %dma_wait3A_65] : memref<200x100xi32, #tpu.memory_space<vmem>> -> memref<1x100xi32, #tpu.memory_space<vmem>>
          %dma_wait3A_67 = tpu.memref_squeeze %dma_wait3A_66 : memref<1x100xi32, #tpu.memory_space<vmem>> -> memref<100xi32, #tpu.memory_space<vmem>>
          %dma_wait3A_68 = arith.constant 0 : i32
          %dma_wait3A_69 = arith.constant 0 : i32
          %dma_wait3A_70 = tpu.memref_slice %arg4[%dma_wait3A_68, %dma_wait3A_69] : memref<10000x32xf32, #tpu.memory_space<hbm>> -> memref<10000x32xf32, #tpu.memory_space<hbm>>
          tpu.wait_indirect_dma semaphore(%arg13 : memref<!tpu.dma_semaphore, #tpu.memory_space<semaphore_mem>>) src(%dma_wait3A_70 : memref<10000x32xf32, #tpu.memory_space<hbm>>) dst(%arg9 : memref<100x32xf32, #tpu.memory_space<vmem>>)
          %ge3A = arith.constant 1 : i32
          %ge3A_71 = arith.cmpi sge, %scan3A_37, %ge3A : i32
          %convert_element_type3A_72 = arith.extui %ge3A_71 : i1 to i32
          %cond3A_73 = arith.constant 0 : i32
          %cond3A_74 = arith.cmpi ne, %convert_element_type3A_72, %cond3A_73 : i32
          scf.if %cond3A_74 {
            %sub3A = arith.constant 1 : i32
            %sub3A_86 = arith.subi %scan3A_37, %sub3A : i32
            %dma_wait3A_87 = arith.constant 0 : i32
            %dma_wait3A_88 = tpu.memref_slice %arg7[%sub3A_86, %dma_wait3A_87] : memref<200x100xi32, #tpu.memory_space<vmem>> -> memref<1x100xi32, #tpu.memory_space<vmem>>
            %dma_wait3A_89 = tpu.memref_squeeze %dma_wait3A_88 : memref<1x100xi32, #tpu.memory_space<vmem>> -> memref<100xi32, #tpu.memory_space<vmem>>
            %dma_wait3A_90 = arith.constant 0 : i32
            %dma_wait3A_91 = arith.constant 0 : i32
            %dma_wait3A_92 = tpu.memref_slice %arg20[%dma_wait3A_90, %dma_wait3A_91] : memref<10240x32xf32, #tpu.memory_space<vmem_shared>> -> memref<10240x32xf32, #tpu.memory_space<vmem_shared>>
            tpu.wait_indirect_dma semaphore(%arg16 : memref<!tpu.dma_semaphore, #tpu.memory_space<semaphore_mem>>) src(%arg8 : memref<100x32xf32, #tpu.memory_space<vmem>>) dst(%dma_wait3A_92 : memref<10240x32xf32, #tpu.memory_space<vmem_shared>>)
          } else {
          }
          %dma_start3A_75 = arith.constant 0 : i32
          %dma_start3A_76 = tpu.memref_slice %arg7[%scan3A_37, %dma_start3A_75] : memref<200x100xi32, #tpu.memory_space<vmem>> -> memref<1x100xi32, #tpu.memory_space<vmem>>
          %dma_start3A_77 = tpu.memref_squeeze %dma_start3A_76 : memref<1x100xi32, #tpu.memory_space<vmem>> -> memref<100xi32, #tpu.memory_space<vmem>>
          %dma_start3A_78 = arith.constant 0 : i32
          %dma_start3A_79 = arith.constant 0 : i32
          %dma_start3A_80 = tpu.memref_slice %arg20[%dma_start3A_78, %dma_start3A_79] : memref<10240x32xf32, #tpu.memory_space<vmem_shared>> -> memref<10240x32xf32, #tpu.memory_space<vmem_shared>>
          tpu.enqueue_indirect_dma source(%arg9 : memref<100x32xf32, #tpu.memory_space<vmem>>) target(%dma_start3A_80 : memref<10240x32xf32, #tpu.memory_space<vmem_shared>>) offsets(%dma_start3A_77 : memref<100xi32, #tpu.memory_space<vmem>>) semaphore(%arg17 : memref<!tpu.dma_semaphore, #tpu.memory_space<semaphore_mem>>) {add = true}
          %add3A = arith.constant 1 : i32
          %add3A_81 = arith.addi %scan3A_37, %add3A : i32
          %lt3A = arith.constant 200 : i32
          %lt3A_82 = arith.cmpi slt, %add3A_81, %lt3A : i32
          %convert_element_type3A_83 = arith.extui %lt3A_82 : i1 to i32
          %cond3A_84 = arith.constant 0 : i32
          %cond3A_85 = arith.cmpi ne, %convert_element_type3A_83, %cond3A_84 : i32
          scf.if %cond3A_85 {
            %add3A_86 = arith.constant 1 : i32
            %add3A_87 = arith.addi %scan3A_37, %add3A_86 : i32
            %dma_start3A_88 = arith.constant 0 : i32
            %dma_start3A_89 = tpu.memref_slice %arg6[%add3A_87, %dma_start3A_88] : memref<200x100xi32, #tpu.memory_space<vmem>> -> memref<1x100xi32, #tpu.memory_space<vmem>>
            %dma_start3A_90 = tpu.memref_squeeze %dma_start3A_89 : memref<1x100xi32, #tpu.memory_space<vmem>> -> memref<100xi32, #tpu.memory_space<vmem>>
            %dma_start3A_91 = arith.constant 0 : i32
            %dma_start3A_92 = arith.constant 0 : i32
            %dma_start3A_93 = tpu.memref_slice %arg4[%dma_start3A_91, %dma_start3A_92] : memref<10000x32xf32, #tpu.memory_space<hbm>> -> memref<10000x32xf32, #tpu.memory_space<hbm>>
            tpu.enqueue_indirect_dma source(%dma_start3A_93 : memref<10000x32xf32, #tpu.memory_space<hbm>>) target(%arg10 : memref<100x32xf32, #tpu.memory_space<vmem>>) offsets(%dma_start3A_90 : memref<100xi32, #tpu.memory_space<vmem>>) semaphore(%arg14 : memref<!tpu.dma_semaphore, #tpu.memory_space<semaphore_mem>>)
          } else {
          }
        } else {
        }
        %rem3A_51 = arith.constant 4 : i32
        %rem3A_52 = arith.remsi %scan3A_37, %rem3A_51 : i32
        %eq3A_53 = arith.constant 2 : i32
        %eq3A_54 = arith.cmpi eq, %rem3A_52, %eq3A_53 : i32
        %convert_element_type3A_55 = arith.extui %eq3A_54 : i1 to i32
        %cond3A_56 = arith.constant 0 : i32
        %cond3A_57 = arith.cmpi ne, %convert_element_type3A_55, %cond3A_56 : i32
        scf.if %cond3A_57 {
          %dma_wait3A_65 = arith.constant 0 : i32
          %dma_wait3A_66 = tpu.memref_slice %arg6[%scan3A_37, %dma_wait3A_65] : memref<200x100xi32, #tpu.memory_space<vmem>> -> memref<1x100xi32, #tpu.memory_space<vmem>>
          %dma_wait3A_67 = tpu.memref_squeeze %dma_wait3A_66 : memref<1x100xi32, #tpu.memory_space<vmem>> -> memref<100xi32, #tpu.memory_space<vmem>>
          %dma_wait3A_68 = arith.constant 0 : i32
          %dma_wait3A_69 = arith.constant 0 : i32
          %dma_wait3A_70 = tpu.memref_slice %arg4[%dma_wait3A_68, %dma_wait3A_69] : memref<10000x32xf32, #tpu.memory_space<hbm>> -> memref<10000x32xf32, #tpu.memory_space<hbm>>
          tpu.wait_indirect_dma semaphore(%arg14 : memref<!tpu.dma_semaphore, #tpu.memory_space<semaphore_mem>>) src(%dma_wait3A_70 : memref<10000x32xf32, #tpu.memory_space<hbm>>) dst(%arg10 : memref<100x32xf32, #tpu.memory_space<vmem>>)
          %ge3A = arith.constant 1 : i32
          %ge3A_71 = arith.cmpi sge, %scan3A_37, %ge3A : i32
          %convert_element_type3A_72 = arith.extui %ge3A_71 : i1 to i32
          %cond3A_73 = arith.constant 0 : i32
          %cond3A_74 = arith.cmpi ne, %convert_element_type3A_72, %cond3A_73 : i32
          scf.if %cond3A_74 {
            %sub3A = arith.constant 1 : i32
            %sub3A_86 = arith.subi %scan3A_37, %sub3A : i32
            %dma_wait3A_87 = arith.constant 0 : i32
            %dma_wait3A_88 = tpu.memref_slice %arg7[%sub3A_86, %dma_wait3A_87] : memref<200x100xi32, #tpu.memory_space<vmem>> -> memref<1x100xi32, #tpu.memory_space<vmem>>
            %dma_wait3A_89 = tpu.memref_squeeze %dma_wait3A_88 : memref<1x100xi32, #tpu.memory_space<vmem>> -> memref<100xi32, #tpu.memory_space<vmem>>
            %dma_wait3A_90 = arith.constant 0 : i32
            %dma_wait3A_91 = arith.constant 0 : i32
            %dma_wait3A_92 = tpu.memref_slice %arg20[%dma_wait3A_90, %dma_wait3A_91] : memref<10240x32xf32, #tpu.memory_space<vmem_shared>> -> memref<10240x32xf32, #tpu.memory_space<vmem_shared>>
            tpu.wait_indirect_dma semaphore(%arg17 : memref<!tpu.dma_semaphore, #tpu.memory_space<semaphore_mem>>) src(%arg9 : memref<100x32xf32, #tpu.memory_space<vmem>>) dst(%dma_wait3A_92 : memref<10240x32xf32, #tpu.memory_space<vmem_shared>>)
          } else {
          }
          %dma_start3A_75 = arith.constant 0 : i32
          %dma_start3A_76 = tpu.memref_slice %arg7[%scan3A_37, %dma_start3A_75] : memref<200x100xi32, #tpu.memory_space<vmem>> -> memref<1x100xi32, #tpu.memory_space<vmem>>
          %dma_start3A_77 = tpu.memref_squeeze %dma_start3A_76 : memref<1x100xi32, #tpu.memory_space<vmem>> -> memref<100xi32, #tpu.memory_space<vmem>>
          %dma_start3A_78 = arith.constant 0 : i32
          %dma_start3A_79 = arith.constant 0 : i32
          %dma_start3A_80 = tpu.memref_slice %arg20[%dma_start3A_78, %dma_start3A_79] : memref<10240x32xf32, #tpu.memory_space<vmem_shared>> -> memref<10240x32xf32, #tpu.memory_space<vmem_shared>>
          tpu.enqueue_indirect_dma source(%arg10 : memref<100x32xf32, #tpu.memory_space<vmem>>) target(%dma_start3A_80 : memref<10240x32xf32, #tpu.memory_space<vmem_shared>>) offsets(%dma_start3A_77 : memref<100xi32, #tpu.memory_space<vmem>>) semaphore(%arg18 : memref<!tpu.dma_semaphore, #tpu.memory_space<semaphore_mem>>) {add = true}
          %add3A = arith.constant 1 : i32
          %add3A_81 = arith.addi %scan3A_37, %add3A : i32
          %lt3A = arith.constant 200 : i32
          %lt3A_82 = arith.cmpi slt, %add3A_81, %lt3A : i32
          %convert_element_type3A_83 = arith.extui %lt3A_82 : i1 to i32
          %cond3A_84 = arith.constant 0 : i32
          %cond3A_85 = arith.cmpi ne, %convert_element_type3A_83, %cond3A_84 : i32
          scf.if %cond3A_85 {
            %add3A_86 = arith.constant 1 : i32
            %add3A_87 = arith.addi %scan3A_37, %add3A_86 : i32
            %dma_start3A_88 = arith.constant 0 : i32
            %dma_start3A_89 = tpu.memref_slice %arg6[%add3A_87, %dma_start3A_88] : memref<200x100xi32, #tpu.memory_space<vmem>> -> memref<1x100xi32, #tpu.memory_space<vmem>>
            %dma_start3A_90 = tpu.memref_squeeze %dma_start3A_89 : memref<1x100xi32, #tpu.memory_space<vmem>> -> memref<100xi32, #tpu.memory_space<vmem>>
            %dma_start3A_91 = arith.constant 0 : i32
            %dma_start3A_92 = arith.constant 0 : i32
            %dma_start3A_93 = tpu.memref_slice %arg4[%dma_start3A_91, %dma_start3A_92] : memref<10000x32xf32, #tpu.memory_space<hbm>> -> memref<10000x32xf32, #tpu.memory_space<hbm>>
            tpu.enqueue_indirect_dma source(%dma_start3A_93 : memref<10000x32xf32, #tpu.memory_space<hbm>>) target(%arg11 : memref<100x32xf32, #tpu.memory_space<vmem>>) offsets(%dma_start3A_90 : memref<100xi32, #tpu.memory_space<vmem>>) semaphore(%arg15 : memref<!tpu.dma_semaphore, #tpu.memory_space<semaphore_mem>>)
          } else {
          }
        } else {
        }
        %rem3A_58 = arith.constant 4 : i32
        %rem3A_59 = arith.remsi %scan3A_37, %rem3A_58 : i32
        %eq3A_60 = arith.constant 3 : i32
        %eq3A_61 = arith.cmpi eq, %rem3A_59, %eq3A_60 : i32
        %convert_element_type3A_62 = arith.extui %eq3A_61 : i1 to i32
        %cond3A_63 = arith.constant 0 : i32
        %cond3A_64 = arith.cmpi ne, %convert_element_type3A_62, %cond3A_63 : i32
        scf.if %cond3A_64 {
          %dma_wait3A_65 = arith.constant 0 : i32
          %dma_wait3A_66 = tpu.memref_slice %arg6[%scan3A_37, %dma_wait3A_65] : memref<200x100xi32, #tpu.memory_space<vmem>> -> memref<1x100xi32, #tpu.memory_space<vmem>>
          %dma_wait3A_67 = tpu.memref_squeeze %dma_wait3A_66 : memref<1x100xi32, #tpu.memory_space<vmem>> -> memref<100xi32, #tpu.memory_space<vmem>>
          %dma_wait3A_68 = arith.constant 0 : i32
          %dma_wait3A_69 = arith.constant 0 : i32
          %dma_wait3A_70 = tpu.memref_slice %arg4[%dma_wait3A_68, %dma_wait3A_69] : memref<10000x32xf32, #tpu.memory_space<hbm>> -> memref<10000x32xf32, #tpu.memory_space<hbm>>
          tpu.wait_indirect_dma semaphore(%arg15 : memref<!tpu.dma_semaphore, #tpu.memory_space<semaphore_mem>>) src(%dma_wait3A_70 : memref<10000x32xf32, #tpu.memory_space<hbm>>) dst(%arg11 : memref<100x32xf32, #tpu.memory_space<vmem>>)
          %ge3A = arith.constant 1 : i32
          %ge3A_71 = arith.cmpi sge, %scan3A_37, %ge3A : i32
          %convert_element_type3A_72 = arith.extui %ge3A_71 : i1 to i32
          %cond3A_73 = arith.constant 0 : i32
          %cond3A_74 = arith.cmpi ne, %convert_element_type3A_72, %cond3A_73 : i32
          scf.if %cond3A_74 {
            %sub3A = arith.constant 1 : i32
            %sub3A_86 = arith.subi %scan3A_37, %sub3A : i32
            %dma_wait3A_87 = arith.constant 0 : i32
            %dma_wait3A_88 = tpu.memref_slice %arg7[%sub3A_86, %dma_wait3A_87] : memref<200x100xi32, #tpu.memory_space<vmem>> -> memref<1x100xi32, #tpu.memory_space<vmem>>
            %dma_wait3A_89 = tpu.memref_squeeze %dma_wait3A_88 : memref<1x100xi32, #tpu.memory_space<vmem>> -> memref<100xi32, #tpu.memory_space<vmem>>
            %dma_wait3A_90 = arith.constant 0 : i32
            %dma_wait3A_91 = arith.constant 0 : i32
            %dma_wait3A_92 = tpu.memref_slice %arg20[%dma_wait3A_90, %dma_wait3A_91] : memref<10240x32xf32, #tpu.memory_space<vmem_shared>> -> memref<10240x32xf32, #tpu.memory_space<vmem_shared>>
            tpu.wait_indirect_dma semaphore(%arg18 : memref<!tpu.dma_semaphore, #tpu.memory_space<semaphore_mem>>) src(%arg10 : memref<100x32xf32, #tpu.memory_space<vmem>>) dst(%dma_wait3A_92 : memref<10240x32xf32, #tpu.memory_space<vmem_shared>>)
          } else {
          }
          %dma_start3A_75 = arith.constant 0 : i32
          %dma_start3A_76 = tpu.memref_slice %arg7[%scan3A_37, %dma_start3A_75] : memref<200x100xi32, #tpu.memory_space<vmem>> -> memref<1x100xi32, #tpu.memory_space<vmem>>
          %dma_start3A_77 = tpu.memref_squeeze %dma_start3A_76 : memref<1x100xi32, #tpu.memory_space<vmem>> -> memref<100xi32, #tpu.memory_space<vmem>>
          %dma_start3A_78 = arith.constant 0 : i32
          %dma_start3A_79 = arith.constant 0 : i32
          %dma_start3A_80 = tpu.memref_slice %arg20[%dma_start3A_78, %dma_start3A_79] : memref<10240x32xf32, #tpu.memory_space<vmem_shared>> -> memref<10240x32xf32, #tpu.memory_space<vmem_shared>>
          tpu.enqueue_indirect_dma source(%arg11 : memref<100x32xf32, #tpu.memory_space<vmem>>) target(%dma_start3A_80 : memref<10240x32xf32, #tpu.memory_space<vmem_shared>>) offsets(%dma_start3A_77 : memref<100xi32, #tpu.memory_space<vmem>>) semaphore(%arg19 : memref<!tpu.dma_semaphore, #tpu.memory_space<semaphore_mem>>) {add = true}
          %add3A = arith.constant 1 : i32
          %add3A_81 = arith.addi %scan3A_37, %add3A : i32
          %lt3A = arith.constant 200 : i32
          %lt3A_82 = arith.cmpi slt, %add3A_81, %lt3A : i32
          %convert_element_type3A_83 = arith.extui %lt3A_82 : i1 to i32
          %cond3A_84 = arith.constant 0 : i32
          %cond3A_85 = arith.cmpi ne, %convert_element_type3A_83, %cond3A_84 : i32
          scf.if %cond3A_85 {
            %add3A_86 = arith.constant 1 : i32
            %add3A_87 = arith.addi %scan3A_37, %add3A_86 : i32
            %dma_start3A_88 = arith.constant 0 : i32
            %dma_start3A_89 = tpu.memref_slice %arg6[%add3A_87, %dma_start3A_88] : memref<200x100xi32, #tpu.memory_space<vmem>> -> memref<1x100xi32, #tpu.memory_space<vmem>>
            %dma_start3A_90 = tpu.memref_squeeze %dma_start3A_89 : memref<1x100xi32, #tpu.memory_space<vmem>> -> memref<100xi32, #tpu.memory_space<vmem>>
            %dma_start3A_91 = arith.constant 0 : i32
            %dma_start3A_92 = arith.constant 0 : i32
            %dma_start3A_93 = tpu.memref_slice %arg4[%dma_start3A_91, %dma_start3A_92] : memref<10000x32xf32, #tpu.memory_space<hbm>> -> memref<10000x32xf32, #tpu.memory_space<hbm>>
            tpu.enqueue_indirect_dma source(%dma_start3A_93 : memref<10000x32xf32, #tpu.memory_space<hbm>>) target(%arg8 : memref<100x32xf32, #tpu.memory_space<vmem>>) offsets(%dma_start3A_90 : memref<100xi32, #tpu.memory_space<vmem>>) semaphore(%arg12 : memref<!tpu.dma_semaphore, #tpu.memory_space<semaphore_mem>>)
          } else {
          }
        } else {
        }
      }
      %scan3A_30 = arith.constant 200 : i32
      %dma_wait3A = arith.constant 199 : i32
      %dma_wait3A_31 = arith.constant 0 : i32
      %dma_wait3A_32 = tpu.memref_slice %arg7[%dma_wait3A, %dma_wait3A_31] : memref<200x100xi32, #tpu.memory_space<vmem>> -> memref<1x100xi32, #tpu.memory_space<vmem>>
      %dma_wait3A_33 = tpu.memref_squeeze %dma_wait3A_32 : memref<1x100xi32, #tpu.memory_space<vmem>> -> memref<100xi32, #tpu.memory_space<vmem>>
      %dma_wait3A_34 = arith.constant 0 : i32
      %dma_wait3A_35 = arith.constant 0 : i32
      %dma_wait3A_36 = tpu.memref_slice %arg20[%dma_wait3A_34, %dma_wait3A_35] : memref<10240x32xf32, #tpu.memory_space<vmem_shared>> -> memref<10240x32xf32, #tpu.memory_space<vmem_shared>>
      tpu.wait_indirect_dma semaphore(%arg19 : memref<!tpu.dma_semaphore, #tpu.memory_space<semaphore_mem>>) src(%arg11 : memref<100x32xf32, #tpu.memory_space<vmem>>) dst(%dma_wait3A_36 : memref<10240x32xf32, #tpu.memory_space<vmem_shared>>)
    } else {
    }
    %barrier3A_19 = arith.constant 0 : index
    tpu.barrier barrier_id(%barrier3A_19)
    "tpu.region"() ({
      %run_scoped3A_20 = tpu.sem_alloc : memref<!tpu.dma_semaphore, #tpu.memory_space<semaphore_mem>>
      %dma_start3A = arith.constant 0 : i32
      %dma_start3A_21 = tpu.memref_slice %arg5[%arg0, %mul3A_0, %dma_start3A] : memref<2x10240x32xf32, #tpu.memory_space<hbm>> -> memref<1x640x32xf32, #tpu.memory_space<hbm>>
      %dma_start3A_22 = tpu.memref_squeeze %dma_start3A_21 : memref<1x640x32xf32, #tpu.memory_space<hbm>> -> memref<640x32xf32, #tpu.memory_space<hbm>>
      %dma_start3A_23 = arith.constant 0 : i32
      %dma_start3A_24 = tpu.memref_slice %arg20[%mul3A_0, %dma_start3A_23] : memref<10240x32xf32, #tpu.memory_space<vmem_shared>> -> memref<640x32xf32, #tpu.memory_space<vmem_shared>>
      tpu.enqueue_dma source(%dma_start3A_24 : memref<640x32xf32, #tpu.memory_space<vmem_shared>>) target(%dma_start3A_22 : memref<640x32xf32, #tpu.memory_space<hbm>>) target_semaphore(%run_scoped3A_20 : memref<!tpu.dma_semaphore, #tpu.memory_space<semaphore_mem>>)
      %dma_wait3A = arith.constant 0 : i32
      %dma_wait3A_25 = tpu.memref_slice %arg5[%arg0, %mul3A_0, %dma_wait3A] : memref<2x10240x32xf32, #tpu.memory_space<hbm>> -> memref<1x640x32xf32, #tpu.memory_space<hbm>>
      %dma_wait3A_26 = tpu.memref_squeeze %dma_wait3A_25 : memref<1x640x32xf32, #tpu.memory_space<hbm>> -> memref<640x32xf32, #tpu.memory_space<hbm>>
      %dma_wait3A_27 = arith.constant 0 : i32
      %dma_wait3A_28 = tpu.memref_slice %arg20[%mul3A_0, %dma_wait3A_27] : memref<10240x32xf32, #tpu.memory_space<vmem_shared>> -> memref<640x32xf32, #tpu.memory_space<vmem_shared>>
      tpu.wait_dma2 semaphore(%run_scoped3A_20 : memref<!tpu.dma_semaphore, #tpu.memory_space<semaphore_mem>>) src(%dma_wait3A_28 : memref<640x32xf32, #tpu.memory_space<vmem_shared>>) dst(%dma_wait3A_26 : memref<640x32xf32, #tpu.memory_space<hbm>>)
      tpu.yield
    }) : () -> ()
    return
  }
}

#map = affine_map<(d0, d1) -> (0, 0, 0, 0)>
#map1 = affine_map<(d0, d1) -> (0, 0)>
#map2 = affine_map<(d0, d1) -> (0, 0, 0)>
module attributes {stable_mosaic.version = 14 : i64} {
  func.func @_sc_degree(%arg0: i32, %arg1: i32, %arg2: memref<2x16x200x100xi32, #tpu.memory_space<hbm>>, %arg3: memref<100x16xf32, #tpu.memory_space<hbm>>, %arg4: memref<10240x16xf32, #tpu.memory_space<hbm>>, %arg5: memref<2x10240x16xf32, #tpu.memory_space<hbm>>, %arg6: memref<200x100xi32, #tpu.memory_space<vmem>>, %arg7: memref<100x16xf32, #tpu.memory_space<vmem>>, %arg8: memref<10240x16xf32, #tpu.memory_space<vmem_shared>>) attributes {dimension_semantics = [#tpu.dimension_semantics<core_parallel>, #tpu.dimension_semantics<subcore_parallel>], iteration_bounds = array<i64: 2, 16>, scalar_prefetch = 0 : i64, scratch_operands = 3 : i64, tpu.core_type = #tpu.core_type<sc_vector_subcore>, window_params = [{transform_indices = #map}, {transform_indices = #map1}, {transform_indices = #map1}, {transform_indices = #map2}]} {
    %mul3A = arith.constant 640 : i32
    %mul3A_0 = arith.muli %arg1, %mul3A : i32
    %run_scoped3A = arith.constant 1 : i32
    "tpu.region"() ({
      %run_scoped3A_15 = tpu.sem_alloc : memref<!tpu.dma_semaphore, #tpu.memory_space<semaphore_mem>>
      %dma_start3A = arith.constant 0 : i32
      %dma_start3A_16 = arith.constant 0 : i32
      %dma_start3A_17 = tpu.memref_slice %arg2[%run_scoped3A, %arg1, %dma_start3A, %dma_start3A_16] : memref<2x16x200x100xi32, #tpu.memory_space<hbm>> -> memref<1x1x200x100xi32, #tpu.memory_space<hbm>>
      %dma_start3A_18 = tpu.memref_squeeze %dma_start3A_17 : memref<1x1x200x100xi32, #tpu.memory_space<hbm>> -> memref<200x100xi32, #tpu.memory_space<hbm>>
      %dma_start3A_19 = arith.constant 0 : i32
      %dma_start3A_20 = arith.constant 0 : i32
      %dma_start3A_21 = tpu.memref_slice %arg2[%run_scoped3A, %arg1, %dma_start3A_19, %dma_start3A_20] : memref<2x16x200x100xi32, #tpu.memory_space<hbm>> -> memref<1x1x200x100xi32, #tpu.memory_space<hbm>>
      %dma_start3A_22 = tpu.memref_squeeze %dma_start3A_21 : memref<1x1x200x100xi32, #tpu.memory_space<hbm>> -> memref<200x100xi32, #tpu.memory_space<hbm>>
      tpu.enqueue_dma source(%dma_start3A_22 : memref<200x100xi32, #tpu.memory_space<hbm>>) target(%arg6 : memref<200x100xi32, #tpu.memory_space<vmem>>) target_semaphore(%run_scoped3A_15 : memref<!tpu.dma_semaphore, #tpu.memory_space<semaphore_mem>>)
      %dma_wait3A = arith.constant 0 : i32
      %dma_wait3A_23 = arith.constant 0 : i32
      %dma_wait3A_24 = tpu.memref_slice %arg2[%run_scoped3A, %arg1, %dma_wait3A, %dma_wait3A_23] : memref<2x16x200x100xi32, #tpu.memory_space<hbm>> -> memref<1x1x200x100xi32, #tpu.memory_space<hbm>>
      %dma_wait3A_25 = tpu.memref_squeeze %dma_wait3A_24 : memref<1x1x200x100xi32, #tpu.memory_space<hbm>> -> memref<200x100xi32, #tpu.memory_space<hbm>>
      %dma_wait3A_26 = arith.constant 0 : i32
      %dma_wait3A_27 = arith.constant 0 : i32
      %dma_wait3A_28 = tpu.memref_slice %arg2[%run_scoped3A, %arg1, %dma_wait3A_26, %dma_wait3A_27] : memref<2x16x200x100xi32, #tpu.memory_space<hbm>> -> memref<1x1x200x100xi32, #tpu.memory_space<hbm>>
      %dma_wait3A_29 = tpu.memref_squeeze %dma_wait3A_28 : memref<1x1x200x100xi32, #tpu.memory_space<hbm>> -> memref<200x100xi32, #tpu.memory_space<hbm>>
      tpu.wait_dma2 semaphore(%run_scoped3A_15 : memref<!tpu.dma_semaphore, #tpu.memory_space<semaphore_mem>>) src(%dma_wait3A_29 : memref<200x100xi32, #tpu.memory_space<hbm>>) dst(%arg6 : memref<200x100xi32, #tpu.memory_space<vmem>>)
      tpu.yield
    }) : () -> ()
    "tpu.region"() ({
      %run_scoped3A_15 = tpu.sem_alloc : memref<!tpu.dma_semaphore, #tpu.memory_space<semaphore_mem>>
      tpu.enqueue_dma source(%arg3 : memref<100x16xf32, #tpu.memory_space<hbm>>) target(%arg7 : memref<100x16xf32, #tpu.memory_space<vmem>>) target_semaphore(%run_scoped3A_15 : memref<!tpu.dma_semaphore, #tpu.memory_space<semaphore_mem>>)
      tpu.wait_dma2 semaphore(%run_scoped3A_15 : memref<!tpu.dma_semaphore, #tpu.memory_space<semaphore_mem>>) src(%arg3 : memref<100x16xf32, #tpu.memory_space<hbm>>) dst(%arg7 : memref<100x16xf32, #tpu.memory_space<vmem>>)
      tpu.yield
    }) : () -> ()
    "tpu.region"() ({
      %run_scoped3A_15 = tpu.sem_alloc : memref<!tpu.dma_semaphore, #tpu.memory_space<semaphore_mem>>
      %dma_start3A = arith.constant 0 : i32
      %dma_start3A_16 = tpu.memref_slice %arg8[%mul3A_0, %dma_start3A] : memref<10240x16xf32, #tpu.memory_space<vmem_shared>> -> memref<640x16xf32, #tpu.memory_space<vmem_shared>>
      %dma_start3A_17 = arith.constant 0 : i32
      %dma_start3A_18 = tpu.memref_slice %arg4[%mul3A_0, %dma_start3A_17] : memref<10240x16xf32, #tpu.memory_space<hbm>> -> memref<640x16xf32, #tpu.memory_space<hbm>>
      tpu.enqueue_dma source(%dma_start3A_18 : memref<640x16xf32, #tpu.memory_space<hbm>>) target(%dma_start3A_16 : memref<640x16xf32, #tpu.memory_space<vmem_shared>>) target_semaphore(%run_scoped3A_15 : memref<!tpu.dma_semaphore, #tpu.memory_space<semaphore_mem>>)
      %dma_wait3A = arith.constant 0 : i32
      %dma_wait3A_19 = tpu.memref_slice %arg8[%mul3A_0, %dma_wait3A] : memref<10240x16xf32, #tpu.memory_space<vmem_shared>> -> memref<640x16xf32, #tpu.memory_space<vmem_shared>>
      %dma_wait3A_20 = arith.constant 0 : i32
      %dma_wait3A_21 = tpu.memref_slice %arg4[%mul3A_0, %dma_wait3A_20] : memref<10240x16xf32, #tpu.memory_space<hbm>> -> memref<640x16xf32, #tpu.memory_space<hbm>>
      tpu.wait_dma2 semaphore(%run_scoped3A_15 : memref<!tpu.dma_semaphore, #tpu.memory_space<semaphore_mem>>) src(%dma_wait3A_21 : memref<640x16xf32, #tpu.memory_space<hbm>>) dst(%dma_wait3A_19 : memref<640x16xf32, #tpu.memory_space<vmem_shared>>)
      tpu.yield
    }) : () -> ()
    %barrier3A = arith.constant 0 : index
    tpu.barrier barrier_id(%barrier3A)
    %mul3A_1 = arith.constant 100 : i32
    %mul3A_2 = arith.muli %arg0, %mul3A_1 : i32
    %add3A = arith.constant 1 : i32
    %add3A_3 = arith.addi %arg0, %add3A : i32
    %mul3A_4 = arith.constant 100 : i32
    %mul3A_5 = arith.muli %add3A_3, %mul3A_4 : i32
    %while3A = arith.constant 0 : i32
    %while3A_6 = arith.subi %mul3A_5, %mul3A_2 : i32
    %while3A_7 = arith.addi %mul3A_2, %while3A_6 : i32
    %while3A_8 = arith.constant 1 : i32
    %while3A_9 = arith.divsi %while3A_6, %while3A_8 : i32
    %while3A_10 = arith.muli %while3A_9, %while3A_8 : i32
    %while3A_11 = arith.addi %mul3A_2, %while3A_10 : i32
    %while3A_12 = arith.constant 1 : i32
    scf.for %while3A_15 = %mul3A_2 to %while3A_11 step %while3A_12  : i32 {
      "tpu.region"() ({
        %run_scoped3A_16 = tpu.sem_alloc : memref<!tpu.dma_semaphore, #tpu.memory_space<semaphore_mem>>
        %dma_start3A = arith.constant 0 : i32
        %dma_start3A_17 = tpu.memref_slice %arg6[%while3A_15, %dma_start3A] : memref<200x100xi32, #tpu.memory_space<vmem>> -> memref<1x100xi32, #tpu.memory_space<vmem>>
        %dma_start3A_18 = tpu.memref_squeeze %dma_start3A_17 : memref<1x100xi32, #tpu.memory_space<vmem>> -> memref<100xi32, #tpu.memory_space<vmem>>
        %dma_start3A_19 = arith.constant 0 : i32
        %dma_start3A_20 = arith.constant 0 : i32
        %dma_start3A_21 = tpu.memref_slice %arg8[%dma_start3A_19, %dma_start3A_20] : memref<10240x16xf32, #tpu.memory_space<vmem_shared>> -> memref<10240x16xf32, #tpu.memory_space<vmem_shared>>
        tpu.enqueue_indirect_dma source(%arg7 : memref<100x16xf32, #tpu.memory_space<vmem>>) target(%dma_start3A_21 : memref<10240x16xf32, #tpu.memory_space<vmem_shared>>) offsets(%dma_start3A_18 : memref<100xi32, #tpu.memory_space<vmem>>) semaphore(%run_scoped3A_16 : memref<!tpu.dma_semaphore, #tpu.memory_space<semaphore_mem>>) {add = true}
        %dma_wait3A = arith.constant 0 : i32
        %dma_wait3A_22 = tpu.memref_slice %arg6[%while3A_15, %dma_wait3A] : memref<200x100xi32, #tpu.memory_space<vmem>> -> memref<1x100xi32, #tpu.memory_space<vmem>>
        %dma_wait3A_23 = tpu.memref_squeeze %dma_wait3A_22 : memref<1x100xi32, #tpu.memory_space<vmem>> -> memref<100xi32, #tpu.memory_space<vmem>>
        %dma_wait3A_24 = arith.constant 0 : i32
        %dma_wait3A_25 = arith.constant 0 : i32
        %dma_wait3A_26 = tpu.memref_slice %arg8[%dma_wait3A_24, %dma_wait3A_25] : memref<10240x16xf32, #tpu.memory_space<vmem_shared>> -> memref<10240x16xf32, #tpu.memory_space<vmem_shared>>
        tpu.wait_indirect_dma semaphore(%run_scoped3A_16 : memref<!tpu.dma_semaphore, #tpu.memory_space<semaphore_mem>>) src(%arg7 : memref<100x16xf32, #tpu.memory_space<vmem>>) dst(%dma_wait3A_26 : memref<10240x16xf32, #tpu.memory_space<vmem_shared>>)
        tpu.yield
      }) : () -> ()
    }
    %while3A_13 = arith.constant 1 : i32
    scf.for %while3A_15 = %while3A_11 to %while3A_7 step %while3A_13  : i32 {
      "tpu.region"() ({
        %run_scoped3A_16 = tpu.sem_alloc : memref<!tpu.dma_semaphore, #tpu.memory_space<semaphore_mem>>
        %dma_start3A = arith.constant 0 : i32
        %dma_start3A_17 = tpu.memref_slice %arg6[%while3A_15, %dma_start3A] : memref<200x100xi32, #tpu.memory_space<vmem>> -> memref<1x100xi32, #tpu.memory_space<vmem>>
        %dma_start3A_18 = tpu.memref_squeeze %dma_start3A_17 : memref<1x100xi32, #tpu.memory_space<vmem>> -> memref<100xi32, #tpu.memory_space<vmem>>
        %dma_start3A_19 = arith.constant 0 : i32
        %dma_start3A_20 = arith.constant 0 : i32
        %dma_start3A_21 = tpu.memref_slice %arg8[%dma_start3A_19, %dma_start3A_20] : memref<10240x16xf32, #tpu.memory_space<vmem_shared>> -> memref<10240x16xf32, #tpu.memory_space<vmem_shared>>
        tpu.enqueue_indirect_dma source(%arg7 : memref<100x16xf32, #tpu.memory_space<vmem>>) target(%dma_start3A_21 : memref<10240x16xf32, #tpu.memory_space<vmem_shared>>) offsets(%dma_start3A_18 : memref<100xi32, #tpu.memory_space<vmem>>) semaphore(%run_scoped3A_16 : memref<!tpu.dma_semaphore, #tpu.memory_space<semaphore_mem>>) {add = true}
        %dma_wait3A = arith.constant 0 : i32
        %dma_wait3A_22 = tpu.memref_slice %arg6[%while3A_15, %dma_wait3A] : memref<200x100xi32, #tpu.memory_space<vmem>> -> memref<1x100xi32, #tpu.memory_space<vmem>>
        %dma_wait3A_23 = tpu.memref_squeeze %dma_wait3A_22 : memref<1x100xi32, #tpu.memory_space<vmem>> -> memref<100xi32, #tpu.memory_space<vmem>>
        %dma_wait3A_24 = arith.constant 0 : i32
        %dma_wait3A_25 = arith.constant 0 : i32
        %dma_wait3A_26 = tpu.memref_slice %arg8[%dma_wait3A_24, %dma_wait3A_25] : memref<10240x16xf32, #tpu.memory_space<vmem_shared>> -> memref<10240x16xf32, #tpu.memory_space<vmem_shared>>
        tpu.wait_indirect_dma semaphore(%run_scoped3A_16 : memref<!tpu.dma_semaphore, #tpu.memory_space<semaphore_mem>>) src(%arg7 : memref<100x16xf32, #tpu.memory_space<vmem>>) dst(%dma_wait3A_26 : memref<10240x16xf32, #tpu.memory_space<vmem_shared>>)
        tpu.yield
      }) : () -> ()
    }
    %barrier3A_14 = arith.constant 0 : index
    tpu.barrier barrier_id(%barrier3A_14)
    "tpu.region"() ({
      %run_scoped3A_15 = tpu.sem_alloc : memref<!tpu.dma_semaphore, #tpu.memory_space<semaphore_mem>>
      %dma_start3A = arith.constant 0 : i32
      %dma_start3A_16 = tpu.memref_slice %arg5[%arg0, %mul3A_0, %dma_start3A] : memref<2x10240x16xf32, #tpu.memory_space<hbm>> -> memref<1x640x16xf32, #tpu.memory_space<hbm>>
      %dma_start3A_17 = tpu.memref_squeeze %dma_start3A_16 : memref<1x640x16xf32, #tpu.memory_space<hbm>> -> memref<640x16xf32, #tpu.memory_space<hbm>>
      %dma_start3A_18 = arith.constant 0 : i32
      %dma_start3A_19 = tpu.memref_slice %arg8[%mul3A_0, %dma_start3A_18] : memref<10240x16xf32, #tpu.memory_space<vmem_shared>> -> memref<640x16xf32, #tpu.memory_space<vmem_shared>>
      tpu.enqueue_dma source(%dma_start3A_19 : memref<640x16xf32, #tpu.memory_space<vmem_shared>>) target(%dma_start3A_17 : memref<640x16xf32, #tpu.memory_space<hbm>>) target_semaphore(%run_scoped3A_15 : memref<!tpu.dma_semaphore, #tpu.memory_space<semaphore_mem>>)
      %dma_wait3A = arith.constant 0 : i32
      %dma_wait3A_20 = tpu.memref_slice %arg5[%arg0, %mul3A_0, %dma_wait3A] : memref<2x10240x16xf32, #tpu.memory_space<hbm>> -> memref<1x640x16xf32, #tpu.memory_space<hbm>>
      %dma_wait3A_21 = tpu.memref_squeeze %dma_wait3A_20 : memref<1x640x16xf32, #tpu.memory_space<hbm>> -> memref<640x16xf32, #tpu.memory_space<hbm>>
      %dma_wait3A_22 = arith.constant 0 : i32
      %dma_wait3A_23 = tpu.memref_slice %arg8[%mul3A_0, %dma_wait3A_22] : memref<10240x16xf32, #tpu.memory_space<vmem_shared>> -> memref<640x16xf32, #tpu.memory_space<vmem_shared>>
      tpu.wait_dma2 semaphore(%run_scoped3A_15 : memref<!tpu.dma_semaphore, #tpu.memory_space<semaphore_mem>>) src(%dma_wait3A_23 : memref<640x16xf32, #tpu.memory_space<vmem_shared>>) dst(%dma_wait3A_21 : memref<640x16xf32, #tpu.memory_space<hbm>>)
      tpu.yield
    }) : () -> ()
    return
  }
}

#map = affine_map<(d0, d1) -> (0, 0, 0, 0)>
#map1 = affine_map<(d0, d1) -> (0, 0)>
#map2 = affine_map<(d0, d1) -> (0, 0, 0)>
module attributes {stable_mosaic.version = 14 : i64} {
  func.func @sc_agg(%arg0: i32, %arg1: i32, %arg2: memref<2x16x200x100xi32, #tpu.memory_space<hbm>>, %arg3: memref<10000x64xf32, #tpu.memory_space<hbm>>, %arg4: memref<10000x64xf32, #tpu.memory_space<hbm>>, %arg5: memref<2x10240x64xf32, #tpu.memory_space<hbm>>, %arg6: memref<200x100xi32, #tpu.memory_space<vmem>>, %arg7: memref<200x100xi32, #tpu.memory_space<vmem>>, %arg8: memref<100x64xf32, #tpu.memory_space<vmem>>, %arg9: memref<100x64xf32, #tpu.memory_space<vmem>>, %arg10: memref<100x64xf32, #tpu.memory_space<vmem>>, %arg11: memref<100x64xf32, #tpu.memory_space<vmem>>, %arg12: memref<!tpu.dma_semaphore, #tpu.memory_space<semaphore_mem>>, %arg13: memref<!tpu.dma_semaphore, #tpu.memory_space<semaphore_mem>>, %arg14: memref<!tpu.dma_semaphore, #tpu.memory_space<semaphore_mem>>, %arg15: memref<!tpu.dma_semaphore, #tpu.memory_space<semaphore_mem>>, %arg16: memref<!tpu.dma_semaphore, #tpu.memory_space<semaphore_mem>>, %arg17: memref<!tpu.dma_semaphore, #tpu.memory_space<semaphore_mem>>, %arg18: memref<!tpu.dma_semaphore, #tpu.memory_space<semaphore_mem>>, %arg19: memref<!tpu.dma_semaphore, #tpu.memory_space<semaphore_mem>>, %arg20: memref<10240x64xf32, #tpu.memory_space<vmem_shared>>) attributes {dimension_semantics = [#tpu.dimension_semantics<core_parallel>, #tpu.dimension_semantics<subcore_parallel>], iteration_bounds = array<i64: 2, 16>, scalar_prefetch = 0 : i64, scratch_operands = 15 : i64, tpu.core_type = #tpu.core_type<sc_vector_subcore>, window_params = [{transform_indices = #map}, {transform_indices = #map1}, {transform_indices = #map1}, {transform_indices = #map2}]} {
    %mul3A = arith.constant 640 : i32
    %mul3A_0 = arith.muli %arg1, %mul3A : i32
    %run_scoped3A = arith.constant 0 : i32
    "tpu.region"() ({
      %run_scoped3A_20 = tpu.sem_alloc : memref<!tpu.dma_semaphore, #tpu.memory_space<semaphore_mem>>
      %dma_start3A = arith.constant 0 : i32
      %dma_start3A_21 = arith.constant 0 : i32
      %dma_start3A_22 = tpu.memref_slice %arg2[%run_scoped3A, %arg1, %dma_start3A, %dma_start3A_21] : memref<2x16x200x100xi32, #tpu.memory_space<hbm>> -> memref<1x1x200x100xi32, #tpu.memory_space<hbm>>
      %dma_start3A_23 = tpu.memref_squeeze %dma_start3A_22 : memref<1x1x200x100xi32, #tpu.memory_space<hbm>> -> memref<200x100xi32, #tpu.memory_space<hbm>>
      %dma_start3A_24 = arith.constant 0 : i32
      %dma_start3A_25 = arith.constant 0 : i32
      %dma_start3A_26 = tpu.memref_slice %arg2[%run_scoped3A, %arg1, %dma_start3A_24, %dma_start3A_25] : memref<2x16x200x100xi32, #tpu.memory_space<hbm>> -> memref<1x1x200x100xi32, #tpu.memory_space<hbm>>
      %dma_start3A_27 = tpu.memref_squeeze %dma_start3A_26 : memref<1x1x200x100xi32, #tpu.memory_space<hbm>> -> memref<200x100xi32, #tpu.memory_space<hbm>>
      tpu.enqueue_dma source(%dma_start3A_27 : memref<200x100xi32, #tpu.memory_space<hbm>>) target(%arg6 : memref<200x100xi32, #tpu.memory_space<vmem>>) target_semaphore(%run_scoped3A_20 : memref<!tpu.dma_semaphore, #tpu.memory_space<semaphore_mem>>)
      %dma_wait3A = arith.constant 0 : i32
      %dma_wait3A_28 = arith.constant 0 : i32
      %dma_wait3A_29 = tpu.memref_slice %arg2[%run_scoped3A, %arg1, %dma_wait3A, %dma_wait3A_28] : memref<2x16x200x100xi32, #tpu.memory_space<hbm>> -> memref<1x1x200x100xi32, #tpu.memory_space<hbm>>
      %dma_wait3A_30 = tpu.memref_squeeze %dma_wait3A_29 : memref<1x1x200x100xi32, #tpu.memory_space<hbm>> -> memref<200x100xi32, #tpu.memory_space<hbm>>
      %dma_wait3A_31 = arith.constant 0 : i32
      %dma_wait3A_32 = arith.constant 0 : i32
      %dma_wait3A_33 = tpu.memref_slice %arg2[%run_scoped3A, %arg1, %dma_wait3A_31, %dma_wait3A_32] : memref<2x16x200x100xi32, #tpu.memory_space<hbm>> -> memref<1x1x200x100xi32, #tpu.memory_space<hbm>>
      %dma_wait3A_34 = tpu.memref_squeeze %dma_wait3A_33 : memref<1x1x200x100xi32, #tpu.memory_space<hbm>> -> memref<200x100xi32, #tpu.memory_space<hbm>>
      tpu.wait_dma2 semaphore(%run_scoped3A_20 : memref<!tpu.dma_semaphore, #tpu.memory_space<semaphore_mem>>) src(%dma_wait3A_34 : memref<200x100xi32, #tpu.memory_space<hbm>>) dst(%arg6 : memref<200x100xi32, #tpu.memory_space<vmem>>)
      tpu.yield
    }) : () -> ()
    %run_scoped3A_1 = arith.constant 1 : i32
    "tpu.region"() ({
      %run_scoped3A_20 = tpu.sem_alloc : memref<!tpu.dma_semaphore, #tpu.memory_space<semaphore_mem>>
      %dma_start3A = arith.constant 0 : i32
      %dma_start3A_21 = arith.constant 0 : i32
      %dma_start3A_22 = tpu.memref_slice %arg2[%run_scoped3A_1, %arg1, %dma_start3A, %dma_start3A_21] : memref<2x16x200x100xi32, #tpu.memory_space<hbm>> -> memref<1x1x200x100xi32, #tpu.memory_space<hbm>>
      %dma_start3A_23 = tpu.memref_squeeze %dma_start3A_22 : memref<1x1x200x100xi32, #tpu.memory_space<hbm>> -> memref<200x100xi32, #tpu.memory_space<hbm>>
      %dma_start3A_24 = arith.constant 0 : i32
      %dma_start3A_25 = arith.constant 0 : i32
      %dma_start3A_26 = tpu.memref_slice %arg2[%run_scoped3A_1, %arg1, %dma_start3A_24, %dma_start3A_25] : memref<2x16x200x100xi32, #tpu.memory_space<hbm>> -> memref<1x1x200x100xi32, #tpu.memory_space<hbm>>
      %dma_start3A_27 = tpu.memref_squeeze %dma_start3A_26 : memref<1x1x200x100xi32, #tpu.memory_space<hbm>> -> memref<200x100xi32, #tpu.memory_space<hbm>>
      tpu.enqueue_dma source(%dma_start3A_27 : memref<200x100xi32, #tpu.memory_space<hbm>>) target(%arg7 : memref<200x100xi32, #tpu.memory_space<vmem>>) target_semaphore(%run_scoped3A_20 : memref<!tpu.dma_semaphore, #tpu.memory_space<semaphore_mem>>)
      %dma_wait3A = arith.constant 0 : i32
      %dma_wait3A_28 = arith.constant 0 : i32
      %dma_wait3A_29 = tpu.memref_slice %arg2[%run_scoped3A_1, %arg1, %dma_wait3A, %dma_wait3A_28] : memref<2x16x200x100xi32, #tpu.memory_space<hbm>> -> memref<1x1x200x100xi32, #tpu.memory_space<hbm>>
      %dma_wait3A_30 = tpu.memref_squeeze %dma_wait3A_29 : memref<1x1x200x100xi32, #tpu.memory_space<hbm>> -> memref<200x100xi32, #tpu.memory_space<hbm>>
      %dma_wait3A_31 = arith.constant 0 : i32
      %dma_wait3A_32 = arith.constant 0 : i32
      %dma_wait3A_33 = tpu.memref_slice %arg2[%run_scoped3A_1, %arg1, %dma_wait3A_31, %dma_wait3A_32] : memref<2x16x200x100xi32, #tpu.memory_space<hbm>> -> memref<1x1x200x100xi32, #tpu.memory_space<hbm>>
      %dma_wait3A_34 = tpu.memref_squeeze %dma_wait3A_33 : memref<1x1x200x100xi32, #tpu.memory_space<hbm>> -> memref<200x100xi32, #tpu.memory_space<hbm>>
      tpu.wait_dma2 semaphore(%run_scoped3A_20 : memref<!tpu.dma_semaphore, #tpu.memory_space<semaphore_mem>>) src(%dma_wait3A_34 : memref<200x100xi32, #tpu.memory_space<hbm>>) dst(%arg7 : memref<200x100xi32, #tpu.memory_space<vmem>>)
      tpu.yield
    }) : () -> ()
    %eq3A = arith.constant 0 : i32
    %eq3A_2 = arith.cmpi eq, %arg0, %eq3A : i32
    %convert_element_type3A = arith.extui %eq3A_2 : i1 to i32
    %cond3A = arith.constant 0 : i32
    %cond3A_3 = arith.cmpi ne, %convert_element_type3A, %cond3A : i32
    scf.if %cond3A_3 {
      %lt3A = arith.constant 15 : i32
      %lt3A_20 = arith.cmpi slt, %arg1, %lt3A : i32
      %convert_element_type3A_21 = arith.extui %lt3A_20 : i1 to i32
      %cond3A_22 = arith.constant 0 : i32
      %cond3A_23 = arith.cmpi ne, %convert_element_type3A_21, %cond3A_22 : i32
      scf.if %cond3A_23 {
        "tpu.region"() ({
          %run_scoped3A_29 = tpu.sem_alloc : memref<!tpu.dma_semaphore, #tpu.memory_space<semaphore_mem>>
          %dma_start3A = arith.constant 0 : i32
          %dma_start3A_30 = tpu.memref_slice %arg20[%mul3A_0, %dma_start3A] : memref<10240x64xf32, #tpu.memory_space<vmem_shared>> -> memref<640x64xf32, #tpu.memory_space<vmem_shared>>
          %dma_start3A_31 = arith.constant 0 : i32
          %dma_start3A_32 = tpu.memref_slice %arg3[%mul3A_0, %dma_start3A_31] : memref<10000x64xf32, #tpu.memory_space<hbm>> -> memref<640x64xf32, #tpu.memory_space<hbm>>
          tpu.enqueue_dma source(%dma_start3A_32 : memref<640x64xf32, #tpu.memory_space<hbm>>) target(%dma_start3A_30 : memref<640x64xf32, #tpu.memory_space<vmem_shared>>) target_semaphore(%run_scoped3A_29 : memref<!tpu.dma_semaphore, #tpu.memory_space<semaphore_mem>>)
          %dma_wait3A = arith.constant 0 : i32
          %dma_wait3A_33 = tpu.memref_slice %arg20[%mul3A_0, %dma_wait3A] : memref<10240x64xf32, #tpu.memory_space<vmem_shared>> -> memref<640x64xf32, #tpu.memory_space<vmem_shared>>
          %dma_wait3A_34 = arith.constant 0 : i32
          %dma_wait3A_35 = tpu.memref_slice %arg3[%mul3A_0, %dma_wait3A_34] : memref<10000x64xf32, #tpu.memory_space<hbm>> -> memref<640x64xf32, #tpu.memory_space<hbm>>
          tpu.wait_dma2 semaphore(%run_scoped3A_29 : memref<!tpu.dma_semaphore, #tpu.memory_space<semaphore_mem>>) src(%dma_wait3A_35 : memref<640x64xf32, #tpu.memory_space<hbm>>) dst(%dma_wait3A_33 : memref<640x64xf32, #tpu.memory_space<vmem_shared>>)
          tpu.yield
        }) : () -> ()
      } else {
      }
      %eq3A_24 = arith.constant 15 : i32
      %eq3A_25 = arith.cmpi eq, %arg1, %eq3A_24 : i32
      %convert_element_type3A_26 = arith.extui %eq3A_25 : i1 to i32
      %cond3A_27 = arith.constant 0 : i32
      %cond3A_28 = arith.cmpi ne, %convert_element_type3A_26, %cond3A_27 : i32
      scf.if %cond3A_28 {
        "tpu.region"() ({
          %run_scoped3A_29 = tpu.sem_alloc : memref<!tpu.dma_semaphore, #tpu.memory_space<semaphore_mem>>
          %dma_start3A = arith.constant 0 : i32
          %dma_start3A_30 = tpu.memref_slice %arg20[%mul3A_0, %dma_start3A] : memref<10240x64xf32, #tpu.memory_space<vmem_shared>> -> memref<400x64xf32, #tpu.memory_space<vmem_shared>>
          %dma_start3A_31 = arith.constant 0 : i32
          %dma_start3A_32 = tpu.memref_slice %arg3[%mul3A_0, %dma_start3A_31] : memref<10000x64xf32, #tpu.memory_space<hbm>> -> memref<400x64xf32, #tpu.memory_space<hbm>>
          tpu.enqueue_dma source(%dma_start3A_32 : memref<400x64xf32, #tpu.memory_space<hbm>>) target(%dma_start3A_30 : memref<400x64xf32, #tpu.memory_space<vmem_shared>>) target_semaphore(%run_scoped3A_29 : memref<!tpu.dma_semaphore, #tpu.memory_space<semaphore_mem>>)
          %dma_wait3A = arith.constant 0 : i32
          %dma_wait3A_33 = tpu.memref_slice %arg20[%mul3A_0, %dma_wait3A] : memref<10240x64xf32, #tpu.memory_space<vmem_shared>> -> memref<400x64xf32, #tpu.memory_space<vmem_shared>>
          %dma_wait3A_34 = arith.constant 0 : i32
          %dma_wait3A_35 = tpu.memref_slice %arg3[%mul3A_0, %dma_wait3A_34] : memref<10000x64xf32, #tpu.memory_space<hbm>> -> memref<400x64xf32, #tpu.memory_space<hbm>>
          tpu.wait_dma2 semaphore(%run_scoped3A_29 : memref<!tpu.dma_semaphore, #tpu.memory_space<semaphore_mem>>) src(%dma_wait3A_35 : memref<400x64xf32, #tpu.memory_space<hbm>>) dst(%dma_wait3A_33 : memref<400x64xf32, #tpu.memory_space<vmem_shared>>)
          tpu.yield
        }) : () -> ()
      } else {
      }
    } else {
    }
    %eq3A_4 = arith.constant 1 : i32
    %eq3A_5 = arith.cmpi eq, %arg0, %eq3A_4 : i32
    %convert_element_type3A_6 = arith.extui %eq3A_5 : i1 to i32
    %cond3A_7 = arith.constant 0 : i32
    %cond3A_8 = arith.cmpi ne, %convert_element_type3A_6, %cond3A_7 : i32
    scf.if %cond3A_8 {
      %lt3A = arith.constant 15 : i32
      %lt3A_20 = arith.cmpi slt, %arg1, %lt3A : i32
      %convert_element_type3A_21 = arith.extui %lt3A_20 : i1 to i32
      %cond3A_22 = arith.constant 0 : i32
      %cond3A_23 = arith.cmpi ne, %convert_element_type3A_21, %cond3A_22 : i32
      scf.if %cond3A_23 {
        "tpu.region"() ({
          %run_scoped3A_29 = tpu.sem_alloc : memref<!tpu.dma_semaphore, #tpu.memory_space<semaphore_mem>>
          %dma_start3A = arith.constant 0 : i32
          %dma_start3A_30 = tpu.memref_slice %arg20[%mul3A_0, %dma_start3A] : memref<10240x64xf32, #tpu.memory_space<vmem_shared>> -> memref<640x64xf32, #tpu.memory_space<vmem_shared>>
          %dma_start3A_31 = arith.constant 0 : i32
          %dma_start3A_32 = tpu.memref_slice %arg4[%mul3A_0, %dma_start3A_31] : memref<10000x64xf32, #tpu.memory_space<hbm>> -> memref<640x64xf32, #tpu.memory_space<hbm>>
          tpu.enqueue_dma source(%dma_start3A_32 : memref<640x64xf32, #tpu.memory_space<hbm>>) target(%dma_start3A_30 : memref<640x64xf32, #tpu.memory_space<vmem_shared>>) target_semaphore(%run_scoped3A_29 : memref<!tpu.dma_semaphore, #tpu.memory_space<semaphore_mem>>)
          %dma_wait3A = arith.constant 0 : i32
          %dma_wait3A_33 = tpu.memref_slice %arg20[%mul3A_0, %dma_wait3A] : memref<10240x64xf32, #tpu.memory_space<vmem_shared>> -> memref<640x64xf32, #tpu.memory_space<vmem_shared>>
          %dma_wait3A_34 = arith.constant 0 : i32
          %dma_wait3A_35 = tpu.memref_slice %arg4[%mul3A_0, %dma_wait3A_34] : memref<10000x64xf32, #tpu.memory_space<hbm>> -> memref<640x64xf32, #tpu.memory_space<hbm>>
          tpu.wait_dma2 semaphore(%run_scoped3A_29 : memref<!tpu.dma_semaphore, #tpu.memory_space<semaphore_mem>>) src(%dma_wait3A_35 : memref<640x64xf32, #tpu.memory_space<hbm>>) dst(%dma_wait3A_33 : memref<640x64xf32, #tpu.memory_space<vmem_shared>>)
          tpu.yield
        }) : () -> ()
      } else {
      }
      %eq3A_24 = arith.constant 15 : i32
      %eq3A_25 = arith.cmpi eq, %arg1, %eq3A_24 : i32
      %convert_element_type3A_26 = arith.extui %eq3A_25 : i1 to i32
      %cond3A_27 = arith.constant 0 : i32
      %cond3A_28 = arith.cmpi ne, %convert_element_type3A_26, %cond3A_27 : i32
      scf.if %cond3A_28 {
        "tpu.region"() ({
          %run_scoped3A_29 = tpu.sem_alloc : memref<!tpu.dma_semaphore, #tpu.memory_space<semaphore_mem>>
          %dma_start3A = arith.constant 0 : i32
          %dma_start3A_30 = tpu.memref_slice %arg20[%mul3A_0, %dma_start3A] : memref<10240x64xf32, #tpu.memory_space<vmem_shared>> -> memref<400x64xf32, #tpu.memory_space<vmem_shared>>
          %dma_start3A_31 = arith.constant 0 : i32
          %dma_start3A_32 = tpu.memref_slice %arg4[%mul3A_0, %dma_start3A_31] : memref<10000x64xf32, #tpu.memory_space<hbm>> -> memref<400x64xf32, #tpu.memory_space<hbm>>
          tpu.enqueue_dma source(%dma_start3A_32 : memref<400x64xf32, #tpu.memory_space<hbm>>) target(%dma_start3A_30 : memref<400x64xf32, #tpu.memory_space<vmem_shared>>) target_semaphore(%run_scoped3A_29 : memref<!tpu.dma_semaphore, #tpu.memory_space<semaphore_mem>>)
          %dma_wait3A = arith.constant 0 : i32
          %dma_wait3A_33 = tpu.memref_slice %arg20[%mul3A_0, %dma_wait3A] : memref<10240x64xf32, #tpu.memory_space<vmem_shared>> -> memref<400x64xf32, #tpu.memory_space<vmem_shared>>
          %dma_wait3A_34 = arith.constant 0 : i32
          %dma_wait3A_35 = tpu.memref_slice %arg4[%mul3A_0, %dma_wait3A_34] : memref<10000x64xf32, #tpu.memory_space<hbm>> -> memref<400x64xf32, #tpu.memory_space<hbm>>
          tpu.wait_dma2 semaphore(%run_scoped3A_29 : memref<!tpu.dma_semaphore, #tpu.memory_space<semaphore_mem>>) src(%dma_wait3A_35 : memref<400x64xf32, #tpu.memory_space<hbm>>) dst(%dma_wait3A_33 : memref<400x64xf32, #tpu.memory_space<vmem_shared>>)
          tpu.yield
        }) : () -> ()
      } else {
      }
    } else {
    }
    %barrier3A = arith.constant 0 : index
    tpu.barrier barrier_id(%barrier3A)
    %eq3A_9 = arith.constant 0 : i32
    %eq3A_10 = arith.cmpi eq, %arg0, %eq3A_9 : i32
    %convert_element_type3A_11 = arith.extui %eq3A_10 : i1 to i32
    %cond3A_12 = arith.constant 0 : i32
    %cond3A_13 = arith.cmpi ne, %convert_element_type3A_11, %cond3A_12 : i32
    scf.if %cond3A_13 {
      %dma_start3A = arith.constant 0 : i32
      %dma_start3A_20 = arith.constant 0 : i32
      %dma_start3A_21 = tpu.memref_slice %arg6[%dma_start3A, %dma_start3A_20] : memref<200x100xi32, #tpu.memory_space<vmem>> -> memref<1x100xi32, #tpu.memory_space<vmem>>
      %dma_start3A_22 = tpu.memref_squeeze %dma_start3A_21 : memref<1x100xi32, #tpu.memory_space<vmem>> -> memref<100xi32, #tpu.memory_space<vmem>>
      %dma_start3A_23 = arith.constant 0 : i32
      %dma_start3A_24 = arith.constant 0 : i32
      %dma_start3A_25 = tpu.memref_slice %arg3[%dma_start3A_23, %dma_start3A_24] : memref<10000x64xf32, #tpu.memory_space<hbm>> -> memref<10000x64xf32, #tpu.memory_space<hbm>>
      tpu.enqueue_indirect_dma source(%dma_start3A_25 : memref<10000x64xf32, #tpu.memory_space<hbm>>) target(%arg8 : memref<100x64xf32, #tpu.memory_space<vmem>>) offsets(%dma_start3A_22 : memref<100xi32, #tpu.memory_space<vmem>>) semaphore(%arg12 : memref<!tpu.dma_semaphore, #tpu.memory_space<semaphore_mem>>)
      %scan3A = arith.constant 0 : i32
      %scan3A_26 = arith.constant 0 : i32
      %scan3A_27 = arith.constant 200 : i32
      %scan3A_28 = arith.addi %scan3A_26, %scan3A_27 : i32
      %scan3A_29 = arith.constant 1 : i32
      scf.for %scan3A_37 = %scan3A_26 to %scan3A_28 step %scan3A_29  : i32 {
        %rem3A = arith.constant 4 : i32
        %rem3A_38 = arith.remsi %scan3A_37, %rem3A : i32
        %eq3A_39 = arith.constant 0 : i32
        %eq3A_40 = arith.cmpi eq, %rem3A_38, %eq3A_39 : i32
        %convert_element_type3A_41 = arith.extui %eq3A_40 : i1 to i32
        %cond3A_42 = arith.constant 0 : i32
        %cond3A_43 = arith.cmpi ne, %convert_element_type3A_41, %cond3A_42 : i32
        scf.if %cond3A_43 {
          %dma_wait3A_65 = arith.constant 0 : i32
          %dma_wait3A_66 = tpu.memref_slice %arg6[%scan3A_37, %dma_wait3A_65] : memref<200x100xi32, #tpu.memory_space<vmem>> -> memref<1x100xi32, #tpu.memory_space<vmem>>
          %dma_wait3A_67 = tpu.memref_squeeze %dma_wait3A_66 : memref<1x100xi32, #tpu.memory_space<vmem>> -> memref<100xi32, #tpu.memory_space<vmem>>
          %dma_wait3A_68 = arith.constant 0 : i32
          %dma_wait3A_69 = arith.constant 0 : i32
          %dma_wait3A_70 = tpu.memref_slice %arg3[%dma_wait3A_68, %dma_wait3A_69] : memref<10000x64xf32, #tpu.memory_space<hbm>> -> memref<10000x64xf32, #tpu.memory_space<hbm>>
          tpu.wait_indirect_dma semaphore(%arg12 : memref<!tpu.dma_semaphore, #tpu.memory_space<semaphore_mem>>) src(%dma_wait3A_70 : memref<10000x64xf32, #tpu.memory_space<hbm>>) dst(%arg8 : memref<100x64xf32, #tpu.memory_space<vmem>>)
          %ge3A = arith.constant 1 : i32
          %ge3A_71 = arith.cmpi sge, %scan3A_37, %ge3A : i32
          %convert_element_type3A_72 = arith.extui %ge3A_71 : i1 to i32
          %cond3A_73 = arith.constant 0 : i32
          %cond3A_74 = arith.cmpi ne, %convert_element_type3A_72, %cond3A_73 : i32
          scf.if %cond3A_74 {
            %sub3A = arith.constant 1 : i32
            %sub3A_86 = arith.subi %scan3A_37, %sub3A : i32
            %dma_wait3A_87 = arith.constant 0 : i32
            %dma_wait3A_88 = tpu.memref_slice %arg7[%sub3A_86, %dma_wait3A_87] : memref<200x100xi32, #tpu.memory_space<vmem>> -> memref<1x100xi32, #tpu.memory_space<vmem>>
            %dma_wait3A_89 = tpu.memref_squeeze %dma_wait3A_88 : memref<1x100xi32, #tpu.memory_space<vmem>> -> memref<100xi32, #tpu.memory_space<vmem>>
            %dma_wait3A_90 = arith.constant 0 : i32
            %dma_wait3A_91 = arith.constant 0 : i32
            %dma_wait3A_92 = tpu.memref_slice %arg20[%dma_wait3A_90, %dma_wait3A_91] : memref<10240x64xf32, #tpu.memory_space<vmem_shared>> -> memref<10240x64xf32, #tpu.memory_space<vmem_shared>>
            tpu.wait_indirect_dma semaphore(%arg19 : memref<!tpu.dma_semaphore, #tpu.memory_space<semaphore_mem>>) src(%arg11 : memref<100x64xf32, #tpu.memory_space<vmem>>) dst(%dma_wait3A_92 : memref<10240x64xf32, #tpu.memory_space<vmem_shared>>)
          } else {
          }
          %dma_start3A_75 = arith.constant 0 : i32
          %dma_start3A_76 = tpu.memref_slice %arg7[%scan3A_37, %dma_start3A_75] : memref<200x100xi32, #tpu.memory_space<vmem>> -> memref<1x100xi32, #tpu.memory_space<vmem>>
          %dma_start3A_77 = tpu.memref_squeeze %dma_start3A_76 : memref<1x100xi32, #tpu.memory_space<vmem>> -> memref<100xi32, #tpu.memory_space<vmem>>
          %dma_start3A_78 = arith.constant 0 : i32
          %dma_start3A_79 = arith.constant 0 : i32
          %dma_start3A_80 = tpu.memref_slice %arg20[%dma_start3A_78, %dma_start3A_79] : memref<10240x64xf32, #tpu.memory_space<vmem_shared>> -> memref<10240x64xf32, #tpu.memory_space<vmem_shared>>
          tpu.enqueue_indirect_dma source(%arg8 : memref<100x64xf32, #tpu.memory_space<vmem>>) target(%dma_start3A_80 : memref<10240x64xf32, #tpu.memory_space<vmem_shared>>) offsets(%dma_start3A_77 : memref<100xi32, #tpu.memory_space<vmem>>) semaphore(%arg16 : memref<!tpu.dma_semaphore, #tpu.memory_space<semaphore_mem>>) {add = true}
          %add3A = arith.constant 1 : i32
          %add3A_81 = arith.addi %scan3A_37, %add3A : i32
          %lt3A = arith.constant 200 : i32
          %lt3A_82 = arith.cmpi slt, %add3A_81, %lt3A : i32
          %convert_element_type3A_83 = arith.extui %lt3A_82 : i1 to i32
          %cond3A_84 = arith.constant 0 : i32
          %cond3A_85 = arith.cmpi ne, %convert_element_type3A_83, %cond3A_84 : i32
          scf.if %cond3A_85 {
            %add3A_86 = arith.constant 1 : i32
            %add3A_87 = arith.addi %scan3A_37, %add3A_86 : i32
            %dma_start3A_88 = arith.constant 0 : i32
            %dma_start3A_89 = tpu.memref_slice %arg6[%add3A_87, %dma_start3A_88] : memref<200x100xi32, #tpu.memory_space<vmem>> -> memref<1x100xi32, #tpu.memory_space<vmem>>
            %dma_start3A_90 = tpu.memref_squeeze %dma_start3A_89 : memref<1x100xi32, #tpu.memory_space<vmem>> -> memref<100xi32, #tpu.memory_space<vmem>>
            %dma_start3A_91 = arith.constant 0 : i32
            %dma_start3A_92 = arith.constant 0 : i32
            %dma_start3A_93 = tpu.memref_slice %arg3[%dma_start3A_91, %dma_start3A_92] : memref<10000x64xf32, #tpu.memory_space<hbm>> -> memref<10000x64xf32, #tpu.memory_space<hbm>>
            tpu.enqueue_indirect_dma source(%dma_start3A_93 : memref<10000x64xf32, #tpu.memory_space<hbm>>) target(%arg9 : memref<100x64xf32, #tpu.memory_space<vmem>>) offsets(%dma_start3A_90 : memref<100xi32, #tpu.memory_space<vmem>>) semaphore(%arg13 : memref<!tpu.dma_semaphore, #tpu.memory_space<semaphore_mem>>)
          } else {
          }
        } else {
        }
        %rem3A_44 = arith.constant 4 : i32
        %rem3A_45 = arith.remsi %scan3A_37, %rem3A_44 : i32
        %eq3A_46 = arith.constant 1 : i32
        %eq3A_47 = arith.cmpi eq, %rem3A_45, %eq3A_46 : i32
        %convert_element_type3A_48 = arith.extui %eq3A_47 : i1 to i32
        %cond3A_49 = arith.constant 0 : i32
        %cond3A_50 = arith.cmpi ne, %convert_element_type3A_48, %cond3A_49 : i32
        scf.if %cond3A_50 {
          %dma_wait3A_65 = arith.constant 0 : i32
          %dma_wait3A_66 = tpu.memref_slice %arg6[%scan3A_37, %dma_wait3A_65] : memref<200x100xi32, #tpu.memory_space<vmem>> -> memref<1x100xi32, #tpu.memory_space<vmem>>
          %dma_wait3A_67 = tpu.memref_squeeze %dma_wait3A_66 : memref<1x100xi32, #tpu.memory_space<vmem>> -> memref<100xi32, #tpu.memory_space<vmem>>
          %dma_wait3A_68 = arith.constant 0 : i32
          %dma_wait3A_69 = arith.constant 0 : i32
          %dma_wait3A_70 = tpu.memref_slice %arg3[%dma_wait3A_68, %dma_wait3A_69] : memref<10000x64xf32, #tpu.memory_space<hbm>> -> memref<10000x64xf32, #tpu.memory_space<hbm>>
          tpu.wait_indirect_dma semaphore(%arg13 : memref<!tpu.dma_semaphore, #tpu.memory_space<semaphore_mem>>) src(%dma_wait3A_70 : memref<10000x64xf32, #tpu.memory_space<hbm>>) dst(%arg9 : memref<100x64xf32, #tpu.memory_space<vmem>>)
          %ge3A = arith.constant 1 : i32
          %ge3A_71 = arith.cmpi sge, %scan3A_37, %ge3A : i32
          %convert_element_type3A_72 = arith.extui %ge3A_71 : i1 to i32
          %cond3A_73 = arith.constant 0 : i32
          %cond3A_74 = arith.cmpi ne, %convert_element_type3A_72, %cond3A_73 : i32
          scf.if %cond3A_74 {
            %sub3A = arith.constant 1 : i32
            %sub3A_86 = arith.subi %scan3A_37, %sub3A : i32
            %dma_wait3A_87 = arith.constant 0 : i32
            %dma_wait3A_88 = tpu.memref_slice %arg7[%sub3A_86, %dma_wait3A_87] : memref<200x100xi32, #tpu.memory_space<vmem>> -> memref<1x100xi32, #tpu.memory_space<vmem>>
            %dma_wait3A_89 = tpu.memref_squeeze %dma_wait3A_88 : memref<1x100xi32, #tpu.memory_space<vmem>> -> memref<100xi32, #tpu.memory_space<vmem>>
            %dma_wait3A_90 = arith.constant 0 : i32
            %dma_wait3A_91 = arith.constant 0 : i32
            %dma_wait3A_92 = tpu.memref_slice %arg20[%dma_wait3A_90, %dma_wait3A_91] : memref<10240x64xf32, #tpu.memory_space<vmem_shared>> -> memref<10240x64xf32, #tpu.memory_space<vmem_shared>>
            tpu.wait_indirect_dma semaphore(%arg16 : memref<!tpu.dma_semaphore, #tpu.memory_space<semaphore_mem>>) src(%arg8 : memref<100x64xf32, #tpu.memory_space<vmem>>) dst(%dma_wait3A_92 : memref<10240x64xf32, #tpu.memory_space<vmem_shared>>)
          } else {
          }
          %dma_start3A_75 = arith.constant 0 : i32
          %dma_start3A_76 = tpu.memref_slice %arg7[%scan3A_37, %dma_start3A_75] : memref<200x100xi32, #tpu.memory_space<vmem>> -> memref<1x100xi32, #tpu.memory_space<vmem>>
          %dma_start3A_77 = tpu.memref_squeeze %dma_start3A_76 : memref<1x100xi32, #tpu.memory_space<vmem>> -> memref<100xi32, #tpu.memory_space<vmem>>
          %dma_start3A_78 = arith.constant 0 : i32
          %dma_start3A_79 = arith.constant 0 : i32
          %dma_start3A_80 = tpu.memref_slice %arg20[%dma_start3A_78, %dma_start3A_79] : memref<10240x64xf32, #tpu.memory_space<vmem_shared>> -> memref<10240x64xf32, #tpu.memory_space<vmem_shared>>
          tpu.enqueue_indirect_dma source(%arg9 : memref<100x64xf32, #tpu.memory_space<vmem>>) target(%dma_start3A_80 : memref<10240x64xf32, #tpu.memory_space<vmem_shared>>) offsets(%dma_start3A_77 : memref<100xi32, #tpu.memory_space<vmem>>) semaphore(%arg17 : memref<!tpu.dma_semaphore, #tpu.memory_space<semaphore_mem>>) {add = true}
          %add3A = arith.constant 1 : i32
          %add3A_81 = arith.addi %scan3A_37, %add3A : i32
          %lt3A = arith.constant 200 : i32
          %lt3A_82 = arith.cmpi slt, %add3A_81, %lt3A : i32
          %convert_element_type3A_83 = arith.extui %lt3A_82 : i1 to i32
          %cond3A_84 = arith.constant 0 : i32
          %cond3A_85 = arith.cmpi ne, %convert_element_type3A_83, %cond3A_84 : i32
          scf.if %cond3A_85 {
            %add3A_86 = arith.constant 1 : i32
            %add3A_87 = arith.addi %scan3A_37, %add3A_86 : i32
            %dma_start3A_88 = arith.constant 0 : i32
            %dma_start3A_89 = tpu.memref_slice %arg6[%add3A_87, %dma_start3A_88] : memref<200x100xi32, #tpu.memory_space<vmem>> -> memref<1x100xi32, #tpu.memory_space<vmem>>
            %dma_start3A_90 = tpu.memref_squeeze %dma_start3A_89 : memref<1x100xi32, #tpu.memory_space<vmem>> -> memref<100xi32, #tpu.memory_space<vmem>>
            %dma_start3A_91 = arith.constant 0 : i32
            %dma_start3A_92 = arith.constant 0 : i32
            %dma_start3A_93 = tpu.memref_slice %arg3[%dma_start3A_91, %dma_start3A_92] : memref<10000x64xf32, #tpu.memory_space<hbm>> -> memref<10000x64xf32, #tpu.memory_space<hbm>>
            tpu.enqueue_indirect_dma source(%dma_start3A_93 : memref<10000x64xf32, #tpu.memory_space<hbm>>) target(%arg10 : memref<100x64xf32, #tpu.memory_space<vmem>>) offsets(%dma_start3A_90 : memref<100xi32, #tpu.memory_space<vmem>>) semaphore(%arg14 : memref<!tpu.dma_semaphore, #tpu.memory_space<semaphore_mem>>)
          } else {
          }
        } else {
        }
        %rem3A_51 = arith.constant 4 : i32
        %rem3A_52 = arith.remsi %scan3A_37, %rem3A_51 : i32
        %eq3A_53 = arith.constant 2 : i32
        %eq3A_54 = arith.cmpi eq, %rem3A_52, %eq3A_53 : i32
        %convert_element_type3A_55 = arith.extui %eq3A_54 : i1 to i32
        %cond3A_56 = arith.constant 0 : i32
        %cond3A_57 = arith.cmpi ne, %convert_element_type3A_55, %cond3A_56 : i32
        scf.if %cond3A_57 {
          %dma_wait3A_65 = arith.constant 0 : i32
          %dma_wait3A_66 = tpu.memref_slice %arg6[%scan3A_37, %dma_wait3A_65] : memref<200x100xi32, #tpu.memory_space<vmem>> -> memref<1x100xi32, #tpu.memory_space<vmem>>
          %dma_wait3A_67 = tpu.memref_squeeze %dma_wait3A_66 : memref<1x100xi32, #tpu.memory_space<vmem>> -> memref<100xi32, #tpu.memory_space<vmem>>
          %dma_wait3A_68 = arith.constant 0 : i32
          %dma_wait3A_69 = arith.constant 0 : i32
          %dma_wait3A_70 = tpu.memref_slice %arg3[%dma_wait3A_68, %dma_wait3A_69] : memref<10000x64xf32, #tpu.memory_space<hbm>> -> memref<10000x64xf32, #tpu.memory_space<hbm>>
          tpu.wait_indirect_dma semaphore(%arg14 : memref<!tpu.dma_semaphore, #tpu.memory_space<semaphore_mem>>) src(%dma_wait3A_70 : memref<10000x64xf32, #tpu.memory_space<hbm>>) dst(%arg10 : memref<100x64xf32, #tpu.memory_space<vmem>>)
          %ge3A = arith.constant 1 : i32
          %ge3A_71 = arith.cmpi sge, %scan3A_37, %ge3A : i32
          %convert_element_type3A_72 = arith.extui %ge3A_71 : i1 to i32
          %cond3A_73 = arith.constant 0 : i32
          %cond3A_74 = arith.cmpi ne, %convert_element_type3A_72, %cond3A_73 : i32
          scf.if %cond3A_74 {
            %sub3A = arith.constant 1 : i32
            %sub3A_86 = arith.subi %scan3A_37, %sub3A : i32
            %dma_wait3A_87 = arith.constant 0 : i32
            %dma_wait3A_88 = tpu.memref_slice %arg7[%sub3A_86, %dma_wait3A_87] : memref<200x100xi32, #tpu.memory_space<vmem>> -> memref<1x100xi32, #tpu.memory_space<vmem>>
            %dma_wait3A_89 = tpu.memref_squeeze %dma_wait3A_88 : memref<1x100xi32, #tpu.memory_space<vmem>> -> memref<100xi32, #tpu.memory_space<vmem>>
            %dma_wait3A_90 = arith.constant 0 : i32
            %dma_wait3A_91 = arith.constant 0 : i32
            %dma_wait3A_92 = tpu.memref_slice %arg20[%dma_wait3A_90, %dma_wait3A_91] : memref<10240x64xf32, #tpu.memory_space<vmem_shared>> -> memref<10240x64xf32, #tpu.memory_space<vmem_shared>>
            tpu.wait_indirect_dma semaphore(%arg17 : memref<!tpu.dma_semaphore, #tpu.memory_space<semaphore_mem>>) src(%arg9 : memref<100x64xf32, #tpu.memory_space<vmem>>) dst(%dma_wait3A_92 : memref<10240x64xf32, #tpu.memory_space<vmem_shared>>)
          } else {
          }
          %dma_start3A_75 = arith.constant 0 : i32
          %dma_start3A_76 = tpu.memref_slice %arg7[%scan3A_37, %dma_start3A_75] : memref<200x100xi32, #tpu.memory_space<vmem>> -> memref<1x100xi32, #tpu.memory_space<vmem>>
          %dma_start3A_77 = tpu.memref_squeeze %dma_start3A_76 : memref<1x100xi32, #tpu.memory_space<vmem>> -> memref<100xi32, #tpu.memory_space<vmem>>
          %dma_start3A_78 = arith.constant 0 : i32
          %dma_start3A_79 = arith.constant 0 : i32
          %dma_start3A_80 = tpu.memref_slice %arg20[%dma_start3A_78, %dma_start3A_79] : memref<10240x64xf32, #tpu.memory_space<vmem_shared>> -> memref<10240x64xf32, #tpu.memory_space<vmem_shared>>
          tpu.enqueue_indirect_dma source(%arg10 : memref<100x64xf32, #tpu.memory_space<vmem>>) target(%dma_start3A_80 : memref<10240x64xf32, #tpu.memory_space<vmem_shared>>) offsets(%dma_start3A_77 : memref<100xi32, #tpu.memory_space<vmem>>) semaphore(%arg18 : memref<!tpu.dma_semaphore, #tpu.memory_space<semaphore_mem>>) {add = true}
          %add3A = arith.constant 1 : i32
          %add3A_81 = arith.addi %scan3A_37, %add3A : i32
          %lt3A = arith.constant 200 : i32
          %lt3A_82 = arith.cmpi slt, %add3A_81, %lt3A : i32
          %convert_element_type3A_83 = arith.extui %lt3A_82 : i1 to i32
          %cond3A_84 = arith.constant 0 : i32
          %cond3A_85 = arith.cmpi ne, %convert_element_type3A_83, %cond3A_84 : i32
          scf.if %cond3A_85 {
            %add3A_86 = arith.constant 1 : i32
            %add3A_87 = arith.addi %scan3A_37, %add3A_86 : i32
            %dma_start3A_88 = arith.constant 0 : i32
            %dma_start3A_89 = tpu.memref_slice %arg6[%add3A_87, %dma_start3A_88] : memref<200x100xi32, #tpu.memory_space<vmem>> -> memref<1x100xi32, #tpu.memory_space<vmem>>
            %dma_start3A_90 = tpu.memref_squeeze %dma_start3A_89 : memref<1x100xi32, #tpu.memory_space<vmem>> -> memref<100xi32, #tpu.memory_space<vmem>>
            %dma_start3A_91 = arith.constant 0 : i32
            %dma_start3A_92 = arith.constant 0 : i32
            %dma_start3A_93 = tpu.memref_slice %arg3[%dma_start3A_91, %dma_start3A_92] : memref<10000x64xf32, #tpu.memory_space<hbm>> -> memref<10000x64xf32, #tpu.memory_space<hbm>>
            tpu.enqueue_indirect_dma source(%dma_start3A_93 : memref<10000x64xf32, #tpu.memory_space<hbm>>) target(%arg11 : memref<100x64xf32, #tpu.memory_space<vmem>>) offsets(%dma_start3A_90 : memref<100xi32, #tpu.memory_space<vmem>>) semaphore(%arg15 : memref<!tpu.dma_semaphore, #tpu.memory_space<semaphore_mem>>)
          } else {
          }
        } else {
        }
        %rem3A_58 = arith.constant 4 : i32
        %rem3A_59 = arith.remsi %scan3A_37, %rem3A_58 : i32
        %eq3A_60 = arith.constant 3 : i32
        %eq3A_61 = arith.cmpi eq, %rem3A_59, %eq3A_60 : i32
        %convert_element_type3A_62 = arith.extui %eq3A_61 : i1 to i32
        %cond3A_63 = arith.constant 0 : i32
        %cond3A_64 = arith.cmpi ne, %convert_element_type3A_62, %cond3A_63 : i32
        scf.if %cond3A_64 {
          %dma_wait3A_65 = arith.constant 0 : i32
          %dma_wait3A_66 = tpu.memref_slice %arg6[%scan3A_37, %dma_wait3A_65] : memref<200x100xi32, #tpu.memory_space<vmem>> -> memref<1x100xi32, #tpu.memory_space<vmem>>
          %dma_wait3A_67 = tpu.memref_squeeze %dma_wait3A_66 : memref<1x100xi32, #tpu.memory_space<vmem>> -> memref<100xi32, #tpu.memory_space<vmem>>
          %dma_wait3A_68 = arith.constant 0 : i32
          %dma_wait3A_69 = arith.constant 0 : i32
          %dma_wait3A_70 = tpu.memref_slice %arg3[%dma_wait3A_68, %dma_wait3A_69] : memref<10000x64xf32, #tpu.memory_space<hbm>> -> memref<10000x64xf32, #tpu.memory_space<hbm>>
          tpu.wait_indirect_dma semaphore(%arg15 : memref<!tpu.dma_semaphore, #tpu.memory_space<semaphore_mem>>) src(%dma_wait3A_70 : memref<10000x64xf32, #tpu.memory_space<hbm>>) dst(%arg11 : memref<100x64xf32, #tpu.memory_space<vmem>>)
          %ge3A = arith.constant 1 : i32
          %ge3A_71 = arith.cmpi sge, %scan3A_37, %ge3A : i32
          %convert_element_type3A_72 = arith.extui %ge3A_71 : i1 to i32
          %cond3A_73 = arith.constant 0 : i32
          %cond3A_74 = arith.cmpi ne, %convert_element_type3A_72, %cond3A_73 : i32
          scf.if %cond3A_74 {
            %sub3A = arith.constant 1 : i32
            %sub3A_86 = arith.subi %scan3A_37, %sub3A : i32
            %dma_wait3A_87 = arith.constant 0 : i32
            %dma_wait3A_88 = tpu.memref_slice %arg7[%sub3A_86, %dma_wait3A_87] : memref<200x100xi32, #tpu.memory_space<vmem>> -> memref<1x100xi32, #tpu.memory_space<vmem>>
            %dma_wait3A_89 = tpu.memref_squeeze %dma_wait3A_88 : memref<1x100xi32, #tpu.memory_space<vmem>> -> memref<100xi32, #tpu.memory_space<vmem>>
            %dma_wait3A_90 = arith.constant 0 : i32
            %dma_wait3A_91 = arith.constant 0 : i32
            %dma_wait3A_92 = tpu.memref_slice %arg20[%dma_wait3A_90, %dma_wait3A_91] : memref<10240x64xf32, #tpu.memory_space<vmem_shared>> -> memref<10240x64xf32, #tpu.memory_space<vmem_shared>>
            tpu.wait_indirect_dma semaphore(%arg18 : memref<!tpu.dma_semaphore, #tpu.memory_space<semaphore_mem>>) src(%arg10 : memref<100x64xf32, #tpu.memory_space<vmem>>) dst(%dma_wait3A_92 : memref<10240x64xf32, #tpu.memory_space<vmem_shared>>)
          } else {
          }
          %dma_start3A_75 = arith.constant 0 : i32
          %dma_start3A_76 = tpu.memref_slice %arg7[%scan3A_37, %dma_start3A_75] : memref<200x100xi32, #tpu.memory_space<vmem>> -> memref<1x100xi32, #tpu.memory_space<vmem>>
          %dma_start3A_77 = tpu.memref_squeeze %dma_start3A_76 : memref<1x100xi32, #tpu.memory_space<vmem>> -> memref<100xi32, #tpu.memory_space<vmem>>
          %dma_start3A_78 = arith.constant 0 : i32
          %dma_start3A_79 = arith.constant 0 : i32
          %dma_start3A_80 = tpu.memref_slice %arg20[%dma_start3A_78, %dma_start3A_79] : memref<10240x64xf32, #tpu.memory_space<vmem_shared>> -> memref<10240x64xf32, #tpu.memory_space<vmem_shared>>
          tpu.enqueue_indirect_dma source(%arg11 : memref<100x64xf32, #tpu.memory_space<vmem>>) target(%dma_start3A_80 : memref<10240x64xf32, #tpu.memory_space<vmem_shared>>) offsets(%dma_start3A_77 : memref<100xi32, #tpu.memory_space<vmem>>) semaphore(%arg19 : memref<!tpu.dma_semaphore, #tpu.memory_space<semaphore_mem>>) {add = true}
          %add3A = arith.constant 1 : i32
          %add3A_81 = arith.addi %scan3A_37, %add3A : i32
          %lt3A = arith.constant 200 : i32
          %lt3A_82 = arith.cmpi slt, %add3A_81, %lt3A : i32
          %convert_element_type3A_83 = arith.extui %lt3A_82 : i1 to i32
          %cond3A_84 = arith.constant 0 : i32
          %cond3A_85 = arith.cmpi ne, %convert_element_type3A_83, %cond3A_84 : i32
          scf.if %cond3A_85 {
            %add3A_86 = arith.constant 1 : i32
            %add3A_87 = arith.addi %scan3A_37, %add3A_86 : i32
            %dma_start3A_88 = arith.constant 0 : i32
            %dma_start3A_89 = tpu.memref_slice %arg6[%add3A_87, %dma_start3A_88] : memref<200x100xi32, #tpu.memory_space<vmem>> -> memref<1x100xi32, #tpu.memory_space<vmem>>
            %dma_start3A_90 = tpu.memref_squeeze %dma_start3A_89 : memref<1x100xi32, #tpu.memory_space<vmem>> -> memref<100xi32, #tpu.memory_space<vmem>>
            %dma_start3A_91 = arith.constant 0 : i32
            %dma_start3A_92 = arith.constant 0 : i32
            %dma_start3A_93 = tpu.memref_slice %arg3[%dma_start3A_91, %dma_start3A_92] : memref<10000x64xf32, #tpu.memory_space<hbm>> -> memref<10000x64xf32, #tpu.memory_space<hbm>>
            tpu.enqueue_indirect_dma source(%dma_start3A_93 : memref<10000x64xf32, #tpu.memory_space<hbm>>) target(%arg8 : memref<100x64xf32, #tpu.memory_space<vmem>>) offsets(%dma_start3A_90 : memref<100xi32, #tpu.memory_space<vmem>>) semaphore(%arg12 : memref<!tpu.dma_semaphore, #tpu.memory_space<semaphore_mem>>)
          } else {
          }
        } else {
        }
      }
      %scan3A_30 = arith.constant 200 : i32
      %dma_wait3A = arith.constant 199 : i32
      %dma_wait3A_31 = arith.constant 0 : i32
      %dma_wait3A_32 = tpu.memref_slice %arg7[%dma_wait3A, %dma_wait3A_31] : memref<200x100xi32, #tpu.memory_space<vmem>> -> memref<1x100xi32, #tpu.memory_space<vmem>>
      %dma_wait3A_33 = tpu.memref_squeeze %dma_wait3A_32 : memref<1x100xi32, #tpu.memory_space<vmem>> -> memref<100xi32, #tpu.memory_space<vmem>>
      %dma_wait3A_34 = arith.constant 0 : i32
      %dma_wait3A_35 = arith.constant 0 : i32
      %dma_wait3A_36 = tpu.memref_slice %arg20[%dma_wait3A_34, %dma_wait3A_35] : memref<10240x64xf32, #tpu.memory_space<vmem_shared>> -> memref<10240x64xf32, #tpu.memory_space<vmem_shared>>
      tpu.wait_indirect_dma semaphore(%arg19 : memref<!tpu.dma_semaphore, #tpu.memory_space<semaphore_mem>>) src(%arg11 : memref<100x64xf32, #tpu.memory_space<vmem>>) dst(%dma_wait3A_36 : memref<10240x64xf32, #tpu.memory_space<vmem_shared>>)
    } else {
    }
    %eq3A_14 = arith.constant 1 : i32
    %eq3A_15 = arith.cmpi eq, %arg0, %eq3A_14 : i32
    %convert_element_type3A_16 = arith.extui %eq3A_15 : i1 to i32
    %cond3A_17 = arith.constant 0 : i32
    %cond3A_18 = arith.cmpi ne, %convert_element_type3A_16, %cond3A_17 : i32
    scf.if %cond3A_18 {
      %dma_start3A = arith.constant 0 : i32
      %dma_start3A_20 = arith.constant 0 : i32
      %dma_start3A_21 = tpu.memref_slice %arg6[%dma_start3A, %dma_start3A_20] : memref<200x100xi32, #tpu.memory_space<vmem>> -> memref<1x100xi32, #tpu.memory_space<vmem>>
      %dma_start3A_22 = tpu.memref_squeeze %dma_start3A_21 : memref<1x100xi32, #tpu.memory_space<vmem>> -> memref<100xi32, #tpu.memory_space<vmem>>
      %dma_start3A_23 = arith.constant 0 : i32
      %dma_start3A_24 = arith.constant 0 : i32
      %dma_start3A_25 = tpu.memref_slice %arg4[%dma_start3A_23, %dma_start3A_24] : memref<10000x64xf32, #tpu.memory_space<hbm>> -> memref<10000x64xf32, #tpu.memory_space<hbm>>
      tpu.enqueue_indirect_dma source(%dma_start3A_25 : memref<10000x64xf32, #tpu.memory_space<hbm>>) target(%arg8 : memref<100x64xf32, #tpu.memory_space<vmem>>) offsets(%dma_start3A_22 : memref<100xi32, #tpu.memory_space<vmem>>) semaphore(%arg12 : memref<!tpu.dma_semaphore, #tpu.memory_space<semaphore_mem>>)
      %scan3A = arith.constant 0 : i32
      %scan3A_26 = arith.constant 0 : i32
      %scan3A_27 = arith.constant 200 : i32
      %scan3A_28 = arith.addi %scan3A_26, %scan3A_27 : i32
      %scan3A_29 = arith.constant 1 : i32
      scf.for %scan3A_37 = %scan3A_26 to %scan3A_28 step %scan3A_29  : i32 {
        %rem3A = arith.constant 4 : i32
        %rem3A_38 = arith.remsi %scan3A_37, %rem3A : i32
        %eq3A_39 = arith.constant 0 : i32
        %eq3A_40 = arith.cmpi eq, %rem3A_38, %eq3A_39 : i32
        %convert_element_type3A_41 = arith.extui %eq3A_40 : i1 to i32
        %cond3A_42 = arith.constant 0 : i32
        %cond3A_43 = arith.cmpi ne, %convert_element_type3A_41, %cond3A_42 : i32
        scf.if %cond3A_43 {
          %dma_wait3A_65 = arith.constant 0 : i32
          %dma_wait3A_66 = tpu.memref_slice %arg6[%scan3A_37, %dma_wait3A_65] : memref<200x100xi32, #tpu.memory_space<vmem>> -> memref<1x100xi32, #tpu.memory_space<vmem>>
          %dma_wait3A_67 = tpu.memref_squeeze %dma_wait3A_66 : memref<1x100xi32, #tpu.memory_space<vmem>> -> memref<100xi32, #tpu.memory_space<vmem>>
          %dma_wait3A_68 = arith.constant 0 : i32
          %dma_wait3A_69 = arith.constant 0 : i32
          %dma_wait3A_70 = tpu.memref_slice %arg4[%dma_wait3A_68, %dma_wait3A_69] : memref<10000x64xf32, #tpu.memory_space<hbm>> -> memref<10000x64xf32, #tpu.memory_space<hbm>>
          tpu.wait_indirect_dma semaphore(%arg12 : memref<!tpu.dma_semaphore, #tpu.memory_space<semaphore_mem>>) src(%dma_wait3A_70 : memref<10000x64xf32, #tpu.memory_space<hbm>>) dst(%arg8 : memref<100x64xf32, #tpu.memory_space<vmem>>)
          %ge3A = arith.constant 1 : i32
          %ge3A_71 = arith.cmpi sge, %scan3A_37, %ge3A : i32
          %convert_element_type3A_72 = arith.extui %ge3A_71 : i1 to i32
          %cond3A_73 = arith.constant 0 : i32
          %cond3A_74 = arith.cmpi ne, %convert_element_type3A_72, %cond3A_73 : i32
          scf.if %cond3A_74 {
            %sub3A = arith.constant 1 : i32
            %sub3A_86 = arith.subi %scan3A_37, %sub3A : i32
            %dma_wait3A_87 = arith.constant 0 : i32
            %dma_wait3A_88 = tpu.memref_slice %arg7[%sub3A_86, %dma_wait3A_87] : memref<200x100xi32, #tpu.memory_space<vmem>> -> memref<1x100xi32, #tpu.memory_space<vmem>>
            %dma_wait3A_89 = tpu.memref_squeeze %dma_wait3A_88 : memref<1x100xi32, #tpu.memory_space<vmem>> -> memref<100xi32, #tpu.memory_space<vmem>>
            %dma_wait3A_90 = arith.constant 0 : i32
            %dma_wait3A_91 = arith.constant 0 : i32
            %dma_wait3A_92 = tpu.memref_slice %arg20[%dma_wait3A_90, %dma_wait3A_91] : memref<10240x64xf32, #tpu.memory_space<vmem_shared>> -> memref<10240x64xf32, #tpu.memory_space<vmem_shared>>
            tpu.wait_indirect_dma semaphore(%arg19 : memref<!tpu.dma_semaphore, #tpu.memory_space<semaphore_mem>>) src(%arg11 : memref<100x64xf32, #tpu.memory_space<vmem>>) dst(%dma_wait3A_92 : memref<10240x64xf32, #tpu.memory_space<vmem_shared>>)
          } else {
          }
          %dma_start3A_75 = arith.constant 0 : i32
          %dma_start3A_76 = tpu.memref_slice %arg7[%scan3A_37, %dma_start3A_75] : memref<200x100xi32, #tpu.memory_space<vmem>> -> memref<1x100xi32, #tpu.memory_space<vmem>>
          %dma_start3A_77 = tpu.memref_squeeze %dma_start3A_76 : memref<1x100xi32, #tpu.memory_space<vmem>> -> memref<100xi32, #tpu.memory_space<vmem>>
          %dma_start3A_78 = arith.constant 0 : i32
          %dma_start3A_79 = arith.constant 0 : i32
          %dma_start3A_80 = tpu.memref_slice %arg20[%dma_start3A_78, %dma_start3A_79] : memref<10240x64xf32, #tpu.memory_space<vmem_shared>> -> memref<10240x64xf32, #tpu.memory_space<vmem_shared>>
          tpu.enqueue_indirect_dma source(%arg8 : memref<100x64xf32, #tpu.memory_space<vmem>>) target(%dma_start3A_80 : memref<10240x64xf32, #tpu.memory_space<vmem_shared>>) offsets(%dma_start3A_77 : memref<100xi32, #tpu.memory_space<vmem>>) semaphore(%arg16 : memref<!tpu.dma_semaphore, #tpu.memory_space<semaphore_mem>>) {add = true}
          %add3A = arith.constant 1 : i32
          %add3A_81 = arith.addi %scan3A_37, %add3A : i32
          %lt3A = arith.constant 200 : i32
          %lt3A_82 = arith.cmpi slt, %add3A_81, %lt3A : i32
          %convert_element_type3A_83 = arith.extui %lt3A_82 : i1 to i32
          %cond3A_84 = arith.constant 0 : i32
          %cond3A_85 = arith.cmpi ne, %convert_element_type3A_83, %cond3A_84 : i32
          scf.if %cond3A_85 {
            %add3A_86 = arith.constant 1 : i32
            %add3A_87 = arith.addi %scan3A_37, %add3A_86 : i32
            %dma_start3A_88 = arith.constant 0 : i32
            %dma_start3A_89 = tpu.memref_slice %arg6[%add3A_87, %dma_start3A_88] : memref<200x100xi32, #tpu.memory_space<vmem>> -> memref<1x100xi32, #tpu.memory_space<vmem>>
            %dma_start3A_90 = tpu.memref_squeeze %dma_start3A_89 : memref<1x100xi32, #tpu.memory_space<vmem>> -> memref<100xi32, #tpu.memory_space<vmem>>
            %dma_start3A_91 = arith.constant 0 : i32
            %dma_start3A_92 = arith.constant 0 : i32
            %dma_start3A_93 = tpu.memref_slice %arg4[%dma_start3A_91, %dma_start3A_92] : memref<10000x64xf32, #tpu.memory_space<hbm>> -> memref<10000x64xf32, #tpu.memory_space<hbm>>
            tpu.enqueue_indirect_dma source(%dma_start3A_93 : memref<10000x64xf32, #tpu.memory_space<hbm>>) target(%arg9 : memref<100x64xf32, #tpu.memory_space<vmem>>) offsets(%dma_start3A_90 : memref<100xi32, #tpu.memory_space<vmem>>) semaphore(%arg13 : memref<!tpu.dma_semaphore, #tpu.memory_space<semaphore_mem>>)
          } else {
          }
        } else {
        }
        %rem3A_44 = arith.constant 4 : i32
        %rem3A_45 = arith.remsi %scan3A_37, %rem3A_44 : i32
        %eq3A_46 = arith.constant 1 : i32
        %eq3A_47 = arith.cmpi eq, %rem3A_45, %eq3A_46 : i32
        %convert_element_type3A_48 = arith.extui %eq3A_47 : i1 to i32
        %cond3A_49 = arith.constant 0 : i32
        %cond3A_50 = arith.cmpi ne, %convert_element_type3A_48, %cond3A_49 : i32
        scf.if %cond3A_50 {
          %dma_wait3A_65 = arith.constant 0 : i32
          %dma_wait3A_66 = tpu.memref_slice %arg6[%scan3A_37, %dma_wait3A_65] : memref<200x100xi32, #tpu.memory_space<vmem>> -> memref<1x100xi32, #tpu.memory_space<vmem>>
          %dma_wait3A_67 = tpu.memref_squeeze %dma_wait3A_66 : memref<1x100xi32, #tpu.memory_space<vmem>> -> memref<100xi32, #tpu.memory_space<vmem>>
          %dma_wait3A_68 = arith.constant 0 : i32
          %dma_wait3A_69 = arith.constant 0 : i32
          %dma_wait3A_70 = tpu.memref_slice %arg4[%dma_wait3A_68, %dma_wait3A_69] : memref<10000x64xf32, #tpu.memory_space<hbm>> -> memref<10000x64xf32, #tpu.memory_space<hbm>>
          tpu.wait_indirect_dma semaphore(%arg13 : memref<!tpu.dma_semaphore, #tpu.memory_space<semaphore_mem>>) src(%dma_wait3A_70 : memref<10000x64xf32, #tpu.memory_space<hbm>>) dst(%arg9 : memref<100x64xf32, #tpu.memory_space<vmem>>)
          %ge3A = arith.constant 1 : i32
          %ge3A_71 = arith.cmpi sge, %scan3A_37, %ge3A : i32
          %convert_element_type3A_72 = arith.extui %ge3A_71 : i1 to i32
          %cond3A_73 = arith.constant 0 : i32
          %cond3A_74 = arith.cmpi ne, %convert_element_type3A_72, %cond3A_73 : i32
          scf.if %cond3A_74 {
            %sub3A = arith.constant 1 : i32
            %sub3A_86 = arith.subi %scan3A_37, %sub3A : i32
            %dma_wait3A_87 = arith.constant 0 : i32
            %dma_wait3A_88 = tpu.memref_slice %arg7[%sub3A_86, %dma_wait3A_87] : memref<200x100xi32, #tpu.memory_space<vmem>> -> memref<1x100xi32, #tpu.memory_space<vmem>>
            %dma_wait3A_89 = tpu.memref_squeeze %dma_wait3A_88 : memref<1x100xi32, #tpu.memory_space<vmem>> -> memref<100xi32, #tpu.memory_space<vmem>>
            %dma_wait3A_90 = arith.constant 0 : i32
            %dma_wait3A_91 = arith.constant 0 : i32
            %dma_wait3A_92 = tpu.memref_slice %arg20[%dma_wait3A_90, %dma_wait3A_91] : memref<10240x64xf32, #tpu.memory_space<vmem_shared>> -> memref<10240x64xf32, #tpu.memory_space<vmem_shared>>
            tpu.wait_indirect_dma semaphore(%arg16 : memref<!tpu.dma_semaphore, #tpu.memory_space<semaphore_mem>>) src(%arg8 : memref<100x64xf32, #tpu.memory_space<vmem>>) dst(%dma_wait3A_92 : memref<10240x64xf32, #tpu.memory_space<vmem_shared>>)
          } else {
          }
          %dma_start3A_75 = arith.constant 0 : i32
          %dma_start3A_76 = tpu.memref_slice %arg7[%scan3A_37, %dma_start3A_75] : memref<200x100xi32, #tpu.memory_space<vmem>> -> memref<1x100xi32, #tpu.memory_space<vmem>>
          %dma_start3A_77 = tpu.memref_squeeze %dma_start3A_76 : memref<1x100xi32, #tpu.memory_space<vmem>> -> memref<100xi32, #tpu.memory_space<vmem>>
          %dma_start3A_78 = arith.constant 0 : i32
          %dma_start3A_79 = arith.constant 0 : i32
          %dma_start3A_80 = tpu.memref_slice %arg20[%dma_start3A_78, %dma_start3A_79] : memref<10240x64xf32, #tpu.memory_space<vmem_shared>> -> memref<10240x64xf32, #tpu.memory_space<vmem_shared>>
          tpu.enqueue_indirect_dma source(%arg9 : memref<100x64xf32, #tpu.memory_space<vmem>>) target(%dma_start3A_80 : memref<10240x64xf32, #tpu.memory_space<vmem_shared>>) offsets(%dma_start3A_77 : memref<100xi32, #tpu.memory_space<vmem>>) semaphore(%arg17 : memref<!tpu.dma_semaphore, #tpu.memory_space<semaphore_mem>>) {add = true}
          %add3A = arith.constant 1 : i32
          %add3A_81 = arith.addi %scan3A_37, %add3A : i32
          %lt3A = arith.constant 200 : i32
          %lt3A_82 = arith.cmpi slt, %add3A_81, %lt3A : i32
          %convert_element_type3A_83 = arith.extui %lt3A_82 : i1 to i32
          %cond3A_84 = arith.constant 0 : i32
          %cond3A_85 = arith.cmpi ne, %convert_element_type3A_83, %cond3A_84 : i32
          scf.if %cond3A_85 {
            %add3A_86 = arith.constant 1 : i32
            %add3A_87 = arith.addi %scan3A_37, %add3A_86 : i32
            %dma_start3A_88 = arith.constant 0 : i32
            %dma_start3A_89 = tpu.memref_slice %arg6[%add3A_87, %dma_start3A_88] : memref<200x100xi32, #tpu.memory_space<vmem>> -> memref<1x100xi32, #tpu.memory_space<vmem>>
            %dma_start3A_90 = tpu.memref_squeeze %dma_start3A_89 : memref<1x100xi32, #tpu.memory_space<vmem>> -> memref<100xi32, #tpu.memory_space<vmem>>
            %dma_start3A_91 = arith.constant 0 : i32
            %dma_start3A_92 = arith.constant 0 : i32
            %dma_start3A_93 = tpu.memref_slice %arg4[%dma_start3A_91, %dma_start3A_92] : memref<10000x64xf32, #tpu.memory_space<hbm>> -> memref<10000x64xf32, #tpu.memory_space<hbm>>
            tpu.enqueue_indirect_dma source(%dma_start3A_93 : memref<10000x64xf32, #tpu.memory_space<hbm>>) target(%arg10 : memref<100x64xf32, #tpu.memory_space<vmem>>) offsets(%dma_start3A_90 : memref<100xi32, #tpu.memory_space<vmem>>) semaphore(%arg14 : memref<!tpu.dma_semaphore, #tpu.memory_space<semaphore_mem>>)
          } else {
          }
        } else {
        }
        %rem3A_51 = arith.constant 4 : i32
        %rem3A_52 = arith.remsi %scan3A_37, %rem3A_51 : i32
        %eq3A_53 = arith.constant 2 : i32
        %eq3A_54 = arith.cmpi eq, %rem3A_52, %eq3A_53 : i32
        %convert_element_type3A_55 = arith.extui %eq3A_54 : i1 to i32
        %cond3A_56 = arith.constant 0 : i32
        %cond3A_57 = arith.cmpi ne, %convert_element_type3A_55, %cond3A_56 : i32
        scf.if %cond3A_57 {
          %dma_wait3A_65 = arith.constant 0 : i32
          %dma_wait3A_66 = tpu.memref_slice %arg6[%scan3A_37, %dma_wait3A_65] : memref<200x100xi32, #tpu.memory_space<vmem>> -> memref<1x100xi32, #tpu.memory_space<vmem>>
          %dma_wait3A_67 = tpu.memref_squeeze %dma_wait3A_66 : memref<1x100xi32, #tpu.memory_space<vmem>> -> memref<100xi32, #tpu.memory_space<vmem>>
          %dma_wait3A_68 = arith.constant 0 : i32
          %dma_wait3A_69 = arith.constant 0 : i32
          %dma_wait3A_70 = tpu.memref_slice %arg4[%dma_wait3A_68, %dma_wait3A_69] : memref<10000x64xf32, #tpu.memory_space<hbm>> -> memref<10000x64xf32, #tpu.memory_space<hbm>>
          tpu.wait_indirect_dma semaphore(%arg14 : memref<!tpu.dma_semaphore, #tpu.memory_space<semaphore_mem>>) src(%dma_wait3A_70 : memref<10000x64xf32, #tpu.memory_space<hbm>>) dst(%arg10 : memref<100x64xf32, #tpu.memory_space<vmem>>)
          %ge3A = arith.constant 1 : i32
          %ge3A_71 = arith.cmpi sge, %scan3A_37, %ge3A : i32
          %convert_element_type3A_72 = arith.extui %ge3A_71 : i1 to i32
          %cond3A_73 = arith.constant 0 : i32
          %cond3A_74 = arith.cmpi ne, %convert_element_type3A_72, %cond3A_73 : i32
          scf.if %cond3A_74 {
            %sub3A = arith.constant 1 : i32
            %sub3A_86 = arith.subi %scan3A_37, %sub3A : i32
            %dma_wait3A_87 = arith.constant 0 : i32
            %dma_wait3A_88 = tpu.memref_slice %arg7[%sub3A_86, %dma_wait3A_87] : memref<200x100xi32, #tpu.memory_space<vmem>> -> memref<1x100xi32, #tpu.memory_space<vmem>>
            %dma_wait3A_89 = tpu.memref_squeeze %dma_wait3A_88 : memref<1x100xi32, #tpu.memory_space<vmem>> -> memref<100xi32, #tpu.memory_space<vmem>>
            %dma_wait3A_90 = arith.constant 0 : i32
            %dma_wait3A_91 = arith.constant 0 : i32
            %dma_wait3A_92 = tpu.memref_slice %arg20[%dma_wait3A_90, %dma_wait3A_91] : memref<10240x64xf32, #tpu.memory_space<vmem_shared>> -> memref<10240x64xf32, #tpu.memory_space<vmem_shared>>
            tpu.wait_indirect_dma semaphore(%arg17 : memref<!tpu.dma_semaphore, #tpu.memory_space<semaphore_mem>>) src(%arg9 : memref<100x64xf32, #tpu.memory_space<vmem>>) dst(%dma_wait3A_92 : memref<10240x64xf32, #tpu.memory_space<vmem_shared>>)
          } else {
          }
          %dma_start3A_75 = arith.constant 0 : i32
          %dma_start3A_76 = tpu.memref_slice %arg7[%scan3A_37, %dma_start3A_75] : memref<200x100xi32, #tpu.memory_space<vmem>> -> memref<1x100xi32, #tpu.memory_space<vmem>>
          %dma_start3A_77 = tpu.memref_squeeze %dma_start3A_76 : memref<1x100xi32, #tpu.memory_space<vmem>> -> memref<100xi32, #tpu.memory_space<vmem>>
          %dma_start3A_78 = arith.constant 0 : i32
          %dma_start3A_79 = arith.constant 0 : i32
          %dma_start3A_80 = tpu.memref_slice %arg20[%dma_start3A_78, %dma_start3A_79] : memref<10240x64xf32, #tpu.memory_space<vmem_shared>> -> memref<10240x64xf32, #tpu.memory_space<vmem_shared>>
          tpu.enqueue_indirect_dma source(%arg10 : memref<100x64xf32, #tpu.memory_space<vmem>>) target(%dma_start3A_80 : memref<10240x64xf32, #tpu.memory_space<vmem_shared>>) offsets(%dma_start3A_77 : memref<100xi32, #tpu.memory_space<vmem>>) semaphore(%arg18 : memref<!tpu.dma_semaphore, #tpu.memory_space<semaphore_mem>>) {add = true}
          %add3A = arith.constant 1 : i32
          %add3A_81 = arith.addi %scan3A_37, %add3A : i32
          %lt3A = arith.constant 200 : i32
          %lt3A_82 = arith.cmpi slt, %add3A_81, %lt3A : i32
          %convert_element_type3A_83 = arith.extui %lt3A_82 : i1 to i32
          %cond3A_84 = arith.constant 0 : i32
          %cond3A_85 = arith.cmpi ne, %convert_element_type3A_83, %cond3A_84 : i32
          scf.if %cond3A_85 {
            %add3A_86 = arith.constant 1 : i32
            %add3A_87 = arith.addi %scan3A_37, %add3A_86 : i32
            %dma_start3A_88 = arith.constant 0 : i32
            %dma_start3A_89 = tpu.memref_slice %arg6[%add3A_87, %dma_start3A_88] : memref<200x100xi32, #tpu.memory_space<vmem>> -> memref<1x100xi32, #tpu.memory_space<vmem>>
            %dma_start3A_90 = tpu.memref_squeeze %dma_start3A_89 : memref<1x100xi32, #tpu.memory_space<vmem>> -> memref<100xi32, #tpu.memory_space<vmem>>
            %dma_start3A_91 = arith.constant 0 : i32
            %dma_start3A_92 = arith.constant 0 : i32
            %dma_start3A_93 = tpu.memref_slice %arg4[%dma_start3A_91, %dma_start3A_92] : memref<10000x64xf32, #tpu.memory_space<hbm>> -> memref<10000x64xf32, #tpu.memory_space<hbm>>
            tpu.enqueue_indirect_dma source(%dma_start3A_93 : memref<10000x64xf32, #tpu.memory_space<hbm>>) target(%arg11 : memref<100x64xf32, #tpu.memory_space<vmem>>) offsets(%dma_start3A_90 : memref<100xi32, #tpu.memory_space<vmem>>) semaphore(%arg15 : memref<!tpu.dma_semaphore, #tpu.memory_space<semaphore_mem>>)
          } else {
          }
        } else {
        }
        %rem3A_58 = arith.constant 4 : i32
        %rem3A_59 = arith.remsi %scan3A_37, %rem3A_58 : i32
        %eq3A_60 = arith.constant 3 : i32
        %eq3A_61 = arith.cmpi eq, %rem3A_59, %eq3A_60 : i32
        %convert_element_type3A_62 = arith.extui %eq3A_61 : i1 to i32
        %cond3A_63 = arith.constant 0 : i32
        %cond3A_64 = arith.cmpi ne, %convert_element_type3A_62, %cond3A_63 : i32
        scf.if %cond3A_64 {
          %dma_wait3A_65 = arith.constant 0 : i32
          %dma_wait3A_66 = tpu.memref_slice %arg6[%scan3A_37, %dma_wait3A_65] : memref<200x100xi32, #tpu.memory_space<vmem>> -> memref<1x100xi32, #tpu.memory_space<vmem>>
          %dma_wait3A_67 = tpu.memref_squeeze %dma_wait3A_66 : memref<1x100xi32, #tpu.memory_space<vmem>> -> memref<100xi32, #tpu.memory_space<vmem>>
          %dma_wait3A_68 = arith.constant 0 : i32
          %dma_wait3A_69 = arith.constant 0 : i32
          %dma_wait3A_70 = tpu.memref_slice %arg4[%dma_wait3A_68, %dma_wait3A_69] : memref<10000x64xf32, #tpu.memory_space<hbm>> -> memref<10000x64xf32, #tpu.memory_space<hbm>>
          tpu.wait_indirect_dma semaphore(%arg15 : memref<!tpu.dma_semaphore, #tpu.memory_space<semaphore_mem>>) src(%dma_wait3A_70 : memref<10000x64xf32, #tpu.memory_space<hbm>>) dst(%arg11 : memref<100x64xf32, #tpu.memory_space<vmem>>)
          %ge3A = arith.constant 1 : i32
          %ge3A_71 = arith.cmpi sge, %scan3A_37, %ge3A : i32
          %convert_element_type3A_72 = arith.extui %ge3A_71 : i1 to i32
          %cond3A_73 = arith.constant 0 : i32
          %cond3A_74 = arith.cmpi ne, %convert_element_type3A_72, %cond3A_73 : i32
          scf.if %cond3A_74 {
            %sub3A = arith.constant 1 : i32
            %sub3A_86 = arith.subi %scan3A_37, %sub3A : i32
            %dma_wait3A_87 = arith.constant 0 : i32
            %dma_wait3A_88 = tpu.memref_slice %arg7[%sub3A_86, %dma_wait3A_87] : memref<200x100xi32, #tpu.memory_space<vmem>> -> memref<1x100xi32, #tpu.memory_space<vmem>>
            %dma_wait3A_89 = tpu.memref_squeeze %dma_wait3A_88 : memref<1x100xi32, #tpu.memory_space<vmem>> -> memref<100xi32, #tpu.memory_space<vmem>>
            %dma_wait3A_90 = arith.constant 0 : i32
            %dma_wait3A_91 = arith.constant 0 : i32
            %dma_wait3A_92 = tpu.memref_slice %arg20[%dma_wait3A_90, %dma_wait3A_91] : memref<10240x64xf32, #tpu.memory_space<vmem_shared>> -> memref<10240x64xf32, #tpu.memory_space<vmem_shared>>
            tpu.wait_indirect_dma semaphore(%arg18 : memref<!tpu.dma_semaphore, #tpu.memory_space<semaphore_mem>>) src(%arg10 : memref<100x64xf32, #tpu.memory_space<vmem>>) dst(%dma_wait3A_92 : memref<10240x64xf32, #tpu.memory_space<vmem_shared>>)
          } else {
          }
          %dma_start3A_75 = arith.constant 0 : i32
          %dma_start3A_76 = tpu.memref_slice %arg7[%scan3A_37, %dma_start3A_75] : memref<200x100xi32, #tpu.memory_space<vmem>> -> memref<1x100xi32, #tpu.memory_space<vmem>>
          %dma_start3A_77 = tpu.memref_squeeze %dma_start3A_76 : memref<1x100xi32, #tpu.memory_space<vmem>> -> memref<100xi32, #tpu.memory_space<vmem>>
          %dma_start3A_78 = arith.constant 0 : i32
          %dma_start3A_79 = arith.constant 0 : i32
          %dma_start3A_80 = tpu.memref_slice %arg20[%dma_start3A_78, %dma_start3A_79] : memref<10240x64xf32, #tpu.memory_space<vmem_shared>> -> memref<10240x64xf32, #tpu.memory_space<vmem_shared>>
          tpu.enqueue_indirect_dma source(%arg11 : memref<100x64xf32, #tpu.memory_space<vmem>>) target(%dma_start3A_80 : memref<10240x64xf32, #tpu.memory_space<vmem_shared>>) offsets(%dma_start3A_77 : memref<100xi32, #tpu.memory_space<vmem>>) semaphore(%arg19 : memref<!tpu.dma_semaphore, #tpu.memory_space<semaphore_mem>>) {add = true}
          %add3A = arith.constant 1 : i32
          %add3A_81 = arith.addi %scan3A_37, %add3A : i32
          %lt3A = arith.constant 200 : i32
          %lt3A_82 = arith.cmpi slt, %add3A_81, %lt3A : i32
          %convert_element_type3A_83 = arith.extui %lt3A_82 : i1 to i32
          %cond3A_84 = arith.constant 0 : i32
          %cond3A_85 = arith.cmpi ne, %convert_element_type3A_83, %cond3A_84 : i32
          scf.if %cond3A_85 {
            %add3A_86 = arith.constant 1 : i32
            %add3A_87 = arith.addi %scan3A_37, %add3A_86 : i32
            %dma_start3A_88 = arith.constant 0 : i32
            %dma_start3A_89 = tpu.memref_slice %arg6[%add3A_87, %dma_start3A_88] : memref<200x100xi32, #tpu.memory_space<vmem>> -> memref<1x100xi32, #tpu.memory_space<vmem>>
            %dma_start3A_90 = tpu.memref_squeeze %dma_start3A_89 : memref<1x100xi32, #tpu.memory_space<vmem>> -> memref<100xi32, #tpu.memory_space<vmem>>
            %dma_start3A_91 = arith.constant 0 : i32
            %dma_start3A_92 = arith.constant 0 : i32
            %dma_start3A_93 = tpu.memref_slice %arg4[%dma_start3A_91, %dma_start3A_92] : memref<10000x64xf32, #tpu.memory_space<hbm>> -> memref<10000x64xf32, #tpu.memory_space<hbm>>
            tpu.enqueue_indirect_dma source(%dma_start3A_93 : memref<10000x64xf32, #tpu.memory_space<hbm>>) target(%arg8 : memref<100x64xf32, #tpu.memory_space<vmem>>) offsets(%dma_start3A_90 : memref<100xi32, #tpu.memory_space<vmem>>) semaphore(%arg12 : memref<!tpu.dma_semaphore, #tpu.memory_space<semaphore_mem>>)
          } else {
          }
        } else {
        }
      }
      %scan3A_30 = arith.constant 200 : i32
      %dma_wait3A = arith.constant 199 : i32
      %dma_wait3A_31 = arith.constant 0 : i32
      %dma_wait3A_32 = tpu.memref_slice %arg7[%dma_wait3A, %dma_wait3A_31] : memref<200x100xi32, #tpu.memory_space<vmem>> -> memref<1x100xi32, #tpu.memory_space<vmem>>
      %dma_wait3A_33 = tpu.memref_squeeze %dma_wait3A_32 : memref<1x100xi32, #tpu.memory_space<vmem>> -> memref<100xi32, #tpu.memory_space<vmem>>
      %dma_wait3A_34 = arith.constant 0 : i32
      %dma_wait3A_35 = arith.constant 0 : i32
      %dma_wait3A_36 = tpu.memref_slice %arg20[%dma_wait3A_34, %dma_wait3A_35] : memref<10240x64xf32, #tpu.memory_space<vmem_shared>> -> memref<10240x64xf32, #tpu.memory_space<vmem_shared>>
      tpu.wait_indirect_dma semaphore(%arg19 : memref<!tpu.dma_semaphore, #tpu.memory_space<semaphore_mem>>) src(%arg11 : memref<100x64xf32, #tpu.memory_space<vmem>>) dst(%dma_wait3A_36 : memref<10240x64xf32, #tpu.memory_space<vmem_shared>>)
    } else {
    }
    %barrier3A_19 = arith.constant 0 : index
    tpu.barrier barrier_id(%barrier3A_19)
    "tpu.region"() ({
      %run_scoped3A_20 = tpu.sem_alloc : memref<!tpu.dma_semaphore, #tpu.memory_space<semaphore_mem>>
      %dma_start3A = arith.constant 0 : i32
      %dma_start3A_21 = tpu.memref_slice %arg5[%arg0, %mul3A_0, %dma_start3A] : memref<2x10240x64xf32, #tpu.memory_space<hbm>> -> memref<1x640x64xf32, #tpu.memory_space<hbm>>
      %dma_start3A_22 = tpu.memref_squeeze %dma_start3A_21 : memref<1x640x64xf32, #tpu.memory_space<hbm>> -> memref<640x64xf32, #tpu.memory_space<hbm>>
      %dma_start3A_23 = arith.constant 0 : i32
      %dma_start3A_24 = tpu.memref_slice %arg20[%mul3A_0, %dma_start3A_23] : memref<10240x64xf32, #tpu.memory_space<vmem_shared>> -> memref<640x64xf32, #tpu.memory_space<vmem_shared>>
      tpu.enqueue_dma source(%dma_start3A_24 : memref<640x64xf32, #tpu.memory_space<vmem_shared>>) target(%dma_start3A_22 : memref<640x64xf32, #tpu.memory_space<hbm>>) target_semaphore(%run_scoped3A_20 : memref<!tpu.dma_semaphore, #tpu.memory_space<semaphore_mem>>)
      %dma_wait3A = arith.constant 0 : i32
      %dma_wait3A_25 = tpu.memref_slice %arg5[%arg0, %mul3A_0, %dma_wait3A] : memref<2x10240x64xf32, #tpu.memory_space<hbm>> -> memref<1x640x64xf32, #tpu.memory_space<hbm>>
      %dma_wait3A_26 = tpu.memref_squeeze %dma_wait3A_25 : memref<1x640x64xf32, #tpu.memory_space<hbm>> -> memref<640x64xf32, #tpu.memory_space<hbm>>
      %dma_wait3A_27 = arith.constant 0 : i32
      %dma_wait3A_28 = tpu.memref_slice %arg20[%mul3A_0, %dma_wait3A_27] : memref<10240x64xf32, #tpu.memory_space<vmem_shared>> -> memref<640x64xf32, #tpu.memory_space<vmem_shared>>
      tpu.wait_dma2 semaphore(%run_scoped3A_20 : memref<!tpu.dma_semaphore, #tpu.memory_space<semaphore_mem>>) src(%dma_wait3A_28 : memref<640x64xf32, #tpu.memory_space<vmem_shared>>) dst(%dma_wait3A_26 : memref<640x64xf32, #tpu.memory_space<hbm>>)
      tpu.yield
    }) : () -> ()
    return
  }
}

#map = affine_map<(d0, d1) -> (0, 0, 0, 0)>
#map1 = affine_map<(d0, d1) -> (0, 0)>
#map2 = affine_map<(d0, d1) -> (0, 0, 0)>
module attributes {stable_mosaic.version = 14 : i64} {
  func.func @sc_agg(%arg0: i32, %arg1: i32, %arg2: memref<2x16x200x100xi32, #tpu.memory_space<hbm>>, %arg3: memref<10000x64xf32, #tpu.memory_space<hbm>>, %arg4: memref<10000x64xf32, #tpu.memory_space<hbm>>, %arg5: memref<2x10240x64xf32, #tpu.memory_space<hbm>>, %arg6: memref<200x100xi32, #tpu.memory_space<vmem>>, %arg7: memref<200x100xi32, #tpu.memory_space<vmem>>, %arg8: memref<100x64xf32, #tpu.memory_space<vmem>>, %arg9: memref<100x64xf32, #tpu.memory_space<vmem>>, %arg10: memref<100x64xf32, #tpu.memory_space<vmem>>, %arg11: memref<100x64xf32, #tpu.memory_space<vmem>>, %arg12: memref<!tpu.dma_semaphore, #tpu.memory_space<semaphore_mem>>, %arg13: memref<!tpu.dma_semaphore, #tpu.memory_space<semaphore_mem>>, %arg14: memref<!tpu.dma_semaphore, #tpu.memory_space<semaphore_mem>>, %arg15: memref<!tpu.dma_semaphore, #tpu.memory_space<semaphore_mem>>, %arg16: memref<!tpu.dma_semaphore, #tpu.memory_space<semaphore_mem>>, %arg17: memref<!tpu.dma_semaphore, #tpu.memory_space<semaphore_mem>>, %arg18: memref<!tpu.dma_semaphore, #tpu.memory_space<semaphore_mem>>, %arg19: memref<!tpu.dma_semaphore, #tpu.memory_space<semaphore_mem>>, %arg20: memref<10240x64xf32, #tpu.memory_space<vmem_shared>>) attributes {dimension_semantics = [#tpu.dimension_semantics<core_parallel>, #tpu.dimension_semantics<subcore_parallel>], iteration_bounds = array<i64: 2, 16>, scalar_prefetch = 0 : i64, scratch_operands = 15 : i64, tpu.core_type = #tpu.core_type<sc_vector_subcore>, window_params = [{transform_indices = #map}, {transform_indices = #map1}, {transform_indices = #map1}, {transform_indices = #map2}]} {
    %mul3A = arith.constant 640 : i32
    %mul3A_0 = arith.muli %arg1, %mul3A : i32
    %run_scoped3A = arith.constant 0 : i32
    "tpu.region"() ({
      %run_scoped3A_20 = tpu.sem_alloc : memref<!tpu.dma_semaphore, #tpu.memory_space<semaphore_mem>>
      %dma_start3A = arith.constant 0 : i32
      %dma_start3A_21 = arith.constant 0 : i32
      %dma_start3A_22 = tpu.memref_slice %arg2[%run_scoped3A, %arg1, %dma_start3A, %dma_start3A_21] : memref<2x16x200x100xi32, #tpu.memory_space<hbm>> -> memref<1x1x200x100xi32, #tpu.memory_space<hbm>>
      %dma_start3A_23 = tpu.memref_squeeze %dma_start3A_22 : memref<1x1x200x100xi32, #tpu.memory_space<hbm>> -> memref<200x100xi32, #tpu.memory_space<hbm>>
      %dma_start3A_24 = arith.constant 0 : i32
      %dma_start3A_25 = arith.constant 0 : i32
      %dma_start3A_26 = tpu.memref_slice %arg2[%run_scoped3A, %arg1, %dma_start3A_24, %dma_start3A_25] : memref<2x16x200x100xi32, #tpu.memory_space<hbm>> -> memref<1x1x200x100xi32, #tpu.memory_space<hbm>>
      %dma_start3A_27 = tpu.memref_squeeze %dma_start3A_26 : memref<1x1x200x100xi32, #tpu.memory_space<hbm>> -> memref<200x100xi32, #tpu.memory_space<hbm>>
      tpu.enqueue_dma source(%dma_start3A_27 : memref<200x100xi32, #tpu.memory_space<hbm>>) target(%arg6 : memref<200x100xi32, #tpu.memory_space<vmem>>) target_semaphore(%run_scoped3A_20 : memref<!tpu.dma_semaphore, #tpu.memory_space<semaphore_mem>>)
      %dma_wait3A = arith.constant 0 : i32
      %dma_wait3A_28 = arith.constant 0 : i32
      %dma_wait3A_29 = tpu.memref_slice %arg2[%run_scoped3A, %arg1, %dma_wait3A, %dma_wait3A_28] : memref<2x16x200x100xi32, #tpu.memory_space<hbm>> -> memref<1x1x200x100xi32, #tpu.memory_space<hbm>>
      %dma_wait3A_30 = tpu.memref_squeeze %dma_wait3A_29 : memref<1x1x200x100xi32, #tpu.memory_space<hbm>> -> memref<200x100xi32, #tpu.memory_space<hbm>>
      %dma_wait3A_31 = arith.constant 0 : i32
      %dma_wait3A_32 = arith.constant 0 : i32
      %dma_wait3A_33 = tpu.memref_slice %arg2[%run_scoped3A, %arg1, %dma_wait3A_31, %dma_wait3A_32] : memref<2x16x200x100xi32, #tpu.memory_space<hbm>> -> memref<1x1x200x100xi32, #tpu.memory_space<hbm>>
      %dma_wait3A_34 = tpu.memref_squeeze %dma_wait3A_33 : memref<1x1x200x100xi32, #tpu.memory_space<hbm>> -> memref<200x100xi32, #tpu.memory_space<hbm>>
      tpu.wait_dma2 semaphore(%run_scoped3A_20 : memref<!tpu.dma_semaphore, #tpu.memory_space<semaphore_mem>>) src(%dma_wait3A_34 : memref<200x100xi32, #tpu.memory_space<hbm>>) dst(%arg6 : memref<200x100xi32, #tpu.memory_space<vmem>>)
      tpu.yield
    }) : () -> ()
    %run_scoped3A_1 = arith.constant 1 : i32
    "tpu.region"() ({
      %run_scoped3A_20 = tpu.sem_alloc : memref<!tpu.dma_semaphore, #tpu.memory_space<semaphore_mem>>
      %dma_start3A = arith.constant 0 : i32
      %dma_start3A_21 = arith.constant 0 : i32
      %dma_start3A_22 = tpu.memref_slice %arg2[%run_scoped3A_1, %arg1, %dma_start3A, %dma_start3A_21] : memref<2x16x200x100xi32, #tpu.memory_space<hbm>> -> memref<1x1x200x100xi32, #tpu.memory_space<hbm>>
      %dma_start3A_23 = tpu.memref_squeeze %dma_start3A_22 : memref<1x1x200x100xi32, #tpu.memory_space<hbm>> -> memref<200x100xi32, #tpu.memory_space<hbm>>
      %dma_start3A_24 = arith.constant 0 : i32
      %dma_start3A_25 = arith.constant 0 : i32
      %dma_start3A_26 = tpu.memref_slice %arg2[%run_scoped3A_1, %arg1, %dma_start3A_24, %dma_start3A_25] : memref<2x16x200x100xi32, #tpu.memory_space<hbm>> -> memref<1x1x200x100xi32, #tpu.memory_space<hbm>>
      %dma_start3A_27 = tpu.memref_squeeze %dma_start3A_26 : memref<1x1x200x100xi32, #tpu.memory_space<hbm>> -> memref<200x100xi32, #tpu.memory_space<hbm>>
      tpu.enqueue_dma source(%dma_start3A_27 : memref<200x100xi32, #tpu.memory_space<hbm>>) target(%arg7 : memref<200x100xi32, #tpu.memory_space<vmem>>) target_semaphore(%run_scoped3A_20 : memref<!tpu.dma_semaphore, #tpu.memory_space<semaphore_mem>>)
      %dma_wait3A = arith.constant 0 : i32
      %dma_wait3A_28 = arith.constant 0 : i32
      %dma_wait3A_29 = tpu.memref_slice %arg2[%run_scoped3A_1, %arg1, %dma_wait3A, %dma_wait3A_28] : memref<2x16x200x100xi32, #tpu.memory_space<hbm>> -> memref<1x1x200x100xi32, #tpu.memory_space<hbm>>
      %dma_wait3A_30 = tpu.memref_squeeze %dma_wait3A_29 : memref<1x1x200x100xi32, #tpu.memory_space<hbm>> -> memref<200x100xi32, #tpu.memory_space<hbm>>
      %dma_wait3A_31 = arith.constant 0 : i32
      %dma_wait3A_32 = arith.constant 0 : i32
      %dma_wait3A_33 = tpu.memref_slice %arg2[%run_scoped3A_1, %arg1, %dma_wait3A_31, %dma_wait3A_32] : memref<2x16x200x100xi32, #tpu.memory_space<hbm>> -> memref<1x1x200x100xi32, #tpu.memory_space<hbm>>
      %dma_wait3A_34 = tpu.memref_squeeze %dma_wait3A_33 : memref<1x1x200x100xi32, #tpu.memory_space<hbm>> -> memref<200x100xi32, #tpu.memory_space<hbm>>
      tpu.wait_dma2 semaphore(%run_scoped3A_20 : memref<!tpu.dma_semaphore, #tpu.memory_space<semaphore_mem>>) src(%dma_wait3A_34 : memref<200x100xi32, #tpu.memory_space<hbm>>) dst(%arg7 : memref<200x100xi32, #tpu.memory_space<vmem>>)
      tpu.yield
    }) : () -> ()
    %eq3A = arith.constant 0 : i32
    %eq3A_2 = arith.cmpi eq, %arg0, %eq3A : i32
    %convert_element_type3A = arith.extui %eq3A_2 : i1 to i32
    %cond3A = arith.constant 0 : i32
    %cond3A_3 = arith.cmpi ne, %convert_element_type3A, %cond3A : i32
    scf.if %cond3A_3 {
      %lt3A = arith.constant 15 : i32
      %lt3A_20 = arith.cmpi slt, %arg1, %lt3A : i32
      %convert_element_type3A_21 = arith.extui %lt3A_20 : i1 to i32
      %cond3A_22 = arith.constant 0 : i32
      %cond3A_23 = arith.cmpi ne, %convert_element_type3A_21, %cond3A_22 : i32
      scf.if %cond3A_23 {
        "tpu.region"() ({
          %run_scoped3A_29 = tpu.sem_alloc : memref<!tpu.dma_semaphore, #tpu.memory_space<semaphore_mem>>
          %dma_start3A = arith.constant 0 : i32
          %dma_start3A_30 = tpu.memref_slice %arg20[%mul3A_0, %dma_start3A] : memref<10240x64xf32, #tpu.memory_space<vmem_shared>> -> memref<640x64xf32, #tpu.memory_space<vmem_shared>>
          %dma_start3A_31 = arith.constant 0 : i32
          %dma_start3A_32 = tpu.memref_slice %arg3[%mul3A_0, %dma_start3A_31] : memref<10000x64xf32, #tpu.memory_space<hbm>> -> memref<640x64xf32, #tpu.memory_space<hbm>>
          tpu.enqueue_dma source(%dma_start3A_32 : memref<640x64xf32, #tpu.memory_space<hbm>>) target(%dma_start3A_30 : memref<640x64xf32, #tpu.memory_space<vmem_shared>>) target_semaphore(%run_scoped3A_29 : memref<!tpu.dma_semaphore, #tpu.memory_space<semaphore_mem>>)
          %dma_wait3A = arith.constant 0 : i32
          %dma_wait3A_33 = tpu.memref_slice %arg20[%mul3A_0, %dma_wait3A] : memref<10240x64xf32, #tpu.memory_space<vmem_shared>> -> memref<640x64xf32, #tpu.memory_space<vmem_shared>>
          %dma_wait3A_34 = arith.constant 0 : i32
          %dma_wait3A_35 = tpu.memref_slice %arg3[%mul3A_0, %dma_wait3A_34] : memref<10000x64xf32, #tpu.memory_space<hbm>> -> memref<640x64xf32, #tpu.memory_space<hbm>>
          tpu.wait_dma2 semaphore(%run_scoped3A_29 : memref<!tpu.dma_semaphore, #tpu.memory_space<semaphore_mem>>) src(%dma_wait3A_35 : memref<640x64xf32, #tpu.memory_space<hbm>>) dst(%dma_wait3A_33 : memref<640x64xf32, #tpu.memory_space<vmem_shared>>)
          tpu.yield
        }) : () -> ()
      } else {
      }
      %eq3A_24 = arith.constant 15 : i32
      %eq3A_25 = arith.cmpi eq, %arg1, %eq3A_24 : i32
      %convert_element_type3A_26 = arith.extui %eq3A_25 : i1 to i32
      %cond3A_27 = arith.constant 0 : i32
      %cond3A_28 = arith.cmpi ne, %convert_element_type3A_26, %cond3A_27 : i32
      scf.if %cond3A_28 {
        "tpu.region"() ({
          %run_scoped3A_29 = tpu.sem_alloc : memref<!tpu.dma_semaphore, #tpu.memory_space<semaphore_mem>>
          %dma_start3A = arith.constant 0 : i32
          %dma_start3A_30 = tpu.memref_slice %arg20[%mul3A_0, %dma_start3A] : memref<10240x64xf32, #tpu.memory_space<vmem_shared>> -> memref<400x64xf32, #tpu.memory_space<vmem_shared>>
          %dma_start3A_31 = arith.constant 0 : i32
          %dma_start3A_32 = tpu.memref_slice %arg3[%mul3A_0, %dma_start3A_31] : memref<10000x64xf32, #tpu.memory_space<hbm>> -> memref<400x64xf32, #tpu.memory_space<hbm>>
          tpu.enqueue_dma source(%dma_start3A_32 : memref<400x64xf32, #tpu.memory_space<hbm>>) target(%dma_start3A_30 : memref<400x64xf32, #tpu.memory_space<vmem_shared>>) target_semaphore(%run_scoped3A_29 : memref<!tpu.dma_semaphore, #tpu.memory_space<semaphore_mem>>)
          %dma_wait3A = arith.constant 0 : i32
          %dma_wait3A_33 = tpu.memref_slice %arg20[%mul3A_0, %dma_wait3A] : memref<10240x64xf32, #tpu.memory_space<vmem_shared>> -> memref<400x64xf32, #tpu.memory_space<vmem_shared>>
          %dma_wait3A_34 = arith.constant 0 : i32
          %dma_wait3A_35 = tpu.memref_slice %arg3[%mul3A_0, %dma_wait3A_34] : memref<10000x64xf32, #tpu.memory_space<hbm>> -> memref<400x64xf32, #tpu.memory_space<hbm>>
          tpu.wait_dma2 semaphore(%run_scoped3A_29 : memref<!tpu.dma_semaphore, #tpu.memory_space<semaphore_mem>>) src(%dma_wait3A_35 : memref<400x64xf32, #tpu.memory_space<hbm>>) dst(%dma_wait3A_33 : memref<400x64xf32, #tpu.memory_space<vmem_shared>>)
          tpu.yield
        }) : () -> ()
      } else {
      }
    } else {
    }
    %eq3A_4 = arith.constant 1 : i32
    %eq3A_5 = arith.cmpi eq, %arg0, %eq3A_4 : i32
    %convert_element_type3A_6 = arith.extui %eq3A_5 : i1 to i32
    %cond3A_7 = arith.constant 0 : i32
    %cond3A_8 = arith.cmpi ne, %convert_element_type3A_6, %cond3A_7 : i32
    scf.if %cond3A_8 {
      %lt3A = arith.constant 15 : i32
      %lt3A_20 = arith.cmpi slt, %arg1, %lt3A : i32
      %convert_element_type3A_21 = arith.extui %lt3A_20 : i1 to i32
      %cond3A_22 = arith.constant 0 : i32
      %cond3A_23 = arith.cmpi ne, %convert_element_type3A_21, %cond3A_22 : i32
      scf.if %cond3A_23 {
        "tpu.region"() ({
          %run_scoped3A_29 = tpu.sem_alloc : memref<!tpu.dma_semaphore, #tpu.memory_space<semaphore_mem>>
          %dma_start3A = arith.constant 0 : i32
          %dma_start3A_30 = tpu.memref_slice %arg20[%mul3A_0, %dma_start3A] : memref<10240x64xf32, #tpu.memory_space<vmem_shared>> -> memref<640x64xf32, #tpu.memory_space<vmem_shared>>
          %dma_start3A_31 = arith.constant 0 : i32
          %dma_start3A_32 = tpu.memref_slice %arg4[%mul3A_0, %dma_start3A_31] : memref<10000x64xf32, #tpu.memory_space<hbm>> -> memref<640x64xf32, #tpu.memory_space<hbm>>
          tpu.enqueue_dma source(%dma_start3A_32 : memref<640x64xf32, #tpu.memory_space<hbm>>) target(%dma_start3A_30 : memref<640x64xf32, #tpu.memory_space<vmem_shared>>) target_semaphore(%run_scoped3A_29 : memref<!tpu.dma_semaphore, #tpu.memory_space<semaphore_mem>>)
          %dma_wait3A = arith.constant 0 : i32
          %dma_wait3A_33 = tpu.memref_slice %arg20[%mul3A_0, %dma_wait3A] : memref<10240x64xf32, #tpu.memory_space<vmem_shared>> -> memref<640x64xf32, #tpu.memory_space<vmem_shared>>
          %dma_wait3A_34 = arith.constant 0 : i32
          %dma_wait3A_35 = tpu.memref_slice %arg4[%mul3A_0, %dma_wait3A_34] : memref<10000x64xf32, #tpu.memory_space<hbm>> -> memref<640x64xf32, #tpu.memory_space<hbm>>
          tpu.wait_dma2 semaphore(%run_scoped3A_29 : memref<!tpu.dma_semaphore, #tpu.memory_space<semaphore_mem>>) src(%dma_wait3A_35 : memref<640x64xf32, #tpu.memory_space<hbm>>) dst(%dma_wait3A_33 : memref<640x64xf32, #tpu.memory_space<vmem_shared>>)
          tpu.yield
        }) : () -> ()
      } else {
      }
      %eq3A_24 = arith.constant 15 : i32
      %eq3A_25 = arith.cmpi eq, %arg1, %eq3A_24 : i32
      %convert_element_type3A_26 = arith.extui %eq3A_25 : i1 to i32
      %cond3A_27 = arith.constant 0 : i32
      %cond3A_28 = arith.cmpi ne, %convert_element_type3A_26, %cond3A_27 : i32
      scf.if %cond3A_28 {
        "tpu.region"() ({
          %run_scoped3A_29 = tpu.sem_alloc : memref<!tpu.dma_semaphore, #tpu.memory_space<semaphore_mem>>
          %dma_start3A = arith.constant 0 : i32
          %dma_start3A_30 = tpu.memref_slice %arg20[%mul3A_0, %dma_start3A] : memref<10240x64xf32, #tpu.memory_space<vmem_shared>> -> memref<400x64xf32, #tpu.memory_space<vmem_shared>>
          %dma_start3A_31 = arith.constant 0 : i32
          %dma_start3A_32 = tpu.memref_slice %arg4[%mul3A_0, %dma_start3A_31] : memref<10000x64xf32, #tpu.memory_space<hbm>> -> memref<400x64xf32, #tpu.memory_space<hbm>>
          tpu.enqueue_dma source(%dma_start3A_32 : memref<400x64xf32, #tpu.memory_space<hbm>>) target(%dma_start3A_30 : memref<400x64xf32, #tpu.memory_space<vmem_shared>>) target_semaphore(%run_scoped3A_29 : memref<!tpu.dma_semaphore, #tpu.memory_space<semaphore_mem>>)
          %dma_wait3A = arith.constant 0 : i32
          %dma_wait3A_33 = tpu.memref_slice %arg20[%mul3A_0, %dma_wait3A] : memref<10240x64xf32, #tpu.memory_space<vmem_shared>> -> memref<400x64xf32, #tpu.memory_space<vmem_shared>>
          %dma_wait3A_34 = arith.constant 0 : i32
          %dma_wait3A_35 = tpu.memref_slice %arg4[%mul3A_0, %dma_wait3A_34] : memref<10000x64xf32, #tpu.memory_space<hbm>> -> memref<400x64xf32, #tpu.memory_space<hbm>>
          tpu.wait_dma2 semaphore(%run_scoped3A_29 : memref<!tpu.dma_semaphore, #tpu.memory_space<semaphore_mem>>) src(%dma_wait3A_35 : memref<400x64xf32, #tpu.memory_space<hbm>>) dst(%dma_wait3A_33 : memref<400x64xf32, #tpu.memory_space<vmem_shared>>)
          tpu.yield
        }) : () -> ()
      } else {
      }
    } else {
    }
    %barrier3A = arith.constant 0 : index
    tpu.barrier barrier_id(%barrier3A)
    %eq3A_9 = arith.constant 0 : i32
    %eq3A_10 = arith.cmpi eq, %arg0, %eq3A_9 : i32
    %convert_element_type3A_11 = arith.extui %eq3A_10 : i1 to i32
    %cond3A_12 = arith.constant 0 : i32
    %cond3A_13 = arith.cmpi ne, %convert_element_type3A_11, %cond3A_12 : i32
    scf.if %cond3A_13 {
      %dma_start3A = arith.constant 0 : i32
      %dma_start3A_20 = arith.constant 0 : i32
      %dma_start3A_21 = tpu.memref_slice %arg6[%dma_start3A, %dma_start3A_20] : memref<200x100xi32, #tpu.memory_space<vmem>> -> memref<1x100xi32, #tpu.memory_space<vmem>>
      %dma_start3A_22 = tpu.memref_squeeze %dma_start3A_21 : memref<1x100xi32, #tpu.memory_space<vmem>> -> memref<100xi32, #tpu.memory_space<vmem>>
      %dma_start3A_23 = arith.constant 0 : i32
      %dma_start3A_24 = arith.constant 0 : i32
      %dma_start3A_25 = tpu.memref_slice %arg3[%dma_start3A_23, %dma_start3A_24] : memref<10000x64xf32, #tpu.memory_space<hbm>> -> memref<10000x64xf32, #tpu.memory_space<hbm>>
      tpu.enqueue_indirect_dma source(%dma_start3A_25 : memref<10000x64xf32, #tpu.memory_space<hbm>>) target(%arg8 : memref<100x64xf32, #tpu.memory_space<vmem>>) offsets(%dma_start3A_22 : memref<100xi32, #tpu.memory_space<vmem>>) semaphore(%arg12 : memref<!tpu.dma_semaphore, #tpu.memory_space<semaphore_mem>>)
      %scan3A = arith.constant 0 : i32
      %scan3A_26 = arith.constant 0 : i32
      %scan3A_27 = arith.constant 200 : i32
      %scan3A_28 = arith.addi %scan3A_26, %scan3A_27 : i32
      %scan3A_29 = arith.constant 1 : i32
      scf.for %scan3A_37 = %scan3A_26 to %scan3A_28 step %scan3A_29  : i32 {
        %rem3A = arith.constant 4 : i32
        %rem3A_38 = arith.remsi %scan3A_37, %rem3A : i32
        %eq3A_39 = arith.constant 0 : i32
        %eq3A_40 = arith.cmpi eq, %rem3A_38, %eq3A_39 : i32
        %convert_element_type3A_41 = arith.extui %eq3A_40 : i1 to i32
        %cond3A_42 = arith.constant 0 : i32
        %cond3A_43 = arith.cmpi ne, %convert_element_type3A_41, %cond3A_42 : i32
        scf.if %cond3A_43 {
          %dma_wait3A_65 = arith.constant 0 : i32
          %dma_wait3A_66 = tpu.memref_slice %arg6[%scan3A_37, %dma_wait3A_65] : memref<200x100xi32, #tpu.memory_space<vmem>> -> memref<1x100xi32, #tpu.memory_space<vmem>>
          %dma_wait3A_67 = tpu.memref_squeeze %dma_wait3A_66 : memref<1x100xi32, #tpu.memory_space<vmem>> -> memref<100xi32, #tpu.memory_space<vmem>>
          %dma_wait3A_68 = arith.constant 0 : i32
          %dma_wait3A_69 = arith.constant 0 : i32
          %dma_wait3A_70 = tpu.memref_slice %arg3[%dma_wait3A_68, %dma_wait3A_69] : memref<10000x64xf32, #tpu.memory_space<hbm>> -> memref<10000x64xf32, #tpu.memory_space<hbm>>
          tpu.wait_indirect_dma semaphore(%arg12 : memref<!tpu.dma_semaphore, #tpu.memory_space<semaphore_mem>>) src(%dma_wait3A_70 : memref<10000x64xf32, #tpu.memory_space<hbm>>) dst(%arg8 : memref<100x64xf32, #tpu.memory_space<vmem>>)
          %ge3A = arith.constant 1 : i32
          %ge3A_71 = arith.cmpi sge, %scan3A_37, %ge3A : i32
          %convert_element_type3A_72 = arith.extui %ge3A_71 : i1 to i32
          %cond3A_73 = arith.constant 0 : i32
          %cond3A_74 = arith.cmpi ne, %convert_element_type3A_72, %cond3A_73 : i32
          scf.if %cond3A_74 {
            %sub3A = arith.constant 1 : i32
            %sub3A_86 = arith.subi %scan3A_37, %sub3A : i32
            %dma_wait3A_87 = arith.constant 0 : i32
            %dma_wait3A_88 = tpu.memref_slice %arg7[%sub3A_86, %dma_wait3A_87] : memref<200x100xi32, #tpu.memory_space<vmem>> -> memref<1x100xi32, #tpu.memory_space<vmem>>
            %dma_wait3A_89 = tpu.memref_squeeze %dma_wait3A_88 : memref<1x100xi32, #tpu.memory_space<vmem>> -> memref<100xi32, #tpu.memory_space<vmem>>
            %dma_wait3A_90 = arith.constant 0 : i32
            %dma_wait3A_91 = arith.constant 0 : i32
            %dma_wait3A_92 = tpu.memref_slice %arg20[%dma_wait3A_90, %dma_wait3A_91] : memref<10240x64xf32, #tpu.memory_space<vmem_shared>> -> memref<10240x64xf32, #tpu.memory_space<vmem_shared>>
            tpu.wait_indirect_dma semaphore(%arg19 : memref<!tpu.dma_semaphore, #tpu.memory_space<semaphore_mem>>) src(%arg11 : memref<100x64xf32, #tpu.memory_space<vmem>>) dst(%dma_wait3A_92 : memref<10240x64xf32, #tpu.memory_space<vmem_shared>>)
          } else {
          }
          %dma_start3A_75 = arith.constant 0 : i32
          %dma_start3A_76 = tpu.memref_slice %arg7[%scan3A_37, %dma_start3A_75] : memref<200x100xi32, #tpu.memory_space<vmem>> -> memref<1x100xi32, #tpu.memory_space<vmem>>
          %dma_start3A_77 = tpu.memref_squeeze %dma_start3A_76 : memref<1x100xi32, #tpu.memory_space<vmem>> -> memref<100xi32, #tpu.memory_space<vmem>>
          %dma_start3A_78 = arith.constant 0 : i32
          %dma_start3A_79 = arith.constant 0 : i32
          %dma_start3A_80 = tpu.memref_slice %arg20[%dma_start3A_78, %dma_start3A_79] : memref<10240x64xf32, #tpu.memory_space<vmem_shared>> -> memref<10240x64xf32, #tpu.memory_space<vmem_shared>>
          tpu.enqueue_indirect_dma source(%arg8 : memref<100x64xf32, #tpu.memory_space<vmem>>) target(%dma_start3A_80 : memref<10240x64xf32, #tpu.memory_space<vmem_shared>>) offsets(%dma_start3A_77 : memref<100xi32, #tpu.memory_space<vmem>>) semaphore(%arg16 : memref<!tpu.dma_semaphore, #tpu.memory_space<semaphore_mem>>) {add = true}
          %add3A = arith.constant 1 : i32
          %add3A_81 = arith.addi %scan3A_37, %add3A : i32
          %lt3A = arith.constant 200 : i32
          %lt3A_82 = arith.cmpi slt, %add3A_81, %lt3A : i32
          %convert_element_type3A_83 = arith.extui %lt3A_82 : i1 to i32
          %cond3A_84 = arith.constant 0 : i32
          %cond3A_85 = arith.cmpi ne, %convert_element_type3A_83, %cond3A_84 : i32
          scf.if %cond3A_85 {
            %add3A_86 = arith.constant 1 : i32
            %add3A_87 = arith.addi %scan3A_37, %add3A_86 : i32
            %dma_start3A_88 = arith.constant 0 : i32
            %dma_start3A_89 = tpu.memref_slice %arg6[%add3A_87, %dma_start3A_88] : memref<200x100xi32, #tpu.memory_space<vmem>> -> memref<1x100xi32, #tpu.memory_space<vmem>>
            %dma_start3A_90 = tpu.memref_squeeze %dma_start3A_89 : memref<1x100xi32, #tpu.memory_space<vmem>> -> memref<100xi32, #tpu.memory_space<vmem>>
            %dma_start3A_91 = arith.constant 0 : i32
            %dma_start3A_92 = arith.constant 0 : i32
            %dma_start3A_93 = tpu.memref_slice %arg3[%dma_start3A_91, %dma_start3A_92] : memref<10000x64xf32, #tpu.memory_space<hbm>> -> memref<10000x64xf32, #tpu.memory_space<hbm>>
            tpu.enqueue_indirect_dma source(%dma_start3A_93 : memref<10000x64xf32, #tpu.memory_space<hbm>>) target(%arg9 : memref<100x64xf32, #tpu.memory_space<vmem>>) offsets(%dma_start3A_90 : memref<100xi32, #tpu.memory_space<vmem>>) semaphore(%arg13 : memref<!tpu.dma_semaphore, #tpu.memory_space<semaphore_mem>>)
          } else {
          }
        } else {
        }
        %rem3A_44 = arith.constant 4 : i32
        %rem3A_45 = arith.remsi %scan3A_37, %rem3A_44 : i32
        %eq3A_46 = arith.constant 1 : i32
        %eq3A_47 = arith.cmpi eq, %rem3A_45, %eq3A_46 : i32
        %convert_element_type3A_48 = arith.extui %eq3A_47 : i1 to i32
        %cond3A_49 = arith.constant 0 : i32
        %cond3A_50 = arith.cmpi ne, %convert_element_type3A_48, %cond3A_49 : i32
        scf.if %cond3A_50 {
          %dma_wait3A_65 = arith.constant 0 : i32
          %dma_wait3A_66 = tpu.memref_slice %arg6[%scan3A_37, %dma_wait3A_65] : memref<200x100xi32, #tpu.memory_space<vmem>> -> memref<1x100xi32, #tpu.memory_space<vmem>>
          %dma_wait3A_67 = tpu.memref_squeeze %dma_wait3A_66 : memref<1x100xi32, #tpu.memory_space<vmem>> -> memref<100xi32, #tpu.memory_space<vmem>>
          %dma_wait3A_68 = arith.constant 0 : i32
          %dma_wait3A_69 = arith.constant 0 : i32
          %dma_wait3A_70 = tpu.memref_slice %arg3[%dma_wait3A_68, %dma_wait3A_69] : memref<10000x64xf32, #tpu.memory_space<hbm>> -> memref<10000x64xf32, #tpu.memory_space<hbm>>
          tpu.wait_indirect_dma semaphore(%arg13 : memref<!tpu.dma_semaphore, #tpu.memory_space<semaphore_mem>>) src(%dma_wait3A_70 : memref<10000x64xf32, #tpu.memory_space<hbm>>) dst(%arg9 : memref<100x64xf32, #tpu.memory_space<vmem>>)
          %ge3A = arith.constant 1 : i32
          %ge3A_71 = arith.cmpi sge, %scan3A_37, %ge3A : i32
          %convert_element_type3A_72 = arith.extui %ge3A_71 : i1 to i32
          %cond3A_73 = arith.constant 0 : i32
          %cond3A_74 = arith.cmpi ne, %convert_element_type3A_72, %cond3A_73 : i32
          scf.if %cond3A_74 {
            %sub3A = arith.constant 1 : i32
            %sub3A_86 = arith.subi %scan3A_37, %sub3A : i32
            %dma_wait3A_87 = arith.constant 0 : i32
            %dma_wait3A_88 = tpu.memref_slice %arg7[%sub3A_86, %dma_wait3A_87] : memref<200x100xi32, #tpu.memory_space<vmem>> -> memref<1x100xi32, #tpu.memory_space<vmem>>
            %dma_wait3A_89 = tpu.memref_squeeze %dma_wait3A_88 : memref<1x100xi32, #tpu.memory_space<vmem>> -> memref<100xi32, #tpu.memory_space<vmem>>
            %dma_wait3A_90 = arith.constant 0 : i32
            %dma_wait3A_91 = arith.constant 0 : i32
            %dma_wait3A_92 = tpu.memref_slice %arg20[%dma_wait3A_90, %dma_wait3A_91] : memref<10240x64xf32, #tpu.memory_space<vmem_shared>> -> memref<10240x64xf32, #tpu.memory_space<vmem_shared>>
            tpu.wait_indirect_dma semaphore(%arg16 : memref<!tpu.dma_semaphore, #tpu.memory_space<semaphore_mem>>) src(%arg8 : memref<100x64xf32, #tpu.memory_space<vmem>>) dst(%dma_wait3A_92 : memref<10240x64xf32, #tpu.memory_space<vmem_shared>>)
          } else {
          }
          %dma_start3A_75 = arith.constant 0 : i32
          %dma_start3A_76 = tpu.memref_slice %arg7[%scan3A_37, %dma_start3A_75] : memref<200x100xi32, #tpu.memory_space<vmem>> -> memref<1x100xi32, #tpu.memory_space<vmem>>
          %dma_start3A_77 = tpu.memref_squeeze %dma_start3A_76 : memref<1x100xi32, #tpu.memory_space<vmem>> -> memref<100xi32, #tpu.memory_space<vmem>>
          %dma_start3A_78 = arith.constant 0 : i32
          %dma_start3A_79 = arith.constant 0 : i32
          %dma_start3A_80 = tpu.memref_slice %arg20[%dma_start3A_78, %dma_start3A_79] : memref<10240x64xf32, #tpu.memory_space<vmem_shared>> -> memref<10240x64xf32, #tpu.memory_space<vmem_shared>>
          tpu.enqueue_indirect_dma source(%arg9 : memref<100x64xf32, #tpu.memory_space<vmem>>) target(%dma_start3A_80 : memref<10240x64xf32, #tpu.memory_space<vmem_shared>>) offsets(%dma_start3A_77 : memref<100xi32, #tpu.memory_space<vmem>>) semaphore(%arg17 : memref<!tpu.dma_semaphore, #tpu.memory_space<semaphore_mem>>) {add = true}
          %add3A = arith.constant 1 : i32
          %add3A_81 = arith.addi %scan3A_37, %add3A : i32
          %lt3A = arith.constant 200 : i32
          %lt3A_82 = arith.cmpi slt, %add3A_81, %lt3A : i32
          %convert_element_type3A_83 = arith.extui %lt3A_82 : i1 to i32
          %cond3A_84 = arith.constant 0 : i32
          %cond3A_85 = arith.cmpi ne, %convert_element_type3A_83, %cond3A_84 : i32
          scf.if %cond3A_85 {
            %add3A_86 = arith.constant 1 : i32
            %add3A_87 = arith.addi %scan3A_37, %add3A_86 : i32
            %dma_start3A_88 = arith.constant 0 : i32
            %dma_start3A_89 = tpu.memref_slice %arg6[%add3A_87, %dma_start3A_88] : memref<200x100xi32, #tpu.memory_space<vmem>> -> memref<1x100xi32, #tpu.memory_space<vmem>>
            %dma_start3A_90 = tpu.memref_squeeze %dma_start3A_89 : memref<1x100xi32, #tpu.memory_space<vmem>> -> memref<100xi32, #tpu.memory_space<vmem>>
            %dma_start3A_91 = arith.constant 0 : i32
            %dma_start3A_92 = arith.constant 0 : i32
            %dma_start3A_93 = tpu.memref_slice %arg3[%dma_start3A_91, %dma_start3A_92] : memref<10000x64xf32, #tpu.memory_space<hbm>> -> memref<10000x64xf32, #tpu.memory_space<hbm>>
            tpu.enqueue_indirect_dma source(%dma_start3A_93 : memref<10000x64xf32, #tpu.memory_space<hbm>>) target(%arg10 : memref<100x64xf32, #tpu.memory_space<vmem>>) offsets(%dma_start3A_90 : memref<100xi32, #tpu.memory_space<vmem>>) semaphore(%arg14 : memref<!tpu.dma_semaphore, #tpu.memory_space<semaphore_mem>>)
          } else {
          }
        } else {
        }
        %rem3A_51 = arith.constant 4 : i32
        %rem3A_52 = arith.remsi %scan3A_37, %rem3A_51 : i32
        %eq3A_53 = arith.constant 2 : i32
        %eq3A_54 = arith.cmpi eq, %rem3A_52, %eq3A_53 : i32
        %convert_element_type3A_55 = arith.extui %eq3A_54 : i1 to i32
        %cond3A_56 = arith.constant 0 : i32
        %cond3A_57 = arith.cmpi ne, %convert_element_type3A_55, %cond3A_56 : i32
        scf.if %cond3A_57 {
          %dma_wait3A_65 = arith.constant 0 : i32
          %dma_wait3A_66 = tpu.memref_slice %arg6[%scan3A_37, %dma_wait3A_65] : memref<200x100xi32, #tpu.memory_space<vmem>> -> memref<1x100xi32, #tpu.memory_space<vmem>>
          %dma_wait3A_67 = tpu.memref_squeeze %dma_wait3A_66 : memref<1x100xi32, #tpu.memory_space<vmem>> -> memref<100xi32, #tpu.memory_space<vmem>>
          %dma_wait3A_68 = arith.constant 0 : i32
          %dma_wait3A_69 = arith.constant 0 : i32
          %dma_wait3A_70 = tpu.memref_slice %arg3[%dma_wait3A_68, %dma_wait3A_69] : memref<10000x64xf32, #tpu.memory_space<hbm>> -> memref<10000x64xf32, #tpu.memory_space<hbm>>
          tpu.wait_indirect_dma semaphore(%arg14 : memref<!tpu.dma_semaphore, #tpu.memory_space<semaphore_mem>>) src(%dma_wait3A_70 : memref<10000x64xf32, #tpu.memory_space<hbm>>) dst(%arg10 : memref<100x64xf32, #tpu.memory_space<vmem>>)
          %ge3A = arith.constant 1 : i32
          %ge3A_71 = arith.cmpi sge, %scan3A_37, %ge3A : i32
          %convert_element_type3A_72 = arith.extui %ge3A_71 : i1 to i32
          %cond3A_73 = arith.constant 0 : i32
          %cond3A_74 = arith.cmpi ne, %convert_element_type3A_72, %cond3A_73 : i32
          scf.if %cond3A_74 {
            %sub3A = arith.constant 1 : i32
            %sub3A_86 = arith.subi %scan3A_37, %sub3A : i32
            %dma_wait3A_87 = arith.constant 0 : i32
            %dma_wait3A_88 = tpu.memref_slice %arg7[%sub3A_86, %dma_wait3A_87] : memref<200x100xi32, #tpu.memory_space<vmem>> -> memref<1x100xi32, #tpu.memory_space<vmem>>
            %dma_wait3A_89 = tpu.memref_squeeze %dma_wait3A_88 : memref<1x100xi32, #tpu.memory_space<vmem>> -> memref<100xi32, #tpu.memory_space<vmem>>
            %dma_wait3A_90 = arith.constant 0 : i32
            %dma_wait3A_91 = arith.constant 0 : i32
            %dma_wait3A_92 = tpu.memref_slice %arg20[%dma_wait3A_90, %dma_wait3A_91] : memref<10240x64xf32, #tpu.memory_space<vmem_shared>> -> memref<10240x64xf32, #tpu.memory_space<vmem_shared>>
            tpu.wait_indirect_dma semaphore(%arg17 : memref<!tpu.dma_semaphore, #tpu.memory_space<semaphore_mem>>) src(%arg9 : memref<100x64xf32, #tpu.memory_space<vmem>>) dst(%dma_wait3A_92 : memref<10240x64xf32, #tpu.memory_space<vmem_shared>>)
          } else {
          }
          %dma_start3A_75 = arith.constant 0 : i32
          %dma_start3A_76 = tpu.memref_slice %arg7[%scan3A_37, %dma_start3A_75] : memref<200x100xi32, #tpu.memory_space<vmem>> -> memref<1x100xi32, #tpu.memory_space<vmem>>
          %dma_start3A_77 = tpu.memref_squeeze %dma_start3A_76 : memref<1x100xi32, #tpu.memory_space<vmem>> -> memref<100xi32, #tpu.memory_space<vmem>>
          %dma_start3A_78 = arith.constant 0 : i32
          %dma_start3A_79 = arith.constant 0 : i32
          %dma_start3A_80 = tpu.memref_slice %arg20[%dma_start3A_78, %dma_start3A_79] : memref<10240x64xf32, #tpu.memory_space<vmem_shared>> -> memref<10240x64xf32, #tpu.memory_space<vmem_shared>>
          tpu.enqueue_indirect_dma source(%arg10 : memref<100x64xf32, #tpu.memory_space<vmem>>) target(%dma_start3A_80 : memref<10240x64xf32, #tpu.memory_space<vmem_shared>>) offsets(%dma_start3A_77 : memref<100xi32, #tpu.memory_space<vmem>>) semaphore(%arg18 : memref<!tpu.dma_semaphore, #tpu.memory_space<semaphore_mem>>) {add = true}
          %add3A = arith.constant 1 : i32
          %add3A_81 = arith.addi %scan3A_37, %add3A : i32
          %lt3A = arith.constant 200 : i32
          %lt3A_82 = arith.cmpi slt, %add3A_81, %lt3A : i32
          %convert_element_type3A_83 = arith.extui %lt3A_82 : i1 to i32
          %cond3A_84 = arith.constant 0 : i32
          %cond3A_85 = arith.cmpi ne, %convert_element_type3A_83, %cond3A_84 : i32
          scf.if %cond3A_85 {
            %add3A_86 = arith.constant 1 : i32
            %add3A_87 = arith.addi %scan3A_37, %add3A_86 : i32
            %dma_start3A_88 = arith.constant 0 : i32
            %dma_start3A_89 = tpu.memref_slice %arg6[%add3A_87, %dma_start3A_88] : memref<200x100xi32, #tpu.memory_space<vmem>> -> memref<1x100xi32, #tpu.memory_space<vmem>>
            %dma_start3A_90 = tpu.memref_squeeze %dma_start3A_89 : memref<1x100xi32, #tpu.memory_space<vmem>> -> memref<100xi32, #tpu.memory_space<vmem>>
            %dma_start3A_91 = arith.constant 0 : i32
            %dma_start3A_92 = arith.constant 0 : i32
            %dma_start3A_93 = tpu.memref_slice %arg3[%dma_start3A_91, %dma_start3A_92] : memref<10000x64xf32, #tpu.memory_space<hbm>> -> memref<10000x64xf32, #tpu.memory_space<hbm>>
            tpu.enqueue_indirect_dma source(%dma_start3A_93 : memref<10000x64xf32, #tpu.memory_space<hbm>>) target(%arg11 : memref<100x64xf32, #tpu.memory_space<vmem>>) offsets(%dma_start3A_90 : memref<100xi32, #tpu.memory_space<vmem>>) semaphore(%arg15 : memref<!tpu.dma_semaphore, #tpu.memory_space<semaphore_mem>>)
          } else {
          }
        } else {
        }
        %rem3A_58 = arith.constant 4 : i32
        %rem3A_59 = arith.remsi %scan3A_37, %rem3A_58 : i32
        %eq3A_60 = arith.constant 3 : i32
        %eq3A_61 = arith.cmpi eq, %rem3A_59, %eq3A_60 : i32
        %convert_element_type3A_62 = arith.extui %eq3A_61 : i1 to i32
        %cond3A_63 = arith.constant 0 : i32
        %cond3A_64 = arith.cmpi ne, %convert_element_type3A_62, %cond3A_63 : i32
        scf.if %cond3A_64 {
          %dma_wait3A_65 = arith.constant 0 : i32
          %dma_wait3A_66 = tpu.memref_slice %arg6[%scan3A_37, %dma_wait3A_65] : memref<200x100xi32, #tpu.memory_space<vmem>> -> memref<1x100xi32, #tpu.memory_space<vmem>>
          %dma_wait3A_67 = tpu.memref_squeeze %dma_wait3A_66 : memref<1x100xi32, #tpu.memory_space<vmem>> -> memref<100xi32, #tpu.memory_space<vmem>>
          %dma_wait3A_68 = arith.constant 0 : i32
          %dma_wait3A_69 = arith.constant 0 : i32
          %dma_wait3A_70 = tpu.memref_slice %arg3[%dma_wait3A_68, %dma_wait3A_69] : memref<10000x64xf32, #tpu.memory_space<hbm>> -> memref<10000x64xf32, #tpu.memory_space<hbm>>
          tpu.wait_indirect_dma semaphore(%arg15 : memref<!tpu.dma_semaphore, #tpu.memory_space<semaphore_mem>>) src(%dma_wait3A_70 : memref<10000x64xf32, #tpu.memory_space<hbm>>) dst(%arg11 : memref<100x64xf32, #tpu.memory_space<vmem>>)
          %ge3A = arith.constant 1 : i32
          %ge3A_71 = arith.cmpi sge, %scan3A_37, %ge3A : i32
          %convert_element_type3A_72 = arith.extui %ge3A_71 : i1 to i32
          %cond3A_73 = arith.constant 0 : i32
          %cond3A_74 = arith.cmpi ne, %convert_element_type3A_72, %cond3A_73 : i32
          scf.if %cond3A_74 {
            %sub3A = arith.constant 1 : i32
            %sub3A_86 = arith.subi %scan3A_37, %sub3A : i32
            %dma_wait3A_87 = arith.constant 0 : i32
            %dma_wait3A_88 = tpu.memref_slice %arg7[%sub3A_86, %dma_wait3A_87] : memref<200x100xi32, #tpu.memory_space<vmem>> -> memref<1x100xi32, #tpu.memory_space<vmem>>
            %dma_wait3A_89 = tpu.memref_squeeze %dma_wait3A_88 : memref<1x100xi32, #tpu.memory_space<vmem>> -> memref<100xi32, #tpu.memory_space<vmem>>
            %dma_wait3A_90 = arith.constant 0 : i32
            %dma_wait3A_91 = arith.constant 0 : i32
            %dma_wait3A_92 = tpu.memref_slice %arg20[%dma_wait3A_90, %dma_wait3A_91] : memref<10240x64xf32, #tpu.memory_space<vmem_shared>> -> memref<10240x64xf32, #tpu.memory_space<vmem_shared>>
            tpu.wait_indirect_dma semaphore(%arg18 : memref<!tpu.dma_semaphore, #tpu.memory_space<semaphore_mem>>) src(%arg10 : memref<100x64xf32, #tpu.memory_space<vmem>>) dst(%dma_wait3A_92 : memref<10240x64xf32, #tpu.memory_space<vmem_shared>>)
          } else {
          }
          %dma_start3A_75 = arith.constant 0 : i32
          %dma_start3A_76 = tpu.memref_slice %arg7[%scan3A_37, %dma_start3A_75] : memref<200x100xi32, #tpu.memory_space<vmem>> -> memref<1x100xi32, #tpu.memory_space<vmem>>
          %dma_start3A_77 = tpu.memref_squeeze %dma_start3A_76 : memref<1x100xi32, #tpu.memory_space<vmem>> -> memref<100xi32, #tpu.memory_space<vmem>>
          %dma_start3A_78 = arith.constant 0 : i32
          %dma_start3A_79 = arith.constant 0 : i32
          %dma_start3A_80 = tpu.memref_slice %arg20[%dma_start3A_78, %dma_start3A_79] : memref<10240x64xf32, #tpu.memory_space<vmem_shared>> -> memref<10240x64xf32, #tpu.memory_space<vmem_shared>>
          tpu.enqueue_indirect_dma source(%arg11 : memref<100x64xf32, #tpu.memory_space<vmem>>) target(%dma_start3A_80 : memref<10240x64xf32, #tpu.memory_space<vmem_shared>>) offsets(%dma_start3A_77 : memref<100xi32, #tpu.memory_space<vmem>>) semaphore(%arg19 : memref<!tpu.dma_semaphore, #tpu.memory_space<semaphore_mem>>) {add = true}
          %add3A = arith.constant 1 : i32
          %add3A_81 = arith.addi %scan3A_37, %add3A : i32
          %lt3A = arith.constant 200 : i32
          %lt3A_82 = arith.cmpi slt, %add3A_81, %lt3A : i32
          %convert_element_type3A_83 = arith.extui %lt3A_82 : i1 to i32
          %cond3A_84 = arith.constant 0 : i32
          %cond3A_85 = arith.cmpi ne, %convert_element_type3A_83, %cond3A_84 : i32
          scf.if %cond3A_85 {
            %add3A_86 = arith.constant 1 : i32
            %add3A_87 = arith.addi %scan3A_37, %add3A_86 : i32
            %dma_start3A_88 = arith.constant 0 : i32
            %dma_start3A_89 = tpu.memref_slice %arg6[%add3A_87, %dma_start3A_88] : memref<200x100xi32, #tpu.memory_space<vmem>> -> memref<1x100xi32, #tpu.memory_space<vmem>>
            %dma_start3A_90 = tpu.memref_squeeze %dma_start3A_89 : memref<1x100xi32, #tpu.memory_space<vmem>> -> memref<100xi32, #tpu.memory_space<vmem>>
            %dma_start3A_91 = arith.constant 0 : i32
            %dma_start3A_92 = arith.constant 0 : i32
            %dma_start3A_93 = tpu.memref_slice %arg3[%dma_start3A_91, %dma_start3A_92] : memref<10000x64xf32, #tpu.memory_space<hbm>> -> memref<10000x64xf32, #tpu.memory_space<hbm>>
            tpu.enqueue_indirect_dma source(%dma_start3A_93 : memref<10000x64xf32, #tpu.memory_space<hbm>>) target(%arg8 : memref<100x64xf32, #tpu.memory_space<vmem>>) offsets(%dma_start3A_90 : memref<100xi32, #tpu.memory_space<vmem>>) semaphore(%arg12 : memref<!tpu.dma_semaphore, #tpu.memory_space<semaphore_mem>>)
          } else {
          }
        } else {
        }
      }
      %scan3A_30 = arith.constant 200 : i32
      %dma_wait3A = arith.constant 199 : i32
      %dma_wait3A_31 = arith.constant 0 : i32
      %dma_wait3A_32 = tpu.memref_slice %arg7[%dma_wait3A, %dma_wait3A_31] : memref<200x100xi32, #tpu.memory_space<vmem>> -> memref<1x100xi32, #tpu.memory_space<vmem>>
      %dma_wait3A_33 = tpu.memref_squeeze %dma_wait3A_32 : memref<1x100xi32, #tpu.memory_space<vmem>> -> memref<100xi32, #tpu.memory_space<vmem>>
      %dma_wait3A_34 = arith.constant 0 : i32
      %dma_wait3A_35 = arith.constant 0 : i32
      %dma_wait3A_36 = tpu.memref_slice %arg20[%dma_wait3A_34, %dma_wait3A_35] : memref<10240x64xf32, #tpu.memory_space<vmem_shared>> -> memref<10240x64xf32, #tpu.memory_space<vmem_shared>>
      tpu.wait_indirect_dma semaphore(%arg19 : memref<!tpu.dma_semaphore, #tpu.memory_space<semaphore_mem>>) src(%arg11 : memref<100x64xf32, #tpu.memory_space<vmem>>) dst(%dma_wait3A_36 : memref<10240x64xf32, #tpu.memory_space<vmem_shared>>)
    } else {
    }
    %eq3A_14 = arith.constant 1 : i32
    %eq3A_15 = arith.cmpi eq, %arg0, %eq3A_14 : i32
    %convert_element_type3A_16 = arith.extui %eq3A_15 : i1 to i32
    %cond3A_17 = arith.constant 0 : i32
    %cond3A_18 = arith.cmpi ne, %convert_element_type3A_16, %cond3A_17 : i32
    scf.if %cond3A_18 {
      %dma_start3A = arith.constant 0 : i32
      %dma_start3A_20 = arith.constant 0 : i32
      %dma_start3A_21 = tpu.memref_slice %arg6[%dma_start3A, %dma_start3A_20] : memref<200x100xi32, #tpu.memory_space<vmem>> -> memref<1x100xi32, #tpu.memory_space<vmem>>
      %dma_start3A_22 = tpu.memref_squeeze %dma_start3A_21 : memref<1x100xi32, #tpu.memory_space<vmem>> -> memref<100xi32, #tpu.memory_space<vmem>>
      %dma_start3A_23 = arith.constant 0 : i32
      %dma_start3A_24 = arith.constant 0 : i32
      %dma_start3A_25 = tpu.memref_slice %arg4[%dma_start3A_23, %dma_start3A_24] : memref<10000x64xf32, #tpu.memory_space<hbm>> -> memref<10000x64xf32, #tpu.memory_space<hbm>>
      tpu.enqueue_indirect_dma source(%dma_start3A_25 : memref<10000x64xf32, #tpu.memory_space<hbm>>) target(%arg8 : memref<100x64xf32, #tpu.memory_space<vmem>>) offsets(%dma_start3A_22 : memref<100xi32, #tpu.memory_space<vmem>>) semaphore(%arg12 : memref<!tpu.dma_semaphore, #tpu.memory_space<semaphore_mem>>)
      %scan3A = arith.constant 0 : i32
      %scan3A_26 = arith.constant 0 : i32
      %scan3A_27 = arith.constant 200 : i32
      %scan3A_28 = arith.addi %scan3A_26, %scan3A_27 : i32
      %scan3A_29 = arith.constant 1 : i32
      scf.for %scan3A_37 = %scan3A_26 to %scan3A_28 step %scan3A_29  : i32 {
        %rem3A = arith.constant 4 : i32
        %rem3A_38 = arith.remsi %scan3A_37, %rem3A : i32
        %eq3A_39 = arith.constant 0 : i32
        %eq3A_40 = arith.cmpi eq, %rem3A_38, %eq3A_39 : i32
        %convert_element_type3A_41 = arith.extui %eq3A_40 : i1 to i32
        %cond3A_42 = arith.constant 0 : i32
        %cond3A_43 = arith.cmpi ne, %convert_element_type3A_41, %cond3A_42 : i32
        scf.if %cond3A_43 {
          %dma_wait3A_65 = arith.constant 0 : i32
          %dma_wait3A_66 = tpu.memref_slice %arg6[%scan3A_37, %dma_wait3A_65] : memref<200x100xi32, #tpu.memory_space<vmem>> -> memref<1x100xi32, #tpu.memory_space<vmem>>
          %dma_wait3A_67 = tpu.memref_squeeze %dma_wait3A_66 : memref<1x100xi32, #tpu.memory_space<vmem>> -> memref<100xi32, #tpu.memory_space<vmem>>
          %dma_wait3A_68 = arith.constant 0 : i32
          %dma_wait3A_69 = arith.constant 0 : i32
          %dma_wait3A_70 = tpu.memref_slice %arg4[%dma_wait3A_68, %dma_wait3A_69] : memref<10000x64xf32, #tpu.memory_space<hbm>> -> memref<10000x64xf32, #tpu.memory_space<hbm>>
          tpu.wait_indirect_dma semaphore(%arg12 : memref<!tpu.dma_semaphore, #tpu.memory_space<semaphore_mem>>) src(%dma_wait3A_70 : memref<10000x64xf32, #tpu.memory_space<hbm>>) dst(%arg8 : memref<100x64xf32, #tpu.memory_space<vmem>>)
          %ge3A = arith.constant 1 : i32
          %ge3A_71 = arith.cmpi sge, %scan3A_37, %ge3A : i32
          %convert_element_type3A_72 = arith.extui %ge3A_71 : i1 to i32
          %cond3A_73 = arith.constant 0 : i32
          %cond3A_74 = arith.cmpi ne, %convert_element_type3A_72, %cond3A_73 : i32
          scf.if %cond3A_74 {
            %sub3A = arith.constant 1 : i32
            %sub3A_86 = arith.subi %scan3A_37, %sub3A : i32
            %dma_wait3A_87 = arith.constant 0 : i32
            %dma_wait3A_88 = tpu.memref_slice %arg7[%sub3A_86, %dma_wait3A_87] : memref<200x100xi32, #tpu.memory_space<vmem>> -> memref<1x100xi32, #tpu.memory_space<vmem>>
            %dma_wait3A_89 = tpu.memref_squeeze %dma_wait3A_88 : memref<1x100xi32, #tpu.memory_space<vmem>> -> memref<100xi32, #tpu.memory_space<vmem>>
            %dma_wait3A_90 = arith.constant 0 : i32
            %dma_wait3A_91 = arith.constant 0 : i32
            %dma_wait3A_92 = tpu.memref_slice %arg20[%dma_wait3A_90, %dma_wait3A_91] : memref<10240x64xf32, #tpu.memory_space<vmem_shared>> -> memref<10240x64xf32, #tpu.memory_space<vmem_shared>>
            tpu.wait_indirect_dma semaphore(%arg19 : memref<!tpu.dma_semaphore, #tpu.memory_space<semaphore_mem>>) src(%arg11 : memref<100x64xf32, #tpu.memory_space<vmem>>) dst(%dma_wait3A_92 : memref<10240x64xf32, #tpu.memory_space<vmem_shared>>)
          } else {
          }
          %dma_start3A_75 = arith.constant 0 : i32
          %dma_start3A_76 = tpu.memref_slice %arg7[%scan3A_37, %dma_start3A_75] : memref<200x100xi32, #tpu.memory_space<vmem>> -> memref<1x100xi32, #tpu.memory_space<vmem>>
          %dma_start3A_77 = tpu.memref_squeeze %dma_start3A_76 : memref<1x100xi32, #tpu.memory_space<vmem>> -> memref<100xi32, #tpu.memory_space<vmem>>
          %dma_start3A_78 = arith.constant 0 : i32
          %dma_start3A_79 = arith.constant 0 : i32
          %dma_start3A_80 = tpu.memref_slice %arg20[%dma_start3A_78, %dma_start3A_79] : memref<10240x64xf32, #tpu.memory_space<vmem_shared>> -> memref<10240x64xf32, #tpu.memory_space<vmem_shared>>
          tpu.enqueue_indirect_dma source(%arg8 : memref<100x64xf32, #tpu.memory_space<vmem>>) target(%dma_start3A_80 : memref<10240x64xf32, #tpu.memory_space<vmem_shared>>) offsets(%dma_start3A_77 : memref<100xi32, #tpu.memory_space<vmem>>) semaphore(%arg16 : memref<!tpu.dma_semaphore, #tpu.memory_space<semaphore_mem>>) {add = true}
          %add3A = arith.constant 1 : i32
          %add3A_81 = arith.addi %scan3A_37, %add3A : i32
          %lt3A = arith.constant 200 : i32
          %lt3A_82 = arith.cmpi slt, %add3A_81, %lt3A : i32
          %convert_element_type3A_83 = arith.extui %lt3A_82 : i1 to i32
          %cond3A_84 = arith.constant 0 : i32
          %cond3A_85 = arith.cmpi ne, %convert_element_type3A_83, %cond3A_84 : i32
          scf.if %cond3A_85 {
            %add3A_86 = arith.constant 1 : i32
            %add3A_87 = arith.addi %scan3A_37, %add3A_86 : i32
            %dma_start3A_88 = arith.constant 0 : i32
            %dma_start3A_89 = tpu.memref_slice %arg6[%add3A_87, %dma_start3A_88] : memref<200x100xi32, #tpu.memory_space<vmem>> -> memref<1x100xi32, #tpu.memory_space<vmem>>
            %dma_start3A_90 = tpu.memref_squeeze %dma_start3A_89 : memref<1x100xi32, #tpu.memory_space<vmem>> -> memref<100xi32, #tpu.memory_space<vmem>>
            %dma_start3A_91 = arith.constant 0 : i32
            %dma_start3A_92 = arith.constant 0 : i32
            %dma_start3A_93 = tpu.memref_slice %arg4[%dma_start3A_91, %dma_start3A_92] : memref<10000x64xf32, #tpu.memory_space<hbm>> -> memref<10000x64xf32, #tpu.memory_space<hbm>>
            tpu.enqueue_indirect_dma source(%dma_start3A_93 : memref<10000x64xf32, #tpu.memory_space<hbm>>) target(%arg9 : memref<100x64xf32, #tpu.memory_space<vmem>>) offsets(%dma_start3A_90 : memref<100xi32, #tpu.memory_space<vmem>>) semaphore(%arg13 : memref<!tpu.dma_semaphore, #tpu.memory_space<semaphore_mem>>)
          } else {
          }
        } else {
        }
        %rem3A_44 = arith.constant 4 : i32
        %rem3A_45 = arith.remsi %scan3A_37, %rem3A_44 : i32
        %eq3A_46 = arith.constant 1 : i32
        %eq3A_47 = arith.cmpi eq, %rem3A_45, %eq3A_46 : i32
        %convert_element_type3A_48 = arith.extui %eq3A_47 : i1 to i32
        %cond3A_49 = arith.constant 0 : i32
        %cond3A_50 = arith.cmpi ne, %convert_element_type3A_48, %cond3A_49 : i32
        scf.if %cond3A_50 {
          %dma_wait3A_65 = arith.constant 0 : i32
          %dma_wait3A_66 = tpu.memref_slice %arg6[%scan3A_37, %dma_wait3A_65] : memref<200x100xi32, #tpu.memory_space<vmem>> -> memref<1x100xi32, #tpu.memory_space<vmem>>
          %dma_wait3A_67 = tpu.memref_squeeze %dma_wait3A_66 : memref<1x100xi32, #tpu.memory_space<vmem>> -> memref<100xi32, #tpu.memory_space<vmem>>
          %dma_wait3A_68 = arith.constant 0 : i32
          %dma_wait3A_69 = arith.constant 0 : i32
          %dma_wait3A_70 = tpu.memref_slice %arg4[%dma_wait3A_68, %dma_wait3A_69] : memref<10000x64xf32, #tpu.memory_space<hbm>> -> memref<10000x64xf32, #tpu.memory_space<hbm>>
          tpu.wait_indirect_dma semaphore(%arg13 : memref<!tpu.dma_semaphore, #tpu.memory_space<semaphore_mem>>) src(%dma_wait3A_70 : memref<10000x64xf32, #tpu.memory_space<hbm>>) dst(%arg9 : memref<100x64xf32, #tpu.memory_space<vmem>>)
          %ge3A = arith.constant 1 : i32
          %ge3A_71 = arith.cmpi sge, %scan3A_37, %ge3A : i32
          %convert_element_type3A_72 = arith.extui %ge3A_71 : i1 to i32
          %cond3A_73 = arith.constant 0 : i32
          %cond3A_74 = arith.cmpi ne, %convert_element_type3A_72, %cond3A_73 : i32
          scf.if %cond3A_74 {
            %sub3A = arith.constant 1 : i32
            %sub3A_86 = arith.subi %scan3A_37, %sub3A : i32
            %dma_wait3A_87 = arith.constant 0 : i32
            %dma_wait3A_88 = tpu.memref_slice %arg7[%sub3A_86, %dma_wait3A_87] : memref<200x100xi32, #tpu.memory_space<vmem>> -> memref<1x100xi32, #tpu.memory_space<vmem>>
            %dma_wait3A_89 = tpu.memref_squeeze %dma_wait3A_88 : memref<1x100xi32, #tpu.memory_space<vmem>> -> memref<100xi32, #tpu.memory_space<vmem>>
            %dma_wait3A_90 = arith.constant 0 : i32
            %dma_wait3A_91 = arith.constant 0 : i32
            %dma_wait3A_92 = tpu.memref_slice %arg20[%dma_wait3A_90, %dma_wait3A_91] : memref<10240x64xf32, #tpu.memory_space<vmem_shared>> -> memref<10240x64xf32, #tpu.memory_space<vmem_shared>>
            tpu.wait_indirect_dma semaphore(%arg16 : memref<!tpu.dma_semaphore, #tpu.memory_space<semaphore_mem>>) src(%arg8 : memref<100x64xf32, #tpu.memory_space<vmem>>) dst(%dma_wait3A_92 : memref<10240x64xf32, #tpu.memory_space<vmem_shared>>)
          } else {
          }
          %dma_start3A_75 = arith.constant 0 : i32
          %dma_start3A_76 = tpu.memref_slice %arg7[%scan3A_37, %dma_start3A_75] : memref<200x100xi32, #tpu.memory_space<vmem>> -> memref<1x100xi32, #tpu.memory_space<vmem>>
          %dma_start3A_77 = tpu.memref_squeeze %dma_start3A_76 : memref<1x100xi32, #tpu.memory_space<vmem>> -> memref<100xi32, #tpu.memory_space<vmem>>
          %dma_start3A_78 = arith.constant 0 : i32
          %dma_start3A_79 = arith.constant 0 : i32
          %dma_start3A_80 = tpu.memref_slice %arg20[%dma_start3A_78, %dma_start3A_79] : memref<10240x64xf32, #tpu.memory_space<vmem_shared>> -> memref<10240x64xf32, #tpu.memory_space<vmem_shared>>
          tpu.enqueue_indirect_dma source(%arg9 : memref<100x64xf32, #tpu.memory_space<vmem>>) target(%dma_start3A_80 : memref<10240x64xf32, #tpu.memory_space<vmem_shared>>) offsets(%dma_start3A_77 : memref<100xi32, #tpu.memory_space<vmem>>) semaphore(%arg17 : memref<!tpu.dma_semaphore, #tpu.memory_space<semaphore_mem>>) {add = true}
          %add3A = arith.constant 1 : i32
          %add3A_81 = arith.addi %scan3A_37, %add3A : i32
          %lt3A = arith.constant 200 : i32
          %lt3A_82 = arith.cmpi slt, %add3A_81, %lt3A : i32
          %convert_element_type3A_83 = arith.extui %lt3A_82 : i1 to i32
          %cond3A_84 = arith.constant 0 : i32
          %cond3A_85 = arith.cmpi ne, %convert_element_type3A_83, %cond3A_84 : i32
          scf.if %cond3A_85 {
            %add3A_86 = arith.constant 1 : i32
            %add3A_87 = arith.addi %scan3A_37, %add3A_86 : i32
            %dma_start3A_88 = arith.constant 0 : i32
            %dma_start3A_89 = tpu.memref_slice %arg6[%add3A_87, %dma_start3A_88] : memref<200x100xi32, #tpu.memory_space<vmem>> -> memref<1x100xi32, #tpu.memory_space<vmem>>
            %dma_start3A_90 = tpu.memref_squeeze %dma_start3A_89 : memref<1x100xi32, #tpu.memory_space<vmem>> -> memref<100xi32, #tpu.memory_space<vmem>>
            %dma_start3A_91 = arith.constant 0 : i32
            %dma_start3A_92 = arith.constant 0 : i32
            %dma_start3A_93 = tpu.memref_slice %arg4[%dma_start3A_91, %dma_start3A_92] : memref<10000x64xf32, #tpu.memory_space<hbm>> -> memref<10000x64xf32, #tpu.memory_space<hbm>>
            tpu.enqueue_indirect_dma source(%dma_start3A_93 : memref<10000x64xf32, #tpu.memory_space<hbm>>) target(%arg10 : memref<100x64xf32, #tpu.memory_space<vmem>>) offsets(%dma_start3A_90 : memref<100xi32, #tpu.memory_space<vmem>>) semaphore(%arg14 : memref<!tpu.dma_semaphore, #tpu.memory_space<semaphore_mem>>)
          } else {
          }
        } else {
        }
        %rem3A_51 = arith.constant 4 : i32
        %rem3A_52 = arith.remsi %scan3A_37, %rem3A_51 : i32
        %eq3A_53 = arith.constant 2 : i32
        %eq3A_54 = arith.cmpi eq, %rem3A_52, %eq3A_53 : i32
        %convert_element_type3A_55 = arith.extui %eq3A_54 : i1 to i32
        %cond3A_56 = arith.constant 0 : i32
        %cond3A_57 = arith.cmpi ne, %convert_element_type3A_55, %cond3A_56 : i32
        scf.if %cond3A_57 {
          %dma_wait3A_65 = arith.constant 0 : i32
          %dma_wait3A_66 = tpu.memref_slice %arg6[%scan3A_37, %dma_wait3A_65] : memref<200x100xi32, #tpu.memory_space<vmem>> -> memref<1x100xi32, #tpu.memory_space<vmem>>
          %dma_wait3A_67 = tpu.memref_squeeze %dma_wait3A_66 : memref<1x100xi32, #tpu.memory_space<vmem>> -> memref<100xi32, #tpu.memory_space<vmem>>
          %dma_wait3A_68 = arith.constant 0 : i32
          %dma_wait3A_69 = arith.constant 0 : i32
          %dma_wait3A_70 = tpu.memref_slice %arg4[%dma_wait3A_68, %dma_wait3A_69] : memref<10000x64xf32, #tpu.memory_space<hbm>> -> memref<10000x64xf32, #tpu.memory_space<hbm>>
          tpu.wait_indirect_dma semaphore(%arg14 : memref<!tpu.dma_semaphore, #tpu.memory_space<semaphore_mem>>) src(%dma_wait3A_70 : memref<10000x64xf32, #tpu.memory_space<hbm>>) dst(%arg10 : memref<100x64xf32, #tpu.memory_space<vmem>>)
          %ge3A = arith.constant 1 : i32
          %ge3A_71 = arith.cmpi sge, %scan3A_37, %ge3A : i32
          %convert_element_type3A_72 = arith.extui %ge3A_71 : i1 to i32
          %cond3A_73 = arith.constant 0 : i32
          %cond3A_74 = arith.cmpi ne, %convert_element_type3A_72, %cond3A_73 : i32
          scf.if %cond3A_74 {
            %sub3A = arith.constant 1 : i32
            %sub3A_86 = arith.subi %scan3A_37, %sub3A : i32
            %dma_wait3A_87 = arith.constant 0 : i32
            %dma_wait3A_88 = tpu.memref_slice %arg7[%sub3A_86, %dma_wait3A_87] : memref<200x100xi32, #tpu.memory_space<vmem>> -> memref<1x100xi32, #tpu.memory_space<vmem>>
            %dma_wait3A_89 = tpu.memref_squeeze %dma_wait3A_88 : memref<1x100xi32, #tpu.memory_space<vmem>> -> memref<100xi32, #tpu.memory_space<vmem>>
            %dma_wait3A_90 = arith.constant 0 : i32
            %dma_wait3A_91 = arith.constant 0 : i32
            %dma_wait3A_92 = tpu.memref_slice %arg20[%dma_wait3A_90, %dma_wait3A_91] : memref<10240x64xf32, #tpu.memory_space<vmem_shared>> -> memref<10240x64xf32, #tpu.memory_space<vmem_shared>>
            tpu.wait_indirect_dma semaphore(%arg17 : memref<!tpu.dma_semaphore, #tpu.memory_space<semaphore_mem>>) src(%arg9 : memref<100x64xf32, #tpu.memory_space<vmem>>) dst(%dma_wait3A_92 : memref<10240x64xf32, #tpu.memory_space<vmem_shared>>)
          } else {
          }
          %dma_start3A_75 = arith.constant 0 : i32
          %dma_start3A_76 = tpu.memref_slice %arg7[%scan3A_37, %dma_start3A_75] : memref<200x100xi32, #tpu.memory_space<vmem>> -> memref<1x100xi32, #tpu.memory_space<vmem>>
          %dma_start3A_77 = tpu.memref_squeeze %dma_start3A_76 : memref<1x100xi32, #tpu.memory_space<vmem>> -> memref<100xi32, #tpu.memory_space<vmem>>
          %dma_start3A_78 = arith.constant 0 : i32
          %dma_start3A_79 = arith.constant 0 : i32
          %dma_start3A_80 = tpu.memref_slice %arg20[%dma_start3A_78, %dma_start3A_79] : memref<10240x64xf32, #tpu.memory_space<vmem_shared>> -> memref<10240x64xf32, #tpu.memory_space<vmem_shared>>
          tpu.enqueue_indirect_dma source(%arg10 : memref<100x64xf32, #tpu.memory_space<vmem>>) target(%dma_start3A_80 : memref<10240x64xf32, #tpu.memory_space<vmem_shared>>) offsets(%dma_start3A_77 : memref<100xi32, #tpu.memory_space<vmem>>) semaphore(%arg18 : memref<!tpu.dma_semaphore, #tpu.memory_space<semaphore_mem>>) {add = true}
          %add3A = arith.constant 1 : i32
          %add3A_81 = arith.addi %scan3A_37, %add3A : i32
          %lt3A = arith.constant 200 : i32
          %lt3A_82 = arith.cmpi slt, %add3A_81, %lt3A : i32
          %convert_element_type3A_83 = arith.extui %lt3A_82 : i1 to i32
          %cond3A_84 = arith.constant 0 : i32
          %cond3A_85 = arith.cmpi ne, %convert_element_type3A_83, %cond3A_84 : i32
          scf.if %cond3A_85 {
            %add3A_86 = arith.constant 1 : i32
            %add3A_87 = arith.addi %scan3A_37, %add3A_86 : i32
            %dma_start3A_88 = arith.constant 0 : i32
            %dma_start3A_89 = tpu.memref_slice %arg6[%add3A_87, %dma_start3A_88] : memref<200x100xi32, #tpu.memory_space<vmem>> -> memref<1x100xi32, #tpu.memory_space<vmem>>
            %dma_start3A_90 = tpu.memref_squeeze %dma_start3A_89 : memref<1x100xi32, #tpu.memory_space<vmem>> -> memref<100xi32, #tpu.memory_space<vmem>>
            %dma_start3A_91 = arith.constant 0 : i32
            %dma_start3A_92 = arith.constant 0 : i32
            %dma_start3A_93 = tpu.memref_slice %arg4[%dma_start3A_91, %dma_start3A_92] : memref<10000x64xf32, #tpu.memory_space<hbm>> -> memref<10000x64xf32, #tpu.memory_space<hbm>>
            tpu.enqueue_indirect_dma source(%dma_start3A_93 : memref<10000x64xf32, #tpu.memory_space<hbm>>) target(%arg11 : memref<100x64xf32, #tpu.memory_space<vmem>>) offsets(%dma_start3A_90 : memref<100xi32, #tpu.memory_space<vmem>>) semaphore(%arg15 : memref<!tpu.dma_semaphore, #tpu.memory_space<semaphore_mem>>)
          } else {
          }
        } else {
        }
        %rem3A_58 = arith.constant 4 : i32
        %rem3A_59 = arith.remsi %scan3A_37, %rem3A_58 : i32
        %eq3A_60 = arith.constant 3 : i32
        %eq3A_61 = arith.cmpi eq, %rem3A_59, %eq3A_60 : i32
        %convert_element_type3A_62 = arith.extui %eq3A_61 : i1 to i32
        %cond3A_63 = arith.constant 0 : i32
        %cond3A_64 = arith.cmpi ne, %convert_element_type3A_62, %cond3A_63 : i32
        scf.if %cond3A_64 {
          %dma_wait3A_65 = arith.constant 0 : i32
          %dma_wait3A_66 = tpu.memref_slice %arg6[%scan3A_37, %dma_wait3A_65] : memref<200x100xi32, #tpu.memory_space<vmem>> -> memref<1x100xi32, #tpu.memory_space<vmem>>
          %dma_wait3A_67 = tpu.memref_squeeze %dma_wait3A_66 : memref<1x100xi32, #tpu.memory_space<vmem>> -> memref<100xi32, #tpu.memory_space<vmem>>
          %dma_wait3A_68 = arith.constant 0 : i32
          %dma_wait3A_69 = arith.constant 0 : i32
          %dma_wait3A_70 = tpu.memref_slice %arg4[%dma_wait3A_68, %dma_wait3A_69] : memref<10000x64xf32, #tpu.memory_space<hbm>> -> memref<10000x64xf32, #tpu.memory_space<hbm>>
          tpu.wait_indirect_dma semaphore(%arg15 : memref<!tpu.dma_semaphore, #tpu.memory_space<semaphore_mem>>) src(%dma_wait3A_70 : memref<10000x64xf32, #tpu.memory_space<hbm>>) dst(%arg11 : memref<100x64xf32, #tpu.memory_space<vmem>>)
          %ge3A = arith.constant 1 : i32
          %ge3A_71 = arith.cmpi sge, %scan3A_37, %ge3A : i32
          %convert_element_type3A_72 = arith.extui %ge3A_71 : i1 to i32
          %cond3A_73 = arith.constant 0 : i32
          %cond3A_74 = arith.cmpi ne, %convert_element_type3A_72, %cond3A_73 : i32
          scf.if %cond3A_74 {
            %sub3A = arith.constant 1 : i32
            %sub3A_86 = arith.subi %scan3A_37, %sub3A : i32
            %dma_wait3A_87 = arith.constant 0 : i32
            %dma_wait3A_88 = tpu.memref_slice %arg7[%sub3A_86, %dma_wait3A_87] : memref<200x100xi32, #tpu.memory_space<vmem>> -> memref<1x100xi32, #tpu.memory_space<vmem>>
            %dma_wait3A_89 = tpu.memref_squeeze %dma_wait3A_88 : memref<1x100xi32, #tpu.memory_space<vmem>> -> memref<100xi32, #tpu.memory_space<vmem>>
            %dma_wait3A_90 = arith.constant 0 : i32
            %dma_wait3A_91 = arith.constant 0 : i32
            %dma_wait3A_92 = tpu.memref_slice %arg20[%dma_wait3A_90, %dma_wait3A_91] : memref<10240x64xf32, #tpu.memory_space<vmem_shared>> -> memref<10240x64xf32, #tpu.memory_space<vmem_shared>>
            tpu.wait_indirect_dma semaphore(%arg18 : memref<!tpu.dma_semaphore, #tpu.memory_space<semaphore_mem>>) src(%arg10 : memref<100x64xf32, #tpu.memory_space<vmem>>) dst(%dma_wait3A_92 : memref<10240x64xf32, #tpu.memory_space<vmem_shared>>)
          } else {
          }
          %dma_start3A_75 = arith.constant 0 : i32
          %dma_start3A_76 = tpu.memref_slice %arg7[%scan3A_37, %dma_start3A_75] : memref<200x100xi32, #tpu.memory_space<vmem>> -> memref<1x100xi32, #tpu.memory_space<vmem>>
          %dma_start3A_77 = tpu.memref_squeeze %dma_start3A_76 : memref<1x100xi32, #tpu.memory_space<vmem>> -> memref<100xi32, #tpu.memory_space<vmem>>
          %dma_start3A_78 = arith.constant 0 : i32
          %dma_start3A_79 = arith.constant 0 : i32
          %dma_start3A_80 = tpu.memref_slice %arg20[%dma_start3A_78, %dma_start3A_79] : memref<10240x64xf32, #tpu.memory_space<vmem_shared>> -> memref<10240x64xf32, #tpu.memory_space<vmem_shared>>
          tpu.enqueue_indirect_dma source(%arg11 : memref<100x64xf32, #tpu.memory_space<vmem>>) target(%dma_start3A_80 : memref<10240x64xf32, #tpu.memory_space<vmem_shared>>) offsets(%dma_start3A_77 : memref<100xi32, #tpu.memory_space<vmem>>) semaphore(%arg19 : memref<!tpu.dma_semaphore, #tpu.memory_space<semaphore_mem>>) {add = true}
          %add3A = arith.constant 1 : i32
          %add3A_81 = arith.addi %scan3A_37, %add3A : i32
          %lt3A = arith.constant 200 : i32
          %lt3A_82 = arith.cmpi slt, %add3A_81, %lt3A : i32
          %convert_element_type3A_83 = arith.extui %lt3A_82 : i1 to i32
          %cond3A_84 = arith.constant 0 : i32
          %cond3A_85 = arith.cmpi ne, %convert_element_type3A_83, %cond3A_84 : i32
          scf.if %cond3A_85 {
            %add3A_86 = arith.constant 1 : i32
            %add3A_87 = arith.addi %scan3A_37, %add3A_86 : i32
            %dma_start3A_88 = arith.constant 0 : i32
            %dma_start3A_89 = tpu.memref_slice %arg6[%add3A_87, %dma_start3A_88] : memref<200x100xi32, #tpu.memory_space<vmem>> -> memref<1x100xi32, #tpu.memory_space<vmem>>
            %dma_start3A_90 = tpu.memref_squeeze %dma_start3A_89 : memref<1x100xi32, #tpu.memory_space<vmem>> -> memref<100xi32, #tpu.memory_space<vmem>>
            %dma_start3A_91 = arith.constant 0 : i32
            %dma_start3A_92 = arith.constant 0 : i32
            %dma_start3A_93 = tpu.memref_slice %arg4[%dma_start3A_91, %dma_start3A_92] : memref<10000x64xf32, #tpu.memory_space<hbm>> -> memref<10000x64xf32, #tpu.memory_space<hbm>>
            tpu.enqueue_indirect_dma source(%dma_start3A_93 : memref<10000x64xf32, #tpu.memory_space<hbm>>) target(%arg8 : memref<100x64xf32, #tpu.memory_space<vmem>>) offsets(%dma_start3A_90 : memref<100xi32, #tpu.memory_space<vmem>>) semaphore(%arg12 : memref<!tpu.dma_semaphore, #tpu.memory_space<semaphore_mem>>)
          } else {
          }
        } else {
        }
      }
      %scan3A_30 = arith.constant 200 : i32
      %dma_wait3A = arith.constant 199 : i32
      %dma_wait3A_31 = arith.constant 0 : i32
      %dma_wait3A_32 = tpu.memref_slice %arg7[%dma_wait3A, %dma_wait3A_31] : memref<200x100xi32, #tpu.memory_space<vmem>> -> memref<1x100xi32, #tpu.memory_space<vmem>>
      %dma_wait3A_33 = tpu.memref_squeeze %dma_wait3A_32 : memref<1x100xi32, #tpu.memory_space<vmem>> -> memref<100xi32, #tpu.memory_space<vmem>>
      %dma_wait3A_34 = arith.constant 0 : i32
      %dma_wait3A_35 = arith.constant 0 : i32
      %dma_wait3A_36 = tpu.memref_slice %arg20[%dma_wait3A_34, %dma_wait3A_35] : memref<10240x64xf32, #tpu.memory_space<vmem_shared>> -> memref<10240x64xf32, #tpu.memory_space<vmem_shared>>
      tpu.wait_indirect_dma semaphore(%arg19 : memref<!tpu.dma_semaphore, #tpu.memory_space<semaphore_mem>>) src(%arg11 : memref<100x64xf32, #tpu.memory_space<vmem>>) dst(%dma_wait3A_36 : memref<10240x64xf32, #tpu.memory_space<vmem_shared>>)
    } else {
    }
    %barrier3A_19 = arith.constant 0 : index
    tpu.barrier barrier_id(%barrier3A_19)
    "tpu.region"() ({
      %run_scoped3A_20 = tpu.sem_alloc : memref<!tpu.dma_semaphore, #tpu.memory_space<semaphore_mem>>
      %dma_start3A = arith.constant 0 : i32
      %dma_start3A_21 = tpu.memref_slice %arg5[%arg0, %mul3A_0, %dma_start3A] : memref<2x10240x64xf32, #tpu.memory_space<hbm>> -> memref<1x640x64xf32, #tpu.memory_space<hbm>>
      %dma_start3A_22 = tpu.memref_squeeze %dma_start3A_21 : memref<1x640x64xf32, #tpu.memory_space<hbm>> -> memref<640x64xf32, #tpu.memory_space<hbm>>
      %dma_start3A_23 = arith.constant 0 : i32
      %dma_start3A_24 = tpu.memref_slice %arg20[%mul3A_0, %dma_start3A_23] : memref<10240x64xf32, #tpu.memory_space<vmem_shared>> -> memref<640x64xf32, #tpu.memory_space<vmem_shared>>
      tpu.enqueue_dma source(%dma_start3A_24 : memref<640x64xf32, #tpu.memory_space<vmem_shared>>) target(%dma_start3A_22 : memref<640x64xf32, #tpu.memory_space<hbm>>) target_semaphore(%run_scoped3A_20 : memref<!tpu.dma_semaphore, #tpu.memory_space<semaphore_mem>>)
      %dma_wait3A = arith.constant 0 : i32
      %dma_wait3A_25 = tpu.memref_slice %arg5[%arg0, %mul3A_0, %dma_wait3A] : memref<2x10240x64xf32, #tpu.memory_space<hbm>> -> memref<1x640x64xf32, #tpu.memory_space<hbm>>
      %dma_wait3A_26 = tpu.memref_squeeze %dma_wait3A_25 : memref<1x640x64xf32, #tpu.memory_space<hbm>> -> memref<640x64xf32, #tpu.memory_space<hbm>>
      %dma_wait3A_27 = arith.constant 0 : i32
      %dma_wait3A_28 = tpu.memref_slice %arg20[%mul3A_0, %dma_wait3A_27] : memref<10240x64xf32, #tpu.memory_space<vmem_shared>> -> memref<640x64xf32, #tpu.memory_space<vmem_shared>>
      tpu.wait_dma2 semaphore(%run_scoped3A_20 : memref<!tpu.dma_semaphore, #tpu.memory_space<semaphore_mem>>) src(%dma_wait3A_28 : memref<640x64xf32, #tpu.memory_space<vmem_shared>>) dst(%dma_wait3A_26 : memref<640x64xf32, #tpu.memory_space<hbm>>)
      tpu.yield
    }) : () -> ()
    return
  }
}

module attributes {stable_mosaic.version = 14 : i64} {
  func.func @_tc_first_body(%arg0: i32, %arg1: memref<2x1000x16xf32, #tpu.memory_space<vmem>>, %arg2: memref<1000x128xf32, #tpu.memory_space<vmem>>, %arg3: memref<128x128xf32, #tpu.memory_space<vmem>>, %arg4: memref<1000x64xf32, #tpu.memory_space<vmem>>, %arg5: memref<1000x64xf32, #tpu.memory_space<vmem>>, %arg6: memref<1000x1xf32, #tpu.memory_space<vmem>>) attributes {dimension_semantics = [#tpu.dimension_semantics<arbitrary>], iteration_bounds = array<i64: 10>, scalar_prefetch = 0 : i64, scratch_operands = 0 : i64, tpu.core_type = #tpu.core_type<tc>, window_params = [{transform_indices = @transform_0, window_bounds = array<i64: 2, 1000, 16>}, {transform_indices = @transform_1, window_bounds = array<i64: 1000, 128>}, {pipeline_mode = #tpu.pipeline_mode<synchronous>, transform_indices = @transform_2, window_bounds = array<i64: 128, 128>}, {transform_indices = @transform_3, window_bounds = array<i64: 1000, 64>}, {transform_indices = @transform_4, window_bounds = array<i64: 1000, 64>}, {transform_indices = @transform_5, window_bounds = array<i64: 1000, 1>}]} {
    %get3A = arith.constant 0 : index
    %get3A_0 = arith.constant 0 : index
    %get3A_1 = arith.constant 0 : index
    %get3A_2 = vector.load %arg1[%get3A, %get3A_0, %get3A_1] : memref<2x1000x16xf32, #tpu.memory_space<vmem>>, vector<1x1000x1xf32>
    %get3A_3 = vector.shape_cast %get3A_2 : vector<1x1000x1xf32> to vector<1000x1xf32>
    %get3A_4 = arith.constant 1 : index
    %get3A_5 = arith.constant 0 : index
    %get3A_6 = arith.constant 0 : index
    %get3A_7 = vector.load %arg1[%get3A_4, %get3A_5, %get3A_6] : memref<2x1000x16xf32, #tpu.memory_space<vmem>>, vector<1x1000x1xf32>
    %get3A_8 = vector.shape_cast %get3A_7 : vector<1x1000x1xf32> to vector<1000x1xf32>
    %add3A = arith.addf %get3A_3, %get3A_8 : vector<1000x1xf32>
    %add3A_9 = arith.constant 1.000000e+00 : f32
    %add3A_10 = vector.broadcast %add3A_9 : f32 to vector<1000x1xf32>
    %add3A_11 = arith.addf %add3A, %add3A_10 : vector<1000x1xf32>
    %rsqrt3A = math.rsqrt %add3A_11 : vector<1000x1xf32>
    %swap3A = arith.constant 0 : index
    %swap3A_12 = arith.constant 0 : index
    %swap3A_13 = vector.load %arg6[%swap3A, %swap3A_12] : memref<1000x1xf32, #tpu.memory_space<vmem>>, vector<1000x1xf32>
    tpu.vector_store %arg6[%swap3A, %swap3A_12], %rsqrt3A {strides = array<i32>} : memref<1000x1xf32, #tpu.memory_space<vmem>>, vector<1000x1xf32>,
    %get3A_14 = arith.constant 0 : index
    %get3A_15 = arith.constant 0 : index
    %get3A_16 = vector.load %arg2[%get3A_14, %get3A_15] : memref<1000x128xf32, #tpu.memory_space<vmem>>, vector<1000x128xf32>
    %get3A_17 = arith.constant 0 : index
    %get3A_18 = arith.constant 0 : index
    %get3A_19 = vector.load %arg3[%get3A_17, %get3A_18] : memref<128x128xf32, #tpu.memory_space<vmem>>, vector<128x128xf32>
    %dot_general3A = arith.constant dense<0.000000e+00> : vector<1000x128xf32>
    %dot_general3A_20 = tpu.matmul %get3A_16, %get3A_19, %dot_general3A {dimension_numbers = #tpu.dot_dimension_numbers<[1], [0], [0], [1], [0, 0, 1, 1], [], []>, transpose_lhs_hint = false} : vector<1000x128xf32>, vector<128x128xf32>, vector<1000x128xf32> -> vector<1000x128xf32>
    %mul3A = vector.broadcast %rsqrt3A : vector<1000x1xf32> to vector<1000x128xf32>
    %mul3A_21 = arith.mulf %dot_general3A_20, %mul3A : vector<1000x128xf32>
    %slice3A = vector.extract_strided_slice %mul3A_21 {offsets = [0, 0], sizes = [1000, 64], strides = [1, 1]} : vector<1000x128xf32> to vector<1000x64xf32>
    %swap3A_22 = arith.constant 0 : index
    %swap3A_23 = arith.constant 0 : index
    %swap3A_24 = vector.load %arg4[%swap3A_22, %swap3A_23] : memref<1000x64xf32, #tpu.memory_space<vmem>>, vector<1000x64xf32>
    tpu.vector_store %arg4[%swap3A_22, %swap3A_23], %slice3A {strides = array<i32>} : memref<1000x64xf32, #tpu.memory_space<vmem>>, vector<1000x64xf32>,
    %slice3A_25 = vector.extract_strided_slice %mul3A_21 {offsets = [0, 64], sizes = [1000, 64], strides = [1, 1]} : vector<1000x128xf32> to vector<1000x64xf32>
    %swap3A_26 = arith.constant 0 : index
    %swap3A_27 = arith.constant 0 : index
    %swap3A_28 = vector.load %arg5[%swap3A_26, %swap3A_27] : memref<1000x64xf32, #tpu.memory_space<vmem>>, vector<1000x64xf32>
    tpu.vector_store %arg5[%swap3A_26, %swap3A_27], %slice3A_25 {strides = array<i32>} : memref<1000x64xf32, #tpu.memory_space<vmem>>, vector<1000x64xf32>,
    return
  }
  func.func @transform_0(%arg0: i32) -> (i32, i32, i32) {
    %c0_i32 = arith.constant 0 : i32
    %c0_i32_0 = arith.constant 0 : i32
    %c0_i32_1 = arith.constant 0 : i32
    return %c0_i32, %arg0, %c0_i32_0 : i32, i32, i32
  }
  func.func @transform_1(%arg0: i32) -> (i32, i32) {
    %c0_i32 = arith.constant 0 : i32
    %c0_i32_0 = arith.constant 0 : i32
    return %arg0, %c0_i32 : i32, i32
  }
  func.func @transform_2(%arg0: i32) -> (i32, i32) {
    %c0_i32 = arith.constant 0 : i32
    %c0_i32_0 = arith.constant 0 : i32
    %c0_i32_1 = arith.constant 0 : i32
    return %c0_i32, %c0_i32_0 : i32, i32
  }
  func.func @transform_3(%arg0: i32) -> (i32, i32) {
    %c0_i32 = arith.constant 0 : i32
    %c0_i32_0 = arith.constant 0 : i32
    return %arg0, %c0_i32 : i32, i32
  }
  func.func @transform_4(%arg0: i32) -> (i32, i32) {
    %c0_i32 = arith.constant 0 : i32
    %c0_i32_0 = arith.constant 0 : i32
    return %arg0, %c0_i32 : i32, i32
  }
  func.func @transform_5(%arg0: i32) -> (i32, i32) {
    %c0_i32 = arith.constant 0 : i32
    %c0_i32_0 = arith.constant 0 : i32
    return %arg0, %c0_i32 : i32, i32
  }
}

module attributes {stable_mosaic.version = 14 : i64} {
  func.func @_tc_mid_body(%arg0: i32, %arg1: memref<2x1000x64xf32, #tpu.memory_space<vmem>>, %arg2: memref<1000x1xf32, #tpu.memory_space<vmem>>, %arg3: memref<1x128xf32, #tpu.memory_space<vmem>>, %arg4: memref<128x64xf32, #tpu.memory_space<vmem>>, %arg5: memref<1000x32xf32, #tpu.memory_space<vmem>>, %arg6: memref<1000x32xf32, #tpu.memory_space<vmem>>) attributes {dimension_semantics = [#tpu.dimension_semantics<arbitrary>], iteration_bounds = array<i64: 10>, scalar_prefetch = 0 : i64, scratch_operands = 0 : i64, tpu.core_type = #tpu.core_type<tc>, window_params = [{transform_indices = @transform_0, window_bounds = array<i64: 2, 1000, 64>}, {transform_indices = @transform_1, window_bounds = array<i64: 1000, 1>}, {pipeline_mode = #tpu.pipeline_mode<synchronous>, transform_indices = @transform_2, window_bounds = array<i64: 1, 128>}, {pipeline_mode = #tpu.pipeline_mode<synchronous>, transform_indices = @transform_3, window_bounds = array<i64: 128, 64>}, {transform_indices = @transform_4, window_bounds = array<i64: 1000, 32>}, {transform_indices = @transform_5, window_bounds = array<i64: 1000, 32>}]} {
    %get3A = arith.constant 0 : index
    %get3A_0 = arith.constant 0 : index
    %get3A_1 = vector.load %arg2[%get3A, %get3A_0] : memref<1000x1xf32, #tpu.memory_space<vmem>>, vector<1000x1xf32>
    %get3A_2 = arith.constant 0 : index
    %get3A_3 = arith.constant 0 : index
    %get3A_4 = arith.constant 0 : index
    %get3A_5 = vector.load %arg1[%get3A_2, %get3A_3, %get3A_4] : memref<2x1000x64xf32, #tpu.memory_space<vmem>>, vector<1x1000x64xf32>
    %get3A_6 = vector.shape_cast %get3A_5 : vector<1x1000x64xf32> to vector<1000x64xf32>
    %get3A_7 = arith.constant 1 : index
    %get3A_8 = arith.constant 0 : index
    %get3A_9 = arith.constant 0 : index
    %get3A_10 = vector.load %arg1[%get3A_7, %get3A_8, %get3A_9] : memref<2x1000x64xf32, #tpu.memory_space<vmem>>, vector<1x1000x64xf32>
    %get3A_11 = vector.shape_cast %get3A_10 : vector<1x1000x64xf32> to vector<1000x64xf32>
    %concatenate3A = tpu.concatenate %get3A_6, %get3A_11 in 1 : vector<1000x64xf32>, vector<1000x64xf32> -> vector<1000x128xf32>
    %mul3A = vector.broadcast %get3A_1 : vector<1000x1xf32> to vector<1000x128xf32>
    %mul3A_12 = arith.mulf %mul3A, %concatenate3A : vector<1000x128xf32>
    %get3A_13 = arith.constant 0 : index
    %get3A_14 = arith.constant 0 : index
    %get3A_15 = vector.load %arg3[%get3A_13, %get3A_14] : memref<1x128xf32, #tpu.memory_space<vmem>>, vector<1x128xf32>
    %add3A = vector.broadcast %get3A_15 : vector<1x128xf32> to vector<1000x128xf32>
    %add3A_16 = arith.addf %mul3A_12, %add3A : vector<1000x128xf32>
    %max3A = arith.constant 0.000000e+00 : f32
    %max3A_17 = vector.broadcast %max3A : f32 to vector<1000x128xf32>
    %max3A_18 = arith.maximumf %add3A_16, %max3A_17 : vector<1000x128xf32>
    %get3A_19 = arith.constant 0 : index
    %get3A_20 = arith.constant 0 : index
    %get3A_21 = vector.load %arg4[%get3A_19, %get3A_20] : memref<128x64xf32, #tpu.memory_space<vmem>>, vector<128x64xf32>
    %dot_general3A = arith.constant dense<0.000000e+00> : vector<1000x64xf32>
    %dot_general3A_22 = tpu.matmul %max3A_18, %get3A_21, %dot_general3A {dimension_numbers = #tpu.dot_dimension_numbers<[1], [0], [0], [1], [0, 0, 1, 1], [], []>, transpose_lhs_hint = false} : vector<1000x128xf32>, vector<128x64xf32>, vector<1000x64xf32> -> vector<1000x64xf32>
    %mul3A_23 = vector.broadcast %get3A_1 : vector<1000x1xf32> to vector<1000x64xf32>
    %mul3A_24 = arith.mulf %dot_general3A_22, %mul3A_23 : vector<1000x64xf32>
    %slice3A = vector.extract_strided_slice %mul3A_24 {offsets = [0, 0], sizes = [1000, 32], strides = [1, 1]} : vector<1000x64xf32> to vector<1000x32xf32>
    %swap3A = arith.constant 0 : index
    %swap3A_25 = arith.constant 0 : index
    %swap3A_26 = vector.load %arg5[%swap3A, %swap3A_25] : memref<1000x32xf32, #tpu.memory_space<vmem>>, vector<1000x32xf32>
    tpu.vector_store %arg5[%swap3A, %swap3A_25], %slice3A {strides = array<i32>} : memref<1000x32xf32, #tpu.memory_space<vmem>>, vector<1000x32xf32>,
    %slice3A_27 = vector.extract_strided_slice %mul3A_24 {offsets = [0, 32], sizes = [1000, 32], strides = [1, 1]} : vector<1000x64xf32> to vector<1000x32xf32>
    %swap3A_28 = arith.constant 0 : index
    %swap3A_29 = arith.constant 0 : index
    %swap3A_30 = vector.load %arg6[%swap3A_28, %swap3A_29] : memref<1000x32xf32, #tpu.memory_space<vmem>>, vector<1000x32xf32>
    tpu.vector_store %arg6[%swap3A_28, %swap3A_29], %slice3A_27 {strides = array<i32>} : memref<1000x32xf32, #tpu.memory_space<vmem>>, vector<1000x32xf32>,
    return
  }
  func.func @transform_0(%arg0: i32) -> (i32, i32, i32) {
    %c0_i32 = arith.constant 0 : i32
    %c0_i32_0 = arith.constant 0 : i32
    %c0_i32_1 = arith.constant 0 : i32
    return %c0_i32, %arg0, %c0_i32_0 : i32, i32, i32
  }
  func.func @transform_1(%arg0: i32) -> (i32, i32) {
    %c0_i32 = arith.constant 0 : i32
    %c0_i32_0 = arith.constant 0 : i32
    return %arg0, %c0_i32 : i32, i32
  }
  func.func @transform_2(%arg0: i32) -> (i32, i32) {
    %c0_i32 = arith.constant 0 : i32
    %c0_i32_0 = arith.constant 0 : i32
    %c0_i32_1 = arith.constant 0 : i32
    return %c0_i32, %c0_i32_0 : i32, i32
  }
  func.func @transform_3(%arg0: i32) -> (i32, i32) {
    %c0_i32 = arith.constant 0 : i32
    %c0_i32_0 = arith.constant 0 : i32
    %c0_i32_1 = arith.constant 0 : i32
    return %c0_i32, %c0_i32_0 : i32, i32
  }
  func.func @transform_4(%arg0: i32) -> (i32, i32) {
    %c0_i32 = arith.constant 0 : i32
    %c0_i32_0 = arith.constant 0 : i32
    return %arg0, %c0_i32 : i32, i32
  }
  func.func @transform_5(%arg0: i32) -> (i32, i32) {
    %c0_i32 = arith.constant 0 : i32
    %c0_i32_0 = arith.constant 0 : i32
    return %arg0, %c0_i32 : i32, i32
  }
}

module attributes {stable_mosaic.version = 14 : i64} {
  func.func @_tc_mid_body(%arg0: i32, %arg1: memref<2x1000x64xf32, #tpu.memory_space<vmem>>, %arg2: memref<1000x1xf32, #tpu.memory_space<vmem>>, %arg3: memref<1x128xf32, #tpu.memory_space<vmem>>, %arg4: memref<128x128xf32, #tpu.memory_space<vmem>>, %arg5: memref<1000x64xf32, #tpu.memory_space<vmem>>, %arg6: memref<1000x64xf32, #tpu.memory_space<vmem>>) attributes {dimension_semantics = [#tpu.dimension_semantics<arbitrary>], iteration_bounds = array<i64: 10>, scalar_prefetch = 0 : i64, scratch_operands = 0 : i64, tpu.core_type = #tpu.core_type<tc>, window_params = [{transform_indices = @transform_0, window_bounds = array<i64: 2, 1000, 64>}, {transform_indices = @transform_1, window_bounds = array<i64: 1000, 1>}, {pipeline_mode = #tpu.pipeline_mode<synchronous>, transform_indices = @transform_2, window_bounds = array<i64: 1, 128>}, {pipeline_mode = #tpu.pipeline_mode<synchronous>, transform_indices = @transform_3, window_bounds = array<i64: 128, 128>}, {transform_indices = @transform_4, window_bounds = array<i64: 1000, 64>}, {transform_indices = @transform_5, window_bounds = array<i64: 1000, 64>}]} {
    %get3A = arith.constant 0 : index
    %get3A_0 = arith.constant 0 : index
    %get3A_1 = vector.load %arg2[%get3A, %get3A_0] : memref<1000x1xf32, #tpu.memory_space<vmem>>, vector<1000x1xf32>
    %get3A_2 = arith.constant 0 : index
    %get3A_3 = arith.constant 0 : index
    %get3A_4 = arith.constant 0 : index
    %get3A_5 = vector.load %arg1[%get3A_2, %get3A_3, %get3A_4] : memref<2x1000x64xf32, #tpu.memory_space<vmem>>, vector<1x1000x64xf32>
    %get3A_6 = vector.shape_cast %get3A_5 : vector<1x1000x64xf32> to vector<1000x64xf32>
    %get3A_7 = arith.constant 1 : index
    %get3A_8 = arith.constant 0 : index
    %get3A_9 = arith.constant 0 : index
    %get3A_10 = vector.load %arg1[%get3A_7, %get3A_8, %get3A_9] : memref<2x1000x64xf32, #tpu.memory_space<vmem>>, vector<1x1000x64xf32>
    %get3A_11 = vector.shape_cast %get3A_10 : vector<1x1000x64xf32> to vector<1000x64xf32>
    %concatenate3A = tpu.concatenate %get3A_6, %get3A_11 in 1 : vector<1000x64xf32>, vector<1000x64xf32> -> vector<1000x128xf32>
    %mul3A = vector.broadcast %get3A_1 : vector<1000x1xf32> to vector<1000x128xf32>
    %mul3A_12 = arith.mulf %mul3A, %concatenate3A : vector<1000x128xf32>
    %get3A_13 = arith.constant 0 : index
    %get3A_14 = arith.constant 0 : index
    %get3A_15 = vector.load %arg3[%get3A_13, %get3A_14] : memref<1x128xf32, #tpu.memory_space<vmem>>, vector<1x128xf32>
    %add3A = vector.broadcast %get3A_15 : vector<1x128xf32> to vector<1000x128xf32>
    %add3A_16 = arith.addf %mul3A_12, %add3A : vector<1000x128xf32>
    %max3A = arith.constant 0.000000e+00 : f32
    %max3A_17 = vector.broadcast %max3A : f32 to vector<1000x128xf32>
    %max3A_18 = arith.maximumf %add3A_16, %max3A_17 : vector<1000x128xf32>
    %get3A_19 = arith.constant 0 : index
    %get3A_20 = arith.constant 0 : index
    %get3A_21 = vector.load %arg4[%get3A_19, %get3A_20] : memref<128x128xf32, #tpu.memory_space<vmem>>, vector<128x128xf32>
    %dot_general3A = arith.constant dense<0.000000e+00> : vector<1000x128xf32>
    %dot_general3A_22 = tpu.matmul %max3A_18, %get3A_21, %dot_general3A {dimension_numbers = #tpu.dot_dimension_numbers<[1], [0], [0], [1], [0, 0, 1, 1], [], []>, transpose_lhs_hint = false} : vector<1000x128xf32>, vector<128x128xf32>, vector<1000x128xf32> -> vector<1000x128xf32>
    %mul3A_23 = vector.broadcast %get3A_1 : vector<1000x1xf32> to vector<1000x128xf32>
    %mul3A_24 = arith.mulf %dot_general3A_22, %mul3A_23 : vector<1000x128xf32>
    %slice3A = vector.extract_strided_slice %mul3A_24 {offsets = [0, 0], sizes = [1000, 64], strides = [1, 1]} : vector<1000x128xf32> to vector<1000x64xf32>
    %swap3A = arith.constant 0 : index
    %swap3A_25 = arith.constant 0 : index
    %swap3A_26 = vector.load %arg5[%swap3A, %swap3A_25] : memref<1000x64xf32, #tpu.memory_space<vmem>>, vector<1000x64xf32>
    tpu.vector_store %arg5[%swap3A, %swap3A_25], %slice3A {strides = array<i32>} : memref<1000x64xf32, #tpu.memory_space<vmem>>, vector<1000x64xf32>,
    %slice3A_27 = vector.extract_strided_slice %mul3A_24 {offsets = [0, 64], sizes = [1000, 64], strides = [1, 1]} : vector<1000x128xf32> to vector<1000x64xf32>
    %swap3A_28 = arith.constant 0 : index
    %swap3A_29 = arith.constant 0 : index
    %swap3A_30 = vector.load %arg6[%swap3A_28, %swap3A_29] : memref<1000x64xf32, #tpu.memory_space<vmem>>, vector<1000x64xf32>
    tpu.vector_store %arg6[%swap3A_28, %swap3A_29], %slice3A_27 {strides = array<i32>} : memref<1000x64xf32, #tpu.memory_space<vmem>>, vector<1000x64xf32>,
    return
  }
  func.func @transform_0(%arg0: i32) -> (i32, i32, i32) {
    %c0_i32 = arith.constant 0 : i32
    %c0_i32_0 = arith.constant 0 : i32
    %c0_i32_1 = arith.constant 0 : i32
    return %c0_i32, %arg0, %c0_i32_0 : i32, i32, i32
  }
  func.func @transform_1(%arg0: i32) -> (i32, i32) {
    %c0_i32 = arith.constant 0 : i32
    %c0_i32_0 = arith.constant 0 : i32
    return %arg0, %c0_i32 : i32, i32
  }
  func.func @transform_2(%arg0: i32) -> (i32, i32) {
    %c0_i32 = arith.constant 0 : i32
    %c0_i32_0 = arith.constant 0 : i32
    %c0_i32_1 = arith.constant 0 : i32
    return %c0_i32, %c0_i32_0 : i32, i32
  }
  func.func @transform_3(%arg0: i32) -> (i32, i32) {
    %c0_i32 = arith.constant 0 : i32
    %c0_i32_0 = arith.constant 0 : i32
    %c0_i32_1 = arith.constant 0 : i32
    return %c0_i32, %c0_i32_0 : i32, i32
  }
  func.func @transform_4(%arg0: i32) -> (i32, i32) {
    %c0_i32 = arith.constant 0 : i32
    %c0_i32_0 = arith.constant 0 : i32
    return %arg0, %c0_i32 : i32, i32
  }
  func.func @transform_5(%arg0: i32) -> (i32, i32) {
    %c0_i32 = arith.constant 0 : i32
    %c0_i32_0 = arith.constant 0 : i32
    return %arg0, %c0_i32 : i32, i32
  }
}

module attributes {stable_mosaic.version = 14 : i64} {
  func.func @_tc_last_body(%arg0: i32, %arg1: memref<2x1000x32xf32, #tpu.memory_space<vmem>>, %arg2: memref<1000x1xf32, #tpu.memory_space<vmem>>, %arg3: memref<1x64xf32, #tpu.memory_space<vmem>>, %arg4: memref<1000x64xf32, #tpu.memory_space<vmem>>) attributes {dimension_semantics = [#tpu.dimension_semantics<arbitrary>], iteration_bounds = array<i64: 10>, scalar_prefetch = 0 : i64, scratch_operands = 0 : i64, tpu.core_type = #tpu.core_type<tc>, window_params = [{transform_indices = @transform_0, window_bounds = array<i64: 2, 1000, 32>}, {transform_indices = @transform_1, window_bounds = array<i64: 1000, 1>}, {pipeline_mode = #tpu.pipeline_mode<synchronous>, transform_indices = @transform_2, window_bounds = array<i64: 1, 64>}, {transform_indices = @transform_3, window_bounds = array<i64: 1000, 64>}]} {
    %get3A = arith.constant 0 : index
    %get3A_0 = arith.constant 0 : index
    %get3A_1 = arith.constant 0 : index
    %get3A_2 = vector.load %arg1[%get3A, %get3A_0, %get3A_1] : memref<2x1000x32xf32, #tpu.memory_space<vmem>>, vector<1x1000x32xf32>
    %get3A_3 = vector.shape_cast %get3A_2 : vector<1x1000x32xf32> to vector<1000x32xf32>
    %get3A_4 = arith.constant 1 : index
    %get3A_5 = arith.constant 0 : index
    %get3A_6 = arith.constant 0 : index
    %get3A_7 = vector.load %arg1[%get3A_4, %get3A_5, %get3A_6] : memref<2x1000x32xf32, #tpu.memory_space<vmem>>, vector<1x1000x32xf32>
    %get3A_8 = vector.shape_cast %get3A_7 : vector<1x1000x32xf32> to vector<1000x32xf32>
    %concatenate3A = tpu.concatenate %get3A_3, %get3A_8 in 1 : vector<1000x32xf32>, vector<1000x32xf32> -> vector<1000x64xf32>
    %get3A_9 = arith.constant 0 : index
    %get3A_10 = arith.constant 0 : index
    %get3A_11 = vector.load %arg2[%get3A_9, %get3A_10] : memref<1000x1xf32, #tpu.memory_space<vmem>>, vector<1000x1xf32>
    %mul3A = vector.broadcast %get3A_11 : vector<1000x1xf32> to vector<1000x64xf32>
    %mul3A_12 = arith.mulf %mul3A, %concatenate3A : vector<1000x64xf32>
    %get3A_13 = arith.constant 0 : index
    %get3A_14 = arith.constant 0 : index
    %get3A_15 = vector.load %arg3[%get3A_13, %get3A_14] : memref<1x64xf32, #tpu.memory_space<vmem>>, vector<1x64xf32>
    %add3A = vector.broadcast %get3A_15 : vector<1x64xf32> to vector<1000x64xf32>
    %add3A_16 = arith.addf %mul3A_12, %add3A : vector<1000x64xf32>
    %max3A = arith.constant 0.000000e+00 : f32
    %max3A_17 = vector.broadcast %max3A : f32 to vector<1000x64xf32>
    %max3A_18 = arith.maximumf %add3A_16, %max3A_17 : vector<1000x64xf32>
    %swap3A = arith.constant 0 : index
    %swap3A_19 = arith.constant 0 : index
    %swap3A_20 = vector.load %arg4[%swap3A, %swap3A_19] : memref<1000x64xf32, #tpu.memory_space<vmem>>, vector<1000x64xf32>
    tpu.vector_store %arg4[%swap3A, %swap3A_19], %max3A_18 {strides = array<i32>} : memref<1000x64xf32, #tpu.memory_space<vmem>>, vector<1000x64xf32>,
    return
  }
  func.func @transform_0(%arg0: i32) -> (i32, i32, i32) {
    %c0_i32 = arith.constant 0 : i32
    %c0_i32_0 = arith.constant 0 : i32
    %c0_i32_1 = arith.constant 0 : i32
    return %c0_i32, %arg0, %c0_i32_0 : i32, i32, i32
  }
  func.func @transform_1(%arg0: i32) -> (i32, i32) {
    %c0_i32 = arith.constant 0 : i32
    %c0_i32_0 = arith.constant 0 : i32
    return %arg0, %c0_i32 : i32, i32
  }
  func.func @transform_2(%arg0: i32) -> (i32, i32) {
    %c0_i32 = arith.constant 0 : i32
    %c0_i32_0 = arith.constant 0 : i32
    %c0_i32_1 = arith.constant 0 : i32
    return %c0_i32, %c0_i32_0 : i32, i32
  }
  func.func @transform_3(%arg0: i32) -> (i32, i32) {
    %c0_i32 = arith.constant 0 : i32
    %c0_i32_0 = arith.constant 0 : i32
    return %arg0, %c0_i32 : i32, i32
  }
}

</mosaic_0001>

<sc_bundles>
// kernel: kernel.10.cloned.1.call-start
scs
__scs_entry_jumppad:
0x0: {  	(pc) =	sbr.rel $0x88, $3  }
0x1: {  	(tag) =	ssettag $0x0;
	lr =	simm.s32 $0x1  }
0x2: {  	[smem:$0x3F99] =	sst lr;
	_ =	strace $0xD0000000  }
0x3: {  	_ = 	snop  }
0x4: {  	_ = 	snop  }
0x5: {  	_ = 	snop  }
0x6: {  	_ = 	snop  }
0x7: {  	_ = 	snop  }
__scs_overlays_trampoline_lowered:
0x8: {  	[smem:$0x3FA8] =	sst s0  }
0x9: {  	[smem:$0x3FA9] =	sst s1  }
0xa: {  	[smem:$0x3FAA] =	sst s2  }
0xb: {  	[smem:$0x3FAB] =	sst s3  }
0xc: {  	[smem:$0x3FAC] =	sst s4  }
0xd: {  	[smem:$0x3FAD] =	sst s5  }
0xe: {  	[smem:$0x3FAE] =	sst s6  }
0xf: {  	[smem:$0x3FAF] =	sst s7  }
0x10: {  	[smem:$0x3FB0] =	sst s8  }
0x11: {  	[smem:$0x3FB1] =	sst s9;
	s0 =	simm.s32 @!p0 $0x0  }
0x12: {  	s1 =	sld [smem:$0x3F97];
	s0 =	simm.s32 @p0 $0x1  }
0x13: {  	[smem:$0x3FB2] =	sst s0;
	s0 =	simm.s32 @!p1 $0x0  }
0x14: {  	s2 =	sld [smem:$0x3F96];
	s0 =	simm.s32 @p1 $0x1  }
0x15: {  	[smem:$0x3FB3] =	sst s0;
	s0 =	simm.s32 @!p2 $0x0  }
0x16: {  	s3 =	sld [smem:$0x3FDB];
	s0 =	simm.s32 @p2 $0x1  }
0x17: {  	s4 =	simm.s32 $0x1BF5;
	[smem:$0x3FB5] =	sst s0  }
0x18: {  	s0 =	sld [smem:$0x3F98];
	_ =	swait.ge [sflag:s4], $0x0  }
0x19: {  	s7 =	sld [smem:$0x3F99]  }
0x1a: {  	s8 =	sadd.s32 $0xFFFFE003, lr  }
0x1b: {  	s9 =	sadd.s32 $0xFFFFFEF7, lr;
	s5 =	simm.s32 $0xFFFFFFFF;
	p2 =	slt.u32 s8, $0xFFFFF086  }
0x1c: {  	p1 =	slt.u32 s9, $0xF7A;
	s5 =	simm.s32 @!p2 $0x0  }
0x1d: {  	s5 =	simm.s32 @p1 $0x1;
	p0 =	seq.s32 s7, s2  }
0x1e: {  	s7 =	smul.u32 @!p0 $0xF7A, s2;
	p2 =	seq.s32 @!p0 s5, $0x0  }
0x1f: {  	s9 =	smul.u32 $0xF7A, s1;
	s8 =	simm.s32 @!p0 $0x1BF5;
	p2 =	por !p2, p0  }
0x20: {  	[sflag:s8] =	ssyncset.s32 @!p0 $0xFFFFF086;
	s6 =	sadd.s32 @!p0 s3, s7;
	s7 =	simm.s32 @!p0 $0x108  }
0x21: {  	s3 =	sadd.s32 s3, s9;
	s6 =	sadd.s32 @!p0 $0x88, s6;
	s7 =	simm.s32 @p2 $0x1082  }
0x22: {  	[simem:s7], [sflag:s8] =	dma.local @!p0 [hbm:s6], $0xF7A  }
0x23: {  	s9 =	sor.u32 $0xD0000000, s2;
	s6 =	simm.s32 $0x108;
	_ =	swait.ge @!p0 [sflag:s8], $0x0  }
0x24: {  	s3 =	sadd.s32 $0x88, s3;
	s6 =	simm.s32 @!p1 $0x1082;
	[sflag:s4] =	ssyncset.s32 $0xFFFFF086  }
0x25: {  	[simem:s6], [sflag:s4] =	dma.local [hbm:s3], $0xF7A  }
0x26: {  	[smem:$0x3F99] =	sst s1;
	(tag) =	ssettag s2;
	_ =	strace s9  }
0x27: {  	s1 =	sld [smem:$0x3FA9]  }
0x28: {  	s2 =	sld [smem:$0x3FAA]  }
0x29: {  	s4 =	sld [smem:$0x3FAC]  }
0x2a: {  	p0 =	seq.s32 s5, $0x0;
	s5 =	sld [smem:$0x3FAD]  }
0x2b: {  	s6 =	sld [smem:$0x3FAE]  }
0x2c: {  	s7 =	sld [smem:$0x3FAF]  }
0x2d: {  	s3 =	simm.s32 $0x108;
	s8 =	sld [smem:$0x3FB0]  }
0x2e: {  	s3 =	simm.s32 @!p0 $0x1082;
	s9 =	sld [smem:$0x3FB1]  }
0x2f: {  	lr =	sadd.s32 s0, s3;
	s0 =	sld [smem:$0x3FA8]  }
0x30: {  	s3 =	sld [smem:$0x3FAB]  }
0x31: {  	[smem:$0x3FB4] =	sst s10  }
0x32: {  	s10 =	sld [smem:$0x3FB2];
	_ =	sdelay $0x3  }
0x33: {  	p0 =	seq.s32 s10, $0x1;
	s10 =	sld [smem:$0x3FB4];
	_ =	sdelay $0x3  }
0x34: {  	[smem:$0x3FB4] =	sst s10  }
0x35: {  	s10 =	sld [smem:$0x3FB3];
	_ =	sdelay $0x3  }
0x36: {  	p1 =	seq.s32 s10, $0x1;
	s10 =	sld [smem:$0x3FB4];
	_ =	sdelay $0x3  }
0x37: {  	[smem:$0x3FB4] =	sst s10  }
0x38: {  	s10 =	sld [smem:$0x3FB5]  }
0x39: {  	_ = 	snop;
	(pc) =	sbr.ind lr, $3  }
0x3a: {  	_ = 	snop  }
0x3b: {  	_ = 	snop  }
0x3c: {  	p2 =	seq.s32 s10, $0x1;
	s10 =	sld [smem:$0x3FB4]  }
0x3d: {  	_ =	shalt  }
0x3e: {  	_ =	shalt  }
0x3f: {  	_ =	shalt  }
0x40: {  	_ =	shalt  }
0x41: {  	_ =	shalt  }
0x42: {  	_ =	shalt  }
0x43: {  	_ =	shalt  }
0x44: {  	_ =	shalt  }
0x45: {  	_ =	shalt  }
0x46: {  	_ =	shalt  }
0x47: {  	_ =	shalt  }
0x48: {  	_ =	shalt  }
0x49: {  	_ =	shalt  }
0x4a: {  	_ =	shalt  }
0x4b: {  	_ =	shalt  }
0x4c: {  	_ =	shalt  }
0x4d: {  	_ =	shalt  }
0x4e: {  	_ =	shalt  }
0x4f: {  	_ =	shalt  }
0x50: {  	_ =	shalt  }
0x51: {  	_ =	shalt  }
0x52: {  	_ =	shalt  }
0x53: {  	_ =	shalt  }
0x54: {  	_ =	shalt  }
0x55: {  	_ =	shalt  }
0x56: {  	_ =	shalt  }
0x57: {  	_ =	shalt  }
0x58: {  	_ =	shalt  }
0x59: {  	_ =	shalt  }
0x5a: {  	_ =	shalt  }
0x5b: {  	_ =	shalt  }
0x5c: {  	_ =	shalt  }
0x5d: {  	_ =	shalt  }
0x5e: {  	_ =	shalt  }
0x5f: {  	_ =	shalt  }
0x60: {  	_ =	shalt  }
0x61: {  	_ =	shalt  }
0x62: {  	_ =	shalt  }
0x63: {  	_ =	shalt  }
0x64: {  	_ =	shalt  }
0x65: {  	_ =	shalt  }
0x66: {  	_ =	shalt  }
0x67: {  	_ =	shalt  }
0x68: {  	_ =	shalt  }
0x69: {  	_ =	shalt  }
0x6a: {  	_ =	shalt  }
0x6b: {  	_ =	shalt  }
0x6c: {  	_ =	shalt  }
0x6d: {  	_ =	shalt  }
0x6e: {  	_ =	shalt  }
0x6f: {  	_ =	shalt  }
0x70: {  	_ =	shalt  }
0x71: {  	_ =	shalt  }
0x72: {  	_ =	shalt  }
0x73: {  	_ =	shalt  }
0x74: {  	_ =	shalt  }
0x75: {  	_ =	shalt  }
0x76: {  	_ =	shalt  }
0x77: {  	_ =	shalt  }
0x78: {  	_ =	shalt  }
0x79: {  	_ =	shalt  }
0x7a: {  	_ =	shalt  }
0x7b: {  	_ =	shalt  }
0x7c: {  	_ =	shalt  }
0x7d: {  	_ =	shalt  }
0x7e: {  	_ =	shalt  }
0x7f: {  	_ =	shalt  }
0x80: {  	_ =	shalt  }
0x81: {  	_ =	shalt  }
0x82: {  	_ =	shalt  }
0x83: {  	_ =	shalt  }
0x84: {  	_ =	shalt  }
0x85: {  	_ =	shalt  }
0x86: {  	_ =	shalt  }
0x87: {  	_ =	shalt  }
.Lfunc_end0:
.L_simem_size_0:
called_computation_lowered:
.L_overlay_start_0:
0x88: {  	s2 =	sld [smem:$0x3FD9]  }
0x89: {  	s3 =	sld [smem:$0x3FFE];
	_ =	sdelay $0x1  }
0x8a: {  	s1 =	srdreg.scid  }
0x8b: {  	s0 =	sand.u32 $0x1, s1  }
0x8c: {  	s17 =	sshll.u32 s0, $0xA;
	s2 =	sadd.s32 s3, s2  }
0x8d: {  	s2 =	sadd.s32 s2, s17  }
0x8e: {  	[smem:$0x3FC0] =	sst s2  }
0x8f: {  	_ = 	snop  }
0x90: {  	s2 =	sld [smem:$0x3FD0];
	(tm) =	ssettm $0x1  }
0x91: {  	s18 =	sld [smem:$0x3FFB];
	_ =	sdelay $0x3  }
0x92: {  	_ =	strace s18  }
0x93: {  	s3 =	sld [smem:$0x3FFC];
	_ =	sdelay $0x3  }
0x94: {  	_ =	strace s3  }
0x95: {  	s3 =	sld [smem:$0x3FFD];
	_ =	sdelay $0x3  }
0x96: {  	_ =	strace s3  }
0x97: {  	_ =	strace $0x8FFFFFFF  }
0x98: {  	s19 =	sld [smem:$0x3FDB];
	_ =	sdelay $0x1  }
0x99: {  	s4 =	simm.s32 $_scs_section_size  }
0x9a: {  	s5 =	simm.s32 $_size__tile_overlayer_lowered;
	s6 =	simm.s32 $_tile_overlayer_lowered  }
0x9b: {  	s22 =	simm.s32 $0x1BFF;
	s21 =	sshll.u32 s6, $0x1;
	s3 =	sadd.s32 s4, s19  }
0x9c: {  	s7 =	simm.s32 $0x0;
	s20 =	sshll.u32 s5, $0x1;
	s5 =	sadd.s32 s21, s3  }
0x9d: {  	[timem:s7], [sflag:s22] =	dma.local [hbm:s5], s20  }
0x9e: {  	_ =	swait.ge [sflag:s22], s20  }
0x9f: {  	s4 =	ssub.s32 $0x0, s20;
	[sflag:s22] =	ssyncset.done $0x0  }
0xa0: {  	[sflag:s22] =	ssyncadd.s32 s4;
	_ =	sdelay $0x1  }
0xa1: {  	s23 =	simm.s32 $0x1B8B  }
0xa2: {  	_ =	swait.ge [sflag:s23], $0x1  }
0xa3: {  	[sflag:s23] =	ssyncset.done $0x0  }
0xa4: {  	s25 =	simm.s32 $0x1B8E;
	s24 =	sld [smem:$0x3FFE];
	[sflag:s23] =	ssyncadd.s32 $0xFFFFFFFF  }
0xa5: {  	s26 =	simm.s32 $execute0_lowered;
	[smem:$0x3FD2] =	sst s25  }
0xa6: {  	s5 =	sshll.u32 s26, $0x1;
	_ =	strace $0x80000046;
	[dreg:$0x1] =	wrdreg $0xFFFFFFFF  }
0xa7: {  	s28 =	simm.s32 $_size_execute0_lowered;
	s3 =	sadd.s32 s3, s5;
	[dreg:$0x0] =	wrdreg $0x0  }
0xa8: {  	s5 =	sshll.u32 s28, $0x1;
	[dreg:$0x2] =	wrdreg s3  }
0xa9: {  	[dreg:$0x3] =	wrdreg s5  }
0xaa: {  	[dreg:$0x4] =	wrdreg $0xC0  }
0xab: {  	_ =	task [dreg:s7], $0x5FFFF  }
0xac: {  	[dreg:$0x1] =	wrdreg $0xFFFFFFFF  }
0xad: {  	[dreg:$0x0] =	wrdreg $0x60  }
0xae: {  	[dreg:$0x2] =	wrdreg s24  }
0xaf: {  	[dreg:$0x3] =	wrdreg s2  }
0xb0: {  	[dreg:$0x4] =	wrdreg $0x57800  }
0xb1: {  	[dreg:$0x5] =	wrdreg $0x9  }
0xb2: {  	_ =	task.clear_ibuf [dreg:s7], $0x6FFFF;
	_ =	strace $0x90000046  }
0xb3: {  	s29 =	simm.s32 $0x9;
	_ =	strace $0x80000048  }
0xb4: {  	_ =	swait.ge [sflag:s29], $0x1  }
0xb5: {  	[sflag:s29] =	ssyncadd.s32 $0xFFFFFFFF  }
0xb6: {  	_ =	strace $0x90000048  }
0xb7: {  	_ =	sfence  }
0xb8: {  	s30 =	sld [smem:$0x0];
	_ =	sdelay $0x2  }
0xb9: {  	s31 =	sshll.u32 s1, $0xD;
	s1 =	sshrl.u32 s1, $0x2  }
0xba: {  	s3 =	sand.u32 $0x4000, s31;
	s1 =	sadd.s32 s1, s30  }
0xbb: {  	s0 =	sor.u32 s3, s0;
	s1 =	sshll.u32 s1, $0x11  }
0xbc: {  	s0 =	sor.u32 s1, s0  }
0xbd: {  	s0 =	sadd.s32 $0x8F2B, s0  }
0xbe: {  	[sflag:s0] =	ssyncadd.remote.s32 $0x1  }
0xbf: {  	_ =	sfence.sel $0xFFFF  }
0xc0: {  	[dreg:$0x0] =	wrdreg $0xFFFFFFFF;
	(pc) =	sbr.abs _section_cstart, $3  }
0xc1: {  	[dreg:$0x1] =	wrdreg $0xFFFFFFFF  }
0xc2: {  	_ =	task.clear_ibuf [dreg:s7], $0x2FFFF;
	_ =	strace $0x9FFFFFFF  }
0xc3: {  	(tm) =	ssettm $0x7FFFFFFF  }
tec
execute0_lowered:
.L_overlay_start_1:
0x0: {  	(tag) =	ssettag $0x1  }
0x1: {  	s5 =	rddreg [dreg:$0x0]  }
0x2: {  	s7 =	rddreg [dreg:$0x1]  }
0x3: {  	s2 =	rddreg [dreg:$0x2]  }
0x4: {  	s0 =	rddreg [dreg:$0x3]  }
0x5: {  	s3 =	simm.s32 $0x0;
	s1 =	stileid.u32;
	s8 =	srdreg.scid  }
0x6: {  	s14 =	simm.s32 $0x64;
	s15 =	simm.s32 $0x0;
	s6 =	smul.u32 $0x2800, s1  }
0x7: {  	[smem:$0x7FF] =	sst s3;
	s8 =	sand.u32 $0x1, s8;
	s9 =	smul.u32 $0x5140, s1  }
0x8: {  	s4 =	sadd.s32 $0x17000, s5;
	s31 =	sshll.u32 s1, $0x6;
	s12 =	smul.u32 $0x28000, s8  }
0x9: {  	_ =	strace $0x80000047;
	s11 =	ssub.s32 $0x2, s8;
	s29 =	smul.u32 $0xA280, s8  }
0xa: {  	s10 =	sshrl.u32 s6, $0x3;
	s13 =	sshrl.u32 s11, $0x1;
	s9 =	sshrl.u32 s9, $0x3  }
0xb: {  	s30 =	sadd.s32 s6, s2;
	s10 =	sadd.s32 s10, s5;
	s11 =	ssub.s32 s11, s13  }
0xc: {  	s5 =	sadd.s32 s5, s9;
	s28 =	sadd.s32 s6, s12;
	s12 =	sor.u32 $0x1C01, s31  }
0xd: {  	s13 =	sshrl.u32 s30, $0x3;
	s5 =	sadd.s32 $0xCC80, s5;
	s9 =	sshrl.u32 s28, $0x3  }
0xe: {  	s6 =	sadd.s32 $0x17200, s10;
	s8 =	smax.u32 s11, $0x1;
	s10 =	simm.s32 $0x1  }
0xf: {  	s11 =	simm.s32 $0x5140;
	s7 =	sadd.s32 s7, s9;
	s9 =	sshrl.u32 s29, $0x2  }
.LBB2_1:
0x10: {  	[tilespmem:s3], [sflag:$0x1] =	stream.linear.gather [hbm4b:s5+s3], $0x5140, $0x38;
	[tilespmem:$0x7F80] =	vst v63  }
0x11: {  	_ =	swait.ge [sflag:s10], $0x5140  }
0x12: {  	[sflag:s10] =	ssyncset.done $0x0  }
0x13: {  	[sflag:s10] =	ssyncadd.s32 $0xFFFFAEC0  }
0x14: {  	[tilespmem:s11], [sflag:$0x1] =	stream.linear.gather [hbm4b:s4+s3], $0x640, $0x38;
	[tilespmem:$0x7F80] =	vst v63  }
0x15: {  	_ =	swait.ge [sflag:s10], $0x640  }
0x16: {  	[sflag:s10] =	ssyncset.done $0x0  }
0x17: {  	[sflag:s10] =	ssyncadd.s32 $0xFFFFF9C0  }
0x18: {  	[spmem:s13], [sflag:s12] =	dma.local [hbm:s6], $0x500  }
0x19: {  	_ =	swait.ge [sflag:s10], $0x500  }
0x1a: {  	[sflag:s10] =	ssyncset.done $0x0  }
0x1b: {  	[sflag:s10] =	ssyncadd.s32 $0xFFFFFB00  }
0x1c: {  	s16 =	sadd.s32 $0x0, s9;
	[bflag:$0x0] =	sbarrier.arrive $0xFFFF  }
0x1d: {  	[spmem:s2] =	stream.indirect.scatter.add.f32 [tilespmem:s11], [sflag:$0x1], $0x10, s16, s14, $0xb8;
	[tilespmem:$0x7F80] =	vst v63  }
0x1e: {  	s16 =	simm.s32 $0x1A0;
	_ =	swait.ge [sflag:s10], $0x640  }
.LBB2_2:
0x1f: {  	s17 =	sshra.s32 s16, $0x2;
	[sflag:s10] =	ssyncset.done $0x0;
	p0 =	sne.s32 s16, $0xA0E0  }
.Ltmp0:
0x20: {  	s17 =	sadd.s32 s17, s9;
	[sflag:s10] =	ssyncadd.s32 $0xFFFFF9C0;
	(pc) =	sbr.rel @p0 .LBB2_2-.Ltmp0, $3  }
0x21: {  	[spmem:s2] =	stream.indirect.scatter.add.f32 [tilespmem:s11], [sflag:$0x1], $0x10, s17, s14, $0xb8;
	[tilespmem:$0x7F80] =	vst v63  }
0x22: {  	s16 =	sadd.s32 $0x1A0, s16;
	_ =	sdelay $0x1  }
0x23: {  	_ =	swait.ge [sflag:s10], $0x640  }
0x24: {  	[sflag:s10] =	ssyncset.done $0x0;
	s15 =	sadd.s32 $0x1, s15  }
0x25: {  	[sflag:s10] =	ssyncadd.s32 $0xFFFFF9C0;
	p0 =	sne.s32 s15, s8  }
.Ltmp1:
0x26: {  	[bflag:$0x0] =	sbarrier.arrive $0xFFFF;
	(pc) =	sbr.rel @p0 .LBB2_1-.Ltmp1, $4  }
0x27: {  	[hbm:s7], [sflag:s12] =	dma.local [spmem:s13], $0x500  }
0x28: {  	_ =	swait.ge [sflag:s10], $0x500  }
0x29: {  	[sflag:s10] =	ssyncset.done $0x0  }
0x2a: {  	[sflag:s10] =	ssyncadd.s32 $0xFFFFFB00  }
0x2b: {  	_ =	sfence.sel $0x180000  }
0x2c: {  	[bflag:$0x0] =	sbarrier.arrive $0xFFFF  }
0x2d: {  	p0 =	sne.s32 s1, $0x0;
	_ =	strace $0x90000047  }
0x2e: {  	s0 =	sadd.s32 @!p0 $0x100000, s0;
	[bflag:$0x2] =	sbarrier.arrive $0xFFFF  }
0x2f: {  	[sflag:s0] =	ssyncadd.tile.s32 @!p0 $0x1;
	_ =	shalt  }
.Lfunc_end2:
_tile_overlayer_lowered:
.L_overlay_start_2:
0x30: {  	(tag) =	ssettag $0x2  }
0x31: {  	s0 =	rddreg [dreg:$0x0];
	s2 =	stileid.u32  }
0x32: {  	s1 =	rddreg [dreg:$0x1];
	p0 =	sne.s32 s2, $0x0  }
0x33: {  	s3 =	rddreg [dreg:$0x2];
	[bflag:$0x3] =	sbarrier.arrive $0xFFFF;
	s2 =	simm.s32 @!p0 $0x1C01  }
0x34: {  	[timem:s3], [sflag:s2] =	dma.local @!p0 [hbm:s0], s1  }
0x35: {  	s0 =	simm.s32 @!p0 $0x1  }
0x36: {  	_ =	swait.ge @!p0 [sflag:s0], s1  }
0x37: {  	s1 =	ssub.s32 @!p0 $0x0, s1;
	[sflag:s0] =	ssyncset.done @!p0 $0x0  }
0x38: {  	[sflag:s0] =	ssyncadd.s32 @!p0 s1  }
0x39: {  	[bflag:$0x3] =	sbarrier.arrive $0xFFFF  }
0x3a: {  	_ =	shalt  }

// kernel: kernel.13.cloned.1.call-start
scs
__scs_entry_jumppad:
0x0: {  	(pc) =	sbr.rel $0x88, $3  }
0x1: {  	(tag) =	ssettag $0x0;
	lr =	simm.s32 $0x1  }
0x2: {  	[smem:$0x3F99] =	sst lr;
	_ =	strace $0xD0000000  }
0x3: {  	_ = 	snop  }
0x4: {  	_ = 	snop  }
0x5: {  	_ = 	snop  }
0x6: {  	_ = 	snop  }
0x7: {  	_ = 	snop  }
__scs_overlays_trampoline_lowered:
0x8: {  	[smem:$0x3FA8] =	sst s0  }
0x9: {  	[smem:$0x3FA9] =	sst s1  }
0xa: {  	[smem:$0x3FAA] =	sst s2  }
0xb: {  	[smem:$0x3FAB] =	sst s3  }
0xc: {  	[smem:$0x3FAC] =	sst s4  }
0xd: {  	[smem:$0x3FAD] =	sst s5  }
0xe: {  	[smem:$0x3FAE] =	sst s6  }
0xf: {  	[smem:$0x3FAF] =	sst s7  }
0x10: {  	[smem:$0x3FB0] =	sst s8  }
0x11: {  	[smem:$0x3FB1] =	sst s9;
	s0 =	simm.s32 @!p0 $0x0  }
0x12: {  	s1 =	sld [smem:$0x3F97];
	s0 =	simm.s32 @p0 $0x1  }
0x13: {  	[smem:$0x3FB2] =	sst s0;
	s0 =	simm.s32 @!p1 $0x0  }
0x14: {  	s2 =	sld [smem:$0x3F96];
	s0 =	simm.s32 @p1 $0x1  }
0x15: {  	[smem:$0x3FB3] =	sst s0;
	s0 =	simm.s32 @!p2 $0x0  }
0x16: {  	s3 =	sld [smem:$0x3FDB];
	s0 =	simm.s32 @p2 $0x1  }
0x17: {  	s4 =	simm.s32 $0x1BF5;
	[smem:$0x3FB5] =	sst s0  }
0x18: {  	s0 =	sld [smem:$0x3F98];
	_ =	swait.ge [sflag:s4], $0x0  }
0x19: {  	s7 =	sld [smem:$0x3F99]  }
0x1a: {  	s8 =	sadd.s32 $0xFFFFE003, lr  }
0x1b: {  	s9 =	sadd.s32 $0xFFFFFEF7, lr;
	s5 =	simm.s32 $0xFFFFFFFF;
	p2 =	slt.u32 s8, $0xFFFFF086  }
0x1c: {  	p1 =	slt.u32 s9, $0xF7A;
	s5 =	simm.s32 @!p2 $0x0  }
0x1d: {  	s5 =	simm.s32 @p1 $0x1;
	p0 =	seq.s32 s7, s2  }
0x1e: {  	s7 =	smul.u32 @!p0 $0xF7A, s2;
	p2 =	seq.s32 @!p0 s5, $0x0  }
0x1f: {  	s9 =	smul.u32 $0xF7A, s1;
	s8 =	simm.s32 @!p0 $0x1BF5;
	p2 =	por !p2, p0  }
0x20: {  	[sflag:s8] =	ssyncset.s32 @!p0 $0xFFFFF086;
	s6 =	sadd.s32 @!p0 s3, s7;
	s7 =	simm.s32 @!p0 $0x108  }
0x21: {  	s3 =	sadd.s32 s3, s9;
	s6 =	sadd.s32 @!p0 $0x88, s6;
	s7 =	simm.s32 @p2 $0x1082  }
0x22: {  	[simem:s7], [sflag:s8] =	dma.local @!p0 [hbm:s6], $0xF7A  }
0x23: {  	s9 =	sor.u32 $0xD0000000, s2;
	s6 =	simm.s32 $0x108;
	_ =	swait.ge @!p0 [sflag:s8], $0x0  }
0x24: {  	s3 =	sadd.s32 $0x88, s3;
	s6 =	simm.s32 @!p1 $0x1082;
	[sflag:s4] =	ssyncset.s32 $0xFFFFF086  }
0x25: {  	[simem:s6], [sflag:s4] =	dma.local [hbm:s3], $0xF7A  }
0x26: {  	[smem:$0x3F99] =	sst s1;
	(tag) =	ssettag s2;
	_ =	strace s9  }
0x27: {  	s1 =	sld [smem:$0x3FA9]  }
0x28: {  	s2 =	sld [smem:$0x3FAA]  }
0x29: {  	s4 =	sld [smem:$0x3FAC]  }
0x2a: {  	p0 =	seq.s32 s5, $0x0;
	s5 =	sld [smem:$0x3FAD]  }
0x2b: {  	s6 =	sld [smem:$0x3FAE]  }
0x2c: {  	s7 =	sld [smem:$0x3FAF]  }
0x2d: {  	s3 =	simm.s32 $0x108;
	s8 =	sld [smem:$0x3FB0]  }
0x2e: {  	s3 =	simm.s32 @!p0 $0x1082;
	s9 =	sld [smem:$0x3FB1]  }
0x2f: {  	lr =	sadd.s32 s0, s3;
	s0 =	sld [smem:$0x3FA8]  }
0x30: {  	s3 =	sld [smem:$0x3FAB]  }
0x31: {  	[smem:$0x3FB4] =	sst s10  }
0x32: {  	s10 =	sld [smem:$0x3FB2];
	_ =	sdelay $0x3  }
0x33: {  	p0 =	seq.s32 s10, $0x1;
	s10 =	sld [smem:$0x3FB4];
	_ =	sdelay $0x3  }
0x34: {  	[smem:$0x3FB4] =	sst s10  }
0x35: {  	s10 =	sld [smem:$0x3FB3];
	_ =	sdelay $0x3  }
0x36: {  	p1 =	seq.s32 s10, $0x1;
	s10 =	sld [smem:$0x3FB4];
	_ =	sdelay $0x3  }
0x37: {  	[smem:$0x3FB4] =	sst s10  }
0x38: {  	s10 =	sld [smem:$0x3FB5]  }
0x39: {  	_ = 	snop;
	(pc) =	sbr.ind lr, $3  }
0x3a: {  	_ = 	snop  }
0x3b: {  	_ = 	snop  }
0x3c: {  	p2 =	seq.s32 s10, $0x1;
	s10 =	sld [smem:$0x3FB4]  }
0x3d: {  	_ =	shalt  }
0x3e: {  	_ =	shalt  }
0x3f: {  	_ =	shalt  }
0x40: {  	_ =	shalt  }
0x41: {  	_ =	shalt  }
0x42: {  	_ =	shalt  }
0x43: {  	_ =	shalt  }
0x44: {  	_ =	shalt  }
0x45: {  	_ =	shalt  }
0x46: {  	_ =	shalt  }
0x47: {  	_ =	shalt  }
0x48: {  	_ =	shalt  }
0x49: {  	_ =	shalt  }
0x4a: {  	_ =	shalt  }
0x4b: {  	_ =	shalt  }
0x4c: {  	_ =	shalt  }
0x4d: {  	_ =	shalt  }
0x4e: {  	_ =	shalt  }
0x4f: {  	_ =	shalt  }
0x50: {  	_ =	shalt  }
0x51: {  	_ =	shalt  }
0x52: {  	_ =	shalt  }
0x53: {  	_ =	shalt  }
0x54: {  	_ =	shalt  }
0x55: {  	_ =	shalt  }
0x56: {  	_ =	shalt  }
0x57: {  	_ =	shalt  }
0x58: {  	_ =	shalt  }
0x59: {  	_ =	shalt  }
0x5a: {  	_ =	shalt  }
0x5b: {  	_ =	shalt  }
0x5c: {  	_ =	shalt  }
0x5d: {  	_ =	shalt  }
0x5e: {  	_ =	shalt  }
0x5f: {  	_ =	shalt  }
0x60: {  	_ =	shalt  }
0x61: {  	_ =	shalt  }
0x62: {  	_ =	shalt  }
0x63: {  	_ =	shalt  }
0x64: {  	_ =	shalt  }
0x65: {  	_ =	shalt  }
0x66: {  	_ =	shalt  }
0x67: {  	_ =	shalt  }
0x68: {  	_ =	shalt  }
0x69: {  	_ =	shalt  }
0x6a: {  	_ =	shalt  }
0x6b: {  	_ =	shalt  }
0x6c: {  	_ =	shalt  }
0x6d: {  	_ =	shalt  }
0x6e: {  	_ =	shalt  }
0x6f: {  	_ =	shalt  }
0x70: {  	_ =	shalt  }
0x71: {  	_ =	shalt  }
0x72: {  	_ =	shalt  }
0x73: {  	_ =	shalt  }
0x74: {  	_ =	shalt  }
0x75: {  	_ =	shalt  }
0x76: {  	_ =	shalt  }
0x77: {  	_ =	shalt  }
0x78: {  	_ =	shalt  }
0x79: {  	_ =	shalt  }
0x7a: {  	_ =	shalt  }
0x7b: {  	_ =	shalt  }
0x7c: {  	_ =	shalt  }
0x7d: {  	_ =	shalt  }
0x7e: {  	_ =	shalt  }
0x7f: {  	_ =	shalt  }
0x80: {  	_ =	shalt  }
0x81: {  	_ =	shalt  }
0x82: {  	_ =	shalt  }
0x83: {  	_ =	shalt  }
0x84: {  	_ =	shalt  }
0x85: {  	_ =	shalt  }
0x86: {  	_ =	shalt  }
0x87: {  	_ =	shalt  }
.Lfunc_end0:
.L_simem_size_0:
called_computation.1_lowered:
.L_overlay_start_0:
0x88: {  	s2 =	sld [smem:$0x3FD9]  }
0x89: {  	s3 =	sld [smem:$0x3FFE];
	_ =	sdelay $0x1  }
0x8a: {  	s1 =	srdreg.scid  }
0x8b: {  	s0 =	sand.u32 $0x1, s1  }
0x8c: {  	s17 =	sshll.u32 s0, $0xA;
	s2 =	sadd.s32 s3, s2  }
0x8d: {  	s2 =	sadd.s32 s2, s17  }
0x8e: {  	[smem:$0x3FC0] =	sst s2  }
0x8f: {  	_ = 	snop  }
0x90: {  	s2 =	sld [smem:$0x3FD0];
	(tm) =	ssettm $0x1  }
0x91: {  	s18 =	sld [smem:$0x3FFB];
	_ =	sdelay $0x3  }
0x92: {  	_ =	strace s18  }
0x93: {  	s3 =	sld [smem:$0x3FFC];
	_ =	sdelay $0x3  }
0x94: {  	_ =	strace s3  }
0x95: {  	s3 =	sld [smem:$0x3FFD];
	_ =	sdelay $0x3  }
0x96: {  	_ =	strace s3  }
0x97: {  	_ =	strace $0x8FFFFFFF  }
0x98: {  	s19 =	sld [smem:$0x3FDB];
	_ =	sdelay $0x1  }
0x99: {  	s4 =	simm.s32 $_scs_section_size  }
0x9a: {  	s5 =	simm.s32 $_size__tile_overlayer_lowered;
	s6 =	simm.s32 $_tile_overlayer_lowered  }
0x9b: {  	s22 =	simm.s32 $0x1BFF;
	s21 =	sshll.u32 s6, $0x1;
	s3 =	sadd.s32 s4, s19  }
0x9c: {  	s7 =	simm.s32 $0x0;
	s20 =	sshll.u32 s5, $0x1;
	s5 =	sadd.s32 s21, s3  }
0x9d: {  	[timem:s7], [sflag:s22] =	dma.local [hbm:s5], s20  }
0x9e: {  	_ =	swait.ge [sflag:s22], s20  }
0x9f: {  	s4 =	ssub.s32 $0x0, s20;
	[sflag:s22] =	ssyncset.done $0x0  }
0xa0: {  	[sflag:s22] =	ssyncadd.s32 s4;
	_ =	sdelay $0x1  }
0xa1: {  	s23 =	simm.s32 $0x1B8B  }
0xa2: {  	_ =	swait.ge [sflag:s23], $0x1  }
0xa3: {  	[sflag:s23] =	ssyncset.done $0x0  }
0xa4: {  	s25 =	simm.s32 $0x1B8E;
	s24 =	sld [smem:$0x3FFE];
	[sflag:s23] =	ssyncadd.s32 $0xFFFFFFFF  }
0xa5: {  	s26 =	simm.s32 $execute0_lowered;
	[smem:$0x3FD2] =	sst s25  }
0xa6: {  	s5 =	sshll.u32 s26, $0x1;
	_ =	strace $0x80000049;
	[dreg:$0x1] =	wrdreg $0xFFFFFFFF  }
0xa7: {  	s28 =	simm.s32 $_size_execute0_lowered;
	s3 =	sadd.s32 s3, s5;
	[dreg:$0x0] =	wrdreg $0x0  }
0xa8: {  	s5 =	sshll.u32 s28, $0x1;
	[dreg:$0x2] =	wrdreg s3  }
0xa9: {  	[dreg:$0x3] =	wrdreg s5  }
0xaa: {  	[dreg:$0x4] =	wrdreg $0xC0  }
0xab: {  	_ =	task [dreg:s7], $0x5FFFF  }
0xac: {  	[dreg:$0x1] =	wrdreg $0xFFFFFFFF  }
0xad: {  	[dreg:$0x0] =	wrdreg $0x60  }
0xae: {  	[dreg:$0x2] =	wrdreg s24  }
0xaf: {  	[dreg:$0x3] =	wrdreg s2  }
0xb0: {  	[dreg:$0x4] =	wrdreg $0x106800  }
0xb1: {  	[dreg:$0x5] =	wrdreg $0x9  }
0xb2: {  	_ =	task.clear_ibuf [dreg:s7], $0x6FFFF;
	_ =	strace $0x90000049  }
0xb3: {  	s29 =	simm.s32 $0x9;
	_ =	strace $0x8000004B  }
0xb4: {  	_ =	swait.ge [sflag:s29], $0x1  }
0xb5: {  	[sflag:s29] =	ssyncadd.s32 $0xFFFFFFFF  }
0xb6: {  	_ =	strace $0x9000004B  }
0xb7: {  	_ =	sfence  }
0xb8: {  	s30 =	sld [smem:$0x0];
	_ =	sdelay $0x2  }
0xb9: {  	s31 =	sshll.u32 s1, $0xD;
	s1 =	sshrl.u32 s1, $0x2  }
0xba: {  	s3 =	sand.u32 $0x4000, s31;
	s1 =	sadd.s32 s1, s30  }
0xbb: {  	s0 =	sor.u32 s3, s0;
	s1 =	sshll.u32 s1, $0x11  }
0xbc: {  	s0 =	sor.u32 s1, s0  }
0xbd: {  	s0 =	sadd.s32 $0x8F2B, s0  }
0xbe: {  	[sflag:s0] =	ssyncadd.remote.s32 $0x1  }
0xbf: {  	_ =	sfence.sel $0xFFFF  }
0xc0: {  	[dreg:$0x0] =	wrdreg $0xFFFFFFFF;
	(pc) =	sbr.abs _section_cstart, $3  }
0xc1: {  	[dreg:$0x1] =	wrdreg $0xFFFFFFFF  }
0xc2: {  	_ =	task.clear_ibuf [dreg:s7], $0x2FFFF;
	_ =	strace $0x9FFFFFFF  }
0xc3: {  	(tm) =	ssettm $0x7FFFFFFF  }
tec
execute0_lowered:
.L_overlay_start_1:
0x0: {  	(tag) =	ssettag $0x1  }
0x1: {  	s0 =	rddreg [dreg:$0x0]  }
0x2: {  	s1 =	rddreg [dreg:$0x1];
	s18 =	stileid.u32  }
0x3: {  	s4 =	srdreg.scid;
	s3 =	rddreg [dreg:$0x2];
	s15 =	simm.s32 $0x9  }
0x4: {  	s16 =	simm.s32 $0x5140;
	s20 =	simm.s32 $0x64;
	s21 =	simm.s32 $0xA280  }
0x5: {  	s22 =	simm.s32 $0x1;
	s28 =	simm.s32 $0x5;
	s29 =	simm.s32 $0xD480  }
0x6: {  	s30 =	simm.s32 $0x4;
	s31 =	simm.s32 $0x7;
	s2 =	smul.u32 $0x5140, s18  }
0x7: {  	s9 =	sand.u32 $0x1, s4;
	s8 =	smul.u32 $0xA000, s18;
	s4 =	simm.s32 $0x0  }
0x8: {  	s26 =	sadd.s32 $0x12C00, s1;
	p1 =	seq.s32 s18, $0xF;
	s5 =	smul.u32 $0xA0000, s9  }
0x9: {  	[smem:$0x7FF] =	sst s4;
	s7 =	ssub.s32 $0x2, s9;
	p0 =	sne.s32 s9, $0x0  }
0xa: {  	s9 =	simm.s32 $0x0;
	_ =	strace $0x8000004A;
	s2 =	sshrl.u32 s2, $0x3  }
0xb: {  	s23 =	sshrl.u32 s7, $0x1;
	s12 =	sshrl.u32 s8, $0x3;
	[dreg:$0x7] =	wrdreg s26  }
0xc: {  	s26 =	simm.s32 $0x2;
	s5 =	sadd.s32 s8, s5;
	s2 =	sadd.s32 s2, s0  }
0xd: {  	s11 =	ssub.s32 s7, s23;
	s8 =	sadd.s32 s8, s3;
	s25 =	sadd.s32 s1, s12  }
0xe: {  	s6 =	sshrl.u32 s5, $0x3;
	s5 =	sadd.s32 $0x17000, s0;
	s7 =	sadd.s32 $0xCC80, s2  }
0xf: {  	[dreg:$0x6] =	wrdreg s25;
	s14 =	smax.u32 s11, $0x1;
	s19 =	sshrl.u32 @!p1 s8, $0x3  }
.Ltmp0:
0x10: {  	s25 =	simm.s32 $0x8;
	s24 =	sadd.s32 s5, s12;
	(pc) =	sbr.rel .LBB2_1-.Ltmp0, $4  }
0x11: {  	s10 =	sadd.s32 s6, s0;
	s0 =	sadd.s32 $0x29C00, s0;
	[dreg:$0x4] =	wrdreg s24  }
0x12: {  	s6 =	sadd.s32 $0x2A00, s2;
	s2 =	sadd.s32 $0x96000, s3;
	[dreg:$0x5] =	wrdreg s0  }
0x13: {  	s13 =	sadd.s32 $0x2AA00, s10;
	s17 =	sshrl.u32 @p1 s2, $0x3;
	s0 =	sshll.u32 @!p1 s18, $0x6  }
0x14: {  	s24 =	simm.s32 $0xBB80;
	s2 =	simm.s32 $0xED80;
	s18 =	sor.u32 @!p1 $0x1C09, s0  }
.LBB2_26:
0x15: {  	_ =	swait.ge [sflag:s25], $0x1900;
	s0 =	stileid.u32  }
0x16: {  	s10 =	sshrl.u32 s8, $0x3;
	s9 =	sadd.s32 $0x1, s9;
	[sflag:s25] =	ssyncset.done $0x0  }
0x17: {  	s0 =	sshll.u32 s0, $0x6;
	p2 =	sne.s32 s9, s14;
	[sflag:s25] =	ssyncadd.s32 $0xFFFFE700  }
.Ltmp1:
0x18: {  	s0 =	sor.u32 $0x1C09, s0;
	[bflag:$0x0] =	sbarrier.arrive $0xFFFF;
	(pc) =	sbr.rel @!p2 .LBB2_27-.Ltmp1, $4  }
0x19: {  	[hbm:s13], [sflag:s0] =	dma.local [spmem:s10], $0x1400  }
0x1a: {  	_ =	swait.ge [sflag:s15], $0x1400  }
0x1b: {  	[sflag:s15] =	ssyncset.done $0x0  }
0x1c: {  	[sflag:s15] =	ssyncadd.s32 $0xFFFFEC00  }
.LBB2_1:
0x1d: {  	[tilespmem:s4], [sflag:$0x9] =	stream.linear.gather [hbm4b:s6+s4], $0x5140, $0x38;
	[tilespmem:$0x1A680] =	vst v63  }
0x1e: {  	_ =	swait.ge [sflag:s15], $0x5140  }
0x1f: {  	[sflag:s15] =	ssyncset.done $0x0  }
.Ltmp2:
0x20: {  	[sflag:s15] =	ssyncadd.s32 $0xFFFFAEC0;
	(pc) =	sbr.rel @p0 .LBB2_14-.Ltmp2, $4  }
0x21: {  	[tilespmem:s16], [sflag:$0x9] =	stream.linear.gather [hbm4b:s7+s4], $0x5140, $0x38;
	[tilespmem:$0x1A680] =	vst v63  }
0x22: {  	_ =	swait.ge [sflag:s15], $0x5140  }
0x23: {  	[sflag:s15] =	ssyncset.done $0x0  }
0x24: {  	[sflag:s15] =	ssyncadd.s32 $0xFFFFAEC0  }
0x25: {  	s0 =	simm.s32 @p1 $0x1FC9;
	s10 =	rddreg [dreg:$0x7]  }
0x26: {  	[spmem:s17], [sflag:s0] =	dma.local @p1 [hbm:s10], $0xC80  }
0x27: {  	s0 =	simm.s32 @p1 $0x9  }
0x28: {  	_ =	swait.ge @p1 [sflag:s0], $0xC80  }
0x29: {  	[sflag:s0] =	ssyncset.done @p1 $0x0  }
0x2a: {  	[sflag:s0] =	ssyncadd.s32 @p1 $0xFFFFF380;
	s0 =	rddreg [dreg:$0x6]  }
0x2b: {  	[spmem:s19], [sflag:s18] =	dma.local @!p1 [hbm:s0], $0x1400  }
0x2c: {  	s0 =	simm.s32 @!p1 $0x9  }
0x2d: {  	_ =	swait.ge @!p1 [sflag:s0], $0x1400  }
0x2e: {  	[sflag:s0] =	ssyncset.done @!p1 $0x0  }
0x2f: {  	[sflag:s0] =	ssyncadd.s32 @!p1 $0xFFFFEC00  }
0x30: {  	[bflag:$0x0] =	sbarrier.arrive $0xFFFF  }
0x31: {  	[tilespmem:s21], [sflag:$0x1] =	stream.indirect.gather [hbm4b:s1+s20], $0x40, s4, s20, $0xb8;
	[tilespmem:$0x1A680] =	vst v63  }
0x32: {  	_ =	swait.ge [sflag:s22], $0x1900  }
.Ltmp3:
0x33: {  	[sflag:s22] =	ssyncset.done $0x0;
	(pc) =	sbr.rel .LBB2_3-.Ltmp3, $4  }
0x34: {  	s23 =	simm.s32 $0x68;
	[sflag:s22] =	ssyncadd.s32 $0xFFFFE700  }
0x35: {  	[spmem:s3] =	stream.indirect.scatter.add.f32 [tilespmem:s21], [sflag:$0x5], $0x40, s16, s20, $0xb8;
	[tilespmem:$0x1A680] =	vst v63  }
0x36: {  	s11 =	simm.s32 $0xD0;
	s12 =	simm.s32 $0x51A8;
	s10 =	simm.s32 $0xFFFFFF39  }
0x37: {  	[tilespmem:s24], [sflag:$0x2] =	stream.indirect.gather [hbm4b:s1+s20], $0x40, s23, s20, $0xb8;
	[tilespmem:$0x1A680] =	vst v63  }
.LBB2_9:
0x38: {  	p2 =	seq.s32 s0, $0x2  }
0x39: {  	s0 =	simm.s32 @p2 $0x3  }
0x3a: {  	_ =	swait.ge @p2 [sflag:s0], $0x1900  }
0x3b: {  	[sflag:s0] =	ssyncset.done @p2 $0x0  }
0x3c: {  	[sflag:s0] =	ssyncadd.s32 @p2 $0xFFFFE700;
	s0 =	simm.s32 @p2 $0x6  }
0x3d: {  	_ =	swait.ge @p2 [sflag:s0], $0x1900  }
0x3e: {  	s23 =	simm.s32 @p2 $0xD480;
	[sflag:s0] =	ssyncset.done @p2 $0x0  }
0x3f: {  	p3 =	seq.s32 @p2 s10, $0xFFFFFFFF;
	[sflag:s0] =	ssyncadd.s32 @p2 $0xFFFFE700;
	s0 =	simm.s32 @p2 $0x64  }
0x40: {  	[spmem:s3] =	stream.indirect.scatter.add.f32 @p2 [tilespmem:s23], [sflag:$0x7], $0x40, s12, s0, $0xb8;
	[tilespmem:$0x1A680] =	vst v63  }
0x41: {  	p2 =	por !p2, p3  }
.Ltmp4:
0x42: {  	_ = 	snop;
	(pc) =	sbr.rel @p2 .LBB2_11-.Ltmp4, $1  }
0x43: {  	_ =	sdelay $0x3  }
0x44: {  	[tilespmem:s2], [sflag:$0x4] =	stream.indirect.gather [hbm4b:s1+s20], $0x40, s11, s20, $0xb8;
	[tilespmem:$0x1A680] =	vst v63  }
.LBB2_13:
0x45: {  	s10 =	sadd.s32 $0x1, s10  }
0x46: {  	p2 =	seq.s32 s10, $0x0  }
.Ltmp5:
0x47: {  	_ = 	snop;
	(pc) =	sbr.rel @p2 .LBB2_26-.Ltmp5, $2  }
0x48: {  	_ =	sdelay $0x2  }
0x49: {  	s11 =	sadd.s32 $0x68, s11;
	s12 =	sadd.s32 $0x68, s12  }
.LBB2_3:
0x4a: {  	s0 =	sadd.s32 $0xC8, s10  }
0x4b: {  	s0 =	sand.u32 $0x3, s0  }
0x4c: {  	p2 =	sgt.s32 s0, $0x1  }
.Ltmp6:
0x4d: {  	_ = 	snop;
	(pc) =	sbr.rel @p2 .LBB2_9-.Ltmp6, $1  }
0x4e: {  	_ =	sdelay $0x3  }
0x4f: {  	p2 =	seq.s32 s0, $0x0  }
.Ltmp7:
0x50: {  	_ = 	snop;
	(pc) =	sbr.rel @!p2 .LBB2_7-.Ltmp7, $1  }
0x51: {  	_ =	sdelay $0x3  }
0x52: {  	_ =	swait.ge [sflag:s22], $0x1900  }
0x53: {  	p2 =	seq.s32 s10, $0xFFFFFFFF;
	[sflag:s22] =	ssyncset.done $0x0  }
.Ltmp8:
0x54: {  	[sflag:s22] =	ssyncadd.s32 $0xFFFFE700;
	(pc) =	sbr.rel @p2 .LBB2_26-.Ltmp8, $4  }
0x55: {  	_ =	swait.ge [sflag:s25], $0x1900  }
0x56: {  	[sflag:s25] =	ssyncset.done $0x0  }
0x57: {  	[sflag:s25] =	ssyncadd.s32 $0xFFFFE700  }
0x58: {  	[spmem:s3] =	stream.indirect.scatter.add.f32 [tilespmem:s21], [sflag:$0x5], $0x40, s12, s20, $0xb8;
	[tilespmem:$0x1A680] =	vst v63  }
.Ltmp9:
0x59: {  	(pc) =	sbr.rel .LBB2_13-.Ltmp9, $2  }
0x5a: {  	_ =	sdelay $0x2  }
0x5b: {  	[tilespmem:s24], [sflag:$0x2] =	stream.indirect.gather [hbm4b:s1+s20], $0x40, s11, s20, $0xb8;
	[tilespmem:$0x1A680] =	vst v63  }
.LBB2_7:
0x5c: {  	_ =	swait.ge [sflag:s26], $0x1900  }
0x5d: {  	p2 =	seq.s32 s10, $0xFFFFFFFF;
	[sflag:s26] =	ssyncset.done $0x0  }
.Ltmp10:
0x5e: {  	[sflag:s26] =	ssyncadd.s32 $0xFFFFE700;
	(pc) =	sbr.rel @p2 .LBB2_11-.Ltmp10, $4  }
0x5f: {  	_ =	swait.ge [sflag:s28], $0x1900  }
0x60: {  	[sflag:s28] =	ssyncset.done $0x0  }
0x61: {  	[sflag:s28] =	ssyncadd.s32 $0xFFFFE700  }
0x62: {  	[spmem:s3] =	stream.indirect.scatter.add.f32 [tilespmem:s24], [sflag:$0x6], $0x40, s12, s20, $0xb8;
	[tilespmem:$0x1A680] =	vst v63  }
.Ltmp11:
0x63: {  	(pc) =	sbr.rel .LBB2_13-.Ltmp11, $2  }
0x64: {  	_ =	sdelay $0x2  }
0x65: {  	[tilespmem:s29], [sflag:$0x3] =	stream.indirect.gather [hbm4b:s1+s20], $0x40, s11, s20, $0xb8;
	[tilespmem:$0x1A680] =	vst v63  }
.LBB2_11:
0x66: {  	_ =	swait.ge [sflag:s30], $0x1900  }
0x67: {  	p2 =	seq.s32 s10, $0xFFFFFFFF;
	[sflag:s30] =	ssyncset.done $0x0  }
.Ltmp12:
0x68: {  	[sflag:s30] =	ssyncadd.s32 $0xFFFFE700;
	(pc) =	sbr.rel @p2 .LBB2_26-.Ltmp12, $4  }
0x69: {  	_ =	swait.ge [sflag:s31], $0x1900  }
0x6a: {  	[sflag:s31] =	ssyncset.done $0x0  }
0x6b: {  	[sflag:s31] =	ssyncadd.s32 $0xFFFFE700  }
0x6c: {  	[spmem:s3] =	stream.indirect.scatter.add.f32 [tilespmem:s2], [sflag:$0x8], $0x40, s12, s20, $0xb8;
	[tilespmem:$0x1A680] =	vst v63  }
.Ltmp13:
0x6d: {  	(pc) =	sbr.rel .LBB2_13-.Ltmp13, $2  }
0x6e: {  	_ =	sdelay $0x2  }
0x6f: {  	[tilespmem:s21], [sflag:$0x1] =	stream.indirect.gather [hbm4b:s1+s20], $0x40, s11, s20, $0xb8;
	[tilespmem:$0x1A680] =	vst v63  }
.LBB2_14:
0x70: {  	s0 =	simm.s32 @p1 $0x1FC9;
	s10 =	rddreg [dreg:$0x5]  }
0x71: {  	[spmem:s17], [sflag:s0] =	dma.local @p1 [hbm:s10], $0xC80  }
0x72: {  	s0 =	simm.s32 @p1 $0x9  }
0x73: {  	_ =	swait.ge @p1 [sflag:s0], $0xC80  }
0x74: {  	[sflag:s0] =	ssyncset.done @p1 $0x0  }
0x75: {  	[sflag:s0] =	ssyncadd.s32 @p1 $0xFFFFF380;
	s0 =	rddreg [dreg:$0x4]  }
0x76: {  	[spmem:s19], [sflag:s18] =	dma.local @!p1 [hbm:s0], $0x1400  }
0x77: {  	s0 =	simm.s32 @!p1 $0x9  }
0x78: {  	_ =	swait.ge @!p1 [sflag:s0], $0x1400  }
0x79: {  	[sflag:s0] =	ssyncset.done @!p1 $0x0  }
0x7a: {  	[sflag:s0] =	ssyncadd.s32 @!p1 $0xFFFFEC00  }
0x7b: {  	[bflag:$0x0] =	sbarrier.arrive $0xFFFF  }
0x7c: {  	[tilespmem:s21], [sflag:$0x1] =	stream.indirect.gather [hbm4b:s5+s20], $0x40, s4, s20, $0xb8;
	[tilespmem:$0x1A680] =	vst v63  }
0x7d: {  	_ =	swait.ge [sflag:s22], $0x1900  }
.Ltmp14:
0x7e: {  	[sflag:s22] =	ssyncset.done $0x0;
	(pc) =	sbr.rel .LBB2_15-.Ltmp14, $4  }
0x7f: {  	s23 =	simm.s32 $0x68;
	[sflag:s22] =	ssyncadd.s32 $0xFFFFE700  }
0x80: {  	[spmem:s3] =	stream.indirect.scatter.add.f32 [tilespmem:s21], [sflag:$0x5], $0x40, s16, s20, $0xb8;
	[tilespmem:$0x1A680] =	vst v63  }
0x81: {  	s11 =	simm.s32 $0xD0;
	s12 =	simm.s32 $0x51A8;
	s10 =	simm.s32 $0xFFFFFF39  }
0x82: {  	[tilespmem:s24], [sflag:$0x2] =	stream.indirect.gather [hbm4b:s5+s20], $0x40, s23, s20, $0xb8;
	[tilespmem:$0x1A680] =	vst v63  }
.LBB2_21:
0x83: {  	p2 =	seq.s32 s0, $0x2  }
0x84: {  	s0 =	simm.s32 @p2 $0x3  }
0x85: {  	_ =	swait.ge @p2 [sflag:s0], $0x1900  }
0x86: {  	[sflag:s0] =	ssyncset.done @p2 $0x0  }
0x87: {  	[sflag:s0] =	ssyncadd.s32 @p2 $0xFFFFE700;
	s0 =	simm.s32 @p2 $0x6  }
0x88: {  	_ =	swait.ge @p2 [sflag:s0], $0x1900  }
0x89: {  	s23 =	simm.s32 @p2 $0xD480;
	[sflag:s0] =	ssyncset.done @p2 $0x0  }
0x8a: {  	p3 =	seq.s32 @p2 s10, $0xFFFFFFFF;
	[sflag:s0] =	ssyncadd.s32 @p2 $0xFFFFE700;
	s0 =	simm.s32 @p2 $0x64  }
0x8b: {  	[spmem:s3] =	stream.indirect.scatter.add.f32 @p2 [tilespmem:s23], [sflag:$0x7], $0x40, s12, s0, $0xb8;
	[tilespmem:$0x1A680] =	vst v63  }
0x8c: {  	p2 =	por !p2, p3  }
.Ltmp15:
0x8d: {  	_ = 	snop;
	(pc) =	sbr.rel @p2 .LBB2_23-.Ltmp15, $1  }
0x8e: {  	_ =	sdelay $0x3  }
0x8f: {  	[tilespmem:s2], [sflag:$0x4] =	stream.indirect.gather [hbm4b:s5+s20], $0x40, s11, s20, $0xb8;
	[tilespmem:$0x1A680] =	vst v63  }
.LBB2_25:
0x90: {  	s10 =	sadd.s32 $0x1, s10  }
0x91: {  	p2 =	seq.s32 s10, $0x0  }
.Ltmp16:
0x92: {  	_ = 	snop;
	(pc) =	sbr.rel @p2 .LBB2_26-.Ltmp16, $2  }
0x93: {  	_ =	sdelay $0x2  }
0x94: {  	s11 =	sadd.s32 $0x68, s11;
	s12 =	sadd.s32 $0x68, s12  }
.LBB2_15:
0x95: {  	s0 =	sadd.s32 $0xC8, s10  }
0x96: {  	s0 =	sand.u32 $0x3, s0  }
0x97: {  	p2 =	sgt.s32 s0, $0x1  }
.Ltmp17:
0x98: {  	_ = 	snop;
	(pc) =	sbr.rel @p2 .LBB2_21-.Ltmp17, $1  }
0x99: {  	_ =	sdelay $0x3  }
0x9a: {  	p2 =	seq.s32 s0, $0x0  }
.Ltmp18:
0x9b: {  	_ = 	snop;
	(pc) =	sbr.rel @!p2 .LBB2_19-.Ltmp18, $1  }
0x9c: {  	_ =	sdelay $0x3  }
0x9d: {  	_ =	swait.ge [sflag:s22], $0x1900  }
0x9e: {  	p2 =	seq.s32 s10, $0xFFFFFFFF;
	[sflag:s22] =	ssyncset.done $0x0  }
.Ltmp19:
0x9f: {  	[sflag:s22] =	ssyncadd.s32 $0xFFFFE700;
	(pc) =	sbr.rel @p2 .LBB2_26-.Ltmp19, $4  }
0xa0: {  	_ =	swait.ge [sflag:s25], $0x1900  }
0xa1: {  	[sflag:s25] =	ssyncset.done $0x0  }
0xa2: {  	[sflag:s25] =	ssyncadd.s32 $0xFFFFE700  }
0xa3: {  	[spmem:s3] =	stream.indirect.scatter.add.f32 [tilespmem:s21], [sflag:$0x5], $0x40, s12, s20, $0xb8;
	[tilespmem:$0x1A680] =	vst v63  }
.Ltmp20:
0xa4: {  	(pc) =	sbr.rel .LBB2_25-.Ltmp20, $2  }
0xa5: {  	_ =	sdelay $0x2  }
0xa6: {  	[tilespmem:s24], [sflag:$0x2] =	stream.indirect.gather [hbm4b:s5+s20], $0x40, s11, s20, $0xb8;
	[tilespmem:$0x1A680] =	vst v63  }
.LBB2_19:
0xa7: {  	_ =	swait.ge [sflag:s26], $0x1900  }
0xa8: {  	p2 =	seq.s32 s10, $0xFFFFFFFF;
	[sflag:s26] =	ssyncset.done $0x0  }
.Ltmp21:
0xa9: {  	[sflag:s26] =	ssyncadd.s32 $0xFFFFE700;
	(pc) =	sbr.rel @p2 .LBB2_23-.Ltmp21, $4  }
0xaa: {  	_ =	swait.ge [sflag:s28], $0x1900  }
0xab: {  	[sflag:s28] =	ssyncset.done $0x0  }
0xac: {  	[sflag:s28] =	ssyncadd.s32 $0xFFFFE700  }
0xad: {  	[spmem:s3] =	stream.indirect.scatter.add.f32 [tilespmem:s24], [sflag:$0x6], $0x40, s12, s20, $0xb8;
	[tilespmem:$0x1A680] =	vst v63  }
.Ltmp22:
0xae: {  	(pc) =	sbr.rel .LBB2_25-.Ltmp22, $2  }
0xaf: {  	_ =	sdelay $0x2  }
0xb0: {  	[tilespmem:s29], [sflag:$0x3] =	stream.indirect.gather [hbm4b:s5+s20], $0x40, s11, s20, $0xb8;
	[tilespmem:$0x1A680] =	vst v63  }
.LBB2_23:
0xb1: {  	_ =	swait.ge [sflag:s30], $0x1900  }
0xb2: {  	p2 =	seq.s32 s10, $0xFFFFFFFF;
	[sflag:s30] =	ssyncset.done $0x0  }
.Ltmp23:
0xb3: {  	[sflag:s30] =	ssyncadd.s32 $0xFFFFE700;
	(pc) =	sbr.rel @p2 .LBB2_26-.Ltmp23, $4  }
0xb4: {  	_ =	swait.ge [sflag:s31], $0x1900  }
0xb5: {  	[sflag:s31] =	ssyncset.done $0x0  }
0xb6: {  	[sflag:s31] =	ssyncadd.s32 $0xFFFFE700  }
0xb7: {  	[spmem:s3] =	stream.indirect.scatter.add.f32 [tilespmem:s2], [sflag:$0x8], $0x40, s12, s20, $0xb8;
	[tilespmem:$0x1A680] =	vst v63  }
.Ltmp24:
0xb8: {  	(pc) =	sbr.rel .LBB2_25-.Ltmp24, $2  }
0xb9: {  	_ =	sdelay $0x2  }
0xba: {  	[tilespmem:s21], [sflag:$0x1] =	stream.indirect.gather [hbm4b:s5+s20], $0x40, s11, s20, $0xb8;
	[tilespmem:$0x1A680] =	vst v63  }
.LBB2_27:
0xbb: {  	_ =	sfence.sel $0x180000  }
0xbc: {  	[bflag:$0x0] =	sbarrier.arrive $0xFFFF  }
0xbd: {  	_ =	strace $0x9000004A  }
0xbe: {  	s0 =	stileid.u32;
	[bflag:$0x2] =	sbarrier.arrive $0xFFFF  }
0xbf: {  	p0 =	sne.s32 s0, $0x0;
	s0 =	rddreg [dreg:$0x3]  }
0xc0: {  	s0 =	sadd.s32 @!p0 $0x100000, s0  }
0xc1: {  	[sflag:s0] =	ssyncadd.tile.s32 @!p0 $0x1;
	_ =	shalt  }
.Lfunc_end2:
_tile_overlayer_lowered:
.L_overlay_start_2:
0xc2: {  	(tag) =	ssettag $0x2  }
0xc3: {  	s0 =	rddreg [dreg:$0x0];
	s2 =	stileid.u32  }
0xc4: {  	s1 =	rddreg [dreg:$0x1];
	p0 =	sne.s32 s2, $0x0  }
0xc5: {  	s3 =	rddreg [dreg:$0x2];
	[bflag:$0x3] =	sbarrier.arrive $0xFFFF;
	s2 =	simm.s32 @!p0 $0x1C09  }
0xc6: {  	[timem:s3], [sflag:s2] =	dma.local @!p0 [hbm:s0], s1  }
0xc7: {  	s0 =	simm.s32 @!p0 $0x9  }
0xc8: {  	_ =	swait.ge @!p0 [sflag:s0], s1  }
0xc9: {  	s1 =	ssub.s32 @!p0 $0x0, s1;
	[sflag:s0] =	ssyncset.done @!p0 $0x0  }
0xca: {  	[sflag:s0] =	ssyncadd.s32 @!p0 s1  }
0xcb: {  	[bflag:$0x3] =	sbarrier.arrive $0xFFFF  }
0xcc: {  	_ =	shalt  }

// kernel: kernel.16.cloned.1.call-start
scs
__scs_entry_jumppad:
0x0: {  	(pc) =	sbr.rel $0x88, $3  }
0x1: {  	(tag) =	ssettag $0x0;
	lr =	simm.s32 $0x1  }
0x2: {  	[smem:$0x3F99] =	sst lr;
	_ =	strace $0xD0000000  }
0x3: {  	_ = 	snop  }
0x4: {  	_ = 	snop  }
0x5: {  	_ = 	snop  }
0x6: {  	_ = 	snop  }
0x7: {  	_ = 	snop  }
__scs_overlays_trampoline_lowered:
0x8: {  	[smem:$0x3FA8] =	sst s0  }
0x9: {  	[smem:$0x3FA9] =	sst s1  }
0xa: {  	[smem:$0x3FAA] =	sst s2  }
0xb: {  	[smem:$0x3FAB] =	sst s3  }
0xc: {  	[smem:$0x3FAC] =	sst s4  }
0xd: {  	[smem:$0x3FAD] =	sst s5  }
0xe: {  	[smem:$0x3FAE] =	sst s6  }
0xf: {  	[smem:$0x3FAF] =	sst s7  }
0x10: {  	[smem:$0x3FB0] =	sst s8  }
0x11: {  	[smem:$0x3FB1] =	sst s9;
	s0 =	simm.s32 @!p0 $0x0  }
0x12: {  	s1 =	sld [smem:$0x3F97];
	s0 =	simm.s32 @p0 $0x1  }
0x13: {  	[smem:$0x3FB2] =	sst s0;
	s0 =	simm.s32 @!p1 $0x0  }
0x14: {  	s2 =	sld [smem:$0x3F96];
	s0 =	simm.s32 @p1 $0x1  }
0x15: {  	[smem:$0x3FB3] =	sst s0;
	s0 =	simm.s32 @!p2 $0x0  }
0x16: {  	s3 =	sld [smem:$0x3FDB];
	s0 =	simm.s32 @p2 $0x1  }
0x17: {  	s4 =	simm.s32 $0x1BF5;
	[smem:$0x3FB5] =	sst s0  }
0x18: {  	s0 =	sld [smem:$0x3F98];
	_ =	swait.ge [sflag:s4], $0x0  }
0x19: {  	s7 =	sld [smem:$0x3F99]  }
0x1a: {  	s8 =	sadd.s32 $0xFFFFE003, lr  }
0x1b: {  	s9 =	sadd.s32 $0xFFFFFEF7, lr;
	s5 =	simm.s32 $0xFFFFFFFF;
	p2 =	slt.u32 s8, $0xFFFFF086  }
0x1c: {  	p1 =	slt.u32 s9, $0xF7A;
	s5 =	simm.s32 @!p2 $0x0  }
0x1d: {  	s5 =	simm.s32 @p1 $0x1;
	p0 =	seq.s32 s7, s2  }
0x1e: {  	s7 =	smul.u32 @!p0 $0xF7A, s2;
	p2 =	seq.s32 @!p0 s5, $0x0  }
0x1f: {  	s9 =	smul.u32 $0xF7A, s1;
	s8 =	simm.s32 @!p0 $0x1BF5;
	p2 =	por !p2, p0  }
0x20: {  	[sflag:s8] =	ssyncset.s32 @!p0 $0xFFFFF086;
	s6 =	sadd.s32 @!p0 s3, s7;
	s7 =	simm.s32 @!p0 $0x108  }
0x21: {  	s3 =	sadd.s32 s3, s9;
	s6 =	sadd.s32 @!p0 $0x88, s6;
	s7 =	simm.s32 @p2 $0x1082  }
0x22: {  	[simem:s7], [sflag:s8] =	dma.local @!p0 [hbm:s6], $0xF7A  }
0x23: {  	s9 =	sor.u32 $0xD0000000, s2;
	s6 =	simm.s32 $0x108;
	_ =	swait.ge @!p0 [sflag:s8], $0x0  }
0x24: {  	s3 =	sadd.s32 $0x88, s3;
	s6 =	simm.s32 @!p1 $0x1082;
	[sflag:s4] =	ssyncset.s32 $0xFFFFF086  }
0x25: {  	[simem:s6], [sflag:s4] =	dma.local [hbm:s3], $0xF7A  }
0x26: {  	[smem:$0x3F99] =	sst s1;
	(tag) =	ssettag s2;
	_ =	strace s9  }
0x27: {  	s1 =	sld [smem:$0x3FA9]  }
0x28: {  	s2 =	sld [smem:$0x3FAA]  }
0x29: {  	s4 =	sld [smem:$0x3FAC]  }
0x2a: {  	p0 =	seq.s32 s5, $0x0;
	s5 =	sld [smem:$0x3FAD]  }
0x2b: {  	s6 =	sld [smem:$0x3FAE]  }
0x2c: {  	s7 =	sld [smem:$0x3FAF]  }
0x2d: {  	s3 =	simm.s32 $0x108;
	s8 =	sld [smem:$0x3FB0]  }
0x2e: {  	s3 =	simm.s32 @!p0 $0x1082;
	s9 =	sld [smem:$0x3FB1]  }
0x2f: {  	lr =	sadd.s32 s0, s3;
	s0 =	sld [smem:$0x3FA8]  }
0x30: {  	s3 =	sld [smem:$0x3FAB]  }
0x31: {  	[smem:$0x3FB4] =	sst s10  }
0x32: {  	s10 =	sld [smem:$0x3FB2];
	_ =	sdelay $0x3  }
0x33: {  	p0 =	seq.s32 s10, $0x1;
	s10 =	sld [smem:$0x3FB4];
	_ =	sdelay $0x3  }
0x34: {  	[smem:$0x3FB4] =	sst s10  }
0x35: {  	s10 =	sld [smem:$0x3FB3];
	_ =	sdelay $0x3  }
0x36: {  	p1 =	seq.s32 s10, $0x1;
	s10 =	sld [smem:$0x3FB4];
	_ =	sdelay $0x3  }
0x37: {  	[smem:$0x3FB4] =	sst s10  }
0x38: {  	s10 =	sld [smem:$0x3FB5]  }
0x39: {  	_ = 	snop;
	(pc) =	sbr.ind lr, $3  }
0x3a: {  	_ = 	snop  }
0x3b: {  	_ = 	snop  }
0x3c: {  	p2 =	seq.s32 s10, $0x1;
	s10 =	sld [smem:$0x3FB4]  }
0x3d: {  	_ =	shalt  }
0x3e: {  	_ =	shalt  }
0x3f: {  	_ =	shalt  }
0x40: {  	_ =	shalt  }
0x41: {  	_ =	shalt  }
0x42: {  	_ =	shalt  }
0x43: {  	_ =	shalt  }
0x44: {  	_ =	shalt  }
0x45: {  	_ =	shalt  }
0x46: {  	_ =	shalt  }
0x47: {  	_ =	shalt  }
0x48: {  	_ =	shalt  }
0x49: {  	_ =	shalt  }
0x4a: {  	_ =	shalt  }
0x4b: {  	_ =	shalt  }
0x4c: {  	_ =	shalt  }
0x4d: {  	_ =	shalt  }
0x4e: {  	_ =	shalt  }
0x4f: {  	_ =	shalt  }
0x50: {  	_ =	shalt  }
0x51: {  	_ =	shalt  }
0x52: {  	_ =	shalt  }
0x53: {  	_ =	shalt  }
0x54: {  	_ =	shalt  }
0x55: {  	_ =	shalt  }
0x56: {  	_ =	shalt  }
0x57: {  	_ =	shalt  }
0x58: {  	_ =	shalt  }
0x59: {  	_ =	shalt  }
0x5a: {  	_ =	shalt  }
0x5b: {  	_ =	shalt  }
0x5c: {  	_ =	shalt  }
0x5d: {  	_ =	shalt  }
0x5e: {  	_ =	shalt  }
0x5f: {  	_ =	shalt  }
0x60: {  	_ =	shalt  }
0x61: {  	_ =	shalt  }
0x62: {  	_ =	shalt  }
0x63: {  	_ =	shalt  }
0x64: {  	_ =	shalt  }
0x65: {  	_ =	shalt  }
0x66: {  	_ =	shalt  }
0x67: {  	_ =	shalt  }
0x68: {  	_ =	shalt  }
0x69: {  	_ =	shalt  }
0x6a: {  	_ =	shalt  }
0x6b: {  	_ =	shalt  }
0x6c: {  	_ =	shalt  }
0x6d: {  	_ =	shalt  }
0x6e: {  	_ =	shalt  }
0x6f: {  	_ =	shalt  }
0x70: {  	_ =	shalt  }
0x71: {  	_ =	shalt  }
0x72: {  	_ =	shalt  }
0x73: {  	_ =	shalt  }
0x74: {  	_ =	shalt  }
0x75: {  	_ =	shalt  }
0x76: {  	_ =	shalt  }
0x77: {  	_ =	shalt  }
0x78: {  	_ =	shalt  }
0x79: {  	_ =	shalt  }
0x7a: {  	_ =	shalt  }
0x7b: {  	_ =	shalt  }
0x7c: {  	_ =	shalt  }
0x7d: {  	_ =	shalt  }
0x7e: {  	_ =	shalt  }
0x7f: {  	_ =	shalt  }
0x80: {  	_ =	shalt  }
0x81: {  	_ =	shalt  }
0x82: {  	_ =	shalt  }
0x83: {  	_ =	shalt  }
0x84: {  	_ =	shalt  }
0x85: {  	_ =	shalt  }
0x86: {  	_ =	shalt  }
0x87: {  	_ =	shalt  }
.Lfunc_end0:
.L_simem_size_0:
called_computation.2_lowered:
.L_overlay_start_0:
0x88: {  	s2 =	sld [smem:$0x3FD9]  }
0x89: {  	s3 =	sld [smem:$0x3FFE];
	_ =	sdelay $0x1  }
0x8a: {  	s1 =	srdreg.scid  }
0x8b: {  	s0 =	sand.u32 $0x1, s1  }
0x8c: {  	s17 =	sshll.u32 s0, $0xA;
	s2 =	sadd.s32 s3, s2  }
0x8d: {  	s2 =	sadd.s32 s2, s17  }
0x8e: {  	[smem:$0x3FC0] =	sst s2  }
0x8f: {  	_ = 	snop  }
0x90: {  	s2 =	sld [smem:$0x3FD0];
	(tm) =	ssettm $0x1  }
0x91: {  	s18 =	sld [smem:$0x3FFB];
	_ =	sdelay $0x3  }
0x92: {  	_ =	strace s18  }
0x93: {  	s3 =	sld [smem:$0x3FFC];
	_ =	sdelay $0x3  }
0x94: {  	_ =	strace s3  }
0x95: {  	s3 =	sld [smem:$0x3FFD];
	_ =	sdelay $0x3  }
0x96: {  	_ =	strace s3  }
0x97: {  	_ =	strace $0x8FFFFFFF  }
0x98: {  	s19 =	sld [smem:$0x3FDB];
	_ =	sdelay $0x1  }
0x99: {  	s4 =	simm.s32 $_scs_section_size  }
0x9a: {  	s5 =	simm.s32 $_size__tile_overlayer_lowered;
	s6 =	simm.s32 $_tile_overlayer_lowered  }
0x9b: {  	s22 =	simm.s32 $0x1BFF;
	s21 =	sshll.u32 s6, $0x1;
	s3 =	sadd.s32 s4, s19  }
0x9c: {  	s7 =	simm.s32 $0x0;
	s20 =	sshll.u32 s5, $0x1;
	s5 =	sadd.s32 s21, s3  }
0x9d: {  	[timem:s7], [sflag:s22] =	dma.local [hbm:s5], s20  }
0x9e: {  	_ =	swait.ge [sflag:s22], s20  }
0x9f: {  	s4 =	ssub.s32 $0x0, s20;
	[sflag:s22] =	ssyncset.done $0x0  }
0xa0: {  	[sflag:s22] =	ssyncadd.s32 s4;
	_ =	sdelay $0x1  }
0xa1: {  	s23 =	simm.s32 $0x1B8B  }
0xa2: {  	_ =	swait.ge [sflag:s23], $0x1  }
0xa3: {  	[sflag:s23] =	ssyncset.done $0x0  }
0xa4: {  	s25 =	simm.s32 $0x1B8E;
	s24 =	sld [smem:$0x3FFE];
	[sflag:s23] =	ssyncadd.s32 $0xFFFFFFFF  }
0xa5: {  	s26 =	simm.s32 $execute0_lowered;
	[smem:$0x3FD2] =	sst s25  }
0xa6: {  	s5 =	sshll.u32 s26, $0x1;
	_ =	strace $0x8000004C;
	[dreg:$0x1] =	wrdreg $0xFFFFFFFF  }
0xa7: {  	s28 =	simm.s32 $_size_execute0_lowered;
	s3 =	sadd.s32 s3, s5;
	[dreg:$0x0] =	wrdreg $0x0  }
0xa8: {  	s5 =	sshll.u32 s28, $0x1;
	[dreg:$0x2] =	wrdreg s3  }
0xa9: {  	[dreg:$0x3] =	wrdreg s5  }
0xaa: {  	[dreg:$0x4] =	wrdreg $0xC0  }
0xab: {  	_ =	task [dreg:s7], $0x5FFFF  }
0xac: {  	[dreg:$0x1] =	wrdreg $0xFFFFFFFF  }
0xad: {  	[dreg:$0x0] =	wrdreg $0x60  }
0xae: {  	[dreg:$0x2] =	wrdreg s24  }
0xaf: {  	[dreg:$0x3] =	wrdreg s2  }
0xb0: {  	[dreg:$0x4] =	wrdreg $0x106800  }
0xb1: {  	[dreg:$0x5] =	wrdreg $0x9  }
0xb2: {  	_ =	task.clear_ibuf [dreg:s7], $0x6FFFF;
	_ =	strace $0x9000004C  }
0xb3: {  	s29 =	simm.s32 $0x9;
	_ =	strace $0x8000004E  }
0xb4: {  	_ =	swait.ge [sflag:s29], $0x1  }
0xb5: {  	[sflag:s29] =	ssyncadd.s32 $0xFFFFFFFF  }
0xb6: {  	_ =	strace $0x9000004E  }
0xb7: {  	_ =	sfence  }
0xb8: {  	s30 =	sld [smem:$0x0];
	_ =	sdelay $0x2  }
0xb9: {  	s31 =	sshll.u32 s1, $0xD;
	s1 =	sshrl.u32 s1, $0x2  }
0xba: {  	s3 =	sand.u32 $0x4000, s31;
	s1 =	sadd.s32 s1, s30  }
0xbb: {  	s0 =	sor.u32 s3, s0;
	s1 =	sshll.u32 s1, $0x11  }
0xbc: {  	s0 =	sor.u32 s1, s0  }
0xbd: {  	s0 =	sadd.s32 $0x8F2B, s0  }
0xbe: {  	[sflag:s0] =	ssyncadd.remote.s32 $0x1  }
0xbf: {  	_ =	sfence.sel $0xFFFF  }
0xc0: {  	[dreg:$0x0] =	wrdreg $0xFFFFFFFF;
	(pc) =	sbr.abs _section_cstart, $3  }
0xc1: {  	[dreg:$0x1] =	wrdreg $0xFFFFFFFF  }
0xc2: {  	_ =	task.clear_ibuf [dreg:s7], $0x2FFFF;
	_ =	strace $0x9FFFFFFF  }
0xc3: {  	(tm) =	ssettm $0x7FFFFFFF  }
tec
execute0_lowered:
.L_overlay_start_1:
0x0: {  	(tag) =	ssettag $0x1  }
0x1: {  	s0 =	rddreg [dreg:$0x0]  }
0x2: {  	s1 =	rddreg [dreg:$0x1];
	s18 =	stileid.u32  }
0x3: {  	s4 =	srdreg.scid;
	s3 =	rddreg [dreg:$0x2];
	s15 =	simm.s32 $0x9  }
0x4: {  	s16 =	simm.s32 $0x5140;
	s20 =	simm.s32 $0x64;
	s21 =	simm.s32 $0xA280  }
0x5: {  	s22 =	simm.s32 $0x1;
	s28 =	simm.s32 $0x5;
	s29 =	simm.s32 $0xD480  }
0x6: {  	s30 =	simm.s32 $0x4;
	s31 =	simm.s32 $0x7;
	s2 =	smul.u32 $0x5140, s18  }
0x7: {  	s9 =	sand.u32 $0x1, s4;
	s8 =	smul.u32 $0xA000, s18;
	s4 =	simm.s32 $0x0  }
0x8: {  	s26 =	sadd.s32 $0x12C00, s1;
	p1 =	seq.s32 s18, $0xF;
	s5 =	smul.u32 $0xA0000, s9  }
0x9: {  	[smem:$0x7FF] =	sst s4;
	s7 =	ssub.s32 $0x2, s9;
	p0 =	sne.s32 s9, $0x0  }
0xa: {  	s9 =	simm.s32 $0x0;
	_ =	strace $0x8000004D;
	s2 =	sshrl.u32 s2, $0x3  }
0xb: {  	s23 =	sshrl.u32 s7, $0x1;
	s12 =	sshrl.u32 s8, $0x3;
	[dreg:$0x7] =	wrdreg s26  }
0xc: {  	s26 =	simm.s32 $0x2;
	s5 =	sadd.s32 s8, s5;
	s2 =	sadd.s32 s2, s0  }
0xd: {  	s11 =	ssub.s32 s7, s23;
	s8 =	sadd.s32 s8, s3;
	s25 =	sadd.s32 s1, s12  }
0xe: {  	s6 =	sshrl.u32 s5, $0x3;
	s5 =	sadd.s32 $0x17000, s0;
	s7 =	sadd.s32 $0xCC80, s2  }
0xf: {  	[dreg:$0x6] =	wrdreg s25;
	s14 =	smax.u32 s11, $0x1;
	s19 =	sshrl.u32 @!p1 s8, $0x3  }
.Ltmp0:
0x10: {  	s25 =	simm.s32 $0x8;
	s24 =	sadd.s32 s5, s12;
	(pc) =	sbr.rel .LBB2_1-.Ltmp0, $4  }
0x11: {  	s10 =	sadd.s32 s6, s0;
	s0 =	sadd.s32 $0x29C00, s0;
	[dreg:$0x4] =	wrdreg s24  }
0x12: {  	s6 =	sadd.s32 $0x2A00, s2;
	s2 =	sadd.s32 $0x96000, s3;
	[dreg:$0x5] =	wrdreg s0  }
0x13: {  	s13 =	sadd.s32 $0x2AA00, s10;
	s17 =	sshrl.u32 @p1 s2, $0x3;
	s0 =	sshll.u32 @!p1 s18, $0x6  }
0x14: {  	s24 =	simm.s32 $0xBB80;
	s2 =	simm.s32 $0xED80;
	s18 =	sor.u32 @!p1 $0x1C09, s0  }
.LBB2_26:
0x15: {  	_ =	swait.ge [sflag:s25], $0x1900;
	s0 =	stileid.u32  }
0x16: {  	s10 =	sshrl.u32 s8, $0x3;
	s9 =	sadd.s32 $0x1, s9;
	[sflag:s25] =	ssyncset.done $0x0  }
0x17: {  	s0 =	sshll.u32 s0, $0x6;
	p2 =	sne.s32 s9, s14;
	[sflag:s25] =	ssyncadd.s32 $0xFFFFE700  }
.Ltmp1:
0x18: {  	s0 =	sor.u32 $0x1C09, s0;
	[bflag:$0x0] =	sbarrier.arrive $0xFFFF;
	(pc) =	sbr.rel @!p2 .LBB2_27-.Ltmp1, $4  }
0x19: {  	[hbm:s13], [sflag:s0] =	dma.local [spmem:s10], $0x1400  }
0x1a: {  	_ =	swait.ge [sflag:s15], $0x1400  }
0x1b: {  	[sflag:s15] =	ssyncset.done $0x0  }
0x1c: {  	[sflag:s15] =	ssyncadd.s32 $0xFFFFEC00  }
.LBB2_1:
0x1d: {  	[tilespmem:s4], [sflag:$0x9] =	stream.linear.gather [hbm4b:s6+s4], $0x5140, $0x38;
	[tilespmem:$0x1A680] =	vst v63  }
0x1e: {  	_ =	swait.ge [sflag:s15], $0x5140  }
0x1f: {  	[sflag:s15] =	ssyncset.done $0x0  }
.Ltmp2:
0x20: {  	[sflag:s15] =	ssyncadd.s32 $0xFFFFAEC0;
	(pc) =	sbr.rel @p0 .LBB2_14-.Ltmp2, $4  }
0x21: {  	[tilespmem:s16], [sflag:$0x9] =	stream.linear.gather [hbm4b:s7+s4], $0x5140, $0x38;
	[tilespmem:$0x1A680] =	vst v63  }
0x22: {  	_ =	swait.ge [sflag:s15], $0x5140  }
0x23: {  	[sflag:s15] =	ssyncset.done $0x0  }
0x24: {  	[sflag:s15] =	ssyncadd.s32 $0xFFFFAEC0  }
0x25: {  	s0 =	simm.s32 @p1 $0x1FC9;
	s10 =	rddreg [dreg:$0x7]  }
0x26: {  	[spmem:s17], [sflag:s0] =	dma.local @p1 [hbm:s10], $0xC80  }
0x27: {  	s0 =	simm.s32 @p1 $0x9  }
0x28: {  	_ =	swait.ge @p1 [sflag:s0], $0xC80  }
0x29: {  	[sflag:s0] =	ssyncset.done @p1 $0x0  }
0x2a: {  	[sflag:s0] =	ssyncadd.s32 @p1 $0xFFFFF380;
	s0 =	rddreg [dreg:$0x6]  }
0x2b: {  	[spmem:s19], [sflag:s18] =	dma.local @!p1 [hbm:s0], $0x1400  }
0x2c: {  	s0 =	simm.s32 @!p1 $0x9  }
0x2d: {  	_ =	swait.ge @!p1 [sflag:s0], $0x1400  }
0x2e: {  	[sflag:s0] =	ssyncset.done @!p1 $0x0  }
0x2f: {  	[sflag:s0] =	ssyncadd.s32 @!p1 $0xFFFFEC00  }
0x30: {  	[bflag:$0x0] =	sbarrier.arrive $0xFFFF  }
0x31: {  	[tilespmem:s21], [sflag:$0x1] =	stream.indirect.gather [hbm4b:s1+s20], $0x40, s4, s20, $0xb8;
	[tilespmem:$0x1A680] =	vst v63  }
0x32: {  	_ =	swait.ge [sflag:s22], $0x1900  }
.Ltmp3:
0x33: {  	[sflag:s22] =	ssyncset.done $0x0;
	(pc) =	sbr.rel .LBB2_3-.Ltmp3, $4  }
0x34: {  	s23 =	simm.s32 $0x68;
	[sflag:s22] =	ssyncadd.s32 $0xFFFFE700  }
0x35: {  	[spmem:s3] =	stream.indirect.scatter.add.f32 [tilespmem:s21], [sflag:$0x5], $0x40, s16, s20, $0xb8;
	[tilespmem:$0x1A680] =	vst v63  }
0x36: {  	s11 =	simm.s32 $0xD0;
	s12 =	simm.s32 $0x51A8;
	s10 =	simm.s32 $0xFFFFFF39  }
0x37: {  	[tilespmem:s24], [sflag:$0x2] =	stream.indirect.gather [hbm4b:s1+s20], $0x40, s23, s20, $0xb8;
	[tilespmem:$0x1A680] =	vst v63  }
.LBB2_9:
0x38: {  	p2 =	seq.s32 s0, $0x2  }
0x39: {  	s0 =	simm.s32 @p2 $0x3  }
0x3a: {  	_ =	swait.ge @p2 [sflag:s0], $0x1900  }
0x3b: {  	[sflag:s0] =	ssyncset.done @p2 $0x0  }
0x3c: {  	[sflag:s0] =	ssyncadd.s32 @p2 $0xFFFFE700;
	s0 =	simm.s32 @p2 $0x6  }
0x3d: {  	_ =	swait.ge @p2 [sflag:s0], $0x1900  }
0x3e: {  	s23 =	simm.s32 @p2 $0xD480;
	[sflag:s0] =	ssyncset.done @p2 $0x0  }
0x3f: {  	p3 =	seq.s32 @p2 s10, $0xFFFFFFFF;
	[sflag:s0] =	ssyncadd.s32 @p2 $0xFFFFE700;
	s0 =	simm.s32 @p2 $0x64  }
0x40: {  	[spmem:s3] =	stream.indirect.scatter.add.f32 @p2 [tilespmem:s23], [sflag:$0x7], $0x40, s12, s0, $0xb8;
	[tilespmem:$0x1A680] =	vst v63  }
0x41: {  	p2 =	por !p2, p3  }
.Ltmp4:
0x42: {  	_ = 	snop;
	(pc) =	sbr.rel @p2 .LBB2_11-.Ltmp4, $1  }
0x43: {  	_ =	sdelay $0x3  }
0x44: {  	[tilespmem:s2], [sflag:$0x4] =	stream.indirect.gather [hbm4b:s1+s20], $0x40, s11, s20, $0xb8;
	[tilespmem:$0x1A680] =	vst v63  }
.LBB2_13:
0x45: {  	s10 =	sadd.s32 $0x1, s10  }
0x46: {  	p2 =	seq.s32 s10, $0x0  }
.Ltmp5:
0x47: {  	_ = 	snop;
	(pc) =	sbr.rel @p2 .LBB2_26-.Ltmp5, $2  }
0x48: {  	_ =	sdelay $0x2  }
0x49: {  	s11 =	sadd.s32 $0x68, s11;
	s12 =	sadd.s32 $0x68, s12  }
.LBB2_3:
0x4a: {  	s0 =	sadd.s32 $0xC8, s10  }
0x4b: {  	s0 =	sand.u32 $0x3, s0  }
0x4c: {  	p2 =	sgt.s32 s0, $0x1  }
.Ltmp6:
0x4d: {  	_ = 	snop;
	(pc) =	sbr.rel @p2 .LBB2_9-.Ltmp6, $1  }
0x4e: {  	_ =	sdelay $0x3  }
0x4f: {  	p2 =	seq.s32 s0, $0x0  }
.Ltmp7:
0x50: {  	_ = 	snop;
	(pc) =	sbr.rel @!p2 .LBB2_7-.Ltmp7, $1  }
0x51: {  	_ =	sdelay $0x3  }
0x52: {  	_ =	swait.ge [sflag:s22], $0x1900  }
0x53: {  	p2 =	seq.s32 s10, $0xFFFFFFFF;
	[sflag:s22] =	ssyncset.done $0x0  }
.Ltmp8:
0x54: {  	[sflag:s22] =	ssyncadd.s32 $0xFFFFE700;
	(pc) =	sbr.rel @p2 .LBB2_26-.Ltmp8, $4  }
0x55: {  	_ =	swait.ge [sflag:s25], $0x1900  }
0x56: {  	[sflag:s25] =	ssyncset.done $0x0  }
0x57: {  	[sflag:s25] =	ssyncadd.s32 $0xFFFFE700  }
0x58: {  	[spmem:s3] =	stream.indirect.scatter.add.f32 [tilespmem:s21], [sflag:$0x5], $0x40, s12, s20, $0xb8;
	[tilespmem:$0x1A680] =	vst v63  }
.Ltmp9:
0x59: {  	(pc) =	sbr.rel .LBB2_13-.Ltmp9, $2  }
0x5a: {  	_ =	sdelay $0x2  }
0x5b: {  	[tilespmem:s24], [sflag:$0x2] =	stream.indirect.gather [hbm4b:s1+s20], $0x40, s11, s20, $0xb8;
	[tilespmem:$0x1A680] =	vst v63  }
.LBB2_7:
0x5c: {  	_ =	swait.ge [sflag:s26], $0x1900  }
0x5d: {  	p2 =	seq.s32 s10, $0xFFFFFFFF;
	[sflag:s26] =	ssyncset.done $0x0  }
.Ltmp10:
0x5e: {  	[sflag:s26] =	ssyncadd.s32 $0xFFFFE700;
	(pc) =	sbr.rel @p2 .LBB2_11-.Ltmp10, $4  }
0x5f: {  	_ =	swait.ge [sflag:s28], $0x1900  }
0x60: {  	[sflag:s28] =	ssyncset.done $0x0  }
0x61: {  	[sflag:s28] =	ssyncadd.s32 $0xFFFFE700  }
0x62: {  	[spmem:s3] =	stream.indirect.scatter.add.f32 [tilespmem:s24], [sflag:$0x6], $0x40, s12, s20, $0xb8;
	[tilespmem:$0x1A680] =	vst v63  }
.Ltmp11:
0x63: {  	(pc) =	sbr.rel .LBB2_13-.Ltmp11, $2  }
0x64: {  	_ =	sdelay $0x2  }
0x65: {  	[tilespmem:s29], [sflag:$0x3] =	stream.indirect.gather [hbm4b:s1+s20], $0x40, s11, s20, $0xb8;
	[tilespmem:$0x1A680] =	vst v63  }
.LBB2_11:
0x66: {  	_ =	swait.ge [sflag:s30], $0x1900  }
0x67: {  	p2 =	seq.s32 s10, $0xFFFFFFFF;
	[sflag:s30] =	ssyncset.done $0x0  }
.Ltmp12:
0x68: {  	[sflag:s30] =	ssyncadd.s32 $0xFFFFE700;
	(pc) =	sbr.rel @p2 .LBB2_26-.Ltmp12, $4  }
0x69: {  	_ =	swait.ge [sflag:s31], $0x1900  }
0x6a: {  	[sflag:s31] =	ssyncset.done $0x0  }
0x6b: {  	[sflag:s31] =	ssyncadd.s32 $0xFFFFE700  }
0x6c: {  	[spmem:s3] =	stream.indirect.scatter.add.f32 [tilespmem:s2], [sflag:$0x8], $0x40, s12, s20, $0xb8;
	[tilespmem:$0x1A680] =	vst v63  }
.Ltmp13:
0x6d: {  	(pc) =	sbr.rel .LBB2_13-.Ltmp13, $2  }
0x6e: {  	_ =	sdelay $0x2  }
0x6f: {  	[tilespmem:s21], [sflag:$0x1] =	stream.indirect.gather [hbm4b:s1+s20], $0x40, s11, s20, $0xb8;
	[tilespmem:$0x1A680] =	vst v63  }
.LBB2_14:
0x70: {  	s0 =	simm.s32 @p1 $0x1FC9;
	s10 =	rddreg [dreg:$0x5]  }
0x71: {  	[spmem:s17], [sflag:s0] =	dma.local @p1 [hbm:s10], $0xC80  }
0x72: {  	s0 =	simm.s32 @p1 $0x9  }
0x73: {  	_ =	swait.ge @p1 [sflag:s0], $0xC80  }
0x74: {  	[sflag:s0] =	ssyncset.done @p1 $0x0  }
0x75: {  	[sflag:s0] =	ssyncadd.s32 @p1 $0xFFFFF380;
	s0 =	rddreg [dreg:$0x4]  }
0x76: {  	[spmem:s19], [sflag:s18] =	dma.local @!p1 [hbm:s0], $0x1400  }
0x77: {  	s0 =	simm.s32 @!p1 $0x9  }
0x78: {  	_ =	swait.ge @!p1 [sflag:s0], $0x1400  }
0x79: {  	[sflag:s0] =	ssyncset.done @!p1 $0x0  }
0x7a: {  	[sflag:s0] =	ssyncadd.s32 @!p1 $0xFFFFEC00  }
0x7b: {  	[bflag:$0x0] =	sbarrier.arrive $0xFFFF  }
0x7c: {  	[tilespmem:s21], [sflag:$0x1] =	stream.indirect.gather [hbm4b:s5+s20], $0x40, s4, s20, $0xb8;
	[tilespmem:$0x1A680] =	vst v63  }
0x7d: {  	_ =	swait.ge [sflag:s22], $0x1900  }
.Ltmp14:
0x7e: {  	[sflag:s22] =	ssyncset.done $0x0;
	(pc) =	sbr.rel .LBB2_15-.Ltmp14, $4  }
0x7f: {  	s23 =	simm.s32 $0x68;
	[sflag:s22] =	ssyncadd.s32 $0xFFFFE700  }
0x80: {  	[spmem:s3] =	stream.indirect.scatter.add.f32 [tilespmem:s21], [sflag:$0x5], $0x40, s16, s20, $0xb8;
	[tilespmem:$0x1A680] =	vst v63  }
0x81: {  	s11 =	simm.s32 $0xD0;
	s12 =	simm.s32 $0x51A8;
	s10 =	simm.s32 $0xFFFFFF39  }
0x82: {  	[tilespmem:s24], [sflag:$0x2] =	stream.indirect.gather [hbm4b:s5+s20], $0x40, s23, s20, $0xb8;
	[tilespmem:$0x1A680] =	vst v63  }
.LBB2_21:
0x83: {  	p2 =	seq.s32 s0, $0x2  }
0x84: {  	s0 =	simm.s32 @p2 $0x3  }
0x85: {  	_ =	swait.ge @p2 [sflag:s0], $0x1900  }
0x86: {  	[sflag:s0] =	ssyncset.done @p2 $0x0  }
0x87: {  	[sflag:s0] =	ssyncadd.s32 @p2 $0xFFFFE700;
	s0 =	simm.s32 @p2 $0x6  }
0x88: {  	_ =	swait.ge @p2 [sflag:s0], $0x1900  }
0x89: {  	s23 =	simm.s32 @p2 $0xD480;
	[sflag:s0] =	ssyncset.done @p2 $0x0  }
0x8a: {  	p3 =	seq.s32 @p2 s10, $0xFFFFFFFF;
	[sflag:s0] =	ssyncadd.s32 @p2 $0xFFFFE700;
	s0 =	simm.s32 @p2 $0x64  }
0x8b: {  	[spmem:s3] =	stream.indirect.scatter.add.f32 @p2 [tilespmem:s23], [sflag:$0x7], $0x40, s12, s0, $0xb8;
	[tilespmem:$0x1A680] =	vst v63  }
0x8c: {  	p2 =	por !p2, p3  }
.Ltmp15:
0x8d: {  	_ = 	snop;
	(pc) =	sbr.rel @p2 .LBB2_23-.Ltmp15, $1  }
0x8e: {  	_ =	sdelay $0x3  }
0x8f: {  	[tilespmem:s2], [sflag:$0x4] =	stream.indirect.gather [hbm4b:s5+s20], $0x40, s11, s20, $0xb8;
	[tilespmem:$0x1A680] =	vst v63  }
.LBB2_25:
0x90: {  	s10 =	sadd.s32 $0x1, s10  }
0x91: {  	p2 =	seq.s32 s10, $0x0  }
.Ltmp16:
0x92: {  	_ = 	snop;
	(pc) =	sbr.rel @p2 .LBB2_26-.Ltmp16, $2  }
0x93: {  	_ =	sdelay $0x2  }
0x94: {  	s11 =	sadd.s32 $0x68, s11;
	s12 =	sadd.s32 $0x68, s12  }
.LBB2_15:
0x95: {  	s0 =	sadd.s32 $0xC8, s10  }
0x96: {  	s0 =	sand.u32 $0x3, s0  }
0x97: {  	p2 =	sgt.s32 s0, $0x1  }
.Ltmp17:
0x98: {  	_ = 	snop;
	(pc) =	sbr.rel @p2 .LBB2_21-.Ltmp17, $1  }
0x99: {  	_ =	sdelay $0x3  }
0x9a: {  	p2 =	seq.s32 s0, $0x0  }
.Ltmp18:
0x9b: {  	_ = 	snop;
	(pc) =	sbr.rel @!p2 .LBB2_19-.Ltmp18, $1  }
0x9c: {  	_ =	sdelay $0x3  }
0x9d: {  	_ =	swait.ge [sflag:s22], $0x1900  }
0x9e: {  	p2 =	seq.s32 s10, $0xFFFFFFFF;
	[sflag:s22] =	ssyncset.done $0x0  }
.Ltmp19:
0x9f: {  	[sflag:s22] =	ssyncadd.s32 $0xFFFFE700;
	(pc) =	sbr.rel @p2 .LBB2_26-.Ltmp19, $4  }
0xa0: {  	_ =	swait.ge [sflag:s25], $0x1900  }
0xa1: {  	[sflag:s25] =	ssyncset.done $0x0  }
0xa2: {  	[sflag:s25] =	ssyncadd.s32 $0xFFFFE700  }
0xa3: {  	[spmem:s3] =	stream.indirect.scatter.add.f32 [tilespmem:s21], [sflag:$0x5], $0x40, s12, s20, $0xb8;
	[tilespmem:$0x1A680] =	vst v63  }
.Ltmp20:
0xa4: {  	(pc) =	sbr.rel .LBB2_25-.Ltmp20, $2  }
0xa5: {  	_ =	sdelay $0x2  }
0xa6: {  	[tilespmem:s24], [sflag:$0x2] =	stream.indirect.gather [hbm4b:s5+s20], $0x40, s11, s20, $0xb8;
	[tilespmem:$0x1A680] =	vst v63  }
.LBB2_19:
0xa7: {  	_ =	swait.ge [sflag:s26], $0x1900  }
0xa8: {  	p2 =	seq.s32 s10, $0xFFFFFFFF;
	[sflag:s26] =	ssyncset.done $0x0  }
.Ltmp21:
0xa9: {  	[sflag:s26] =	ssyncadd.s32 $0xFFFFE700;
	(pc) =	sbr.rel @p2 .LBB2_23-.Ltmp21, $4  }
0xaa: {  	_ =	swait.ge [sflag:s28], $0x1900  }
0xab: {  	[sflag:s28] =	ssyncset.done $0x0  }
0xac: {  	[sflag:s28] =	ssyncadd.s32 $0xFFFFE700  }
0xad: {  	[spmem:s3] =	stream.indirect.scatter.add.f32 [tilespmem:s24], [sflag:$0x6], $0x40, s12, s20, $0xb8;
	[tilespmem:$0x1A680] =	vst v63  }
.Ltmp22:
0xae: {  	(pc) =	sbr.rel .LBB2_25-.Ltmp22, $2  }
0xaf: {  	_ =	sdelay $0x2  }
0xb0: {  	[tilespmem:s29], [sflag:$0x3] =	stream.indirect.gather [hbm4b:s5+s20], $0x40, s11, s20, $0xb8;
	[tilespmem:$0x1A680] =	vst v63  }
.LBB2_23:
0xb1: {  	_ =	swait.ge [sflag:s30], $0x1900  }
0xb2: {  	p2 =	seq.s32 s10, $0xFFFFFFFF;
	[sflag:s30] =	ssyncset.done $0x0  }
.Ltmp23:
0xb3: {  	[sflag:s30] =	ssyncadd.s32 $0xFFFFE700;
	(pc) =	sbr.rel @p2 .LBB2_26-.Ltmp23, $4  }
0xb4: {  	_ =	swait.ge [sflag:s31], $0x1900  }
0xb5: {  	[sflag:s31] =	ssyncset.done $0x0  }
0xb6: {  	[sflag:s31] =	ssyncadd.s32 $0xFFFFE700  }
0xb7: {  	[spmem:s3] =	stream.indirect.scatter.add.f32 [tilespmem:s2], [sflag:$0x8], $0x40, s12, s20, $0xb8;
	[tilespmem:$0x1A680] =	vst v63  }
.Ltmp24:
0xb8: {  	(pc) =	sbr.rel .LBB2_25-.Ltmp24, $2  }
0xb9: {  	_ =	sdelay $0x2  }
0xba: {  	[tilespmem:s21], [sflag:$0x1] =	stream.indirect.gather [hbm4b:s5+s20], $0x40, s11, s20, $0xb8;
	[tilespmem:$0x1A680] =	vst v63  }
.LBB2_27:
0xbb: {  	_ =	sfence.sel $0x180000  }
0xbc: {  	[bflag:$0x0] =	sbarrier.arrive $0xFFFF  }
0xbd: {  	_ =	strace $0x9000004D  }
0xbe: {  	s0 =	stileid.u32;
	[bflag:$0x2] =	sbarrier.arrive $0xFFFF  }
0xbf: {  	p0 =	sne.s32 s0, $0x0;
	s0 =	rddreg [dreg:$0x3]  }
0xc0: {  	s0 =	sadd.s32 @!p0 $0x100000, s0  }
0xc1: {  	[sflag:s0] =	ssyncadd.tile.s32 @!p0 $0x1;
	_ =	shalt  }
.Lfunc_end2:
_tile_overlayer_lowered:
.L_overlay_start_2:
0xc2: {  	(tag) =	ssettag $0x2  }
0xc3: {  	s0 =	rddreg [dreg:$0x0];
	s2 =	stileid.u32  }
0xc4: {  	s1 =	rddreg [dreg:$0x1];
	p0 =	sne.s32 s2, $0x0  }
0xc5: {  	s3 =	rddreg [dreg:$0x2];
	[bflag:$0x3] =	sbarrier.arrive $0xFFFF;
	s2 =	simm.s32 @!p0 $0x1C09  }
0xc6: {  	[timem:s3], [sflag:s2] =	dma.local @!p0 [hbm:s0], s1  }
0xc7: {  	s0 =	simm.s32 @!p0 $0x9  }
0xc8: {  	_ =	swait.ge @!p0 [sflag:s0], s1  }
0xc9: {  	s1 =	ssub.s32 @!p0 $0x0, s1;
	[sflag:s0] =	ssyncset.done @!p0 $0x0  }
0xca: {  	[sflag:s0] =	ssyncadd.s32 @!p0 s1  }
0xcb: {  	[bflag:$0x3] =	sbarrier.arrive $0xFFFF  }
0xcc: {  	_ =	shalt  }

// kernel: kernel.19.cloned.1.call-start
scs
__scs_entry_jumppad:
0x0: {  	(pc) =	sbr.rel $0x88, $3  }
0x1: {  	(tag) =	ssettag $0x0;
	lr =	simm.s32 $0x1  }
0x2: {  	[smem:$0x3F99] =	sst lr;
	_ =	strace $0xD0000000  }
0x3: {  	_ = 	snop  }
0x4: {  	_ = 	snop  }
0x5: {  	_ = 	snop  }
0x6: {  	_ = 	snop  }
0x7: {  	_ = 	snop  }
__scs_overlays_trampoline_lowered:
0x8: {  	[smem:$0x3FA8] =	sst s0  }
0x9: {  	[smem:$0x3FA9] =	sst s1  }
0xa: {  	[smem:$0x3FAA] =	sst s2  }
0xb: {  	[smem:$0x3FAB] =	sst s3  }
0xc: {  	[smem:$0x3FAC] =	sst s4  }
0xd: {  	[smem:$0x3FAD] =	sst s5  }
0xe: {  	[smem:$0x3FAE] =	sst s6  }
0xf: {  	[smem:$0x3FAF] =	sst s7  }
0x10: {  	[smem:$0x3FB0] =	sst s8  }
0x11: {  	[smem:$0x3FB1] =	sst s9;
	s0 =	simm.s32 @!p0 $0x0  }
0x12: {  	s1 =	sld [smem:$0x3F97];
	s0 =	simm.s32 @p0 $0x1  }
0x13: {  	[smem:$0x3FB2] =	sst s0;
	s0 =	simm.s32 @!p1 $0x0  }
0x14: {  	s2 =	sld [smem:$0x3F96];
	s0 =	simm.s32 @p1 $0x1  }
0x15: {  	[smem:$0x3FB3] =	sst s0;
	s0 =	simm.s32 @!p2 $0x0  }
0x16: {  	s3 =	sld [smem:$0x3FDB];
	s0 =	simm.s32 @p2 $0x1  }
0x17: {  	s4 =	simm.s32 $0x1BF5;
	[smem:$0x3FB5] =	sst s0  }
0x18: {  	s0 =	sld [smem:$0x3F98];
	_ =	swait.ge [sflag:s4], $0x0  }
0x19: {  	s7 =	sld [smem:$0x3F99]  }
0x1a: {  	s8 =	sadd.s32 $0xFFFFE003, lr  }
0x1b: {  	s9 =	sadd.s32 $0xFFFFFEF7, lr;
	s5 =	simm.s32 $0xFFFFFFFF;
	p2 =	slt.u32 s8, $0xFFFFF086  }
0x1c: {  	p1 =	slt.u32 s9, $0xF7A;
	s5 =	simm.s32 @!p2 $0x0  }
0x1d: {  	s5 =	simm.s32 @p1 $0x1;
	p0 =	seq.s32 s7, s2  }
0x1e: {  	s7 =	smul.u32 @!p0 $0xF7A, s2;
	p2 =	seq.s32 @!p0 s5, $0x0  }
0x1f: {  	s9 =	smul.u32 $0xF7A, s1;
	s8 =	simm.s32 @!p0 $0x1BF5;
	p2 =	por !p2, p0  }
0x20: {  	[sflag:s8] =	ssyncset.s32 @!p0 $0xFFFFF086;
	s6 =	sadd.s32 @!p0 s3, s7;
	s7 =	simm.s32 @!p0 $0x108  }
0x21: {  	s3 =	sadd.s32 s3, s9;
	s6 =	sadd.s32 @!p0 $0x88, s6;
	s7 =	simm.s32 @p2 $0x1082  }
0x22: {  	[simem:s7], [sflag:s8] =	dma.local @!p0 [hbm:s6], $0xF7A  }
0x23: {  	s9 =	sor.u32 $0xD0000000, s2;
	s6 =	simm.s32 $0x108;
	_ =	swait.ge @!p0 [sflag:s8], $0x0  }
0x24: {  	s3 =	sadd.s32 $0x88, s3;
	s6 =	simm.s32 @!p1 $0x1082;
	[sflag:s4] =	ssyncset.s32 $0xFFFFF086  }
0x25: {  	[simem:s6], [sflag:s4] =	dma.local [hbm:s3], $0xF7A  }
0x26: {  	[smem:$0x3F99] =	sst s1;
	(tag) =	ssettag s2;
	_ =	strace s9  }
0x27: {  	s1 =	sld [smem:$0x3FA9]  }
0x28: {  	s2 =	sld [smem:$0x3FAA]  }
0x29: {  	s4 =	sld [smem:$0x3FAC]  }
0x2a: {  	p0 =	seq.s32 s5, $0x0;
	s5 =	sld [smem:$0x3FAD]  }
0x2b: {  	s6 =	sld [smem:$0x3FAE]  }
0x2c: {  	s7 =	sld [smem:$0x3FAF]  }
0x2d: {  	s3 =	simm.s32 $0x108;
	s8 =	sld [smem:$0x3FB0]  }
0x2e: {  	s3 =	simm.s32 @!p0 $0x1082;
	s9 =	sld [smem:$0x3FB1]  }
0x2f: {  	lr =	sadd.s32 s0, s3;
	s0 =	sld [smem:$0x3FA8]  }
0x30: {  	s3 =	sld [smem:$0x3FAB]  }
0x31: {  	[smem:$0x3FB4] =	sst s10  }
0x32: {  	s10 =	sld [smem:$0x3FB2];
	_ =	sdelay $0x3  }
0x33: {  	p0 =	seq.s32 s10, $0x1;
	s10 =	sld [smem:$0x3FB4];
	_ =	sdelay $0x3  }
0x34: {  	[smem:$0x3FB4] =	sst s10  }
0x35: {  	s10 =	sld [smem:$0x3FB3];
	_ =	sdelay $0x3  }
0x36: {  	p1 =	seq.s32 s10, $0x1;
	s10 =	sld [smem:$0x3FB4];
	_ =	sdelay $0x3  }
0x37: {  	[smem:$0x3FB4] =	sst s10  }
0x38: {  	s10 =	sld [smem:$0x3FB5]  }
0x39: {  	_ = 	snop;
	(pc) =	sbr.ind lr, $3  }
0x3a: {  	_ = 	snop  }
0x3b: {  	_ = 	snop  }
0x3c: {  	p2 =	seq.s32 s10, $0x1;
	s10 =	sld [smem:$0x3FB4]  }
0x3d: {  	_ =	shalt  }
0x3e: {  	_ =	shalt  }
0x3f: {  	_ =	shalt  }
0x40: {  	_ =	shalt  }
0x41: {  	_ =	shalt  }
0x42: {  	_ =	shalt  }
0x43: {  	_ =	shalt  }
0x44: {  	_ =	shalt  }
0x45: {  	_ =	shalt  }
0x46: {  	_ =	shalt  }
0x47: {  	_ =	shalt  }
0x48: {  	_ =	shalt  }
0x49: {  	_ =	shalt  }
0x4a: {  	_ =	shalt  }
0x4b: {  	_ =	shalt  }
0x4c: {  	_ =	shalt  }
0x4d: {  	_ =	shalt  }
0x4e: {  	_ =	shalt  }
0x4f: {  	_ =	shalt  }
0x50: {  	_ =	shalt  }
0x51: {  	_ =	shalt  }
0x52: {  	_ =	shalt  }
0x53: {  	_ =	shalt  }
0x54: {  	_ =	shalt  }
0x55: {  	_ =	shalt  }
0x56: {  	_ =	shalt  }
0x57: {  	_ =	shalt  }
0x58: {  	_ =	shalt  }
0x59: {  	_ =	shalt  }
0x5a: {  	_ =	shalt  }
0x5b: {  	_ =	shalt  }
0x5c: {  	_ =	shalt  }
0x5d: {  	_ =	shalt  }
0x5e: {  	_ =	shalt  }
0x5f: {  	_ =	shalt  }
0x60: {  	_ =	shalt  }
0x61: {  	_ =	shalt  }
0x62: {  	_ =	shalt  }
0x63: {  	_ =	shalt  }
0x64: {  	_ =	shalt  }
0x65: {  	_ =	shalt  }
0x66: {  	_ =	shalt  }
0x67: {  	_ =	shalt  }
0x68: {  	_ =	shalt  }
0x69: {  	_ =	shalt  }
0x6a: {  	_ =	shalt  }
0x6b: {  	_ =	shalt  }
0x6c: {  	_ =	shalt  }
0x6d: {  	_ =	shalt  }
0x6e: {  	_ =	shalt  }
0x6f: {  	_ =	shalt  }
0x70: {  	_ =	shalt  }
0x71: {  	_ =	shalt  }
0x72: {  	_ =	shalt  }
0x73: {  	_ =	shalt  }
0x74: {  	_ =	shalt  }
0x75: {  	_ =	shalt  }
0x76: {  	_ =	shalt  }
0x77: {  	_ =	shalt  }
0x78: {  	_ =	shalt  }
0x79: {  	_ =	shalt  }
0x7a: {  	_ =	shalt  }
0x7b: {  	_ =	shalt  }
0x7c: {  	_ =	shalt  }
0x7d: {  	_ =	shalt  }
0x7e: {  	_ =	shalt  }
0x7f: {  	_ =	shalt  }
0x80: {  	_ =	shalt  }
0x81: {  	_ =	shalt  }
0x82: {  	_ =	shalt  }
0x83: {  	_ =	shalt  }
0x84: {  	_ =	shalt  }
0x85: {  	_ =	shalt  }
0x86: {  	_ =	shalt  }
0x87: {  	_ =	shalt  }
.Lfunc_end0:
.L_simem_size_0:
called_computation.3_lowered:
.L_overlay_start_0:
0x88: {  	s2 =	sld [smem:$0x3FD9]  }
0x89: {  	s3 =	sld [smem:$0x3FFE];
	_ =	sdelay $0x1  }
0x8a: {  	s1 =	srdreg.scid  }
0x8b: {  	s0 =	sand.u32 $0x1, s1  }
0x8c: {  	s17 =	sshll.u32 s0, $0xA;
	s2 =	sadd.s32 s3, s2  }
0x8d: {  	s2 =	sadd.s32 s2, s17  }
0x8e: {  	[smem:$0x3FC0] =	sst s2  }
0x8f: {  	_ = 	snop  }
0x90: {  	s2 =	sld [smem:$0x3FD0];
	(tm) =	ssettm $0x1  }
0x91: {  	s18 =	sld [smem:$0x3FFB];
	_ =	sdelay $0x3  }
0x92: {  	_ =	strace s18  }
0x93: {  	s3 =	sld [smem:$0x3FFC];
	_ =	sdelay $0x3  }
0x94: {  	_ =	strace s3  }
0x95: {  	s3 =	sld [smem:$0x3FFD];
	_ =	sdelay $0x3  }
0x96: {  	_ =	strace s3  }
0x97: {  	_ =	strace $0x8FFFFFFF  }
0x98: {  	s19 =	sld [smem:$0x3FDB];
	_ =	sdelay $0x1  }
0x99: {  	s4 =	simm.s32 $_scs_section_size  }
0x9a: {  	s5 =	simm.s32 $_size__tile_overlayer_lowered;
	s6 =	simm.s32 $_tile_overlayer_lowered  }
0x9b: {  	s22 =	simm.s32 $0x1BFF;
	s21 =	sshll.u32 s6, $0x1;
	s3 =	sadd.s32 s4, s19  }
0x9c: {  	s7 =	simm.s32 $0x0;
	s20 =	sshll.u32 s5, $0x1;
	s5 =	sadd.s32 s21, s3  }
0x9d: {  	[timem:s7], [sflag:s22] =	dma.local [hbm:s5], s20  }
0x9e: {  	_ =	swait.ge [sflag:s22], s20  }
0x9f: {  	s4 =	ssub.s32 $0x0, s20;
	[sflag:s22] =	ssyncset.done $0x0  }
0xa0: {  	[sflag:s22] =	ssyncadd.s32 s4;
	_ =	sdelay $0x1  }
0xa1: {  	s23 =	simm.s32 $0x1B8B  }
0xa2: {  	_ =	swait.ge [sflag:s23], $0x1  }
0xa3: {  	[sflag:s23] =	ssyncset.done $0x0  }
0xa4: {  	s25 =	simm.s32 $0x1B8E;
	s24 =	sld [smem:$0x3FFE];
	[sflag:s23] =	ssyncadd.s32 $0xFFFFFFFF  }
0xa5: {  	s26 =	simm.s32 $execute0_lowered;
	[smem:$0x3FD2] =	sst s25  }
0xa6: {  	s5 =	sshll.u32 s26, $0x1;
	_ =	strace $0x8000004F;
	[dreg:$0x1] =	wrdreg $0xFFFFFFFF  }
0xa7: {  	s28 =	simm.s32 $_size_execute0_lowered;
	s3 =	sadd.s32 s3, s5;
	[dreg:$0x0] =	wrdreg $0x0  }
0xa8: {  	s5 =	sshll.u32 s28, $0x1;
	[dreg:$0x2] =	wrdreg s3  }
0xa9: {  	[dreg:$0x3] =	wrdreg s5  }
0xaa: {  	[dreg:$0x4] =	wrdreg $0xC0  }
0xab: {  	_ =	task [dreg:s7], $0x5FFFF  }
0xac: {  	[dreg:$0x1] =	wrdreg $0xFFFFFFFF  }
0xad: {  	[dreg:$0x0] =	wrdreg $0x60  }
0xae: {  	[dreg:$0x2] =	wrdreg s24  }
0xaf: {  	[dreg:$0x3] =	wrdreg s2  }
0xb0: {  	[dreg:$0x4] =	wrdreg $0xD4800  }
0xb1: {  	[dreg:$0x5] =	wrdreg $0x9  }
0xb2: {  	_ =	task.clear_ibuf [dreg:s7], $0x6FFFF;
	_ =	strace $0x9000004F  }
0xb3: {  	s29 =	simm.s32 $0x9;
	_ =	strace $0x80000051  }
0xb4: {  	_ =	swait.ge [sflag:s29], $0x1  }
0xb5: {  	[sflag:s29] =	ssyncadd.s32 $0xFFFFFFFF  }
0xb6: {  	_ =	strace $0x90000051  }
0xb7: {  	_ =	sfence  }
0xb8: {  	s30 =	sld [smem:$0x0];
	_ =	sdelay $0x2  }
0xb9: {  	s31 =	sshll.u32 s1, $0xD;
	s1 =	sshrl.u32 s1, $0x2  }
0xba: {  	s3 =	sand.u32 $0x4000, s31;
	s1 =	sadd.s32 s1, s30  }
0xbb: {  	s0 =	sor.u32 s3, s0;
	s1 =	sshll.u32 s1, $0x11  }
0xbc: {  	s0 =	sor.u32 s1, s0  }
0xbd: {  	s0 =	sadd.s32 $0x8F2B, s0  }
0xbe: {  	[sflag:s0] =	ssyncadd.remote.s32 $0x1  }
0xbf: {  	_ =	sfence.sel $0xFFFF  }
0xc0: {  	[dreg:$0x0] =	wrdreg $0xFFFFFFFF;
	(pc) =	sbr.abs _section_cstart, $3  }
0xc1: {  	[dreg:$0x1] =	wrdreg $0xFFFFFFFF  }
0xc2: {  	_ =	task.clear_ibuf [dreg:s7], $0x2FFFF;
	_ =	strace $0x9FFFFFFF  }
0xc3: {  	(tm) =	ssettm $0x7FFFFFFF  }
tec
execute0_lowered:
.L_overlay_start_1:
0x0: {  	(tag) =	ssettag $0x1  }
0x1: {  	s0 =	rddreg [dreg:$0x0]  }
0x2: {  	s1 =	rddreg [dreg:$0x1];
	s18 =	stileid.u32  }
0x3: {  	s4 =	srdreg.scid;
	s3 =	rddreg [dreg:$0x2];
	s15 =	simm.s32 $0x9  }
0x4: {  	s16 =	simm.s32 $0x5140;
	s20 =	simm.s32 $0x64;
	s21 =	simm.s32 $0xA280  }
0x5: {  	s22 =	simm.s32 $0x1;
	s28 =	simm.s32 $0x5;
	s29 =	simm.s32 $0xBB80  }
0x6: {  	s30 =	simm.s32 $0x4;
	s31 =	simm.s32 $0x7;
	s2 =	smul.u32 $0x5140, s18  }
0x7: {  	s9 =	sand.u32 $0x1, s4;
	s8 =	smul.u32 $0x5000, s18;
	s4 =	simm.s32 $0x0  }
0x8: {  	s26 =	sadd.s32 $0x9600, s1;
	p1 =	seq.s32 s18, $0xF;
	s5 =	smul.u32 $0x50000, s9  }
0x9: {  	[smem:$0x7FF] =	sst s4;
	s7 =	ssub.s32 $0x2, s9;
	p0 =	sne.s32 s9, $0x0  }
0xa: {  	s9 =	simm.s32 $0x0;
	_ =	strace $0x80000050;
	s2 =	sshrl.u32 s2, $0x3  }
0xb: {  	s23 =	sshrl.u32 s7, $0x1;
	s12 =	sshrl.u32 s8, $0x3;
	[dreg:$0x7] =	wrdreg s26  }
0xc: {  	s26 =	simm.s32 $0x2;
	s5 =	sadd.s32 s8, s5;
	s2 =	sadd.s32 s2, s0  }
0xd: {  	s11 =	ssub.s32 s7, s23;
	s8 =	sadd.s32 s8, s3;
	s25 =	sadd.s32 s1, s12  }
0xe: {  	s6 =	sshrl.u32 s5, $0x3;
	s5 =	sadd.s32 $0x17000, s0;
	s7 =	sadd.s32 $0xCC80, s2  }
0xf: {  	[dreg:$0x6] =	wrdreg s25;
	s14 =	smax.u32 s11, $0x1;
	s19 =	sshrl.u32 @!p1 s8, $0x3  }
.Ltmp0:
0x10: {  	s25 =	simm.s32 $0x8;
	s24 =	sadd.s32 s5, s12;
	(pc) =	sbr.rel .LBB2_1-.Ltmp0, $4  }
0x11: {  	s10 =	sadd.s32 s6, s0;
	s0 =	sadd.s32 $0x20600, s0;
	[dreg:$0x4] =	wrdreg s24  }
0x12: {  	s6 =	sadd.s32 $0x2A00, s2;
	s2 =	sadd.s32 $0x4B000, s3;
	[dreg:$0x5] =	wrdreg s0  }
0x13: {  	s13 =	sadd.s32 $0x20E00, s10;
	s17 =	sshrl.u32 @p1 s2, $0x3;
	s0 =	sshll.u32 @!p1 s18, $0x6  }
0x14: {  	s24 =	simm.s32 $0xAF00;
	s2 =	simm.s32 $0xC800;
	s18 =	sor.u32 @!p1 $0x1C09, s0  }
.LBB2_26:
0x15: {  	_ =	swait.ge [sflag:s25], $0xC80;
	s0 =	stileid.u32  }
0x16: {  	s10 =	sshrl.u32 s8, $0x3;
	s9 =	sadd.s32 $0x1, s9;
	[sflag:s25] =	ssyncset.done $0x0  }
0x17: {  	s0 =	sshll.u32 s0, $0x6;
	p2 =	sne.s32 s9, s14;
	[sflag:s25] =	ssyncadd.s32 $0xFFFFF380  }
.Ltmp1:
0x18: {  	s0 =	sor.u32 $0x1C09, s0;
	[bflag:$0x0] =	sbarrier.arrive $0xFFFF;
	(pc) =	sbr.rel @!p2 .LBB2_27-.Ltmp1, $4  }
0x19: {  	[hbm:s13], [sflag:s0] =	dma.local [spmem:s10], $0xA00  }
0x1a: {  	_ =	swait.ge [sflag:s15], $0xA00  }
0x1b: {  	[sflag:s15] =	ssyncset.done $0x0  }
0x1c: {  	[sflag:s15] =	ssyncadd.s32 $0xFFFFF600  }
.LBB2_1:
0x1d: {  	[tilespmem:s4], [sflag:$0x9] =	stream.linear.gather [hbm4b:s6+s4], $0x5140, $0x38;
	[tilespmem:$0x12480] =	vst v63  }
0x1e: {  	_ =	swait.ge [sflag:s15], $0x5140  }
0x1f: {  	[sflag:s15] =	ssyncset.done $0x0  }
.Ltmp2:
0x20: {  	[sflag:s15] =	ssyncadd.s32 $0xFFFFAEC0;
	(pc) =	sbr.rel @p0 .LBB2_14-.Ltmp2, $4  }
0x21: {  	[tilespmem:s16], [sflag:$0x9] =	stream.linear.gather [hbm4b:s7+s4], $0x5140, $0x38;
	[tilespmem:$0x12480] =	vst v63  }
0x22: {  	_ =	swait.ge [sflag:s15], $0x5140  }
0x23: {  	[sflag:s15] =	ssyncset.done $0x0  }
0x24: {  	[sflag:s15] =	ssyncadd.s32 $0xFFFFAEC0  }
0x25: {  	s0 =	simm.s32 @p1 $0x1FC9;
	s10 =	rddreg [dreg:$0x7]  }
0x26: {  	[spmem:s17], [sflag:s0] =	dma.local @p1 [hbm:s10], $0x640  }
0x27: {  	s0 =	simm.s32 @p1 $0x9  }
0x28: {  	_ =	swait.ge @p1 [sflag:s0], $0x640  }
0x29: {  	[sflag:s0] =	ssyncset.done @p1 $0x0  }
0x2a: {  	[sflag:s0] =	ssyncadd.s32 @p1 $0xFFFFF9C0;
	s0 =	rddreg [dreg:$0x6]  }
0x2b: {  	[spmem:s19], [sflag:s18] =	dma.local @!p1 [hbm:s0], $0xA00  }
0x2c: {  	s0 =	simm.s32 @!p1 $0x9  }
0x2d: {  	_ =	swait.ge @!p1 [sflag:s0], $0xA00  }
0x2e: {  	[sflag:s0] =	ssyncset.done @!p1 $0x0  }
0x2f: {  	[sflag:s0] =	ssyncadd.s32 @!p1 $0xFFFFF600  }
0x30: {  	[bflag:$0x0] =	sbarrier.arrive $0xFFFF  }
0x31: {  	[tilespmem:s21], [sflag:$0x1] =	stream.indirect.gather [hbm4b:s1+s20], $0x20, s4, s20, $0xb8;
	[tilespmem:$0x12480] =	vst v63  }
0x32: {  	_ =	swait.ge [sflag:s22], $0xC80  }
.Ltmp3:
0x33: {  	[sflag:s22] =	ssyncset.done $0x0;
	(pc) =	sbr.rel .LBB2_3-.Ltmp3, $4  }
0x34: {  	s23 =	simm.s32 $0x68;
	[sflag:s22] =	ssyncadd.s32 $0xFFFFF380  }
0x35: {  	[spmem:s3] =	stream.indirect.scatter.add.f32 [tilespmem:s21], [sflag:$0x5], $0x20, s16, s20, $0xb8;
	[tilespmem:$0x12480] =	vst v63  }
0x36: {  	s11 =	simm.s32 $0xD0;
	s12 =	simm.s32 $0x51A8;
	s10 =	simm.s32 $0xFFFFFF39  }
0x37: {  	[tilespmem:s24], [sflag:$0x2] =	stream.indirect.gather [hbm4b:s1+s20], $0x20, s23, s20, $0xb8;
	[tilespmem:$0x12480] =	vst v63  }
.LBB2_9:
0x38: {  	p2 =	seq.s32 s0, $0x2  }
0x39: {  	s0 =	simm.s32 @p2 $0x3  }
0x3a: {  	_ =	swait.ge @p2 [sflag:s0], $0xC80  }
0x3b: {  	[sflag:s0] =	ssyncset.done @p2 $0x0  }
0x3c: {  	[sflag:s0] =	ssyncadd.s32 @p2 $0xFFFFF380;
	s0 =	simm.s32 @p2 $0x6  }
0x3d: {  	_ =	swait.ge @p2 [sflag:s0], $0xC80  }
0x3e: {  	s23 =	simm.s32 @p2 $0xBB80;
	[sflag:s0] =	ssyncset.done @p2 $0x0  }
0x3f: {  	p3 =	seq.s32 @p2 s10, $0xFFFFFFFF;
	[sflag:s0] =	ssyncadd.s32 @p2 $0xFFFFF380;
	s0 =	simm.s32 @p2 $0x64  }
0x40: {  	[spmem:s3] =	stream.indirect.scatter.add.f32 @p2 [tilespmem:s23], [sflag:$0x7], $0x20, s12, s0, $0xb8;
	[tilespmem:$0x12480] =	vst v63  }
0x41: {  	p2 =	por !p2, p3  }
.Ltmp4:
0x42: {  	_ = 	snop;
	(pc) =	sbr.rel @p2 .LBB2_11-.Ltmp4, $1  }
0x43: {  	_ =	sdelay $0x3  }
0x44: {  	[tilespmem:s2], [sflag:$0x4] =	stream.indirect.gather [hbm4b:s1+s20], $0x20, s11, s20, $0xb8;
	[tilespmem:$0x12480] =	vst v63  }
.LBB2_13:
0x45: {  	s10 =	sadd.s32 $0x1, s10  }
0x46: {  	p2 =	seq.s32 s10, $0x0  }
.Ltmp5:
0x47: {  	_ = 	snop;
	(pc) =	sbr.rel @p2 .LBB2_26-.Ltmp5, $2  }
0x48: {  	_ =	sdelay $0x2  }
0x49: {  	s11 =	sadd.s32 $0x68, s11;
	s12 =	sadd.s32 $0x68, s12  }
.LBB2_3:
0x4a: {  	s0 =	sadd.s32 $0xC8, s10  }
0x4b: {  	s0 =	sand.u32 $0x3, s0  }
0x4c: {  	p2 =	sgt.s32 s0, $0x1  }
.Ltmp6:
0x4d: {  	_ = 	snop;
	(pc) =	sbr.rel @p2 .LBB2_9-.Ltmp6, $1  }
0x4e: {  	_ =	sdelay $0x3  }
0x4f: {  	p2 =	seq.s32 s0, $0x0  }
.Ltmp7:
0x50: {  	_ = 	snop;
	(pc) =	sbr.rel @!p2 .LBB2_7-.Ltmp7, $1  }
0x51: {  	_ =	sdelay $0x3  }
0x52: {  	_ =	swait.ge [sflag:s22], $0xC80  }
0x53: {  	p2 =	seq.s32 s10, $0xFFFFFFFF;
	[sflag:s22] =	ssyncset.done $0x0  }
.Ltmp8:
0x54: {  	[sflag:s22] =	ssyncadd.s32 $0xFFFFF380;
	(pc) =	sbr.rel @p2 .LBB2_26-.Ltmp8, $4  }
0x55: {  	_ =	swait.ge [sflag:s25], $0xC80  }
0x56: {  	[sflag:s25] =	ssyncset.done $0x0  }
0x57: {  	[sflag:s25] =	ssyncadd.s32 $0xFFFFF380  }
0x58: {  	[spmem:s3] =	stream.indirect.scatter.add.f32 [tilespmem:s21], [sflag:$0x5], $0x20, s12, s20, $0xb8;
	[tilespmem:$0x12480] =	vst v63  }
.Ltmp9:
0x59: {  	(pc) =	sbr.rel .LBB2_13-.Ltmp9, $2  }
0x5a: {  	_ =	sdelay $0x2  }
0x5b: {  	[tilespmem:s24], [sflag:$0x2] =	stream.indirect.gather [hbm4b:s1+s20], $0x20, s11, s20, $0xb8;
	[tilespmem:$0x12480] =	vst v63  }
.LBB2_7:
0x5c: {  	_ =	swait.ge [sflag:s26], $0xC80  }
0x5d: {  	p2 =	seq.s32 s10, $0xFFFFFFFF;
	[sflag:s26] =	ssyncset.done $0x0  }
.Ltmp10:
0x5e: {  	[sflag:s26] =	ssyncadd.s32 $0xFFFFF380;
	(pc) =	sbr.rel @p2 .LBB2_11-.Ltmp10, $4  }
0x5f: {  	_ =	swait.ge [sflag:s28], $0xC80  }
0x60: {  	[sflag:s28] =	ssyncset.done $0x0  }
0x61: {  	[sflag:s28] =	ssyncadd.s32 $0xFFFFF380  }
0x62: {  	[spmem:s3] =	stream.indirect.scatter.add.f32 [tilespmem:s24], [sflag:$0x6], $0x20, s12, s20, $0xb8;
	[tilespmem:$0x12480] =	vst v63  }
.Ltmp11:
0x63: {  	(pc) =	sbr.rel .LBB2_13-.Ltmp11, $2  }
0x64: {  	_ =	sdelay $0x2  }
0x65: {  	[tilespmem:s29], [sflag:$0x3] =	stream.indirect.gather [hbm4b:s1+s20], $0x20, s11, s20, $0xb8;
	[tilespmem:$0x12480] =	vst v63  }
.LBB2_11:
0x66: {  	_ =	swait.ge [sflag:s30], $0xC80  }
0x67: {  	p2 =	seq.s32 s10, $0xFFFFFFFF;
	[sflag:s30] =	ssyncset.done $0x0  }
.Ltmp12:
0x68: {  	[sflag:s30] =	ssyncadd.s32 $0xFFFFF380;
	(pc) =	sbr.rel @p2 .LBB2_26-.Ltmp12, $4  }
0x69: {  	_ =	swait.ge [sflag:s31], $0xC80  }
0x6a: {  	[sflag:s31] =	ssyncset.done $0x0  }
0x6b: {  	[sflag:s31] =	ssyncadd.s32 $0xFFFFF380  }
0x6c: {  	[spmem:s3] =	stream.indirect.scatter.add.f32 [tilespmem:s2], [sflag:$0x8], $0x20, s12, s20, $0xb8;
	[tilespmem:$0x12480] =	vst v63  }
.Ltmp13:
0x6d: {  	(pc) =	sbr.rel .LBB2_13-.Ltmp13, $2  }
0x6e: {  	_ =	sdelay $0x2  }
0x6f: {  	[tilespmem:s21], [sflag:$0x1] =	stream.indirect.gather [hbm4b:s1+s20], $0x20, s11, s20, $0xb8;
	[tilespmem:$0x12480] =	vst v63  }
.LBB2_14:
0x70: {  	s0 =	simm.s32 @p1 $0x1FC9;
	s10 =	rddreg [dreg:$0x5]  }
0x71: {  	[spmem:s17], [sflag:s0] =	dma.local @p1 [hbm:s10], $0x640  }
0x72: {  	s0 =	simm.s32 @p1 $0x9  }
0x73: {  	_ =	swait.ge @p1 [sflag:s0], $0x640  }
0x74: {  	[sflag:s0] =	ssyncset.done @p1 $0x0  }
0x75: {  	[sflag:s0] =	ssyncadd.s32 @p1 $0xFFFFF9C0;
	s0 =	rddreg [dreg:$0x4]  }
0x76: {  	[spmem:s19], [sflag:s18] =	dma.local @!p1 [hbm:s0], $0xA00  }
0x77: {  	s0 =	simm.s32 @!p1 $0x9  }
0x78: {  	_ =	swait.ge @!p1 [sflag:s0], $0xA00  }
0x79: {  	[sflag:s0] =	ssyncset.done @!p1 $0x0  }
0x7a: {  	[sflag:s0] =	ssyncadd.s32 @!p1 $0xFFFFF600  }
0x7b: {  	[bflag:$0x0] =	sbarrier.arrive $0xFFFF  }
0x7c: {  	[tilespmem:s21], [sflag:$0x1] =	stream.indirect.gather [hbm4b:s5+s20], $0x20, s4, s20, $0xb8;
	[tilespmem:$0x12480] =	vst v63  }
0x7d: {  	_ =	swait.ge [sflag:s22], $0xC80  }
.Ltmp14:
0x7e: {  	[sflag:s22] =	ssyncset.done $0x0;
	(pc) =	sbr.rel .LBB2_15-.Ltmp14, $4  }
0x7f: {  	s23 =	simm.s32 $0x68;
	[sflag:s22] =	ssyncadd.s32 $0xFFFFF380  }
0x80: {  	[spmem:s3] =	stream.indirect.scatter.add.f32 [tilespmem:s21], [sflag:$0x5], $0x20, s16, s20, $0xb8;
	[tilespmem:$0x12480] =	vst v63  }
0x81: {  	s11 =	simm.s32 $0xD0;
	s12 =	simm.s32 $0x51A8;
	s10 =	simm.s32 $0xFFFFFF39  }
0x82: {  	[tilespmem:s24], [sflag:$0x2] =	stream.indirect.gather [hbm4b:s5+s20], $0x20, s23, s20, $0xb8;
	[tilespmem:$0x12480] =	vst v63  }
.LBB2_21:
0x83: {  	p2 =	seq.s32 s0, $0x2  }
0x84: {  	s0 =	simm.s32 @p2 $0x3  }
0x85: {  	_ =	swait.ge @p2 [sflag:s0], $0xC80  }
0x86: {  	[sflag:s0] =	ssyncset.done @p2 $0x0  }
0x87: {  	[sflag:s0] =	ssyncadd.s32 @p2 $0xFFFFF380;
	s0 =	simm.s32 @p2 $0x6  }
0x88: {  	_ =	swait.ge @p2 [sflag:s0], $0xC80  }
0x89: {  	s23 =	simm.s32 @p2 $0xBB80;
	[sflag:s0] =	ssyncset.done @p2 $0x0  }
0x8a: {  	p3 =	seq.s32 @p2 s10, $0xFFFFFFFF;
	[sflag:s0] =	ssyncadd.s32 @p2 $0xFFFFF380;
	s0 =	simm.s32 @p2 $0x64  }
0x8b: {  	[spmem:s3] =	stream.indirect.scatter.add.f32 @p2 [tilespmem:s23], [sflag:$0x7], $0x20, s12, s0, $0xb8;
	[tilespmem:$0x12480] =	vst v63  }
0x8c: {  	p2 =	por !p2, p3  }
.Ltmp15:
0x8d: {  	_ = 	snop;
	(pc) =	sbr.rel @p2 .LBB2_23-.Ltmp15, $1  }
0x8e: {  	_ =	sdelay $0x3  }
0x8f: {  	[tilespmem:s2], [sflag:$0x4] =	stream.indirect.gather [hbm4b:s5+s20], $0x20, s11, s20, $0xb8;
	[tilespmem:$0x12480] =	vst v63  }
.LBB2_25:
0x90: {  	s10 =	sadd.s32 $0x1, s10  }
0x91: {  	p2 =	seq.s32 s10, $0x0  }
.Ltmp16:
0x92: {  	_ = 	snop;
	(pc) =	sbr.rel @p2 .LBB2_26-.Ltmp16, $2  }
0x93: {  	_ =	sdelay $0x2  }
0x94: {  	s11 =	sadd.s32 $0x68, s11;
	s12 =	sadd.s32 $0x68, s12  }
.LBB2_15:
0x95: {  	s0 =	sadd.s32 $0xC8, s10  }
0x96: {  	s0 =	sand.u32 $0x3, s0  }
0x97: {  	p2 =	sgt.s32 s0, $0x1  }
.Ltmp17:
0x98: {  	_ = 	snop;
	(pc) =	sbr.rel @p2 .LBB2_21-.Ltmp17, $1  }
0x99: {  	_ =	sdelay $0x3  }
0x9a: {  	p2 =	seq.s32 s0, $0x0  }
.Ltmp18:
0x9b: {  	_ = 	snop;
	(pc) =	sbr.rel @!p2 .LBB2_19-.Ltmp18, $1  }
0x9c: {  	_ =	sdelay $0x3  }
0x9d: {  	_ =	swait.ge [sflag:s22], $0xC80  }
0x9e: {  	p2 =	seq.s32 s10, $0xFFFFFFFF;
	[sflag:s22] =	ssyncset.done $0x0  }
.Ltmp19:
0x9f: {  	[sflag:s22] =	ssyncadd.s32 $0xFFFFF380;
	(pc) =	sbr.rel @p2 .LBB2_26-.Ltmp19, $4  }
0xa0: {  	_ =	swait.ge [sflag:s25], $0xC80  }
0xa1: {  	[sflag:s25] =	ssyncset.done $0x0  }
0xa2: {  	[sflag:s25] =	ssyncadd.s32 $0xFFFFF380  }
0xa3: {  	[spmem:s3] =	stream.indirect.scatter.add.f32 [tilespmem:s21], [sflag:$0x5], $0x20, s12, s20, $0xb8;
	[tilespmem:$0x12480] =	vst v63  }
.Ltmp20:
0xa4: {  	(pc) =	sbr.rel .LBB2_25-.Ltmp20, $2  }
0xa5: {  	_ =	sdelay $0x2  }
0xa6: {  	[tilespmem:s24], [sflag:$0x2] =	stream.indirect.gather [hbm4b:s5+s20], $0x20, s11, s20, $0xb8;
	[tilespmem:$0x12480] =	vst v63  }
.LBB2_19:
0xa7: {  	_ =	swait.ge [sflag:s26], $0xC80  }
0xa8: {  	p2 =	seq.s32 s10, $0xFFFFFFFF;
	[sflag:s26] =	ssyncset.done $0x0  }
.Ltmp21:
0xa9: {  	[sflag:s26] =	ssyncadd.s32 $0xFFFFF380;
	(pc) =	sbr.rel @p2 .LBB2_23-.Ltmp21, $4  }
0xaa: {  	_ =	swait.ge [sflag:s28], $0xC80  }
0xab: {  	[sflag:s28] =	ssyncset.done $0x0  }
0xac: {  	[sflag:s28] =	ssyncadd.s32 $0xFFFFF380  }
0xad: {  	[spmem:s3] =	stream.indirect.scatter.add.f32 [tilespmem:s24], [sflag:$0x6], $0x20, s12, s20, $0xb8;
	[tilespmem:$0x12480] =	vst v63  }
.Ltmp22:
0xae: {  	(pc) =	sbr.rel .LBB2_25-.Ltmp22, $2  }
0xaf: {  	_ =	sdelay $0x2  }
0xb0: {  	[tilespmem:s29], [sflag:$0x3] =	stream.indirect.gather [hbm4b:s5+s20], $0x20, s11, s20, $0xb8;
	[tilespmem:$0x12480] =	vst v63  }
.LBB2_23:
0xb1: {  	_ =	swait.ge [sflag:s30], $0xC80  }
0xb2: {  	p2 =	seq.s32 s10, $0xFFFFFFFF;
	[sflag:s30] =	ssyncset.done $0x0  }
.Ltmp23:
0xb3: {  	[sflag:s30] =	ssyncadd.s32 $0xFFFFF380;
	(pc) =	sbr.rel @p2 .LBB2_26-.Ltmp23, $4  }
0xb4: {  	_ =	swait.ge [sflag:s31], $0xC80  }
0xb5: {  	[sflag:s31] =	ssyncset.done $0x0  }
0xb6: {  	[sflag:s31] =	ssyncadd.s32 $0xFFFFF380  }
0xb7: {  	[spmem:s3] =	stream.indirect.scatter.add.f32 [tilespmem:s2], [sflag:$0x8], $0x20, s12, s20, $0xb8;
	[tilespmem:$0x12480] =	vst v63  }
.Ltmp24:
0xb8: {  	(pc) =	sbr.rel .LBB2_25-.Ltmp24, $2  }
0xb9: {  	_ =	sdelay $0x2  }
0xba: {  	[tilespmem:s21], [sflag:$0x1] =	stream.indirect.gather [hbm4b:s5+s20], $0x20, s11, s20, $0xb8;
	[tilespmem:$0x12480] =	vst v63  }
.LBB2_27:
0xbb: {  	_ =	sfence.sel $0x180000  }
0xbc: {  	[bflag:$0x0] =	sbarrier.arrive $0xFFFF  }
0xbd: {  	_ =	strace $0x90000050  }
0xbe: {  	s0 =	stileid.u32;
	[bflag:$0x2] =	sbarrier.arrive $0xFFFF  }
0xbf: {  	p0 =	sne.s32 s0, $0x0;
	s0 =	rddreg [dreg:$0x3]  }
0xc0: {  	s0 =	sadd.s32 @!p0 $0x100000, s0  }
0xc1: {  	[sflag:s0] =	ssyncadd.tile.s32 @!p0 $0x1;
	_ =	shalt  }
.Lfunc_end2:
_tile_overlayer_lowered:
.L_overlay_start_2:
0xc2: {  	(tag) =	ssettag $0x2  }
0xc3: {  	s0 =	rddreg [dreg:$0x0];
	s2 =	stileid.u32  }
0xc4: {  	s1 =	rddreg [dreg:$0x1];
	p0 =	sne.s32 s2, $0x0  }
0xc5: {  	s3 =	rddreg [dreg:$0x2];
	[bflag:$0x3] =	sbarrier.arrive $0xFFFF;
	s2 =	simm.s32 @!p0 $0x1C09  }
0xc6: {  	[timem:s3], [sflag:s2] =	dma.local @!p0 [hbm:s0], s1  }
0xc7: {  	s0 =	simm.s32 @!p0 $0x9  }
0xc8: {  	_ =	swait.ge @!p0 [sflag:s0], s1  }
0xc9: {  	s1 =	ssub.s32 @!p0 $0x0, s1;
	[sflag:s0] =	ssyncset.done @!p0 $0x0  }
0xca: {  	[sflag:s0] =	ssyncadd.s32 @!p0 s1  }
0xcb: {  	[bflag:$0x3] =	sbarrier.arrive $0xFFFF  }
0xcc: {  	_ =	shalt  }

</sc_bundles>
